<compile_context>
chip_gen: v7x
topology: tpu7x:2x2x1
jax: 0.10.2.dev20260603
libtpu: 0.0.44.dev20260713+nightly
codegen_flags: <defaults>
</compile_context>

<pallas_src>
import functools

import jax
import jax.numpy as jnp
from jax import lax
from jax.experimental import pallas as pl
from jax.experimental.pallas import tpu as pltpu
from jax.experimental.pallas import tpu_sc as plsc

D = 1024
L = 16
FB = D // L
T = 16


def _body(ids_hbm, pids_hbm, tts_hbm, wtab_hbm, ptab_hbm, ttab_hbm, out_hbm,
          widx_v, pidx_v, tt_v, acc0_v, acc1_v, acc2_v, acc3_v,
          prow0_v, prow1_v, ttab_v, diff_v, smem_s,
          sw0, sw1, sw2, sw3, sp0, sp1, so0, so1, so2, so3,
          ntok_per_w, nchunks):
    nc = 2
    wid = lax.axis_index("s") * nc + lax.axis_index("c")
    seq = ids_hbm.shape[1]
    w_per_row = seq // ntok_per_w
    row = wid // w_per_row
    col = (wid % w_per_row) * ntok_per_w

    c0 = pltpu.async_copy(ids_hbm.at[row, pl.ds(col, ntok_per_w)], widx_v, sw0)
    c1 = pltpu.async_copy(pids_hbm.at[row, pl.ds(col, ntok_per_w)], pidx_v, sp0)
    c2 = pltpu.async_copy(tts_hbm.at[row, pl.ds(col, ntok_per_w)],
                          tt_v.at[pl.ds(0, ntok_per_w)], sp1)
    c3 = pltpu.async_copy(ttab_hbm, ttab_v, so0)

    accs = [acc0_v, acc1_v, acc2_v, acc3_v]
    prows = [prow0_v, prow1_v]
    semw = [sw0, sw1, sw2, sw3]
    semp = [sp0, sp1]
    semo = [so0, so1, so2, so3]

    def word_desc(c, b):
        return pltpu.make_async_copy(
            wtab_hbm.at[widx_v.at[pl.ds(c * T, T)]], accs[b], semw[b])

    def pos_desc(c, b):
        return pltpu.make_async_copy(
            ptab_hbm.at[pidx_v.at[pl.ds(c * T, T)]], prows[b], semp[b])

    def out_desc(c, b):
        return pltpu.make_async_copy(
            accs[b], out_hbm.at[row].at[pl.ds(col + c * T, T)], semo[b])

    def compute(c, b):
        acc = accs[b]
        prow = prows[b % 2]

        @plsc.parallel_loop(0, FB, unroll=2)
        def fblk(f):
            sl = pl.ds(f * L, L)
            ttv = ttab_v[0, sl]
            dfv = diff_v[sl]
            for t in range(T):
                plsc.addupdate(acc.at[t, sl],
                               prow[t, sl] + ttv + smem_s[c * T + t] * dfv)

    c0.wait()
    word_desc(0, 0).start()
    c1.wait()
    pos_desc(0, 0).start()
    c2.wait()
    c3.wait()
    word_desc(1, 1).start()

    @plsc.parallel_loop(0, FB)
    def mkdiff(f):
        sl = pl.ds(f * L, L)
        diff_v[sl] = ttab_v[1, sl] - ttab_v[0, sl]

    def stage_tt(j, _):
        smem_s[j] = tt_v[pl.ds(j, L)][0].astype(jnp.float32)
        return 0

    lax.fori_loop(0, ntok_per_w, stage_tt, 0)

    def g_body(g, _):
        for b in range(4):
            c = 4 * g + b

            @pl.when(c + 1 < nchunks)
            def _():
                pos_desc(c + 1, (b + 1) % 2).start()

            @pl.when(c + 2 < nchunks)
            def _():
                @pl.when(c >= 2)
                def _():
                    out_desc(c - 2, (b + 2) % 4).wait()
                word_desc(c + 2, (b + 2) % 4).start()

            word_desc(c, b).wait()
            pos_desc(c, b % 2).wait()
            compute(c, b)
            out_desc(c, b).start()
        return 0

    lax.fori_loop(0, nchunks // 4, g_body, 0)
    out_desc(nchunks - 2, (nchunks - 2) % 4).wait()
    out_desc(nchunks - 1, (nchunks - 1) % 4).wait()


def kernel(input_ids, position_ids, token_type_ids, word_embeddings,
           position_embeddings, token_type_embeddings):
    b, s = input_ids.shape
    ntok = b * s
    d = word_embeddings.shape[1]
    info = plsc.get_sparse_core_info()
    nw = info.num_cores * info.num_subcores
    ntok_per_w = ntok // nw
    nchunks = ntok_per_w // T

    mesh = plsc.VectorSubcoreMesh(core_axis_name="c", subcore_axis_name="s")
    body = functools.partial(_body, ntok_per_w=ntok_per_w, nchunks=nchunks)
    fn = pl.kernel(
        body,
        mesh=mesh,
        out_type=jax.ShapeDtypeStruct((b, s, d), jnp.float32),
        scratch_types=[
            pltpu.VMEM((ntok_per_w,), jnp.int32),
            pltpu.VMEM((ntok_per_w,), jnp.int32),
            pltpu.VMEM((ntok_per_w + L,), jnp.int32),
            pltpu.VMEM((T, D), jnp.float32),
            pltpu.VMEM((T, D), jnp.float32),
            pltpu.VMEM((T, D), jnp.float32),
            pltpu.VMEM((T, D), jnp.float32),
            pltpu.VMEM((T, D), jnp.float32),
            pltpu.VMEM((T, D), jnp.float32),
            pltpu.VMEM((2, D), jnp.float32),
            pltpu.VMEM((D,), jnp.float32),
            pltpu.SMEM((ntok_per_w,), jnp.float32),
            pltpu.SemaphoreType.DMA,
            pltpu.SemaphoreType.DMA,
            pltpu.SemaphoreType.DMA,
            pltpu.SemaphoreType.DMA,
            pltpu.SemaphoreType.DMA,
            pltpu.SemaphoreType.DMA,
            pltpu.SemaphoreType.DMA,
            pltpu.SemaphoreType.DMA,
            pltpu.SemaphoreType.DMA,
            pltpu.SemaphoreType.DMA,
        ],
    )
    return fn(input_ids, position_ids, token_type_ids, word_embeddings,
              position_embeddings, token_type_embeddings)

# --- scband reference (transcript-rebuilt; emitter-appended) ---
"""Pipeline reference for scband-xlmroberta-embeddings-69269232550434 (READ-ONLY COPY).

The authoritative reference and input builder live on the scoring server;
editing this copy changes nothing except your own understanding.
"""

import jax, jax.numpy as jnp
import numpy as np

VOCAB = 250002
MAX_POS = 2050
TYPE_VOCAB = 2
EMBED = 1024
B, S = 4, 2048

def setup_inputs(seed: int = 0) -> dict:
    key = jax.random.key(seed)
    k1, k2, k3, k4, k5, k6 = jax.random.split(key, 6)
    input_ids = jax.random.randint(k1, (B, S), 0, VOCAB, dtype=jnp.int32)
    position_ids = jax.random.randint(k2, (B, S), 0, MAX_POS, dtype=jnp.int32)
    token_type_ids = jax.random.randint(k3, (B, S), 0, TYPE_VOCAB, dtype=jnp.int32)
    word_embeddings = jax.random.normal(k4, (VOCAB, EMBED), dtype=jnp.float32) * 0.02
    position_embeddings = jax.random.normal(k5, (MAX_POS, EMBED), dtype=jnp.float32) * 0.02
    token_type_embeddings = jax.random.normal(k6, (TYPE_VOCAB, EMBED), dtype=jnp.float32) * 0.02
    return {
        "input_ids": input_ids,
        "position_ids": position_ids,
        "token_type_ids": token_type_ids,
        "word_embeddings": word_embeddings,
        "position_embeddings": position_embeddings,
        "token_type_embeddings": token_type_embeddings,
    }

def reference(input_ids, position_ids, token_type_ids, word_embeddings, position_embeddings, token_type_embeddings):
    # word embedding lookup: gather rows from the big table
    embeddings = jnp.take(word_embeddings, input_ids, axis=0)
    # position embeddings (max_position_embeddings > 0)
    embeddings = embeddings + jnp.take(position_embeddings, position_ids, axis=0)
    # token type embeddings (type_vocab_size > 0)
    embeddings = embeddings + jnp.take(token_type_embeddings, token_type_ids, axis=0)
    return embeddings

if __name__ == "__main__":
    import jax
    _d = setup_inputs()
    print(jax.jit(kernel)(*tuple(_d.values())))

</pallas_src>

<mosaic_0001>
#map = affine_map<(d0, d1) -> (0, 0)>
#map1 = affine_map<(d0, d1) -> (0, 0, 0)>
module attributes {stable_mosaic.version = 14 : i64} {
  func.func @_body(%arg0: i32, %arg1: i32, %arg2: memref<4x2048xi32, #tpu.memory_space<hbm>>, %arg3: memref<4x2048xi32, #tpu.memory_space<hbm>>, %arg4: memref<4x2048xi32, #tpu.memory_space<hbm>>, %arg5: memref<250002x1024xf32, #tpu.memory_space<hbm>>, %arg6: memref<2050x1024xf32, #tpu.memory_space<hbm>>, %arg7: memref<2x1024xf32, #tpu.memory_space<hbm>>, %arg8: memref<4x2048x1024xf32, #tpu.memory_space<hbm>>, %arg9: memref<256xi32, #tpu.memory_space<vmem>>, %arg10: memref<256xi32, #tpu.memory_space<vmem>>, %arg11: memref<272xi32, #tpu.memory_space<vmem>>, %arg12: memref<16x1024xf32, #tpu.memory_space<vmem>>, %arg13: memref<16x1024xf32, #tpu.memory_space<vmem>>, %arg14: memref<16x1024xf32, #tpu.memory_space<vmem>>, %arg15: memref<16x1024xf32, #tpu.memory_space<vmem>>, %arg16: memref<16x1024xf32, #tpu.memory_space<vmem>>, %arg17: memref<16x1024xf32, #tpu.memory_space<vmem>>, %arg18: memref<2x1024xf32, #tpu.memory_space<vmem>>, %arg19: memref<1024xf32, #tpu.memory_space<vmem>>, %arg20: memref<256xf32, #tpu.memory_space<smem>>, %arg21: memref<!tpu.dma_semaphore, #tpu.memory_space<semaphore_mem>>, %arg22: memref<!tpu.dma_semaphore, #tpu.memory_space<semaphore_mem>>, %arg23: memref<!tpu.dma_semaphore, #tpu.memory_space<semaphore_mem>>, %arg24: memref<!tpu.dma_semaphore, #tpu.memory_space<semaphore_mem>>, %arg25: memref<!tpu.dma_semaphore, #tpu.memory_space<semaphore_mem>>, %arg26: memref<!tpu.dma_semaphore, #tpu.memory_space<semaphore_mem>>, %arg27: memref<!tpu.dma_semaphore, #tpu.memory_space<semaphore_mem>>, %arg28: memref<!tpu.dma_semaphore, #tpu.memory_space<semaphore_mem>>, %arg29: memref<!tpu.dma_semaphore, #tpu.memory_space<semaphore_mem>>, %arg30: memref<!tpu.dma_semaphore, #tpu.memory_space<semaphore_mem>>) attributes {dimension_semantics = [#tpu.dimension_semantics<core_parallel>, #tpu.dimension_semantics<subcore_parallel>], iteration_bounds = array<i64: 2, 16>, scalar_prefetch = 0 : i64, scratch_operands = 22 : i64, tpu.core_type = #tpu.core_type<sc_vector_subcore>, window_params = [{transform_indices = #map}, {transform_indices = #map}, {transform_indices = #map}, {transform_indices = #map}, {transform_indices = #map}, {transform_indices = #map}, {transform_indices = #map1}]} {
    %mul3A = arith.constant 2 : i32
    %mul3A_0 = arith.muli %arg1, %mul3A : i32
    %add3A = arith.addi %mul3A_0, %arg0 : i32
    %jit3A = arith.constant 8 : i32
    %div3A = arith.divsi %add3A, %jit3A : i32
    %sign3A = arith.constant 0 : i32
    %sign3A_1 = arith.cmpi sgt, %add3A, %sign3A : i32
    %sign3A_2 = arith.extui %sign3A_1 : i1 to i32
    %sign3A_3 = arith.constant 0 : i32
    %sign3A_4 = arith.cmpi slt, %add3A, %sign3A_3 : i32
    %sign3A_5 = arith.extui %sign3A_4 : i1 to i32
    %sign3A_6 = arith.subi %sign3A_2, %sign3A_5 : i32
    %sign3A_7 = arith.constant 0 : i32
    %sign3A_8 = arith.cmpi sgt, %jit3A, %sign3A_7 : i32
    %sign3A_9 = arith.extui %sign3A_8 : i1 to i32
    %sign3A_10 = arith.constant 0 : i32
    %sign3A_11 = arith.cmpi slt, %jit3A, %sign3A_10 : i32
    %sign3A_12 = arith.extui %sign3A_11 : i1 to i32
    %sign3A_13 = arith.subi %sign3A_9, %sign3A_12 : i32
    %ne3A = arith.cmpi ne, %sign3A_6, %sign3A_13 : i32
    %rem3A = arith.remsi %add3A, %jit3A : i32
    %ne3A_14 = arith.constant 0 : i32
    %ne3A_15 = arith.cmpi ne, %rem3A, %ne3A_14 : i32
    %and3A = arith.andi %ne3A, %ne3A_15 : i1
    %sub3A = arith.constant 1 : i32
    %sub3A_16 = arith.subi %div3A, %sub3A : i32
    %select_n3A = arith.select %and3A, %sub3A_16, %div3A : i32
    %jit3A_17 = arith.constant 8 : i32
    %eq3A = arith.constant 0 : i32
    %eq3A_18 = arith.cmpi eq, %jit3A_17, %eq3A : i32
    %jit3A_19 = arith.constant 1 : i32
    %select_n3A_20 = arith.select %eq3A_18, %jit3A_19, %jit3A_17 : i32
    %rem3A_21 = arith.remsi %add3A, %select_n3A_20 : i32
    %ne3A_22 = arith.constant 0 : i32
    %ne3A_23 = arith.cmpi ne, %rem3A_21, %ne3A_22 : i32
    %lt3A = arith.constant 0 : i32
    %lt3A_24 = arith.cmpi slt, %rem3A_21, %lt3A : i32
    %lt3A_25 = arith.constant 0 : i32
    %lt3A_26 = arith.cmpi slt, %select_n3A_20, %lt3A_25 : i32
    %ne3A_27 = arith.xori %lt3A_24, %lt3A_26 : i1
    %and3A_28 = arith.andi %ne3A_27, %ne3A_23 : i1
    %add3A_29 = arith.addi %rem3A_21, %select_n3A_20 : i32
    %select_n3A_30 = arith.select %and3A_28, %add3A_29, %rem3A_21 : i32
    %mul3A_31 = arith.constant 256 : i32
    %mul3A_32 = arith.muli %select_n3A_30, %mul3A_31 : i32
    %dma_start3A = tpu.memref_slice %arg2[%select_n3A, %mul3A_32] : memref<4x2048xi32, #tpu.memory_space<hbm>> -> memref<1x256xi32, #tpu.memory_space<hbm>>
    %dma_start3A_33 = tpu.memref_squeeze %dma_start3A : memref<1x256xi32, #tpu.memory_space<hbm>> -> memref<256xi32, #tpu.memory_space<hbm>>
    %dma_start3A_34 = tpu.memref_slice %arg2[%select_n3A, %mul3A_32] : memref<4x2048xi32, #tpu.memory_space<hbm>> -> memref<1x256xi32, #tpu.memory_space<hbm>>
    %dma_start3A_35 = tpu.memref_squeeze %dma_start3A_34 : memref<1x256xi32, #tpu.memory_space<hbm>> -> memref<256xi32, #tpu.memory_space<hbm>>
    tpu.enqueue_dma source(%dma_start3A_35 : memref<256xi32, #tpu.memory_space<hbm>>) target(%arg9 : memref<256xi32, #tpu.memory_space<vmem>>) target_semaphore(%arg21 : memref<!tpu.dma_semaphore, #tpu.memory_space<semaphore_mem>>)
    %dma_start3A_36 = tpu.memref_slice %arg3[%select_n3A, %mul3A_32] : memref<4x2048xi32, #tpu.memory_space<hbm>> -> memref<1x256xi32, #tpu.memory_space<hbm>>
    %dma_start3A_37 = tpu.memref_squeeze %dma_start3A_36 : memref<1x256xi32, #tpu.memory_space<hbm>> -> memref<256xi32, #tpu.memory_space<hbm>>
    %dma_start3A_38 = tpu.memref_slice %arg3[%select_n3A, %mul3A_32] : memref<4x2048xi32, #tpu.memory_space<hbm>> -> memref<1x256xi32, #tpu.memory_space<hbm>>
    %dma_start3A_39 = tpu.memref_squeeze %dma_start3A_38 : memref<1x256xi32, #tpu.memory_space<hbm>> -> memref<256xi32, #tpu.memory_space<hbm>>
    tpu.enqueue_dma source(%dma_start3A_39 : memref<256xi32, #tpu.memory_space<hbm>>) target(%arg10 : memref<256xi32, #tpu.memory_space<vmem>>) target_semaphore(%arg25 : memref<!tpu.dma_semaphore, #tpu.memory_space<semaphore_mem>>)
    %dma_start3A_40 = arith.constant 0 : i32
    %dma_start3A_41 = tpu.memref_slice %arg11[%dma_start3A_40] : memref<272xi32, #tpu.memory_space<vmem>> -> memref<256xi32, #tpu.memory_space<vmem>>
    %dma_start3A_42 = tpu.memref_slice %arg4[%select_n3A, %mul3A_32] : memref<4x2048xi32, #tpu.memory_space<hbm>> -> memref<1x256xi32, #tpu.memory_space<hbm>>
    %dma_start3A_43 = tpu.memref_squeeze %dma_start3A_42 : memref<1x256xi32, #tpu.memory_space<hbm>> -> memref<256xi32, #tpu.memory_space<hbm>>
    %dma_start3A_44 = arith.constant 0 : i32
    %dma_start3A_45 = tpu.memref_slice %arg11[%dma_start3A_44] : memref<272xi32, #tpu.memory_space<vmem>> -> memref<256xi32, #tpu.memory_space<vmem>>
    %dma_start3A_46 = tpu.memref_slice %arg4[%select_n3A, %mul3A_32] : memref<4x2048xi32, #tpu.memory_space<hbm>> -> memref<1x256xi32, #tpu.memory_space<hbm>>
    %dma_start3A_47 = tpu.memref_squeeze %dma_start3A_46 : memref<1x256xi32, #tpu.memory_space<hbm>> -> memref<256xi32, #tpu.memory_space<hbm>>
    tpu.enqueue_dma source(%dma_start3A_47 : memref<256xi32, #tpu.memory_space<hbm>>) target(%dma_start3A_45 : memref<256xi32, #tpu.memory_space<vmem>>) target_semaphore(%arg26 : memref<!tpu.dma_semaphore, #tpu.memory_space<semaphore_mem>>)
    tpu.enqueue_dma source(%arg7 : memref<2x1024xf32, #tpu.memory_space<hbm>>) target(%arg18 : memref<2x1024xf32, #tpu.memory_space<vmem>>) target_semaphore(%arg27 : memref<!tpu.dma_semaphore, #tpu.memory_space<semaphore_mem>>)
    %dma_wait3A = tpu.memref_slice %arg2[%select_n3A, %mul3A_32] : memref<4x2048xi32, #tpu.memory_space<hbm>> -> memref<1x256xi32, #tpu.memory_space<hbm>>
    %dma_wait3A_48 = tpu.memref_squeeze %dma_wait3A : memref<1x256xi32, #tpu.memory_space<hbm>> -> memref<256xi32, #tpu.memory_space<hbm>>
    %dma_wait3A_49 = tpu.memref_slice %arg2[%select_n3A, %mul3A_32] : memref<4x2048xi32, #tpu.memory_space<hbm>> -> memref<1x256xi32, #tpu.memory_space<hbm>>
    %dma_wait3A_50 = tpu.memref_squeeze %dma_wait3A_49 : memref<1x256xi32, #tpu.memory_space<hbm>> -> memref<256xi32, #tpu.memory_space<hbm>>
    tpu.wait_dma2 semaphore(%arg21 : memref<!tpu.dma_semaphore, #tpu.memory_space<semaphore_mem>>) src(%dma_wait3A_50 : memref<256xi32, #tpu.memory_space<hbm>>) dst(%arg9 : memref<256xi32, #tpu.memory_space<vmem>>)
    %dma_start3A_51 = arith.constant 0 : i32
    %dma_start3A_52 = tpu.memref_slice %arg9[%dma_start3A_51] : memref<256xi32, #tpu.memory_space<vmem>> -> memref<16xi32, #tpu.memory_space<vmem>>
    %dma_start3A_53 = arith.constant 0 : i32
    %dma_start3A_54 = arith.constant 0 : i32
    %dma_start3A_55 = tpu.memref_slice %arg5[%dma_start3A_53, %dma_start3A_54] : memref<250002x1024xf32, #tpu.memory_space<hbm>> -> memref<250002x1024xf32, #tpu.memory_space<hbm>>
    tpu.enqueue_indirect_dma source(%dma_start3A_55 : memref<250002x1024xf32, #tpu.memory_space<hbm>>) target(%arg12 : memref<16x1024xf32, #tpu.memory_space<vmem>>) offsets(%dma_start3A_52 : memref<16xi32, #tpu.memory_space<vmem>>) semaphore(%arg21 : memref<!tpu.dma_semaphore, #tpu.memory_space<semaphore_mem>>)
    %dma_wait3A_56 = tpu.memref_slice %arg3[%select_n3A, %mul3A_32] : memref<4x2048xi32, #tpu.memory_space<hbm>> -> memref<1x256xi32, #tpu.memory_space<hbm>>
    %dma_wait3A_57 = tpu.memref_squeeze %dma_wait3A_56 : memref<1x256xi32, #tpu.memory_space<hbm>> -> memref<256xi32, #tpu.memory_space<hbm>>
    %dma_wait3A_58 = tpu.memref_slice %arg3[%select_n3A, %mul3A_32] : memref<4x2048xi32, #tpu.memory_space<hbm>> -> memref<1x256xi32, #tpu.memory_space<hbm>>
    %dma_wait3A_59 = tpu.memref_squeeze %dma_wait3A_58 : memref<1x256xi32, #tpu.memory_space<hbm>> -> memref<256xi32, #tpu.memory_space<hbm>>
    tpu.wait_dma2 semaphore(%arg25 : memref<!tpu.dma_semaphore, #tpu.memory_space<semaphore_mem>>) src(%dma_wait3A_59 : memref<256xi32, #tpu.memory_space<hbm>>) dst(%arg10 : memref<256xi32, #tpu.memory_space<vmem>>)
    %dma_start3A_60 = arith.constant 0 : i32
    %dma_start3A_61 = tpu.memref_slice %arg10[%dma_start3A_60] : memref<256xi32, #tpu.memory_space<vmem>> -> memref<16xi32, #tpu.memory_space<vmem>>
    %dma_start3A_62 = arith.constant 0 : i32
    %dma_start3A_63 = arith.constant 0 : i32
    %dma_start3A_64 = tpu.memref_slice %arg6[%dma_start3A_62, %dma_start3A_63] : memref<2050x1024xf32, #tpu.memory_space<hbm>> -> memref<2050x1024xf32, #tpu.memory_space<hbm>>
    tpu.enqueue_indirect_dma source(%dma_start3A_64 : memref<2050x1024xf32, #tpu.memory_space<hbm>>) target(%arg16 : memref<16x1024xf32, #tpu.memory_space<vmem>>) offsets(%dma_start3A_61 : memref<16xi32, #tpu.memory_space<vmem>>) semaphore(%arg25 : memref<!tpu.dma_semaphore, #tpu.memory_space<semaphore_mem>>)
    %dma_wait3A_65 = arith.constant 0 : i32
    %dma_wait3A_66 = tpu.memref_slice %arg11[%dma_wait3A_65] : memref<272xi32, #tpu.memory_space<vmem>> -> memref<256xi32, #tpu.memory_space<vmem>>
    %dma_wait3A_67 = tpu.memref_slice %arg4[%select_n3A, %mul3A_32] : memref<4x2048xi32, #tpu.memory_space<hbm>> -> memref<1x256xi32, #tpu.memory_space<hbm>>
    %dma_wait3A_68 = tpu.memref_squeeze %dma_wait3A_67 : memref<1x256xi32, #tpu.memory_space<hbm>> -> memref<256xi32, #tpu.memory_space<hbm>>
    %dma_wait3A_69 = arith.constant 0 : i32
    %dma_wait3A_70 = tpu.memref_slice %arg11[%dma_wait3A_69] : memref<272xi32, #tpu.memory_space<vmem>> -> memref<256xi32, #tpu.memory_space<vmem>>
    %dma_wait3A_71 = tpu.memref_slice %arg4[%select_n3A, %mul3A_32] : memref<4x2048xi32, #tpu.memory_space<hbm>> -> memref<1x256xi32, #tpu.memory_space<hbm>>
    %dma_wait3A_72 = tpu.memref_squeeze %dma_wait3A_71 : memref<1x256xi32, #tpu.memory_space<hbm>> -> memref<256xi32, #tpu.memory_space<hbm>>
    tpu.wait_dma2 semaphore(%arg26 : memref<!tpu.dma_semaphore, #tpu.memory_space<semaphore_mem>>) src(%dma_wait3A_72 : memref<256xi32, #tpu.memory_space<hbm>>) dst(%dma_wait3A_70 : memref<256xi32, #tpu.memory_space<vmem>>)
    tpu.wait_dma2 semaphore(%arg27 : memref<!tpu.dma_semaphore, #tpu.memory_space<semaphore_mem>>) src(%arg7 : memref<2x1024xf32, #tpu.memory_space<hbm>>) dst(%arg18 : memref<2x1024xf32, #tpu.memory_space<vmem>>)
    %dma_start3A_73 = arith.constant 16 : i32
    %dma_start3A_74 = tpu.memref_slice %arg9[%dma_start3A_73] : memref<256xi32, #tpu.memory_space<vmem>> -> memref<16xi32, #tpu.memory_space<vmem>>
    %dma_start3A_75 = arith.constant 0 : i32
    %dma_start3A_76 = arith.constant 0 : i32
    %dma_start3A_77 = tpu.memref_slice %arg5[%dma_start3A_75, %dma_start3A_76] : memref<250002x1024xf32, #tpu.memory_space<hbm>> -> memref<250002x1024xf32, #tpu.memory_space<hbm>>
    tpu.enqueue_indirect_dma source(%dma_start3A_77 : memref<250002x1024xf32, #tpu.memory_space<hbm>>) target(%arg13 : memref<16x1024xf32, #tpu.memory_space<vmem>>) offsets(%dma_start3A_74 : memref<16xi32, #tpu.memory_space<vmem>>) semaphore(%arg22 : memref<!tpu.dma_semaphore, #tpu.memory_space<semaphore_mem>>)
    %parallel_loop3A = arith.constant 0 : i32
    %parallel_loop3A_78 = arith.constant 64 : i32
    %parallel_loop3A_79 = arith.constant 1 : i32
    scf.for %parallel_loop3A_121 = %parallel_loop3A to %parallel_loop3A_78 step %parallel_loop3A_79  : i32 {
      %parallel_loop3A_122 = arith.constant 16 : i32
      %parallel_loop3A_123 = arith.muli %parallel_loop3A_121, %parallel_loop3A_122 : i32
      %parallel_loop3A_124 = arith.constant 1 : i32
      %parallel_loop3A_125 = arith.index_cast %parallel_loop3A_124 : i32 to index
      %parallel_loop3A_126 = arith.index_cast %parallel_loop3A_123 : i32 to index
      %parallel_loop3A_127 = tpu.vector_load %arg18[%parallel_loop3A_125, %parallel_loop3A_126] {strides = array<i32>} : memref<2x1024xf32, #tpu.memory_space<vmem>>, vector<1x16xf32>,
      %parallel_loop3A_128 = vector.shape_cast %parallel_loop3A_127 : vector<1x16xf32> to vector<16xf32>
      %parallel_loop3A_129 = arith.constant 0 : i32
      %parallel_loop3A_130 = arith.index_cast %parallel_loop3A_129 : i32 to index
      %parallel_loop3A_131 = arith.index_cast %parallel_loop3A_123 : i32 to index
      %parallel_loop3A_132 = tpu.vector_load %arg18[%parallel_loop3A_130, %parallel_loop3A_131] {strides = array<i32>} : memref<2x1024xf32, #tpu.memory_space<vmem>>, vector<1x16xf32>,
      %parallel_loop3A_133 = vector.shape_cast %parallel_loop3A_132 : vector<1x16xf32> to vector<16xf32>
      %parallel_loop3A_134 = arith.subf %parallel_loop3A_128, %parallel_loop3A_133 : vector<16xf32>
      %parallel_loop3A_135 = arith.index_cast %parallel_loop3A_123 : i32 to index
      %parallel_loop3A_136 = tpu.vector_load %arg19[%parallel_loop3A_135] {strides = array<i32>} : memref<1024xf32, #tpu.memory_space<vmem>>, vector<16xf32>,
      %parallel_loop3A_137 = vector.shape_cast %parallel_loop3A_136 : vector<16xf32> to vector<16xf32>
      %parallel_loop3A_138 = vector.shape_cast %parallel_loop3A_134 : vector<16xf32> to vector<16xf32>
      tpu.vector_store %arg19[%parallel_loop3A_135], %parallel_loop3A_138 {strides = array<i32>} : memref<1024xf32, #tpu.memory_space<vmem>>, vector<16xf32>,
    } {sc.loop_unroll_factor = 1 : i64, sc.parallel_access}
    %scan3A = arith.constant 0 : i32
    %scan3A_80 = arith.constant 0 : i32
    %scan3A_81 = arith.constant 256 : i32
    %scan3A_82 = arith.addi %scan3A_80, %scan3A_81 : i32
    %scan3A_83 = arith.constant 1 : i32
    %scan3A_84 = scf.for %scan3A_121 = %scan3A_80 to %scan3A_82 step %scan3A_83 iter_args(%scan3A_122 = %scan3A) -> (i32)  : i32 {
      %get3A = arith.index_cast %scan3A_121 : i32 to index
      %get3A_123 = tpu.vector_load %arg11[%get3A] {strides = array<i32>} : memref<272xi32, #tpu.memory_space<vmem>>, vector<16xi32>,
      %get3A_124 = vector.shape_cast %get3A_123 : vector<16xi32> to vector<16xi32>
      %slice3A = vector.extract_strided_slice %get3A_124 {offsets = [0], sizes = [1], strides = [1]} : vector<16xi32> to vector<1xi32>
      %squeeze3A = vector.extract %slice3A[0] : i32 from vector<1xi32>
      %convert_element_type3A = arith.sitofp %squeeze3A : i32 to f32
      %swap3A = arith.index_cast %scan3A_121 : i32 to index
      %swap3A_125 = memref.load %arg20[%swap3A] : memref<256xf32, #tpu.memory_space<smem>>
      memref.store %convert_element_type3A, %arg20[%swap3A] : memref<256xf32, #tpu.memory_space<smem>>
      %scan3A_126 = arith.constant 0 : i32
      scf.yield %scan3A_126 : i32
    }
    %scan3A_85 = arith.constant 256 : i32
    %scan3A_86 = arith.constant 0 : i32
    %scan3A_87 = arith.constant 0 : i32
    %scan3A_88 = arith.constant 4 : i32
    %scan3A_89 = arith.addi %scan3A_87, %scan3A_88 : i32
    %scan3A_90 = arith.constant 1 : i32
    %scan3A_91 = scf.for %scan3A_121 = %scan3A_87 to %scan3A_89 step %scan3A_90 iter_args(%scan3A_122 = %scan3A_86) -> (i32)  : i32 {
      %mul3A_123 = arith.constant 4 : i32
      %mul3A_124 = arith.muli %mul3A_123, %scan3A_121 : i32
      %add3A_125 = arith.constant 0 : i32
      %add3A_126 = arith.addi %mul3A_124, %add3A_125 : i32
      %add3A_127 = arith.constant 1 : i32
      %add3A_128 = arith.addi %add3A_126, %add3A_127 : i32
      %lt3A_129 = arith.constant 16 : i32
      %lt3A_130 = arith.cmpi slt, %add3A_128, %lt3A_129 : i32
      %convert_element_type3A = arith.extui %lt3A_130 : i1 to i32
      %cond3A = arith.constant 0 : i32
      %cond3A_131 = arith.cmpi ne, %convert_element_type3A, %cond3A : i32
      scf.if %cond3A_131 {
        %add3A_314 = arith.constant 1 : i32
        %add3A_315 = arith.addi %add3A_126, %add3A_314 : i32
        %mul3A_316 = arith.constant 16 : i32
        %mul3A_317 = arith.muli %add3A_315, %mul3A_316 : i32
        %dma_start3A_318 = tpu.memref_slice %arg10[%mul3A_317] : memref<256xi32, #tpu.memory_space<vmem>> -> memref<16xi32, #tpu.memory_space<vmem>>
        %dma_start3A_319 = arith.constant 0 : i32
        %dma_start3A_320 = arith.constant 0 : i32
        %dma_start3A_321 = tpu.memref_slice %arg6[%dma_start3A_319, %dma_start3A_320] : memref<2050x1024xf32, #tpu.memory_space<hbm>> -> memref<2050x1024xf32, #tpu.memory_space<hbm>>
        tpu.enqueue_indirect_dma source(%dma_start3A_321 : memref<2050x1024xf32, #tpu.memory_space<hbm>>) target(%arg17 : memref<16x1024xf32, #tpu.memory_space<vmem>>) offsets(%dma_start3A_318 : memref<16xi32, #tpu.memory_space<vmem>>) semaphore(%arg26 : memref<!tpu.dma_semaphore, #tpu.memory_space<semaphore_mem>>)
      } else {
      }
      %add3A_132 = arith.constant 2 : i32
      %add3A_133 = arith.addi %add3A_126, %add3A_132 : i32
      %lt3A_134 = arith.constant 16 : i32
      %lt3A_135 = arith.cmpi slt, %add3A_133, %lt3A_134 : i32
      %convert_element_type3A_136 = arith.extui %lt3A_135 : i1 to i32
      %cond3A_137 = arith.constant 0 : i32
      %cond3A_138 = arith.cmpi ne, %convert_element_type3A_136, %cond3A_137 : i32
      scf.if %cond3A_138 {
        %ge3A = arith.constant 2 : i32
        %ge3A_314 = arith.cmpi sge, %add3A_126, %ge3A : i32
        %convert_element_type3A_315 = arith.extui %ge3A_314 : i1 to i32
        %cond3A_316 = arith.constant 0 : i32
        %cond3A_317 = arith.cmpi ne, %convert_element_type3A_315, %cond3A_316 : i32
        scf.if %cond3A_317 {
          %sub3A_326 = arith.constant 2 : i32
          %sub3A_327 = arith.subi %add3A_126, %sub3A_326 : i32
          %mul3A_328 = arith.constant 16 : i32
          %mul3A_329 = arith.muli %sub3A_327, %mul3A_328 : i32
          %add3A_330 = arith.addi %mul3A_32, %mul3A_329 : i32
          %dma_wait3A_331 = arith.constant 0 : i32
          %dma_wait3A_332 = arith.constant 0 : i32
          %dma_wait3A_333 = tpu.memref_slice %arg8[%select_n3A, %dma_wait3A_331, %dma_wait3A_332] : memref<4x2048x1024xf32, #tpu.memory_space<hbm>> -> memref<1x2048x1024xf32, #tpu.memory_space<hbm>>
          %dma_wait3A_334 = tpu.memref_squeeze %dma_wait3A_333 : memref<1x2048x1024xf32, #tpu.memory_space<hbm>> -> memref<2048x1024xf32, #tpu.memory_space<hbm>>
          %dma_wait3A_335 = arith.constant 0 : i32
          %dma_wait3A_336 = tpu.memref_slice %dma_wait3A_334[%add3A_330, %dma_wait3A_335] : memref<2048x1024xf32, #tpu.memory_space<hbm>> -> memref<16x1024xf32, #tpu.memory_space<hbm>>
          %dma_wait3A_337 = arith.constant 0 : i32
          %dma_wait3A_338 = arith.constant 0 : i32
          %dma_wait3A_339 = tpu.memref_slice %arg8[%select_n3A, %dma_wait3A_337, %dma_wait3A_338] : memref<4x2048x1024xf32, #tpu.memory_space<hbm>> -> memref<1x2048x1024xf32, #tpu.memory_space<hbm>>
          %dma_wait3A_340 = tpu.memref_squeeze %dma_wait3A_339 : memref<1x2048x1024xf32, #tpu.memory_space<hbm>> -> memref<2048x1024xf32, #tpu.memory_space<hbm>>
          %dma_wait3A_341 = arith.constant 0 : i32
          %dma_wait3A_342 = tpu.memref_slice %dma_wait3A_340[%add3A_330, %dma_wait3A_341] : memref<2048x1024xf32, #tpu.memory_space<hbm>> -> memref<16x1024xf32, #tpu.memory_space<hbm>>
          tpu.wait_dma2 semaphore(%arg29 : memref<!tpu.dma_semaphore, #tpu.memory_space<semaphore_mem>>) src(%arg14 : memref<16x1024xf32, #tpu.memory_space<vmem>>) dst(%dma_wait3A_342 : memref<16x1024xf32, #tpu.memory_space<hbm>>)
        } else {
        }
        %add3A_318 = arith.constant 2 : i32
        %add3A_319 = arith.addi %add3A_126, %add3A_318 : i32
        %mul3A_320 = arith.constant 16 : i32
        %mul3A_321 = arith.muli %add3A_319, %mul3A_320 : i32
        %dma_start3A_322 = tpu.memref_slice %arg9[%mul3A_321] : memref<256xi32, #tpu.memory_space<vmem>> -> memref<16xi32, #tpu.memory_space<vmem>>
        %dma_start3A_323 = arith.constant 0 : i32
        %dma_start3A_324 = arith.constant 0 : i32
        %dma_start3A_325 = tpu.memref_slice %arg5[%dma_start3A_323, %dma_start3A_324] : memref<250002x1024xf32, #tpu.memory_space<hbm>> -> memref<250002x1024xf32, #tpu.memory_space<hbm>>
        tpu.enqueue_indirect_dma source(%dma_start3A_325 : memref<250002x1024xf32, #tpu.memory_space<hbm>>) target(%arg14 : memref<16x1024xf32, #tpu.memory_space<vmem>>) offsets(%dma_start3A_322 : memref<16xi32, #tpu.memory_space<vmem>>) semaphore(%arg23 : memref<!tpu.dma_semaphore, #tpu.memory_space<semaphore_mem>>)
      } else {
      }
      %mul3A_139 = arith.constant 16 : i32
      %mul3A_140 = arith.muli %add3A_126, %mul3A_139 : i32
      %dma_wait3A_141 = tpu.memref_slice %arg9[%mul3A_140] : memref<256xi32, #tpu.memory_space<vmem>> -> memref<16xi32, #tpu.memory_space<vmem>>
      %dma_wait3A_142 = arith.constant 0 : i32
      %dma_wait3A_143 = arith.constant 0 : i32
      %dma_wait3A_144 = tpu.memref_slice %arg5[%dma_wait3A_142, %dma_wait3A_143] : memref<250002x1024xf32, #tpu.memory_space<hbm>> -> memref<250002x1024xf32, #tpu.memory_space<hbm>>
      tpu.wait_indirect_dma semaphore(%arg21 : memref<!tpu.dma_semaphore, #tpu.memory_space<semaphore_mem>>) src(%dma_wait3A_144 : memref<250002x1024xf32, #tpu.memory_space<hbm>>) dst(%arg12 : memref<16x1024xf32, #tpu.memory_space<vmem>>)
      %mul3A_145 = arith.constant 16 : i32
      %mul3A_146 = arith.muli %add3A_126, %mul3A_145 : i32
      %dma_wait3A_147 = tpu.memref_slice %arg10[%mul3A_146] : memref<256xi32, #tpu.memory_space<vmem>> -> memref<16xi32, #tpu.memory_space<vmem>>
      %dma_wait3A_148 = arith.constant 0 : i32
      %dma_wait3A_149 = arith.constant 0 : i32
      %dma_wait3A_150 = tpu.memref_slice %arg6[%dma_wait3A_148, %dma_wait3A_149] : memref<2050x1024xf32, #tpu.memory_space<hbm>> -> memref<2050x1024xf32, #tpu.memory_space<hbm>>
      tpu.wait_indirect_dma semaphore(%arg25 : memref<!tpu.dma_semaphore, #tpu.memory_space<semaphore_mem>>) src(%dma_wait3A_150 : memref<2050x1024xf32, #tpu.memory_space<hbm>>) dst(%arg16 : memref<16x1024xf32, #tpu.memory_space<vmem>>)
      %parallel_loop3A_151 = arith.constant 0 : i32
      %parallel_loop3A_152 = arith.constant 64 : i32
      %parallel_loop3A_153 = arith.constant 1 : i32
      scf.for %parallel_loop3A_314 = %parallel_loop3A_151 to %parallel_loop3A_152 step %parallel_loop3A_153  : i32 {
        %parallel_loop3A_315 = arith.constant 16 : i32
        %parallel_loop3A_316 = arith.muli %parallel_loop3A_314, %parallel_loop3A_315 : i32
        %parallel_loop3A_317 = arith.constant 0 : i32
        %parallel_loop3A_318 = arith.index_cast %parallel_loop3A_317 : i32 to index
        %parallel_loop3A_319 = arith.index_cast %parallel_loop3A_316 : i32 to index
        %parallel_loop3A_320 = tpu.vector_load %arg18[%parallel_loop3A_318, %parallel_loop3A_319] {strides = array<i32>} : memref<2x1024xf32, #tpu.memory_space<vmem>>, vector<1x16xf32>,
        %parallel_loop3A_321 = vector.shape_cast %parallel_loop3A_320 : vector<1x16xf32> to vector<16xf32>
        %parallel_loop3A_322 = arith.index_cast %parallel_loop3A_316 : i32 to index
        %parallel_loop3A_323 = tpu.vector_load %arg19[%parallel_loop3A_322] {strides = array<i32>} : memref<1024xf32, #tpu.memory_space<vmem>>, vector<16xf32>,
        %parallel_loop3A_324 = vector.shape_cast %parallel_loop3A_323 : vector<16xf32> to vector<16xf32>
        %parallel_loop3A_325 = arith.constant 0 : i32
        %parallel_loop3A_326 = arith.index_cast %parallel_loop3A_325 : i32 to index
        %parallel_loop3A_327 = arith.index_cast %parallel_loop3A_316 : i32 to index
        %parallel_loop3A_328 = tpu.vector_load %arg16[%parallel_loop3A_326, %parallel_loop3A_327] {strides = array<i32>} : memref<16x1024xf32, #tpu.memory_space<vmem>>, vector<1x16xf32>,
        %parallel_loop3A_329 = vector.shape_cast %parallel_loop3A_328 : vector<1x16xf32> to vector<16xf32>
        %parallel_loop3A_330 = arith.addf %parallel_loop3A_329, %parallel_loop3A_321 : vector<16xf32>
        %parallel_loop3A_331 = arith.constant 16 : i32
        %parallel_loop3A_332 = arith.muli %add3A_126, %parallel_loop3A_331 : i32
        %parallel_loop3A_333 = arith.constant 0 : i32
        %parallel_loop3A_334 = arith.addi %parallel_loop3A_332, %parallel_loop3A_333 : i32
        %parallel_loop3A_335 = arith.index_cast %parallel_loop3A_334 : i32 to index
        %parallel_loop3A_336 = memref.load %arg20[%parallel_loop3A_335] : memref<256xf32, #tpu.memory_space<smem>>
        %parallel_loop3A_337 = vector.broadcast %parallel_loop3A_336 : f32 to vector<16xf32>
        %parallel_loop3A_338 = arith.mulf %parallel_loop3A_337, %parallel_loop3A_324 : vector<16xf32>
        %parallel_loop3A_339 = arith.addf %parallel_loop3A_330, %parallel_loop3A_338 : vector<16xf32>
        %parallel_loop3A_340 = arith.constant 0 : i32
        %parallel_loop3A_341 = arith.index_cast %parallel_loop3A_340 : i32 to index
        %parallel_loop3A_342 = arith.index_cast %parallel_loop3A_316 : i32 to index
        %parallel_loop3A_343 = tpu.vector_load %arg12[%parallel_loop3A_341, %parallel_loop3A_342] {strides = array<i32>} : memref<16x1024xf32, #tpu.memory_space<vmem>>, vector<1x16xf32>,
        %parallel_loop3A_344 = vector.shape_cast %parallel_loop3A_343 : vector<1x16xf32> to vector<16xf32>
        %parallel_loop3A_345 = vector.shape_cast %parallel_loop3A_339 : vector<16xf32> to vector<1x16xf32>
        tpu.vector_store %arg12[%parallel_loop3A_341, %parallel_loop3A_342], %parallel_loop3A_345 {add = true, strides = array<i32>} : memref<16x1024xf32, #tpu.memory_space<vmem>>, vector<1x16xf32>,
        %parallel_loop3A_346 = arith.constant 1 : i32
        %parallel_loop3A_347 = arith.index_cast %parallel_loop3A_346 : i32 to index
        %parallel_loop3A_348 = arith.index_cast %parallel_loop3A_316 : i32 to index
        %parallel_loop3A_349 = tpu.vector_load %arg16[%parallel_loop3A_347, %parallel_loop3A_348] {strides = array<i32>} : memref<16x1024xf32, #tpu.memory_space<vmem>>, vector<1x16xf32>,
        %parallel_loop3A_350 = vector.shape_cast %parallel_loop3A_349 : vector<1x16xf32> to vector<16xf32>
        %parallel_loop3A_351 = arith.addf %parallel_loop3A_350, %parallel_loop3A_321 : vector<16xf32>
        %parallel_loop3A_352 = arith.constant 16 : i32
        %parallel_loop3A_353 = arith.muli %add3A_126, %parallel_loop3A_352 : i32
        %parallel_loop3A_354 = arith.constant 1 : i32
        %parallel_loop3A_355 = arith.addi %parallel_loop3A_353, %parallel_loop3A_354 : i32
        %parallel_loop3A_356 = arith.index_cast %parallel_loop3A_355 : i32 to index
        %parallel_loop3A_357 = memref.load %arg20[%parallel_loop3A_356] : memref<256xf32, #tpu.memory_space<smem>>
        %parallel_loop3A_358 = vector.broadcast %parallel_loop3A_357 : f32 to vector<16xf32>
        %parallel_loop3A_359 = arith.mulf %parallel_loop3A_358, %parallel_loop3A_324 : vector<16xf32>
        %parallel_loop3A_360 = arith.addf %parallel_loop3A_351, %parallel_loop3A_359 : vector<16xf32>
        %parallel_loop3A_361 = arith.constant 1 : i32
        %parallel_loop3A_362 = arith.index_cast %parallel_loop3A_361 : i32 to index
        %parallel_loop3A_363 = arith.index_cast %parallel_loop3A_316 : i32 to index
        %parallel_loop3A_364 = tpu.vector_load %arg12[%parallel_loop3A_362, %parallel_loop3A_363] {strides = array<i32>} : memref<16x1024xf32, #tpu.memory_space<vmem>>, vector<1x16xf32>,
        %parallel_loop3A_365 = vector.shape_cast %parallel_loop3A_364 : vector<1x16xf32> to vector<16xf32>
        %parallel_loop3A_366 = vector.shape_cast %parallel_loop3A_360 : vector<16xf32> to vector<1x16xf32>
        tpu.vector_store %arg12[%parallel_loop3A_362, %parallel_loop3A_363], %parallel_loop3A_366 {add = true, strides = array<i32>} : memref<16x1024xf32, #tpu.memory_space<vmem>>, vector<1x16xf32>,
        %parallel_loop3A_367 = arith.constant 2 : i32
        %parallel_loop3A_368 = arith.index_cast %parallel_loop3A_367 : i32 to index
        %parallel_loop3A_369 = arith.index_cast %parallel_loop3A_316 : i32 to index
        %parallel_loop3A_370 = tpu.vector_load %arg16[%parallel_loop3A_368, %parallel_loop3A_369] {strides = array<i32>} : memref<16x1024xf32, #tpu.memory_space<vmem>>, vector<1x16xf32>,
        %parallel_loop3A_371 = vector.shape_cast %parallel_loop3A_370 : vector<1x16xf32> to vector<16xf32>
        %parallel_loop3A_372 = arith.addf %parallel_loop3A_371, %parallel_loop3A_321 : vector<16xf32>
        %parallel_loop3A_373 = arith.constant 16 : i32
        %parallel_loop3A_374 = arith.muli %add3A_126, %parallel_loop3A_373 : i32
        %parallel_loop3A_375 = arith.constant 2 : i32
        %parallel_loop3A_376 = arith.addi %parallel_loop3A_374, %parallel_loop3A_375 : i32
        %parallel_loop3A_377 = arith.index_cast %parallel_loop3A_376 : i32 to index
        %parallel_loop3A_378 = memref.load %arg20[%parallel_loop3A_377] : memref<256xf32, #tpu.memory_space<smem>>
        %parallel_loop3A_379 = vector.broadcast %parallel_loop3A_378 : f32 to vector<16xf32>
        %parallel_loop3A_380 = arith.mulf %parallel_loop3A_379, %parallel_loop3A_324 : vector<16xf32>
        %parallel_loop3A_381 = arith.addf %parallel_loop3A_372, %parallel_loop3A_380 : vector<16xf32>
        %parallel_loop3A_382 = arith.constant 2 : i32
        %parallel_loop3A_383 = arith.index_cast %parallel_loop3A_382 : i32 to index
        %parallel_loop3A_384 = arith.index_cast %parallel_loop3A_316 : i32 to index
        %parallel_loop3A_385 = tpu.vector_load %arg12[%parallel_loop3A_383, %parallel_loop3A_384] {strides = array<i32>} : memref<16x1024xf32, #tpu.memory_space<vmem>>, vector<1x16xf32>,
        %parallel_loop3A_386 = vector.shape_cast %parallel_loop3A_385 : vector<1x16xf32> to vector<16xf32>
        %parallel_loop3A_387 = vector.shape_cast %parallel_loop3A_381 : vector<16xf32> to vector<1x16xf32>
        tpu.vector_store %arg12[%parallel_loop3A_383, %parallel_loop3A_384], %parallel_loop3A_387 {add = true, strides = array<i32>} : memref<16x1024xf32, #tpu.memory_space<vmem>>, vector<1x16xf32>,
        %parallel_loop3A_388 = arith.constant 3 : i32
        %parallel_loop3A_389 = arith.index_cast %parallel_loop3A_388 : i32 to index
        %parallel_loop3A_390 = arith.index_cast %parallel_loop3A_316 : i32 to index
        %parallel_loop3A_391 = tpu.vector_load %arg16[%parallel_loop3A_389, %parallel_loop3A_390] {strides = array<i32>} : memref<16x1024xf32, #tpu.memory_space<vmem>>, vector<1x16xf32>,
        %parallel_loop3A_392 = vector.shape_cast %parallel_loop3A_391 : vector<1x16xf32> to vector<16xf32>
        %parallel_loop3A_393 = arith.addf %parallel_loop3A_392, %parallel_loop3A_321 : vector<16xf32>
        %parallel_loop3A_394 = arith.constant 16 : i32
        %parallel_loop3A_395 = arith.muli %add3A_126, %parallel_loop3A_394 : i32
        %parallel_loop3A_396 = arith.constant 3 : i32
        %parallel_loop3A_397 = arith.addi %parallel_loop3A_395, %parallel_loop3A_396 : i32
        %parallel_loop3A_398 = arith.index_cast %parallel_loop3A_397 : i32 to index
        %parallel_loop3A_399 = memref.load %arg20[%parallel_loop3A_398] : memref<256xf32, #tpu.memory_space<smem>>
        %parallel_loop3A_400 = vector.broadcast %parallel_loop3A_399 : f32 to vector<16xf32>
        %parallel_loop3A_401 = arith.mulf %parallel_loop3A_400, %parallel_loop3A_324 : vector<16xf32>
        %parallel_loop3A_402 = arith.addf %parallel_loop3A_393, %parallel_loop3A_401 : vector<16xf32>
        %parallel_loop3A_403 = arith.constant 3 : i32
        %parallel_loop3A_404 = arith.index_cast %parallel_loop3A_403 : i32 to index
        %parallel_loop3A_405 = arith.index_cast %parallel_loop3A_316 : i32 to index
        %parallel_loop3A_406 = tpu.vector_load %arg12[%parallel_loop3A_404, %parallel_loop3A_405] {strides = array<i32>} : memref<16x1024xf32, #tpu.memory_space<vmem>>, vector<1x16xf32>,
        %parallel_loop3A_407 = vector.shape_cast %parallel_loop3A_406 : vector<1x16xf32> to vector<16xf32>
        %parallel_loop3A_408 = vector.shape_cast %parallel_loop3A_402 : vector<16xf32> to vector<1x16xf32>
        tpu.vector_store %arg12[%parallel_loop3A_404, %parallel_loop3A_405], %parallel_loop3A_408 {add = true, strides = array<i32>} : memref<16x1024xf32, #tpu.memory_space<vmem>>, vector<1x16xf32>,
        %parallel_loop3A_409 = arith.constant 4 : i32
        %parallel_loop3A_410 = arith.index_cast %parallel_loop3A_409 : i32 to index
        %parallel_loop3A_411 = arith.index_cast %parallel_loop3A_316 : i32 to index
        %parallel_loop3A_412 = tpu.vector_load %arg16[%parallel_loop3A_410, %parallel_loop3A_411] {strides = array<i32>} : memref<16x1024xf32, #tpu.memory_space<vmem>>, vector<1x16xf32>,
        %parallel_loop3A_413 = vector.shape_cast %parallel_loop3A_412 : vector<1x16xf32> to vector<16xf32>
        %parallel_loop3A_414 = arith.addf %parallel_loop3A_413, %parallel_loop3A_321 : vector<16xf32>
        %parallel_loop3A_415 = arith.constant 16 : i32
        %parallel_loop3A_416 = arith.muli %add3A_126, %parallel_loop3A_415 : i32
        %parallel_loop3A_417 = arith.constant 4 : i32
        %parallel_loop3A_418 = arith.addi %parallel_loop3A_416, %parallel_loop3A_417 : i32
        %parallel_loop3A_419 = arith.index_cast %parallel_loop3A_418 : i32 to index
        %parallel_loop3A_420 = memref.load %arg20[%parallel_loop3A_419] : memref<256xf32, #tpu.memory_space<smem>>
        %parallel_loop3A_421 = vector.broadcast %parallel_loop3A_420 : f32 to vector<16xf32>
        %parallel_loop3A_422 = arith.mulf %parallel_loop3A_421, %parallel_loop3A_324 : vector<16xf32>
        %parallel_loop3A_423 = arith.addf %parallel_loop3A_414, %parallel_loop3A_422 : vector<16xf32>
        %parallel_loop3A_424 = arith.constant 4 : i32
        %parallel_loop3A_425 = arith.index_cast %parallel_loop3A_424 : i32 to index
        %parallel_loop3A_426 = arith.index_cast %parallel_loop3A_316 : i32 to index
        %parallel_loop3A_427 = tpu.vector_load %arg12[%parallel_loop3A_425, %parallel_loop3A_426] {strides = array<i32>} : memref<16x1024xf32, #tpu.memory_space<vmem>>, vector<1x16xf32>,
        %parallel_loop3A_428 = vector.shape_cast %parallel_loop3A_427 : vector<1x16xf32> to vector<16xf32>
        %parallel_loop3A_429 = vector.shape_cast %parallel_loop3A_423 : vector<16xf32> to vector<1x16xf32>
        tpu.vector_store %arg12[%parallel_loop3A_425, %parallel_loop3A_426], %parallel_loop3A_429 {add = true, strides = array<i32>} : memref<16x1024xf32, #tpu.memory_space<vmem>>, vector<1x16xf32>,
        %parallel_loop3A_430 = arith.constant 5 : i32
        %parallel_loop3A_431 = arith.index_cast %parallel_loop3A_430 : i32 to index
        %parallel_loop3A_432 = arith.index_cast %parallel_loop3A_316 : i32 to index
        %parallel_loop3A_433 = tpu.vector_load %arg16[%parallel_loop3A_431, %parallel_loop3A_432] {strides = array<i32>} : memref<16x1024xf32, #tpu.memory_space<vmem>>, vector<1x16xf32>,
        %parallel_loop3A_434 = vector.shape_cast %parallel_loop3A_433 : vector<1x16xf32> to vector<16xf32>
        %parallel_loop3A_435 = arith.addf %parallel_loop3A_434, %parallel_loop3A_321 : vector<16xf32>
        %parallel_loop3A_436 = arith.constant 16 : i32
        %parallel_loop3A_437 = arith.muli %add3A_126, %parallel_loop3A_436 : i32
        %parallel_loop3A_438 = arith.constant 5 : i32
        %parallel_loop3A_439 = arith.addi %parallel_loop3A_437, %parallel_loop3A_438 : i32
        %parallel_loop3A_440 = arith.index_cast %parallel_loop3A_439 : i32 to index
        %parallel_loop3A_441 = memref.load %arg20[%parallel_loop3A_440] : memref<256xf32, #tpu.memory_space<smem>>
        %parallel_loop3A_442 = vector.broadcast %parallel_loop3A_441 : f32 to vector<16xf32>
        %parallel_loop3A_443 = arith.mulf %parallel_loop3A_442, %parallel_loop3A_324 : vector<16xf32>
        %parallel_loop3A_444 = arith.addf %parallel_loop3A_435, %parallel_loop3A_443 : vector<16xf32>
        %parallel_loop3A_445 = arith.constant 5 : i32
        %parallel_loop3A_446 = arith.index_cast %parallel_loop3A_445 : i32 to index
        %parallel_loop3A_447 = arith.index_cast %parallel_loop3A_316 : i32 to index
        %parallel_loop3A_448 = tpu.vector_load %arg12[%parallel_loop3A_446, %parallel_loop3A_447] {strides = array<i32>} : memref<16x1024xf32, #tpu.memory_space<vmem>>, vector<1x16xf32>,
        %parallel_loop3A_449 = vector.shape_cast %parallel_loop3A_448 : vector<1x16xf32> to vector<16xf32>
        %parallel_loop3A_450 = vector.shape_cast %parallel_loop3A_444 : vector<16xf32> to vector<1x16xf32>
        tpu.vector_store %arg12[%parallel_loop3A_446, %parallel_loop3A_447], %parallel_loop3A_450 {add = true, strides = array<i32>} : memref<16x1024xf32, #tpu.memory_space<vmem>>, vector<1x16xf32>,
        %parallel_loop3A_451 = arith.constant 6 : i32
        %parallel_loop3A_452 = arith.index_cast %parallel_loop3A_451 : i32 to index
        %parallel_loop3A_453 = arith.index_cast %parallel_loop3A_316 : i32 to index
        %parallel_loop3A_454 = tpu.vector_load %arg16[%parallel_loop3A_452, %parallel_loop3A_453] {strides = array<i32>} : memref<16x1024xf32, #tpu.memory_space<vmem>>, vector<1x16xf32>,
        %parallel_loop3A_455 = vector.shape_cast %parallel_loop3A_454 : vector<1x16xf32> to vector<16xf32>
        %parallel_loop3A_456 = arith.addf %parallel_loop3A_455, %parallel_loop3A_321 : vector<16xf32>
        %parallel_loop3A_457 = arith.constant 16 : i32
        %parallel_loop3A_458 = arith.muli %add3A_126, %parallel_loop3A_457 : i32
        %parallel_loop3A_459 = arith.constant 6 : i32
        %parallel_loop3A_460 = arith.addi %parallel_loop3A_458, %parallel_loop3A_459 : i32
        %parallel_loop3A_461 = arith.index_cast %parallel_loop3A_460 : i32 to index
        %parallel_loop3A_462 = memref.load %arg20[%parallel_loop3A_461] : memref<256xf32, #tpu.memory_space<smem>>
        %parallel_loop3A_463 = vector.broadcast %parallel_loop3A_462 : f32 to vector<16xf32>
        %parallel_loop3A_464 = arith.mulf %parallel_loop3A_463, %parallel_loop3A_324 : vector<16xf32>
        %parallel_loop3A_465 = arith.addf %parallel_loop3A_456, %parallel_loop3A_464 : vector<16xf32>
        %parallel_loop3A_466 = arith.constant 6 : i32
        %parallel_loop3A_467 = arith.index_cast %parallel_loop3A_466 : i32 to index
        %parallel_loop3A_468 = arith.index_cast %parallel_loop3A_316 : i32 to index
        %parallel_loop3A_469 = tpu.vector_load %arg12[%parallel_loop3A_467, %parallel_loop3A_468] {strides = array<i32>} : memref<16x1024xf32, #tpu.memory_space<vmem>>, vector<1x16xf32>,
        %parallel_loop3A_470 = vector.shape_cast %parallel_loop3A_469 : vector<1x16xf32> to vector<16xf32>
        %parallel_loop3A_471 = vector.shape_cast %parallel_loop3A_465 : vector<16xf32> to vector<1x16xf32>
        tpu.vector_store %arg12[%parallel_loop3A_467, %parallel_loop3A_468], %parallel_loop3A_471 {add = true, strides = array<i32>} : memref<16x1024xf32, #tpu.memory_space<vmem>>, vector<1x16xf32>,
        %parallel_loop3A_472 = arith.constant 7 : i32
        %parallel_loop3A_473 = arith.index_cast %parallel_loop3A_472 : i32 to index
        %parallel_loop3A_474 = arith.index_cast %parallel_loop3A_316 : i32 to index
        %parallel_loop3A_475 = tpu.vector_load %arg16[%parallel_loop3A_473, %parallel_loop3A_474] {strides = array<i32>} : memref<16x1024xf32, #tpu.memory_space<vmem>>, vector<1x16xf32>,
        %parallel_loop3A_476 = vector.shape_cast %parallel_loop3A_475 : vector<1x16xf32> to vector<16xf32>
        %parallel_loop3A_477 = arith.addf %parallel_loop3A_476, %parallel_loop3A_321 : vector<16xf32>
        %parallel_loop3A_478 = arith.constant 16 : i32
        %parallel_loop3A_479 = arith.muli %add3A_126, %parallel_loop3A_478 : i32
        %parallel_loop3A_480 = arith.constant 7 : i32
        %parallel_loop3A_481 = arith.addi %parallel_loop3A_479, %parallel_loop3A_480 : i32
        %parallel_loop3A_482 = arith.index_cast %parallel_loop3A_481 : i32 to index
        %parallel_loop3A_483 = memref.load %arg20[%parallel_loop3A_482] : memref<256xf32, #tpu.memory_space<smem>>
        %parallel_loop3A_484 = vector.broadcast %parallel_loop3A_483 : f32 to vector<16xf32>
        %parallel_loop3A_485 = arith.mulf %parallel_loop3A_484, %parallel_loop3A_324 : vector<16xf32>
        %parallel_loop3A_486 = arith.addf %parallel_loop3A_477, %parallel_loop3A_485 : vector<16xf32>
        %parallel_loop3A_487 = arith.constant 7 : i32
        %parallel_loop3A_488 = arith.index_cast %parallel_loop3A_487 : i32 to index
        %parallel_loop3A_489 = arith.index_cast %parallel_loop3A_316 : i32 to index
        %parallel_loop3A_490 = tpu.vector_load %arg12[%parallel_loop3A_488, %parallel_loop3A_489] {strides = array<i32>} : memref<16x1024xf32, #tpu.memory_space<vmem>>, vector<1x16xf32>,
        %parallel_loop3A_491 = vector.shape_cast %parallel_loop3A_490 : vector<1x16xf32> to vector<16xf32>
        %parallel_loop3A_492 = vector.shape_cast %parallel_loop3A_486 : vector<16xf32> to vector<1x16xf32>
        tpu.vector_store %arg12[%parallel_loop3A_488, %parallel_loop3A_489], %parallel_loop3A_492 {add = true, strides = array<i32>} : memref<16x1024xf32, #tpu.memory_space<vmem>>, vector<1x16xf32>,
        %parallel_loop3A_493 = arith.constant 8 : i32
        %parallel_loop3A_494 = arith.index_cast %parallel_loop3A_493 : i32 to index
        %parallel_loop3A_495 = arith.index_cast %parallel_loop3A_316 : i32 to index
        %parallel_loop3A_496 = tpu.vector_load %arg16[%parallel_loop3A_494, %parallel_loop3A_495] {strides = array<i32>} : memref<16x1024xf32, #tpu.memory_space<vmem>>, vector<1x16xf32>,
        %parallel_loop3A_497 = vector.shape_cast %parallel_loop3A_496 : vector<1x16xf32> to vector<16xf32>
        %parallel_loop3A_498 = arith.addf %parallel_loop3A_497, %parallel_loop3A_321 : vector<16xf32>
        %parallel_loop3A_499 = arith.constant 16 : i32
        %parallel_loop3A_500 = arith.muli %add3A_126, %parallel_loop3A_499 : i32
        %parallel_loop3A_501 = arith.constant 8 : i32
        %parallel_loop3A_502 = arith.addi %parallel_loop3A_500, %parallel_loop3A_501 : i32
        %parallel_loop3A_503 = arith.index_cast %parallel_loop3A_502 : i32 to index
        %parallel_loop3A_504 = memref.load %arg20[%parallel_loop3A_503] : memref<256xf32, #tpu.memory_space<smem>>
        %parallel_loop3A_505 = vector.broadcast %parallel_loop3A_504 : f32 to vector<16xf32>
        %parallel_loop3A_506 = arith.mulf %parallel_loop3A_505, %parallel_loop3A_324 : vector<16xf32>
        %parallel_loop3A_507 = arith.addf %parallel_loop3A_498, %parallel_loop3A_506 : vector<16xf32>
        %parallel_loop3A_508 = arith.constant 8 : i32
        %parallel_loop3A_509 = arith.index_cast %parallel_loop3A_508 : i32 to index
        %parallel_loop3A_510 = arith.index_cast %parallel_loop3A_316 : i32 to index
        %parallel_loop3A_511 = tpu.vector_load %arg12[%parallel_loop3A_509, %parallel_loop3A_510] {strides = array<i32>} : memref<16x1024xf32, #tpu.memory_space<vmem>>, vector<1x16xf32>,
        %parallel_loop3A_512 = vector.shape_cast %parallel_loop3A_511 : vector<1x16xf32> to vector<16xf32>
        %parallel_loop3A_513 = vector.shape_cast %parallel_loop3A_507 : vector<16xf32> to vector<1x16xf32>
        tpu.vector_store %arg12[%parallel_loop3A_509, %parallel_loop3A_510], %parallel_loop3A_513 {add = true, strides = array<i32>} : memref<16x1024xf32, #tpu.memory_space<vmem>>, vector<1x16xf32>,
        %parallel_loop3A_514 = arith.constant 9 : i32
        %parallel_loop3A_515 = arith.index_cast %parallel_loop3A_514 : i32 to index
        %parallel_loop3A_516 = arith.index_cast %parallel_loop3A_316 : i32 to index
        %parallel_loop3A_517 = tpu.vector_load %arg16[%parallel_loop3A_515, %parallel_loop3A_516] {strides = array<i32>} : memref<16x1024xf32, #tpu.memory_space<vmem>>, vector<1x16xf32>,
        %parallel_loop3A_518 = vector.shape_cast %parallel_loop3A_517 : vector<1x16xf32> to vector<16xf32>
        %parallel_loop3A_519 = arith.addf %parallel_loop3A_518, %parallel_loop3A_321 : vector<16xf32>
        %parallel_loop3A_520 = arith.constant 16 : i32
        %parallel_loop3A_521 = arith.muli %add3A_126, %parallel_loop3A_520 : i32
        %parallel_loop3A_522 = arith.constant 9 : i32
        %parallel_loop3A_523 = arith.addi %parallel_loop3A_521, %parallel_loop3A_522 : i32
        %parallel_loop3A_524 = arith.index_cast %parallel_loop3A_523 : i32 to index
        %parallel_loop3A_525 = memref.load %arg20[%parallel_loop3A_524] : memref<256xf32, #tpu.memory_space<smem>>
        %parallel_loop3A_526 = vector.broadcast %parallel_loop3A_525 : f32 to vector<16xf32>
        %parallel_loop3A_527 = arith.mulf %parallel_loop3A_526, %parallel_loop3A_324 : vector<16xf32>
        %parallel_loop3A_528 = arith.addf %parallel_loop3A_519, %parallel_loop3A_527 : vector<16xf32>
        %parallel_loop3A_529 = arith.constant 9 : i32
        %parallel_loop3A_530 = arith.index_cast %parallel_loop3A_529 : i32 to index
        %parallel_loop3A_531 = arith.index_cast %parallel_loop3A_316 : i32 to index
        %parallel_loop3A_532 = tpu.vector_load %arg12[%parallel_loop3A_530, %parallel_loop3A_531] {strides = array<i32>} : memref<16x1024xf32, #tpu.memory_space<vmem>>, vector<1x16xf32>,
        %parallel_loop3A_533 = vector.shape_cast %parallel_loop3A_532 : vector<1x16xf32> to vector<16xf32>
        %parallel_loop3A_534 = vector.shape_cast %parallel_loop3A_528 : vector<16xf32> to vector<1x16xf32>
        tpu.vector_store %arg12[%parallel_loop3A_530, %parallel_loop3A_531], %parallel_loop3A_534 {add = true, strides = array<i32>} : memref<16x1024xf32, #tpu.memory_space<vmem>>, vector<1x16xf32>,
        %parallel_loop3A_535 = arith.constant 10 : i32
        %parallel_loop3A_536 = arith.index_cast %parallel_loop3A_535 : i32 to index
        %parallel_loop3A_537 = arith.index_cast %parallel_loop3A_316 : i32 to index
        %parallel_loop3A_538 = tpu.vector_load %arg16[%parallel_loop3A_536, %parallel_loop3A_537] {strides = array<i32>} : memref<16x1024xf32, #tpu.memory_space<vmem>>, vector<1x16xf32>,
        %parallel_loop3A_539 = vector.shape_cast %parallel_loop3A_538 : vector<1x16xf32> to vector<16xf32>
        %parallel_loop3A_540 = arith.addf %parallel_loop3A_539, %parallel_loop3A_321 : vector<16xf32>
        %parallel_loop3A_541 = arith.constant 16 : i32
        %parallel_loop3A_542 = arith.muli %add3A_126, %parallel_loop3A_541 : i32
        %parallel_loop3A_543 = arith.constant 10 : i32
        %parallel_loop3A_544 = arith.addi %parallel_loop3A_542, %parallel_loop3A_543 : i32
        %parallel_loop3A_545 = arith.index_cast %parallel_loop3A_544 : i32 to index
        %parallel_loop3A_546 = memref.load %arg20[%parallel_loop3A_545] : memref<256xf32, #tpu.memory_space<smem>>
        %parallel_loop3A_547 = vector.broadcast %parallel_loop3A_546 : f32 to vector<16xf32>
        %parallel_loop3A_548 = arith.mulf %parallel_loop3A_547, %parallel_loop3A_324 : vector<16xf32>
        %parallel_loop3A_549 = arith.addf %parallel_loop3A_540, %parallel_loop3A_548 : vector<16xf32>
        %parallel_loop3A_550 = arith.constant 10 : i32
        %parallel_loop3A_551 = arith.index_cast %parallel_loop3A_550 : i32 to index
        %parallel_loop3A_552 = arith.index_cast %parallel_loop3A_316 : i32 to index
        %parallel_loop3A_553 = tpu.vector_load %arg12[%parallel_loop3A_551, %parallel_loop3A_552] {strides = array<i32>} : memref<16x1024xf32, #tpu.memory_space<vmem>>, vector<1x16xf32>,
        %parallel_loop3A_554 = vector.shape_cast %parallel_loop3A_553 : vector<1x16xf32> to vector<16xf32>
        %parallel_loop3A_555 = vector.shape_cast %parallel_loop3A_549 : vector<16xf32> to vector<1x16xf32>
        tpu.vector_store %arg12[%parallel_loop3A_551, %parallel_loop3A_552], %parallel_loop3A_555 {add = true, strides = array<i32>} : memref<16x1024xf32, #tpu.memory_space<vmem>>, vector<1x16xf32>,
        %parallel_loop3A_556 = arith.constant 11 : i32
        %parallel_loop3A_557 = arith.index_cast %parallel_loop3A_556 : i32 to index
        %parallel_loop3A_558 = arith.index_cast %parallel_loop3A_316 : i32 to index
        %parallel_loop3A_559 = tpu.vector_load %arg16[%parallel_loop3A_557, %parallel_loop3A_558] {strides = array<i32>} : memref<16x1024xf32, #tpu.memory_space<vmem>>, vector<1x16xf32>,
        %parallel_loop3A_560 = vector.shape_cast %parallel_loop3A_559 : vector<1x16xf32> to vector<16xf32>
        %parallel_loop3A_561 = arith.addf %parallel_loop3A_560, %parallel_loop3A_321 : vector<16xf32>
        %parallel_loop3A_562 = arith.constant 16 : i32
        %parallel_loop3A_563 = arith.muli %add3A_126, %parallel_loop3A_562 : i32
        %parallel_loop3A_564 = arith.constant 11 : i32
        %parallel_loop3A_565 = arith.addi %parallel_loop3A_563, %parallel_loop3A_564 : i32
        %parallel_loop3A_566 = arith.index_cast %parallel_loop3A_565 : i32 to index
        %parallel_loop3A_567 = memref.load %arg20[%parallel_loop3A_566] : memref<256xf32, #tpu.memory_space<smem>>
        %parallel_loop3A_568 = vector.broadcast %parallel_loop3A_567 : f32 to vector<16xf32>
        %parallel_loop3A_569 = arith.mulf %parallel_loop3A_568, %parallel_loop3A_324 : vector<16xf32>
        %parallel_loop3A_570 = arith.addf %parallel_loop3A_561, %parallel_loop3A_569 : vector<16xf32>
        %parallel_loop3A_571 = arith.constant 11 : i32
        %parallel_loop3A_572 = arith.index_cast %parallel_loop3A_571 : i32 to index
        %parallel_loop3A_573 = arith.index_cast %parallel_loop3A_316 : i32 to index
        %parallel_loop3A_574 = tpu.vector_load %arg12[%parallel_loop3A_572, %parallel_loop3A_573] {strides = array<i32>} : memref<16x1024xf32, #tpu.memory_space<vmem>>, vector<1x16xf32>,
        %parallel_loop3A_575 = vector.shape_cast %parallel_loop3A_574 : vector<1x16xf32> to vector<16xf32>
        %parallel_loop3A_576 = vector.shape_cast %parallel_loop3A_570 : vector<16xf32> to vector<1x16xf32>
        tpu.vector_store %arg12[%parallel_loop3A_572, %parallel_loop3A_573], %parallel_loop3A_576 {add = true, strides = array<i32>} : memref<16x1024xf32, #tpu.memory_space<vmem>>, vector<1x16xf32>,
        %parallel_loop3A_577 = arith.constant 12 : i32
        %parallel_loop3A_578 = arith.index_cast %parallel_loop3A_577 : i32 to index
        %parallel_loop3A_579 = arith.index_cast %parallel_loop3A_316 : i32 to index
        %parallel_loop3A_580 = tpu.vector_load %arg16[%parallel_loop3A_578, %parallel_loop3A_579] {strides = array<i32>} : memref<16x1024xf32, #tpu.memory_space<vmem>>, vector<1x16xf32>,
        %parallel_loop3A_581 = vector.shape_cast %parallel_loop3A_580 : vector<1x16xf32> to vector<16xf32>
        %parallel_loop3A_582 = arith.addf %parallel_loop3A_581, %parallel_loop3A_321 : vector<16xf32>
        %parallel_loop3A_583 = arith.constant 16 : i32
        %parallel_loop3A_584 = arith.muli %add3A_126, %parallel_loop3A_583 : i32
        %parallel_loop3A_585 = arith.constant 12 : i32
        %parallel_loop3A_586 = arith.addi %parallel_loop3A_584, %parallel_loop3A_585 : i32
        %parallel_loop3A_587 = arith.index_cast %parallel_loop3A_586 : i32 to index
        %parallel_loop3A_588 = memref.load %arg20[%parallel_loop3A_587] : memref<256xf32, #tpu.memory_space<smem>>
        %parallel_loop3A_589 = vector.broadcast %parallel_loop3A_588 : f32 to vector<16xf32>
        %parallel_loop3A_590 = arith.mulf %parallel_loop3A_589, %parallel_loop3A_324 : vector<16xf32>
        %parallel_loop3A_591 = arith.addf %parallel_loop3A_582, %parallel_loop3A_590 : vector<16xf32>
        %parallel_loop3A_592 = arith.constant 12 : i32
        %parallel_loop3A_593 = arith.index_cast %parallel_loop3A_592 : i32 to index
        %parallel_loop3A_594 = arith.index_cast %parallel_loop3A_316 : i32 to index
        %parallel_loop3A_595 = tpu.vector_load %arg12[%parallel_loop3A_593, %parallel_loop3A_594] {strides = array<i32>} : memref<16x1024xf32, #tpu.memory_space<vmem>>, vector<1x16xf32>,
        %parallel_loop3A_596 = vector.shape_cast %parallel_loop3A_595 : vector<1x16xf32> to vector<16xf32>
        %parallel_loop3A_597 = vector.shape_cast %parallel_loop3A_591 : vector<16xf32> to vector<1x16xf32>
        tpu.vector_store %arg12[%parallel_loop3A_593, %parallel_loop3A_594], %parallel_loop3A_597 {add = true, strides = array<i32>} : memref<16x1024xf32, #tpu.memory_space<vmem>>, vector<1x16xf32>,
        %parallel_loop3A_598 = arith.constant 13 : i32
        %parallel_loop3A_599 = arith.index_cast %parallel_loop3A_598 : i32 to index
        %parallel_loop3A_600 = arith.index_cast %parallel_loop3A_316 : i32 to index
        %parallel_loop3A_601 = tpu.vector_load %arg16[%parallel_loop3A_599, %parallel_loop3A_600] {strides = array<i32>} : memref<16x1024xf32, #tpu.memory_space<vmem>>, vector<1x16xf32>,
        %parallel_loop3A_602 = vector.shape_cast %parallel_loop3A_601 : vector<1x16xf32> to vector<16xf32>
        %parallel_loop3A_603 = arith.addf %parallel_loop3A_602, %parallel_loop3A_321 : vector<16xf32>
        %parallel_loop3A_604 = arith.constant 16 : i32
        %parallel_loop3A_605 = arith.muli %add3A_126, %parallel_loop3A_604 : i32
        %parallel_loop3A_606 = arith.constant 13 : i32
        %parallel_loop3A_607 = arith.addi %parallel_loop3A_605, %parallel_loop3A_606 : i32
        %parallel_loop3A_608 = arith.index_cast %parallel_loop3A_607 : i32 to index
        %parallel_loop3A_609 = memref.load %arg20[%parallel_loop3A_608] : memref<256xf32, #tpu.memory_space<smem>>
        %parallel_loop3A_610 = vector.broadcast %parallel_loop3A_609 : f32 to vector<16xf32>
        %parallel_loop3A_611 = arith.mulf %parallel_loop3A_610, %parallel_loop3A_324 : vector<16xf32>
        %parallel_loop3A_612 = arith.addf %parallel_loop3A_603, %parallel_loop3A_611 : vector<16xf32>
        %parallel_loop3A_613 = arith.constant 13 : i32
        %parallel_loop3A_614 = arith.index_cast %parallel_loop3A_613 : i32 to index
        %parallel_loop3A_615 = arith.index_cast %parallel_loop3A_316 : i32 to index
        %parallel_loop3A_616 = tpu.vector_load %arg12[%parallel_loop3A_614, %parallel_loop3A_615] {strides = array<i32>} : memref<16x1024xf32, #tpu.memory_space<vmem>>, vector<1x16xf32>,
        %parallel_loop3A_617 = vector.shape_cast %parallel_loop3A_616 : vector<1x16xf32> to vector<16xf32>
        %parallel_loop3A_618 = vector.shape_cast %parallel_loop3A_612 : vector<16xf32> to vector<1x16xf32>
        tpu.vector_store %arg12[%parallel_loop3A_614, %parallel_loop3A_615], %parallel_loop3A_618 {add = true, strides = array<i32>} : memref<16x1024xf32, #tpu.memory_space<vmem>>, vector<1x16xf32>,
        %parallel_loop3A_619 = arith.constant 14 : i32
        %parallel_loop3A_620 = arith.index_cast %parallel_loop3A_619 : i32 to index
        %parallel_loop3A_621 = arith.index_cast %parallel_loop3A_316 : i32 to index
        %parallel_loop3A_622 = tpu.vector_load %arg16[%parallel_loop3A_620, %parallel_loop3A_621] {strides = array<i32>} : memref<16x1024xf32, #tpu.memory_space<vmem>>, vector<1x16xf32>,
        %parallel_loop3A_623 = vector.shape_cast %parallel_loop3A_622 : vector<1x16xf32> to vector<16xf32>
        %parallel_loop3A_624 = arith.addf %parallel_loop3A_623, %parallel_loop3A_321 : vector<16xf32>
        %parallel_loop3A_625 = arith.constant 16 : i32
        %parallel_loop3A_626 = arith.muli %add3A_126, %parallel_loop3A_625 : i32
        %parallel_loop3A_627 = arith.constant 14 : i32
        %parallel_loop3A_628 = arith.addi %parallel_loop3A_626, %parallel_loop3A_627 : i32
        %parallel_loop3A_629 = arith.index_cast %parallel_loop3A_628 : i32 to index
        %parallel_loop3A_630 = memref.load %arg20[%parallel_loop3A_629] : memref<256xf32, #tpu.memory_space<smem>>
        %parallel_loop3A_631 = vector.broadcast %parallel_loop3A_630 : f32 to vector<16xf32>
        %parallel_loop3A_632 = arith.mulf %parallel_loop3A_631, %parallel_loop3A_324 : vector<16xf32>
        %parallel_loop3A_633 = arith.addf %parallel_loop3A_624, %parallel_loop3A_632 : vector<16xf32>
        %parallel_loop3A_634 = arith.constant 14 : i32
        %parallel_loop3A_635 = arith.index_cast %parallel_loop3A_634 : i32 to index
        %parallel_loop3A_636 = arith.index_cast %parallel_loop3A_316 : i32 to index
        %parallel_loop3A_637 = tpu.vector_load %arg12[%parallel_loop3A_635, %parallel_loop3A_636] {strides = array<i32>} : memref<16x1024xf32, #tpu.memory_space<vmem>>, vector<1x16xf32>,
        %parallel_loop3A_638 = vector.shape_cast %parallel_loop3A_637 : vector<1x16xf32> to vector<16xf32>
        %parallel_loop3A_639 = vector.shape_cast %parallel_loop3A_633 : vector<16xf32> to vector<1x16xf32>
        tpu.vector_store %arg12[%parallel_loop3A_635, %parallel_loop3A_636], %parallel_loop3A_639 {add = true, strides = array<i32>} : memref<16x1024xf32, #tpu.memory_space<vmem>>, vector<1x16xf32>,
        %parallel_loop3A_640 = arith.constant 15 : i32
        %parallel_loop3A_641 = arith.index_cast %parallel_loop3A_640 : i32 to index
        %parallel_loop3A_642 = arith.index_cast %parallel_loop3A_316 : i32 to index
        %parallel_loop3A_643 = tpu.vector_load %arg16[%parallel_loop3A_641, %parallel_loop3A_642] {strides = array<i32>} : memref<16x1024xf32, #tpu.memory_space<vmem>>, vector<1x16xf32>,
        %parallel_loop3A_644 = vector.shape_cast %parallel_loop3A_643 : vector<1x16xf32> to vector<16xf32>
        %parallel_loop3A_645 = arith.addf %parallel_loop3A_644, %parallel_loop3A_321 : vector<16xf32>
        %parallel_loop3A_646 = arith.constant 16 : i32
        %parallel_loop3A_647 = arith.muli %add3A_126, %parallel_loop3A_646 : i32
        %parallel_loop3A_648 = arith.constant 15 : i32
        %parallel_loop3A_649 = arith.addi %parallel_loop3A_647, %parallel_loop3A_648 : i32
        %parallel_loop3A_650 = arith.index_cast %parallel_loop3A_649 : i32 to index
        %parallel_loop3A_651 = memref.load %arg20[%parallel_loop3A_650] : memref<256xf32, #tpu.memory_space<smem>>
        %parallel_loop3A_652 = vector.broadcast %parallel_loop3A_651 : f32 to vector<16xf32>
        %parallel_loop3A_653 = arith.mulf %parallel_loop3A_652, %parallel_loop3A_324 : vector<16xf32>
        %parallel_loop3A_654 = arith.addf %parallel_loop3A_645, %parallel_loop3A_653 : vector<16xf32>
        %parallel_loop3A_655 = arith.constant 15 : i32
        %parallel_loop3A_656 = arith.index_cast %parallel_loop3A_655 : i32 to index
        %parallel_loop3A_657 = arith.index_cast %parallel_loop3A_316 : i32 to index
        %parallel_loop3A_658 = tpu.vector_load %arg12[%parallel_loop3A_656, %parallel_loop3A_657] {strides = array<i32>} : memref<16x1024xf32, #tpu.memory_space<vmem>>, vector<1x16xf32>,
        %parallel_loop3A_659 = vector.shape_cast %parallel_loop3A_658 : vector<1x16xf32> to vector<16xf32>
        %parallel_loop3A_660 = vector.shape_cast %parallel_loop3A_654 : vector<16xf32> to vector<1x16xf32>
        tpu.vector_store %arg12[%parallel_loop3A_656, %parallel_loop3A_657], %parallel_loop3A_660 {add = true, strides = array<i32>} : memref<16x1024xf32, #tpu.memory_space<vmem>>, vector<1x16xf32>,
      } {sc.loop_unroll_factor = 2 : i64, sc.parallel_access}
      %mul3A_154 = arith.constant 16 : i32
      %mul3A_155 = arith.muli %add3A_126, %mul3A_154 : i32
      %add3A_156 = arith.addi %mul3A_32, %mul3A_155 : i32
      %dma_start3A_157 = arith.constant 0 : i32
      %dma_start3A_158 = arith.constant 0 : i32
      %dma_start3A_159 = tpu.memref_slice %arg8[%select_n3A, %dma_start3A_157, %dma_start3A_158] : memref<4x2048x1024xf32, #tpu.memory_space<hbm>> -> memref<1x2048x1024xf32, #tpu.memory_space<hbm>>
      %dma_start3A_160 = tpu.memref_squeeze %dma_start3A_159 : memref<1x2048x1024xf32, #tpu.memory_space<hbm>> -> memref<2048x1024xf32, #tpu.memory_space<hbm>>
      %dma_start3A_161 = arith.constant 0 : i32
      %dma_start3A_162 = tpu.memref_slice %dma_start3A_160[%add3A_156, %dma_start3A_161] : memref<2048x1024xf32, #tpu.memory_space<hbm>> -> memref<16x1024xf32, #tpu.memory_space<hbm>>
      %dma_start3A_163 = arith.constant 0 : i32
      %dma_start3A_164 = arith.constant 0 : i32
      %dma_start3A_165 = tpu.memref_slice %arg8[%select_n3A, %dma_start3A_163, %dma_start3A_164] : memref<4x2048x1024xf32, #tpu.memory_space<hbm>> -> memref<1x2048x1024xf32, #tpu.memory_space<hbm>>
      %dma_start3A_166 = tpu.memref_squeeze %dma_start3A_165 : memref<1x2048x1024xf32, #tpu.memory_space<hbm>> -> memref<2048x1024xf32, #tpu.memory_space<hbm>>
      %dma_start3A_167 = arith.constant 0 : i32
      %dma_start3A_168 = tpu.memref_slice %dma_start3A_166[%add3A_156, %dma_start3A_167] : memref<2048x1024xf32, #tpu.memory_space<hbm>> -> memref<16x1024xf32, #tpu.memory_space<hbm>>
      tpu.enqueue_dma source(%arg12 : memref<16x1024xf32, #tpu.memory_space<vmem>>) target(%dma_start3A_168 : memref<16x1024xf32, #tpu.memory_space<hbm>>) target_semaphore(%arg27 : memref<!tpu.dma_semaphore, #tpu.memory_space<semaphore_mem>>)
      %mul3A_169 = arith.constant 4 : i32
      %mul3A_170 = arith.muli %mul3A_169, %scan3A_121 : i32
      %add3A_171 = arith.constant 1 : i32
      %add3A_172 = arith.addi %mul3A_170, %add3A_171 : i32
      %add3A_173 = arith.constant 1 : i32
      %add3A_174 = arith.addi %add3A_172, %add3A_173 : i32
      %lt3A_175 = arith.constant 16 : i32
      %lt3A_176 = arith.cmpi slt, %add3A_174, %lt3A_175 : i32
      %convert_element_type3A_177 = arith.extui %lt3A_176 : i1 to i32
      %cond3A_178 = arith.constant 0 : i32
      %cond3A_179 = arith.cmpi ne, %convert_element_type3A_177, %cond3A_178 : i32
      scf.if %cond3A_179 {
        %add3A_314 = arith.constant 1 : i32
        %add3A_315 = arith.addi %add3A_172, %add3A_314 : i32
        %mul3A_316 = arith.constant 16 : i32
        %mul3A_317 = arith.muli %add3A_315, %mul3A_316 : i32
        %dma_start3A_318 = tpu.memref_slice %arg10[%mul3A_317] : memref<256xi32, #tpu.memory_space<vmem>> -> memref<16xi32, #tpu.memory_space<vmem>>
        %dma_start3A_319 = arith.constant 0 : i32
        %dma_start3A_320 = arith.constant 0 : i32
        %dma_start3A_321 = tpu.memref_slice %arg6[%dma_start3A_319, %dma_start3A_320] : memref<2050x1024xf32, #tpu.memory_space<hbm>> -> memref<2050x1024xf32, #tpu.memory_space<hbm>>
        tpu.enqueue_indirect_dma source(%dma_start3A_321 : memref<2050x1024xf32, #tpu.memory_space<hbm>>) target(%arg16 : memref<16x1024xf32, #tpu.memory_space<vmem>>) offsets(%dma_start3A_318 : memref<16xi32, #tpu.memory_space<vmem>>) semaphore(%arg25 : memref<!tpu.dma_semaphore, #tpu.memory_space<semaphore_mem>>)
      } else {
      }
      %add3A_180 = arith.constant 2 : i32
      %add3A_181 = arith.addi %add3A_172, %add3A_180 : i32
      %lt3A_182 = arith.constant 16 : i32
      %lt3A_183 = arith.cmpi slt, %add3A_181, %lt3A_182 : i32
      %convert_element_type3A_184 = arith.extui %lt3A_183 : i1 to i32
      %cond3A_185 = arith.constant 0 : i32
      %cond3A_186 = arith.cmpi ne, %convert_element_type3A_184, %cond3A_185 : i32
      scf.if %cond3A_186 {
        %ge3A = arith.constant 2 : i32
        %ge3A_314 = arith.cmpi sge, %add3A_172, %ge3A : i32
        %convert_element_type3A_315 = arith.extui %ge3A_314 : i1 to i32
        %cond3A_316 = arith.constant 0 : i32
        %cond3A_317 = arith.cmpi ne, %convert_element_type3A_315, %cond3A_316 : i32
        scf.if %cond3A_317 {
          %sub3A_326 = arith.constant 2 : i32
          %sub3A_327 = arith.subi %add3A_172, %sub3A_326 : i32
          %mul3A_328 = arith.constant 16 : i32
          %mul3A_329 = arith.muli %sub3A_327, %mul3A_328 : i32
          %add3A_330 = arith.addi %mul3A_32, %mul3A_329 : i32
          %dma_wait3A_331 = arith.constant 0 : i32
          %dma_wait3A_332 = arith.constant 0 : i32
          %dma_wait3A_333 = tpu.memref_slice %arg8[%select_n3A, %dma_wait3A_331, %dma_wait3A_332] : memref<4x2048x1024xf32, #tpu.memory_space<hbm>> -> memref<1x2048x1024xf32, #tpu.memory_space<hbm>>
          %dma_wait3A_334 = tpu.memref_squeeze %dma_wait3A_333 : memref<1x2048x1024xf32, #tpu.memory_space<hbm>> -> memref<2048x1024xf32, #tpu.memory_space<hbm>>
          %dma_wait3A_335 = arith.constant 0 : i32
          %dma_wait3A_336 = tpu.memref_slice %dma_wait3A_334[%add3A_330, %dma_wait3A_335] : memref<2048x1024xf32, #tpu.memory_space<hbm>> -> memref<16x1024xf32, #tpu.memory_space<hbm>>
          %dma_wait3A_337 = arith.constant 0 : i32
          %dma_wait3A_338 = arith.constant 0 : i32
          %dma_wait3A_339 = tpu.memref_slice %arg8[%select_n3A, %dma_wait3A_337, %dma_wait3A_338] : memref<4x2048x1024xf32, #tpu.memory_space<hbm>> -> memref<1x2048x1024xf32, #tpu.memory_space<hbm>>
          %dma_wait3A_340 = tpu.memref_squeeze %dma_wait3A_339 : memref<1x2048x1024xf32, #tpu.memory_space<hbm>> -> memref<2048x1024xf32, #tpu.memory_space<hbm>>
          %dma_wait3A_341 = arith.constant 0 : i32
          %dma_wait3A_342 = tpu.memref_slice %dma_wait3A_340[%add3A_330, %dma_wait3A_341] : memref<2048x1024xf32, #tpu.memory_space<hbm>> -> memref<16x1024xf32, #tpu.memory_space<hbm>>
          tpu.wait_dma2 semaphore(%arg30 : memref<!tpu.dma_semaphore, #tpu.memory_space<semaphore_mem>>) src(%arg15 : memref<16x1024xf32, #tpu.memory_space<vmem>>) dst(%dma_wait3A_342 : memref<16x1024xf32, #tpu.memory_space<hbm>>)
        } else {
        }
        %add3A_318 = arith.constant 2 : i32
        %add3A_319 = arith.addi %add3A_172, %add3A_318 : i32
        %mul3A_320 = arith.constant 16 : i32
        %mul3A_321 = arith.muli %add3A_319, %mul3A_320 : i32
        %dma_start3A_322 = tpu.memref_slice %arg9[%mul3A_321] : memref<256xi32, #tpu.memory_space<vmem>> -> memref<16xi32, #tpu.memory_space<vmem>>
        %dma_start3A_323 = arith.constant 0 : i32
        %dma_start3A_324 = arith.constant 0 : i32
        %dma_start3A_325 = tpu.memref_slice %arg5[%dma_start3A_323, %dma_start3A_324] : memref<250002x1024xf32, #tpu.memory_space<hbm>> -> memref<250002x1024xf32, #tpu.memory_space<hbm>>
        tpu.enqueue_indirect_dma source(%dma_start3A_325 : memref<250002x1024xf32, #tpu.memory_space<hbm>>) target(%arg15 : memref<16x1024xf32, #tpu.memory_space<vmem>>) offsets(%dma_start3A_322 : memref<16xi32, #tpu.memory_space<vmem>>) semaphore(%arg24 : memref<!tpu.dma_semaphore, #tpu.memory_space<semaphore_mem>>)
      } else {
      }
      %mul3A_187 = arith.constant 16 : i32
      %mul3A_188 = arith.muli %add3A_172, %mul3A_187 : i32
      %dma_wait3A_189 = tpu.memref_slice %arg9[%mul3A_188] : memref<256xi32, #tpu.memory_space<vmem>> -> memref<16xi32, #tpu.memory_space<vmem>>
      %dma_wait3A_190 = arith.constant 0 : i32
      %dma_wait3A_191 = arith.constant 0 : i32
      %dma_wait3A_192 = tpu.memref_slice %arg5[%dma_wait3A_190, %dma_wait3A_191] : memref<250002x1024xf32, #tpu.memory_space<hbm>> -> memref<250002x1024xf32, #tpu.memory_space<hbm>>
      tpu.wait_indirect_dma semaphore(%arg22 : memref<!tpu.dma_semaphore, #tpu.memory_space<semaphore_mem>>) src(%dma_wait3A_192 : memref<250002x1024xf32, #tpu.memory_space<hbm>>) dst(%arg13 : memref<16x1024xf32, #tpu.memory_space<vmem>>)
      %mul3A_193 = arith.constant 16 : i32
      %mul3A_194 = arith.muli %add3A_172, %mul3A_193 : i32
      %dma_wait3A_195 = tpu.memref_slice %arg10[%mul3A_194] : memref<256xi32, #tpu.memory_space<vmem>> -> memref<16xi32, #tpu.memory_space<vmem>>
      %dma_wait3A_196 = arith.constant 0 : i32
      %dma_wait3A_197 = arith.constant 0 : i32
      %dma_wait3A_198 = tpu.memref_slice %arg6[%dma_wait3A_196, %dma_wait3A_197] : memref<2050x1024xf32, #tpu.memory_space<hbm>> -> memref<2050x1024xf32, #tpu.memory_space<hbm>>
      tpu.wait_indirect_dma semaphore(%arg26 : memref<!tpu.dma_semaphore, #tpu.memory_space<semaphore_mem>>) src(%dma_wait3A_198 : memref<2050x1024xf32, #tpu.memory_space<hbm>>) dst(%arg17 : memref<16x1024xf32, #tpu.memory_space<vmem>>)
      %parallel_loop3A_199 = arith.constant 0 : i32
      %parallel_loop3A_200 = arith.constant 64 : i32
      %parallel_loop3A_201 = arith.constant 1 : i32
      scf.for %parallel_loop3A_314 = %parallel_loop3A_199 to %parallel_loop3A_200 step %parallel_loop3A_201  : i32 {
        %parallel_loop3A_315 = arith.constant 16 : i32
        %parallel_loop3A_316 = arith.muli %parallel_loop3A_314, %parallel_loop3A_315 : i32
        %parallel_loop3A_317 = arith.constant 0 : i32
        %parallel_loop3A_318 = arith.index_cast %parallel_loop3A_317 : i32 to index
        %parallel_loop3A_319 = arith.index_cast %parallel_loop3A_316 : i32 to index
        %parallel_loop3A_320 = tpu.vector_load %arg18[%parallel_loop3A_318, %parallel_loop3A_319] {strides = array<i32>} : memref<2x1024xf32, #tpu.memory_space<vmem>>, vector<1x16xf32>,
        %parallel_loop3A_321 = vector.shape_cast %parallel_loop3A_320 : vector<1x16xf32> to vector<16xf32>
        %parallel_loop3A_322 = arith.index_cast %parallel_loop3A_316 : i32 to index
        %parallel_loop3A_323 = tpu.vector_load %arg19[%parallel_loop3A_322] {strides = array<i32>} : memref<1024xf32, #tpu.memory_space<vmem>>, vector<16xf32>,
        %parallel_loop3A_324 = vector.shape_cast %parallel_loop3A_323 : vector<16xf32> to vector<16xf32>
        %parallel_loop3A_325 = arith.constant 0 : i32
        %parallel_loop3A_326 = arith.index_cast %parallel_loop3A_325 : i32 to index
        %parallel_loop3A_327 = arith.index_cast %parallel_loop3A_316 : i32 to index
        %parallel_loop3A_328 = tpu.vector_load %arg17[%parallel_loop3A_326, %parallel_loop3A_327] {strides = array<i32>} : memref<16x1024xf32, #tpu.memory_space<vmem>>, vector<1x16xf32>,
        %parallel_loop3A_329 = vector.shape_cast %parallel_loop3A_328 : vector<1x16xf32> to vector<16xf32>
        %parallel_loop3A_330 = arith.addf %parallel_loop3A_329, %parallel_loop3A_321 : vector<16xf32>
        %parallel_loop3A_331 = arith.constant 16 : i32
        %parallel_loop3A_332 = arith.muli %add3A_172, %parallel_loop3A_331 : i32
        %parallel_loop3A_333 = arith.constant 0 : i32
        %parallel_loop3A_334 = arith.addi %parallel_loop3A_332, %parallel_loop3A_333 : i32
        %parallel_loop3A_335 = arith.index_cast %parallel_loop3A_334 : i32 to index
        %parallel_loop3A_336 = memref.load %arg20[%parallel_loop3A_335] : memref<256xf32, #tpu.memory_space<smem>>
        %parallel_loop3A_337 = vector.broadcast %parallel_loop3A_336 : f32 to vector<16xf32>
        %parallel_loop3A_338 = arith.mulf %parallel_loop3A_337, %parallel_loop3A_324 : vector<16xf32>
        %parallel_loop3A_339 = arith.addf %parallel_loop3A_330, %parallel_loop3A_338 : vector<16xf32>
        %parallel_loop3A_340 = arith.constant 0 : i32
        %parallel_loop3A_341 = arith.index_cast %parallel_loop3A_340 : i32 to index
        %parallel_loop3A_342 = arith.index_cast %parallel_loop3A_316 : i32 to index
        %parallel_loop3A_343 = tpu.vector_load %arg13[%parallel_loop3A_341, %parallel_loop3A_342] {strides = array<i32>} : memref<16x1024xf32, #tpu.memory_space<vmem>>, vector<1x16xf32>,
        %parallel_loop3A_344 = vector.shape_cast %parallel_loop3A_343 : vector<1x16xf32> to vector<16xf32>
        %parallel_loop3A_345 = vector.shape_cast %parallel_loop3A_339 : vector<16xf32> to vector<1x16xf32>
        tpu.vector_store %arg13[%parallel_loop3A_341, %parallel_loop3A_342], %parallel_loop3A_345 {add = true, strides = array<i32>} : memref<16x1024xf32, #tpu.memory_space<vmem>>, vector<1x16xf32>,
        %parallel_loop3A_346 = arith.constant 1 : i32
        %parallel_loop3A_347 = arith.index_cast %parallel_loop3A_346 : i32 to index
        %parallel_loop3A_348 = arith.index_cast %parallel_loop3A_316 : i32 to index
        %parallel_loop3A_349 = tpu.vector_load %arg17[%parallel_loop3A_347, %parallel_loop3A_348] {strides = array<i32>} : memref<16x1024xf32, #tpu.memory_space<vmem>>, vector<1x16xf32>,
        %parallel_loop3A_350 = vector.shape_cast %parallel_loop3A_349 : vector<1x16xf32> to vector<16xf32>
        %parallel_loop3A_351 = arith.addf %parallel_loop3A_350, %parallel_loop3A_321 : vector<16xf32>
        %parallel_loop3A_352 = arith.constant 16 : i32
        %parallel_loop3A_353 = arith.muli %add3A_172, %parallel_loop3A_352 : i32
        %parallel_loop3A_354 = arith.constant 1 : i32
        %parallel_loop3A_355 = arith.addi %parallel_loop3A_353, %parallel_loop3A_354 : i32
        %parallel_loop3A_356 = arith.index_cast %parallel_loop3A_355 : i32 to index
        %parallel_loop3A_357 = memref.load %arg20[%parallel_loop3A_356] : memref<256xf32, #tpu.memory_space<smem>>
        %parallel_loop3A_358 = vector.broadcast %parallel_loop3A_357 : f32 to vector<16xf32>
        %parallel_loop3A_359 = arith.mulf %parallel_loop3A_358, %parallel_loop3A_324 : vector<16xf32>
        %parallel_loop3A_360 = arith.addf %parallel_loop3A_351, %parallel_loop3A_359 : vector<16xf32>
        %parallel_loop3A_361 = arith.constant 1 : i32
        %parallel_loop3A_362 = arith.index_cast %parallel_loop3A_361 : i32 to index
        %parallel_loop3A_363 = arith.index_cast %parallel_loop3A_316 : i32 to index
        %parallel_loop3A_364 = tpu.vector_load %arg13[%parallel_loop3A_362, %parallel_loop3A_363] {strides = array<i32>} : memref<16x1024xf32, #tpu.memory_space<vmem>>, vector<1x16xf32>,
        %parallel_loop3A_365 = vector.shape_cast %parallel_loop3A_364 : vector<1x16xf32> to vector<16xf32>
        %parallel_loop3A_366 = vector.shape_cast %parallel_loop3A_360 : vector<16xf32> to vector<1x16xf32>
        tpu.vector_store %arg13[%parallel_loop3A_362, %parallel_loop3A_363], %parallel_loop3A_366 {add = true, strides = array<i32>} : memref<16x1024xf32, #tpu.memory_space<vmem>>, vector<1x16xf32>,
        %parallel_loop3A_367 = arith.constant 2 : i32
        %parallel_loop3A_368 = arith.index_cast %parallel_loop3A_367 : i32 to index
        %parallel_loop3A_369 = arith.index_cast %parallel_loop3A_316 : i32 to index
        %parallel_loop3A_370 = tpu.vector_load %arg17[%parallel_loop3A_368, %parallel_loop3A_369] {strides = array<i32>} : memref<16x1024xf32, #tpu.memory_space<vmem>>, vector<1x16xf32>,
        %parallel_loop3A_371 = vector.shape_cast %parallel_loop3A_370 : vector<1x16xf32> to vector<16xf32>
        %parallel_loop3A_372 = arith.addf %parallel_loop3A_371, %parallel_loop3A_321 : vector<16xf32>
        %parallel_loop3A_373 = arith.constant 16 : i32
        %parallel_loop3A_374 = arith.muli %add3A_172, %parallel_loop3A_373 : i32
        %parallel_loop3A_375 = arith.constant 2 : i32
        %parallel_loop3A_376 = arith.addi %parallel_loop3A_374, %parallel_loop3A_375 : i32
        %parallel_loop3A_377 = arith.index_cast %parallel_loop3A_376 : i32 to index
        %parallel_loop3A_378 = memref.load %arg20[%parallel_loop3A_377] : memref<256xf32, #tpu.memory_space<smem>>
        %parallel_loop3A_379 = vector.broadcast %parallel_loop3A_378 : f32 to vector<16xf32>
        %parallel_loop3A_380 = arith.mulf %parallel_loop3A_379, %parallel_loop3A_324 : vector<16xf32>
        %parallel_loop3A_381 = arith.addf %parallel_loop3A_372, %parallel_loop3A_380 : vector<16xf32>
        %parallel_loop3A_382 = arith.constant 2 : i32
        %parallel_loop3A_383 = arith.index_cast %parallel_loop3A_382 : i32 to index
        %parallel_loop3A_384 = arith.index_cast %parallel_loop3A_316 : i32 to index
        %parallel_loop3A_385 = tpu.vector_load %arg13[%parallel_loop3A_383, %parallel_loop3A_384] {strides = array<i32>} : memref<16x1024xf32, #tpu.memory_space<vmem>>, vector<1x16xf32>,
        %parallel_loop3A_386 = vector.shape_cast %parallel_loop3A_385 : vector<1x16xf32> to vector<16xf32>
        %parallel_loop3A_387 = vector.shape_cast %parallel_loop3A_381 : vector<16xf32> to vector<1x16xf32>
        tpu.vector_store %arg13[%parallel_loop3A_383, %parallel_loop3A_384], %parallel_loop3A_387 {add = true, strides = array<i32>} : memref<16x1024xf32, #tpu.memory_space<vmem>>, vector<1x16xf32>,
        %parallel_loop3A_388 = arith.constant 3 : i32
        %parallel_loop3A_389 = arith.index_cast %parallel_loop3A_388 : i32 to index
        %parallel_loop3A_390 = arith.index_cast %parallel_loop3A_316 : i32 to index
        %parallel_loop3A_391 = tpu.vector_load %arg17[%parallel_loop3A_389, %parallel_loop3A_390] {strides = array<i32>} : memref<16x1024xf32, #tpu.memory_space<vmem>>, vector<1x16xf32>,
        %parallel_loop3A_392 = vector.shape_cast %parallel_loop3A_391 : vector<1x16xf32> to vector<16xf32>
        %parallel_loop3A_393 = arith.addf %parallel_loop3A_392, %parallel_loop3A_321 : vector<16xf32>
        %parallel_loop3A_394 = arith.constant 16 : i32
        %parallel_loop3A_395 = arith.muli %add3A_172, %parallel_loop3A_394 : i32
        %parallel_loop3A_396 = arith.constant 3 : i32
        %parallel_loop3A_397 = arith.addi %parallel_loop3A_395, %parallel_loop3A_396 : i32
        %parallel_loop3A_398 = arith.index_cast %parallel_loop3A_397 : i32 to index
        %parallel_loop3A_399 = memref.load %arg20[%parallel_loop3A_398] : memref<256xf32, #tpu.memory_space<smem>>
        %parallel_loop3A_400 = vector.broadcast %parallel_loop3A_399 : f32 to vector<16xf32>
        %parallel_loop3A_401 = arith.mulf %parallel_loop3A_400, %parallel_loop3A_324 : vector<16xf32>
        %parallel_loop3A_402 = arith.addf %parallel_loop3A_393, %parallel_loop3A_401 : vector<16xf32>
        %parallel_loop3A_403 = arith.constant 3 : i32
        %parallel_loop3A_404 = arith.index_cast %parallel_loop3A_403 : i32 to index
        %parallel_loop3A_405 = arith.index_cast %parallel_loop3A_316 : i32 to index
        %parallel_loop3A_406 = tpu.vector_load %arg13[%parallel_loop3A_404, %parallel_loop3A_405] {strides = array<i32>} : memref<16x1024xf32, #tpu.memory_space<vmem>>, vector<1x16xf32>,
        %parallel_loop3A_407 = vector.shape_cast %parallel_loop3A_406 : vector<1x16xf32> to vector<16xf32>
        %parallel_loop3A_408 = vector.shape_cast %parallel_loop3A_402 : vector<16xf32> to vector<1x16xf32>
        tpu.vector_store %arg13[%parallel_loop3A_404, %parallel_loop3A_405], %parallel_loop3A_408 {add = true, strides = array<i32>} : memref<16x1024xf32, #tpu.memory_space<vmem>>, vector<1x16xf32>,
        %parallel_loop3A_409 = arith.constant 4 : i32
        %parallel_loop3A_410 = arith.index_cast %parallel_loop3A_409 : i32 to index
        %parallel_loop3A_411 = arith.index_cast %parallel_loop3A_316 : i32 to index
        %parallel_loop3A_412 = tpu.vector_load %arg17[%parallel_loop3A_410, %parallel_loop3A_411] {strides = array<i32>} : memref<16x1024xf32, #tpu.memory_space<vmem>>, vector<1x16xf32>,
        %parallel_loop3A_413 = vector.shape_cast %parallel_loop3A_412 : vector<1x16xf32> to vector<16xf32>
        %parallel_loop3A_414 = arith.addf %parallel_loop3A_413, %parallel_loop3A_321 : vector<16xf32>
        %parallel_loop3A_415 = arith.constant 16 : i32
        %parallel_loop3A_416 = arith.muli %add3A_172, %parallel_loop3A_415 : i32
        %parallel_loop3A_417 = arith.constant 4 : i32
        %parallel_loop3A_418 = arith.addi %parallel_loop3A_416, %parallel_loop3A_417 : i32
        %parallel_loop3A_419 = arith.index_cast %parallel_loop3A_418 : i32 to index
        %parallel_loop3A_420 = memref.load %arg20[%parallel_loop3A_419] : memref<256xf32, #tpu.memory_space<smem>>
        %parallel_loop3A_421 = vector.broadcast %parallel_loop3A_420 : f32 to vector<16xf32>
        %parallel_loop3A_422 = arith.mulf %parallel_loop3A_421, %parallel_loop3A_324 : vector<16xf32>
        %parallel_loop3A_423 = arith.addf %parallel_loop3A_414, %parallel_loop3A_422 : vector<16xf32>
        %parallel_loop3A_424 = arith.constant 4 : i32
        %parallel_loop3A_425 = arith.index_cast %parallel_loop3A_424 : i32 to index
        %parallel_loop3A_426 = arith.index_cast %parallel_loop3A_316 : i32 to index
        %parallel_loop3A_427 = tpu.vector_load %arg13[%parallel_loop3A_425, %parallel_loop3A_426] {strides = array<i32>} : memref<16x1024xf32, #tpu.memory_space<vmem>>, vector<1x16xf32>,
        %parallel_loop3A_428 = vector.shape_cast %parallel_loop3A_427 : vector<1x16xf32> to vector<16xf32>
        %parallel_loop3A_429 = vector.shape_cast %parallel_loop3A_423 : vector<16xf32> to vector<1x16xf32>
        tpu.vector_store %arg13[%parallel_loop3A_425, %parallel_loop3A_426], %parallel_loop3A_429 {add = true, strides = array<i32>} : memref<16x1024xf32, #tpu.memory_space<vmem>>, vector<1x16xf32>,
        %parallel_loop3A_430 = arith.constant 5 : i32
        %parallel_loop3A_431 = arith.index_cast %parallel_loop3A_430 : i32 to index
        %parallel_loop3A_432 = arith.index_cast %parallel_loop3A_316 : i32 to index
        %parallel_loop3A_433 = tpu.vector_load %arg17[%parallel_loop3A_431, %parallel_loop3A_432] {strides = array<i32>} : memref<16x1024xf32, #tpu.memory_space<vmem>>, vector<1x16xf32>,
        %parallel_loop3A_434 = vector.shape_cast %parallel_loop3A_433 : vector<1x16xf32> to vector<16xf32>
        %parallel_loop3A_435 = arith.addf %parallel_loop3A_434, %parallel_loop3A_321 : vector<16xf32>
        %parallel_loop3A_436 = arith.constant 16 : i32
        %parallel_loop3A_437 = arith.muli %add3A_172, %parallel_loop3A_436 : i32
        %parallel_loop3A_438 = arith.constant 5 : i32
        %parallel_loop3A_439 = arith.addi %parallel_loop3A_437, %parallel_loop3A_438 : i32
        %parallel_loop3A_440 = arith.index_cast %parallel_loop3A_439 : i32 to index
        %parallel_loop3A_441 = memref.load %arg20[%parallel_loop3A_440] : memref<256xf32, #tpu.memory_space<smem>>
        %parallel_loop3A_442 = vector.broadcast %parallel_loop3A_441 : f32 to vector<16xf32>
        %parallel_loop3A_443 = arith.mulf %parallel_loop3A_442, %parallel_loop3A_324 : vector<16xf32>
        %parallel_loop3A_444 = arith.addf %parallel_loop3A_435, %parallel_loop3A_443 : vector<16xf32>
        %parallel_loop3A_445 = arith.constant 5 : i32
        %parallel_loop3A_446 = arith.index_cast %parallel_loop3A_445 : i32 to index
        %parallel_loop3A_447 = arith.index_cast %parallel_loop3A_316 : i32 to index
        %parallel_loop3A_448 = tpu.vector_load %arg13[%parallel_loop3A_446, %parallel_loop3A_447] {strides = array<i32>} : memref<16x1024xf32, #tpu.memory_space<vmem>>, vector<1x16xf32>,
        %parallel_loop3A_449 = vector.shape_cast %parallel_loop3A_448 : vector<1x16xf32> to vector<16xf32>
        %parallel_loop3A_450 = vector.shape_cast %parallel_loop3A_444 : vector<16xf32> to vector<1x16xf32>
        tpu.vector_store %arg13[%parallel_loop3A_446, %parallel_loop3A_447], %parallel_loop3A_450 {add = true, strides = array<i32>} : memref<16x1024xf32, #tpu.memory_space<vmem>>, vector<1x16xf32>,
        %parallel_loop3A_451 = arith.constant 6 : i32
        %parallel_loop3A_452 = arith.index_cast %parallel_loop3A_451 : i32 to index
        %parallel_loop3A_453 = arith.index_cast %parallel_loop3A_316 : i32 to index
        %parallel_loop3A_454 = tpu.vector_load %arg17[%parallel_loop3A_452, %parallel_loop3A_453] {strides = array<i32>} : memref<16x1024xf32, #tpu.memory_space<vmem>>, vector<1x16xf32>,
        %parallel_loop3A_455 = vector.shape_cast %parallel_loop3A_454 : vector<1x16xf32> to vector<16xf32>
        %parallel_loop3A_456 = arith.addf %parallel_loop3A_455, %parallel_loop3A_321 : vector<16xf32>
        %parallel_loop3A_457 = arith.constant 16 : i32
        %parallel_loop3A_458 = arith.muli %add3A_172, %parallel_loop3A_457 : i32
        %parallel_loop3A_459 = arith.constant 6 : i32
        %parallel_loop3A_460 = arith.addi %parallel_loop3A_458, %parallel_loop3A_459 : i32
        %parallel_loop3A_461 = arith.index_cast %parallel_loop3A_460 : i32 to index
        %parallel_loop3A_462 = memref.load %arg20[%parallel_loop3A_461] : memref<256xf32, #tpu.memory_space<smem>>
        %parallel_loop3A_463 = vector.broadcast %parallel_loop3A_462 : f32 to vector<16xf32>
        %parallel_loop3A_464 = arith.mulf %parallel_loop3A_463, %parallel_loop3A_324 : vector<16xf32>
        %parallel_loop3A_465 = arith.addf %parallel_loop3A_456, %parallel_loop3A_464 : vector<16xf32>
        %parallel_loop3A_466 = arith.constant 6 : i32
        %parallel_loop3A_467 = arith.index_cast %parallel_loop3A_466 : i32 to index
        %parallel_loop3A_468 = arith.index_cast %parallel_loop3A_316 : i32 to index
        %parallel_loop3A_469 = tpu.vector_load %arg13[%parallel_loop3A_467, %parallel_loop3A_468] {strides = array<i32>} : memref<16x1024xf32, #tpu.memory_space<vmem>>, vector<1x16xf32>,
        %parallel_loop3A_470 = vector.shape_cast %parallel_loop3A_469 : vector<1x16xf32> to vector<16xf32>
        %parallel_loop3A_471 = vector.shape_cast %parallel_loop3A_465 : vector<16xf32> to vector<1x16xf32>
        tpu.vector_store %arg13[%parallel_loop3A_467, %parallel_loop3A_468], %parallel_loop3A_471 {add = true, strides = array<i32>} : memref<16x1024xf32, #tpu.memory_space<vmem>>, vector<1x16xf32>,
        %parallel_loop3A_472 = arith.constant 7 : i32
        %parallel_loop3A_473 = arith.index_cast %parallel_loop3A_472 : i32 to index
        %parallel_loop3A_474 = arith.index_cast %parallel_loop3A_316 : i32 to index
        %parallel_loop3A_475 = tpu.vector_load %arg17[%parallel_loop3A_473, %parallel_loop3A_474] {strides = array<i32>} : memref<16x1024xf32, #tpu.memory_space<vmem>>, vector<1x16xf32>,
        %parallel_loop3A_476 = vector.shape_cast %parallel_loop3A_475 : vector<1x16xf32> to vector<16xf32>
        %parallel_loop3A_477 = arith.addf %parallel_loop3A_476, %parallel_loop3A_321 : vector<16xf32>
        %parallel_loop3A_478 = arith.constant 16 : i32
        %parallel_loop3A_479 = arith.muli %add3A_172, %parallel_loop3A_478 : i32
        %parallel_loop3A_480 = arith.constant 7 : i32
        %parallel_loop3A_481 = arith.addi %parallel_loop3A_479, %parallel_loop3A_480 : i32
        %parallel_loop3A_482 = arith.index_cast %parallel_loop3A_481 : i32 to index
        %parallel_loop3A_483 = memref.load %arg20[%parallel_loop3A_482] : memref<256xf32, #tpu.memory_space<smem>>
        %parallel_loop3A_484 = vector.broadcast %parallel_loop3A_483 : f32 to vector<16xf32>
        %parallel_loop3A_485 = arith.mulf %parallel_loop3A_484, %parallel_loop3A_324 : vector<16xf32>
        %parallel_loop3A_486 = arith.addf %parallel_loop3A_477, %parallel_loop3A_485 : vector<16xf32>
        %parallel_loop3A_487 = arith.constant 7 : i32
        %parallel_loop3A_488 = arith.index_cast %parallel_loop3A_487 : i32 to index
        %parallel_loop3A_489 = arith.index_cast %parallel_loop3A_316 : i32 to index
        %parallel_loop3A_490 = tpu.vector_load %arg13[%parallel_loop3A_488, %parallel_loop3A_489] {strides = array<i32>} : memref<16x1024xf32, #tpu.memory_space<vmem>>, vector<1x16xf32>,
        %parallel_loop3A_491 = vector.shape_cast %parallel_loop3A_490 : vector<1x16xf32> to vector<16xf32>
        %parallel_loop3A_492 = vector.shape_cast %parallel_loop3A_486 : vector<16xf32> to vector<1x16xf32>
        tpu.vector_store %arg13[%parallel_loop3A_488, %parallel_loop3A_489], %parallel_loop3A_492 {add = true, strides = array<i32>} : memref<16x1024xf32, #tpu.memory_space<vmem>>, vector<1x16xf32>,
        %parallel_loop3A_493 = arith.constant 8 : i32
        %parallel_loop3A_494 = arith.index_cast %parallel_loop3A_493 : i32 to index
        %parallel_loop3A_495 = arith.index_cast %parallel_loop3A_316 : i32 to index
        %parallel_loop3A_496 = tpu.vector_load %arg17[%parallel_loop3A_494, %parallel_loop3A_495] {strides = array<i32>} : memref<16x1024xf32, #tpu.memory_space<vmem>>, vector<1x16xf32>,
        %parallel_loop3A_497 = vector.shape_cast %parallel_loop3A_496 : vector<1x16xf32> to vector<16xf32>
        %parallel_loop3A_498 = arith.addf %parallel_loop3A_497, %parallel_loop3A_321 : vector<16xf32>
        %parallel_loop3A_499 = arith.constant 16 : i32
        %parallel_loop3A_500 = arith.muli %add3A_172, %parallel_loop3A_499 : i32
        %parallel_loop3A_501 = arith.constant 8 : i32
        %parallel_loop3A_502 = arith.addi %parallel_loop3A_500, %parallel_loop3A_501 : i32
        %parallel_loop3A_503 = arith.index_cast %parallel_loop3A_502 : i32 to index
        %parallel_loop3A_504 = memref.load %arg20[%parallel_loop3A_503] : memref<256xf32, #tpu.memory_space<smem>>
        %parallel_loop3A_505 = vector.broadcast %parallel_loop3A_504 : f32 to vector<16xf32>
        %parallel_loop3A_506 = arith.mulf %parallel_loop3A_505, %parallel_loop3A_324 : vector<16xf32>
        %parallel_loop3A_507 = arith.addf %parallel_loop3A_498, %parallel_loop3A_506 : vector<16xf32>
        %parallel_loop3A_508 = arith.constant 8 : i32
        %parallel_loop3A_509 = arith.index_cast %parallel_loop3A_508 : i32 to index
        %parallel_loop3A_510 = arith.index_cast %parallel_loop3A_316 : i32 to index
        %parallel_loop3A_511 = tpu.vector_load %arg13[%parallel_loop3A_509, %parallel_loop3A_510] {strides = array<i32>} : memref<16x1024xf32, #tpu.memory_space<vmem>>, vector<1x16xf32>,
        %parallel_loop3A_512 = vector.shape_cast %parallel_loop3A_511 : vector<1x16xf32> to vector<16xf32>
        %parallel_loop3A_513 = vector.shape_cast %parallel_loop3A_507 : vector<16xf32> to vector<1x16xf32>
        tpu.vector_store %arg13[%parallel_loop3A_509, %parallel_loop3A_510], %parallel_loop3A_513 {add = true, strides = array<i32>} : memref<16x1024xf32, #tpu.memory_space<vmem>>, vector<1x16xf32>,
        %parallel_loop3A_514 = arith.constant 9 : i32
        %parallel_loop3A_515 = arith.index_cast %parallel_loop3A_514 : i32 to index
        %parallel_loop3A_516 = arith.index_cast %parallel_loop3A_316 : i32 to index
        %parallel_loop3A_517 = tpu.vector_load %arg17[%parallel_loop3A_515, %parallel_loop3A_516] {strides = array<i32>} : memref<16x1024xf32, #tpu.memory_space<vmem>>, vector<1x16xf32>,
        %parallel_loop3A_518 = vector.shape_cast %parallel_loop3A_517 : vector<1x16xf32> to vector<16xf32>
        %parallel_loop3A_519 = arith.addf %parallel_loop3A_518, %parallel_loop3A_321 : vector<16xf32>
        %parallel_loop3A_520 = arith.constant 16 : i32
        %parallel_loop3A_521 = arith.muli %add3A_172, %parallel_loop3A_520 : i32
        %parallel_loop3A_522 = arith.constant 9 : i32
        %parallel_loop3A_523 = arith.addi %parallel_loop3A_521, %parallel_loop3A_522 : i32
        %parallel_loop3A_524 = arith.index_cast %parallel_loop3A_523 : i32 to index
        %parallel_loop3A_525 = memref.load %arg20[%parallel_loop3A_524] : memref<256xf32, #tpu.memory_space<smem>>
        %parallel_loop3A_526 = vector.broadcast %parallel_loop3A_525 : f32 to vector<16xf32>
        %parallel_loop3A_527 = arith.mulf %parallel_loop3A_526, %parallel_loop3A_324 : vector<16xf32>
        %parallel_loop3A_528 = arith.addf %parallel_loop3A_519, %parallel_loop3A_527 : vector<16xf32>
        %parallel_loop3A_529 = arith.constant 9 : i32
        %parallel_loop3A_530 = arith.index_cast %parallel_loop3A_529 : i32 to index
        %parallel_loop3A_531 = arith.index_cast %parallel_loop3A_316 : i32 to index
        %parallel_loop3A_532 = tpu.vector_load %arg13[%parallel_loop3A_530, %parallel_loop3A_531] {strides = array<i32>} : memref<16x1024xf32, #tpu.memory_space<vmem>>, vector<1x16xf32>,
        %parallel_loop3A_533 = vector.shape_cast %parallel_loop3A_532 : vector<1x16xf32> to vector<16xf32>
        %parallel_loop3A_534 = vector.shape_cast %parallel_loop3A_528 : vector<16xf32> to vector<1x16xf32>
        tpu.vector_store %arg13[%parallel_loop3A_530, %parallel_loop3A_531], %parallel_loop3A_534 {add = true, strides = array<i32>} : memref<16x1024xf32, #tpu.memory_space<vmem>>, vector<1x16xf32>,
        %parallel_loop3A_535 = arith.constant 10 : i32
        %parallel_loop3A_536 = arith.index_cast %parallel_loop3A_535 : i32 to index
        %parallel_loop3A_537 = arith.index_cast %parallel_loop3A_316 : i32 to index
        %parallel_loop3A_538 = tpu.vector_load %arg17[%parallel_loop3A_536, %parallel_loop3A_537] {strides = array<i32>} : memref<16x1024xf32, #tpu.memory_space<vmem>>, vector<1x16xf32>,
        %parallel_loop3A_539 = vector.shape_cast %parallel_loop3A_538 : vector<1x16xf32> to vector<16xf32>
        %parallel_loop3A_540 = arith.addf %parallel_loop3A_539, %parallel_loop3A_321 : vector<16xf32>
        %parallel_loop3A_541 = arith.constant 16 : i32
        %parallel_loop3A_542 = arith.muli %add3A_172, %parallel_loop3A_541 : i32
        %parallel_loop3A_543 = arith.constant 10 : i32
        %parallel_loop3A_544 = arith.addi %parallel_loop3A_542, %parallel_loop3A_543 : i32
        %parallel_loop3A_545 = arith.index_cast %parallel_loop3A_544 : i32 to index
        %parallel_loop3A_546 = memref.load %arg20[%parallel_loop3A_545] : memref<256xf32, #tpu.memory_space<smem>>
        %parallel_loop3A_547 = vector.broadcast %parallel_loop3A_546 : f32 to vector<16xf32>
        %parallel_loop3A_548 = arith.mulf %parallel_loop3A_547, %parallel_loop3A_324 : vector<16xf32>
        %parallel_loop3A_549 = arith.addf %parallel_loop3A_540, %parallel_loop3A_548 : vector<16xf32>
        %parallel_loop3A_550 = arith.constant 10 : i32
        %parallel_loop3A_551 = arith.index_cast %parallel_loop3A_550 : i32 to index
        %parallel_loop3A_552 = arith.index_cast %parallel_loop3A_316 : i32 to index
        %parallel_loop3A_553 = tpu.vector_load %arg13[%parallel_loop3A_551, %parallel_loop3A_552] {strides = array<i32>} : memref<16x1024xf32, #tpu.memory_space<vmem>>, vector<1x16xf32>,
        %parallel_loop3A_554 = vector.shape_cast %parallel_loop3A_553 : vector<1x16xf32> to vector<16xf32>
        %parallel_loop3A_555 = vector.shape_cast %parallel_loop3A_549 : vector<16xf32> to vector<1x16xf32>
        tpu.vector_store %arg13[%parallel_loop3A_551, %parallel_loop3A_552], %parallel_loop3A_555 {add = true, strides = array<i32>} : memref<16x1024xf32, #tpu.memory_space<vmem>>, vector<1x16xf32>,
        %parallel_loop3A_556 = arith.constant 11 : i32
        %parallel_loop3A_557 = arith.index_cast %parallel_loop3A_556 : i32 to index
        %parallel_loop3A_558 = arith.index_cast %parallel_loop3A_316 : i32 to index
        %parallel_loop3A_559 = tpu.vector_load %arg17[%parallel_loop3A_557, %parallel_loop3A_558] {strides = array<i32>} : memref<16x1024xf32, #tpu.memory_space<vmem>>, vector<1x16xf32>,
        %parallel_loop3A_560 = vector.shape_cast %parallel_loop3A_559 : vector<1x16xf32> to vector<16xf32>
        %parallel_loop3A_561 = arith.addf %parallel_loop3A_560, %parallel_loop3A_321 : vector<16xf32>
        %parallel_loop3A_562 = arith.constant 16 : i32
        %parallel_loop3A_563 = arith.muli %add3A_172, %parallel_loop3A_562 : i32
        %parallel_loop3A_564 = arith.constant 11 : i32
        %parallel_loop3A_565 = arith.addi %parallel_loop3A_563, %parallel_loop3A_564 : i32
        %parallel_loop3A_566 = arith.index_cast %parallel_loop3A_565 : i32 to index
        %parallel_loop3A_567 = memref.load %arg20[%parallel_loop3A_566] : memref<256xf32, #tpu.memory_space<smem>>
        %parallel_loop3A_568 = vector.broadcast %parallel_loop3A_567 : f32 to vector<16xf32>
        %parallel_loop3A_569 = arith.mulf %parallel_loop3A_568, %parallel_loop3A_324 : vector<16xf32>
        %parallel_loop3A_570 = arith.addf %parallel_loop3A_561, %parallel_loop3A_569 : vector<16xf32>
        %parallel_loop3A_571 = arith.constant 11 : i32
        %parallel_loop3A_572 = arith.index_cast %parallel_loop3A_571 : i32 to index
        %parallel_loop3A_573 = arith.index_cast %parallel_loop3A_316 : i32 to index
        %parallel_loop3A_574 = tpu.vector_load %arg13[%parallel_loop3A_572, %parallel_loop3A_573] {strides = array<i32>} : memref<16x1024xf32, #tpu.memory_space<vmem>>, vector<1x16xf32>,
        %parallel_loop3A_575 = vector.shape_cast %parallel_loop3A_574 : vector<1x16xf32> to vector<16xf32>
        %parallel_loop3A_576 = vector.shape_cast %parallel_loop3A_570 : vector<16xf32> to vector<1x16xf32>
        tpu.vector_store %arg13[%parallel_loop3A_572, %parallel_loop3A_573], %parallel_loop3A_576 {add = true, strides = array<i32>} : memref<16x1024xf32, #tpu.memory_space<vmem>>, vector<1x16xf32>,
        %parallel_loop3A_577 = arith.constant 12 : i32
        %parallel_loop3A_578 = arith.index_cast %parallel_loop3A_577 : i32 to index
        %parallel_loop3A_579 = arith.index_cast %parallel_loop3A_316 : i32 to index
        %parallel_loop3A_580 = tpu.vector_load %arg17[%parallel_loop3A_578, %parallel_loop3A_579] {strides = array<i32>} : memref<16x1024xf32, #tpu.memory_space<vmem>>, vector<1x16xf32>,
        %parallel_loop3A_581 = vector.shape_cast %parallel_loop3A_580 : vector<1x16xf32> to vector<16xf32>
        %parallel_loop3A_582 = arith.addf %parallel_loop3A_581, %parallel_loop3A_321 : vector<16xf32>
        %parallel_loop3A_583 = arith.constant 16 : i32
        %parallel_loop3A_584 = arith.muli %add3A_172, %parallel_loop3A_583 : i32
        %parallel_loop3A_585 = arith.constant 12 : i32
        %parallel_loop3A_586 = arith.addi %parallel_loop3A_584, %parallel_loop3A_585 : i32
        %parallel_loop3A_587 = arith.index_cast %parallel_loop3A_586 : i32 to index
        %parallel_loop3A_588 = memref.load %arg20[%parallel_loop3A_587] : memref<256xf32, #tpu.memory_space<smem>>
        %parallel_loop3A_589 = vector.broadcast %parallel_loop3A_588 : f32 to vector<16xf32>
        %parallel_loop3A_590 = arith.mulf %parallel_loop3A_589, %parallel_loop3A_324 : vector<16xf32>
        %parallel_loop3A_591 = arith.addf %parallel_loop3A_582, %parallel_loop3A_590 : vector<16xf32>
        %parallel_loop3A_592 = arith.constant 12 : i32
        %parallel_loop3A_593 = arith.index_cast %parallel_loop3A_592 : i32 to index
        %parallel_loop3A_594 = arith.index_cast %parallel_loop3A_316 : i32 to index
        %parallel_loop3A_595 = tpu.vector_load %arg13[%parallel_loop3A_593, %parallel_loop3A_594] {strides = array<i32>} : memref<16x1024xf32, #tpu.memory_space<vmem>>, vector<1x16xf32>,
        %parallel_loop3A_596 = vector.shape_cast %parallel_loop3A_595 : vector<1x16xf32> to vector<16xf32>
        %parallel_loop3A_597 = vector.shape_cast %parallel_loop3A_591 : vector<16xf32> to vector<1x16xf32>
        tpu.vector_store %arg13[%parallel_loop3A_593, %parallel_loop3A_594], %parallel_loop3A_597 {add = true, strides = array<i32>} : memref<16x1024xf32, #tpu.memory_space<vmem>>, vector<1x16xf32>,
        %parallel_loop3A_598 = arith.constant 13 : i32
        %parallel_loop3A_599 = arith.index_cast %parallel_loop3A_598 : i32 to index
        %parallel_loop3A_600 = arith.index_cast %parallel_loop3A_316 : i32 to index
        %parallel_loop3A_601 = tpu.vector_load %arg17[%parallel_loop3A_599, %parallel_loop3A_600] {strides = array<i32>} : memref<16x1024xf32, #tpu.memory_space<vmem>>, vector<1x16xf32>,
        %parallel_loop3A_602 = vector.shape_cast %parallel_loop3A_601 : vector<1x16xf32> to vector<16xf32>
        %parallel_loop3A_603 = arith.addf %parallel_loop3A_602, %parallel_loop3A_321 : vector<16xf32>
        %parallel_loop3A_604 = arith.constant 16 : i32
        %parallel_loop3A_605 = arith.muli %add3A_172, %parallel_loop3A_604 : i32
        %parallel_loop3A_606 = arith.constant 13 : i32
        %parallel_loop3A_607 = arith.addi %parallel_loop3A_605, %parallel_loop3A_606 : i32
        %parallel_loop3A_608 = arith.index_cast %parallel_loop3A_607 : i32 to index
        %parallel_loop3A_609 = memref.load %arg20[%parallel_loop3A_608] : memref<256xf32, #tpu.memory_space<smem>>
        %parallel_loop3A_610 = vector.broadcast %parallel_loop3A_609 : f32 to vector<16xf32>
        %parallel_loop3A_611 = arith.mulf %parallel_loop3A_610, %parallel_loop3A_324 : vector<16xf32>
        %parallel_loop3A_612 = arith.addf %parallel_loop3A_603, %parallel_loop3A_611 : vector<16xf32>
        %parallel_loop3A_613 = arith.constant 13 : i32
        %parallel_loop3A_614 = arith.index_cast %parallel_loop3A_613 : i32 to index
        %parallel_loop3A_615 = arith.index_cast %parallel_loop3A_316 : i32 to index
        %parallel_loop3A_616 = tpu.vector_load %arg13[%parallel_loop3A_614, %parallel_loop3A_615] {strides = array<i32>} : memref<16x1024xf32, #tpu.memory_space<vmem>>, vector<1x16xf32>,
        %parallel_loop3A_617 = vector.shape_cast %parallel_loop3A_616 : vector<1x16xf32> to vector<16xf32>
        %parallel_loop3A_618 = vector.shape_cast %parallel_loop3A_612 : vector<16xf32> to vector<1x16xf32>
        tpu.vector_store %arg13[%parallel_loop3A_614, %parallel_loop3A_615], %parallel_loop3A_618 {add = true, strides = array<i32>} : memref<16x1024xf32, #tpu.memory_space<vmem>>, vector<1x16xf32>,
        %parallel_loop3A_619 = arith.constant 14 : i32
        %parallel_loop3A_620 = arith.index_cast %parallel_loop3A_619 : i32 to index
        %parallel_loop3A_621 = arith.index_cast %parallel_loop3A_316 : i32 to index
        %parallel_loop3A_622 = tpu.vector_load %arg17[%parallel_loop3A_620, %parallel_loop3A_621] {strides = array<i32>} : memref<16x1024xf32, #tpu.memory_space<vmem>>, vector<1x16xf32>,
        %parallel_loop3A_623 = vector.shape_cast %parallel_loop3A_622 : vector<1x16xf32> to vector<16xf32>
        %parallel_loop3A_624 = arith.addf %parallel_loop3A_623, %parallel_loop3A_321 : vector<16xf32>
        %parallel_loop3A_625 = arith.constant 16 : i32
        %parallel_loop3A_626 = arith.muli %add3A_172, %parallel_loop3A_625 : i32
        %parallel_loop3A_627 = arith.constant 14 : i32
        %parallel_loop3A_628 = arith.addi %parallel_loop3A_626, %parallel_loop3A_627 : i32
        %parallel_loop3A_629 = arith.index_cast %parallel_loop3A_628 : i32 to index
        %parallel_loop3A_630 = memref.load %arg20[%parallel_loop3A_629] : memref<256xf32, #tpu.memory_space<smem>>
        %parallel_loop3A_631 = vector.broadcast %parallel_loop3A_630 : f32 to vector<16xf32>
        %parallel_loop3A_632 = arith.mulf %parallel_loop3A_631, %parallel_loop3A_324 : vector<16xf32>
        %parallel_loop3A_633 = arith.addf %parallel_loop3A_624, %parallel_loop3A_632 : vector<16xf32>
        %parallel_loop3A_634 = arith.constant 14 : i32
        %parallel_loop3A_635 = arith.index_cast %parallel_loop3A_634 : i32 to index
        %parallel_loop3A_636 = arith.index_cast %parallel_loop3A_316 : i32 to index
        %parallel_loop3A_637 = tpu.vector_load %arg13[%parallel_loop3A_635, %parallel_loop3A_636] {strides = array<i32>} : memref<16x1024xf32, #tpu.memory_space<vmem>>, vector<1x16xf32>,
        %parallel_loop3A_638 = vector.shape_cast %parallel_loop3A_637 : vector<1x16xf32> to vector<16xf32>
        %parallel_loop3A_639 = vector.shape_cast %parallel_loop3A_633 : vector<16xf32> to vector<1x16xf32>
        tpu.vector_store %arg13[%parallel_loop3A_635, %parallel_loop3A_636], %parallel_loop3A_639 {add = true, strides = array<i32>} : memref<16x1024xf32, #tpu.memory_space<vmem>>, vector<1x16xf32>,
        %parallel_loop3A_640 = arith.constant 15 : i32
        %parallel_loop3A_641 = arith.index_cast %parallel_loop3A_640 : i32 to index
        %parallel_loop3A_642 = arith.index_cast %parallel_loop3A_316 : i32 to index
        %parallel_loop3A_643 = tpu.vector_load %arg17[%parallel_loop3A_641, %parallel_loop3A_642] {strides = array<i32>} : memref<16x1024xf32, #tpu.memory_space<vmem>>, vector<1x16xf32>,
        %parallel_loop3A_644 = vector.shape_cast %parallel_loop3A_643 : vector<1x16xf32> to vector<16xf32>
        %parallel_loop3A_645 = arith.addf %parallel_loop3A_644, %parallel_loop3A_321 : vector<16xf32>
        %parallel_loop3A_646 = arith.constant 16 : i32
        %parallel_loop3A_647 = arith.muli %add3A_172, %parallel_loop3A_646 : i32
        %parallel_loop3A_648 = arith.constant 15 : i32
        %parallel_loop3A_649 = arith.addi %parallel_loop3A_647, %parallel_loop3A_648 : i32
        %parallel_loop3A_650 = arith.index_cast %parallel_loop3A_649 : i32 to index
        %parallel_loop3A_651 = memref.load %arg20[%parallel_loop3A_650] : memref<256xf32, #tpu.memory_space<smem>>
        %parallel_loop3A_652 = vector.broadcast %parallel_loop3A_651 : f32 to vector<16xf32>
        %parallel_loop3A_653 = arith.mulf %parallel_loop3A_652, %parallel_loop3A_324 : vector<16xf32>
        %parallel_loop3A_654 = arith.addf %parallel_loop3A_645, %parallel_loop3A_653 : vector<16xf32>
        %parallel_loop3A_655 = arith.constant 15 : i32
        %parallel_loop3A_656 = arith.index_cast %parallel_loop3A_655 : i32 to index
        %parallel_loop3A_657 = arith.index_cast %parallel_loop3A_316 : i32 to index
        %parallel_loop3A_658 = tpu.vector_load %arg13[%parallel_loop3A_656, %parallel_loop3A_657] {strides = array<i32>} : memref<16x1024xf32, #tpu.memory_space<vmem>>, vector<1x16xf32>,
        %parallel_loop3A_659 = vector.shape_cast %parallel_loop3A_658 : vector<1x16xf32> to vector<16xf32>
        %parallel_loop3A_660 = vector.shape_cast %parallel_loop3A_654 : vector<16xf32> to vector<1x16xf32>
        tpu.vector_store %arg13[%parallel_loop3A_656, %parallel_loop3A_657], %parallel_loop3A_660 {add = true, strides = array<i32>} : memref<16x1024xf32, #tpu.memory_space<vmem>>, vector<1x16xf32>,
      } {sc.loop_unroll_factor = 2 : i64, sc.parallel_access}
      %mul3A_202 = arith.constant 16 : i32
      %mul3A_203 = arith.muli %add3A_172, %mul3A_202 : i32
      %add3A_204 = arith.addi %mul3A_32, %mul3A_203 : i32
      %dma_start3A_205 = arith.constant 0 : i32
      %dma_start3A_206 = arith.constant 0 : i32
      %dma_start3A_207 = tpu.memref_slice %arg8[%select_n3A, %dma_start3A_205, %dma_start3A_206] : memref<4x2048x1024xf32, #tpu.memory_space<hbm>> -> memref<1x2048x1024xf32, #tpu.memory_space<hbm>>
      %dma_start3A_208 = tpu.memref_squeeze %dma_start3A_207 : memref<1x2048x1024xf32, #tpu.memory_space<hbm>> -> memref<2048x1024xf32, #tpu.memory_space<hbm>>
      %dma_start3A_209 = arith.constant 0 : i32
      %dma_start3A_210 = tpu.memref_slice %dma_start3A_208[%add3A_204, %dma_start3A_209] : memref<2048x1024xf32, #tpu.memory_space<hbm>> -> memref<16x1024xf32, #tpu.memory_space<hbm>>
      %dma_start3A_211 = arith.constant 0 : i32
      %dma_start3A_212 = arith.constant 0 : i32
      %dma_start3A_213 = tpu.memref_slice %arg8[%select_n3A, %dma_start3A_211, %dma_start3A_212] : memref<4x2048x1024xf32, #tpu.memory_space<hbm>> -> memref<1x2048x1024xf32, #tpu.memory_space<hbm>>
      %dma_start3A_214 = tpu.memref_squeeze %dma_start3A_213 : memref<1x2048x1024xf32, #tpu.memory_space<hbm>> -> memref<2048x1024xf32, #tpu.memory_space<hbm>>
      %dma_start3A_215 = arith.constant 0 : i32
      %dma_start3A_216 = tpu.memref_slice %dma_start3A_214[%add3A_204, %dma_start3A_215] : memref<2048x1024xf32, #tpu.memory_space<hbm>> -> memref<16x1024xf32, #tpu.memory_space<hbm>>
      tpu.enqueue_dma source(%arg13 : memref<16x1024xf32, #tpu.memory_space<vmem>>) target(%dma_start3A_216 : memref<16x1024xf32, #tpu.memory_space<hbm>>) target_semaphore(%arg28 : memref<!tpu.dma_semaphore, #tpu.memory_space<semaphore_mem>>)
      %mul3A_217 = arith.constant 4 : i32
      %mul3A_218 = arith.muli %mul3A_217, %scan3A_121 : i32
      %add3A_219 = arith.constant 2 : i32
      %add3A_220 = arith.addi %mul3A_218, %add3A_219 : i32
      %add3A_221 = arith.constant 1 : i32
      %add3A_222 = arith.addi %add3A_220, %add3A_221 : i32
      %lt3A_223 = arith.constant 16 : i32
      %lt3A_224 = arith.cmpi slt, %add3A_222, %lt3A_223 : i32
      %convert_element_type3A_225 = arith.extui %lt3A_224 : i1 to i32
      %cond3A_226 = arith.constant 0 : i32
      %cond3A_227 = arith.cmpi ne, %convert_element_type3A_225, %cond3A_226 : i32
      scf.if %cond3A_227 {
        %add3A_314 = arith.constant 1 : i32
        %add3A_315 = arith.addi %add3A_220, %add3A_314 : i32
        %mul3A_316 = arith.constant 16 : i32
        %mul3A_317 = arith.muli %add3A_315, %mul3A_316 : i32
        %dma_start3A_318 = tpu.memref_slice %arg10[%mul3A_317] : memref<256xi32, #tpu.memory_space<vmem>> -> memref<16xi32, #tpu.memory_space<vmem>>
        %dma_start3A_319 = arith.constant 0 : i32
        %dma_start3A_320 = arith.constant 0 : i32
        %dma_start3A_321 = tpu.memref_slice %arg6[%dma_start3A_319, %dma_start3A_320] : memref<2050x1024xf32, #tpu.memory_space<hbm>> -> memref<2050x1024xf32, #tpu.memory_space<hbm>>
        tpu.enqueue_indirect_dma source(%dma_start3A_321 : memref<2050x1024xf32, #tpu.memory_space<hbm>>) target(%arg17 : memref<16x1024xf32, #tpu.memory_space<vmem>>) offsets(%dma_start3A_318 : memref<16xi32, #tpu.memory_space<vmem>>) semaphore(%arg26 : memref<!tpu.dma_semaphore, #tpu.memory_space<semaphore_mem>>)
      } else {
      }
      %add3A_228 = arith.constant 2 : i32
      %add3A_229 = arith.addi %add3A_220, %add3A_228 : i32
      %lt3A_230 = arith.constant 16 : i32
      %lt3A_231 = arith.cmpi slt, %add3A_229, %lt3A_230 : i32
      %convert_element_type3A_232 = arith.extui %lt3A_231 : i1 to i32
      %cond3A_233 = arith.constant 0 : i32
      %cond3A_234 = arith.cmpi ne, %convert_element_type3A_232, %cond3A_233 : i32
      scf.if %cond3A_234 {
        %ge3A = arith.constant 2 : i32
        %ge3A_314 = arith.cmpi sge, %add3A_220, %ge3A : i32
        %convert_element_type3A_315 = arith.extui %ge3A_314 : i1 to i32
        %cond3A_316 = arith.constant 0 : i32
        %cond3A_317 = arith.cmpi ne, %convert_element_type3A_315, %cond3A_316 : i32
        scf.if %cond3A_317 {
          %sub3A_326 = arith.constant 2 : i32
          %sub3A_327 = arith.subi %add3A_220, %sub3A_326 : i32
          %mul3A_328 = arith.constant 16 : i32
          %mul3A_329 = arith.muli %sub3A_327, %mul3A_328 : i32
          %add3A_330 = arith.addi %mul3A_32, %mul3A_329 : i32
          %dma_wait3A_331 = arith.constant 0 : i32
          %dma_wait3A_332 = arith.constant 0 : i32
          %dma_wait3A_333 = tpu.memref_slice %arg8[%select_n3A, %dma_wait3A_331, %dma_wait3A_332] : memref<4x2048x1024xf32, #tpu.memory_space<hbm>> -> memref<1x2048x1024xf32, #tpu.memory_space<hbm>>
          %dma_wait3A_334 = tpu.memref_squeeze %dma_wait3A_333 : memref<1x2048x1024xf32, #tpu.memory_space<hbm>> -> memref<2048x1024xf32, #tpu.memory_space<hbm>>
          %dma_wait3A_335 = arith.constant 0 : i32
          %dma_wait3A_336 = tpu.memref_slice %dma_wait3A_334[%add3A_330, %dma_wait3A_335] : memref<2048x1024xf32, #tpu.memory_space<hbm>> -> memref<16x1024xf32, #tpu.memory_space<hbm>>
          %dma_wait3A_337 = arith.constant 0 : i32
          %dma_wait3A_338 = arith.constant 0 : i32
          %dma_wait3A_339 = tpu.memref_slice %arg8[%select_n3A, %dma_wait3A_337, %dma_wait3A_338] : memref<4x2048x1024xf32, #tpu.memory_space<hbm>> -> memref<1x2048x1024xf32, #tpu.memory_space<hbm>>
          %dma_wait3A_340 = tpu.memref_squeeze %dma_wait3A_339 : memref<1x2048x1024xf32, #tpu.memory_space<hbm>> -> memref<2048x1024xf32, #tpu.memory_space<hbm>>
          %dma_wait3A_341 = arith.constant 0 : i32
          %dma_wait3A_342 = tpu.memref_slice %dma_wait3A_340[%add3A_330, %dma_wait3A_341] : memref<2048x1024xf32, #tpu.memory_space<hbm>> -> memref<16x1024xf32, #tpu.memory_space<hbm>>
          tpu.wait_dma2 semaphore(%arg27 : memref<!tpu.dma_semaphore, #tpu.memory_space<semaphore_mem>>) src(%arg12 : memref<16x1024xf32, #tpu.memory_space<vmem>>) dst(%dma_wait3A_342 : memref<16x1024xf32, #tpu.memory_space<hbm>>)
        } else {
        }
        %add3A_318 = arith.constant 2 : i32
        %add3A_319 = arith.addi %add3A_220, %add3A_318 : i32
        %mul3A_320 = arith.constant 16 : i32
        %mul3A_321 = arith.muli %add3A_319, %mul3A_320 : i32
        %dma_start3A_322 = tpu.memref_slice %arg9[%mul3A_321] : memref<256xi32, #tpu.memory_space<vmem>> -> memref<16xi32, #tpu.memory_space<vmem>>
        %dma_start3A_323 = arith.constant 0 : i32
        %dma_start3A_324 = arith.constant 0 : i32
        %dma_start3A_325 = tpu.memref_slice %arg5[%dma_start3A_323, %dma_start3A_324] : memref<250002x1024xf32, #tpu.memory_space<hbm>> -> memref<250002x1024xf32, #tpu.memory_space<hbm>>
        tpu.enqueue_indirect_dma source(%dma_start3A_325 : memref<250002x1024xf32, #tpu.memory_space<hbm>>) target(%arg12 : memref<16x1024xf32, #tpu.memory_space<vmem>>) offsets(%dma_start3A_322 : memref<16xi32, #tpu.memory_space<vmem>>) semaphore(%arg21 : memref<!tpu.dma_semaphore, #tpu.memory_space<semaphore_mem>>)
      } else {
      }
      %mul3A_235 = arith.constant 16 : i32
      %mul3A_236 = arith.muli %add3A_220, %mul3A_235 : i32
      %dma_wait3A_237 = tpu.memref_slice %arg9[%mul3A_236] : memref<256xi32, #tpu.memory_space<vmem>> -> memref<16xi32, #tpu.memory_space<vmem>>
      %dma_wait3A_238 = arith.constant 0 : i32
      %dma_wait3A_239 = arith.constant 0 : i32
      %dma_wait3A_240 = tpu.memref_slice %arg5[%dma_wait3A_238, %dma_wait3A_239] : memref<250002x1024xf32, #tpu.memory_space<hbm>> -> memref<250002x1024xf32, #tpu.memory_space<hbm>>
      tpu.wait_indirect_dma semaphore(%arg23 : memref<!tpu.dma_semaphore, #tpu.memory_space<semaphore_mem>>) src(%dma_wait3A_240 : memref<250002x1024xf32, #tpu.memory_space<hbm>>) dst(%arg14 : memref<16x1024xf32, #tpu.memory_space<vmem>>)
      %mul3A_241 = arith.constant 16 : i32
      %mul3A_242 = arith.muli %add3A_220, %mul3A_241 : i32
      %dma_wait3A_243 = tpu.memref_slice %arg10[%mul3A_242] : memref<256xi32, #tpu.memory_space<vmem>> -> memref<16xi32, #tpu.memory_space<vmem>>
      %dma_wait3A_244 = arith.constant 0 : i32
      %dma_wait3A_245 = arith.constant 0 : i32
      %dma_wait3A_246 = tpu.memref_slice %arg6[%dma_wait3A_244, %dma_wait3A_245] : memref<2050x1024xf32, #tpu.memory_space<hbm>> -> memref<2050x1024xf32, #tpu.memory_space<hbm>>
      tpu.wait_indirect_dma semaphore(%arg25 : memref<!tpu.dma_semaphore, #tpu.memory_space<semaphore_mem>>) src(%dma_wait3A_246 : memref<2050x1024xf32, #tpu.memory_space<hbm>>) dst(%arg16 : memref<16x1024xf32, #tpu.memory_space<vmem>>)
      %parallel_loop3A_247 = arith.constant 0 : i32
      %parallel_loop3A_248 = arith.constant 64 : i32
      %parallel_loop3A_249 = arith.constant 1 : i32
      scf.for %parallel_loop3A_314 = %parallel_loop3A_247 to %parallel_loop3A_248 step %parallel_loop3A_249  : i32 {
        %parallel_loop3A_315 = arith.constant 16 : i32
        %parallel_loop3A_316 = arith.muli %parallel_loop3A_314, %parallel_loop3A_315 : i32
        %parallel_loop3A_317 = arith.constant 0 : i32
        %parallel_loop3A_318 = arith.index_cast %parallel_loop3A_317 : i32 to index
        %parallel_loop3A_319 = arith.index_cast %parallel_loop3A_316 : i32 to index
        %parallel_loop3A_320 = tpu.vector_load %arg18[%parallel_loop3A_318, %parallel_loop3A_319] {strides = array<i32>} : memref<2x1024xf32, #tpu.memory_space<vmem>>, vector<1x16xf32>,
        %parallel_loop3A_321 = vector.shape_cast %parallel_loop3A_320 : vector<1x16xf32> to vector<16xf32>
        %parallel_loop3A_322 = arith.index_cast %parallel_loop3A_316 : i32 to index
        %parallel_loop3A_323 = tpu.vector_load %arg19[%parallel_loop3A_322] {strides = array<i32>} : memref<1024xf32, #tpu.memory_space<vmem>>, vector<16xf32>,
        %parallel_loop3A_324 = vector.shape_cast %parallel_loop3A_323 : vector<16xf32> to vector<16xf32>
        %parallel_loop3A_325 = arith.constant 0 : i32
        %parallel_loop3A_326 = arith.index_cast %parallel_loop3A_325 : i32 to index
        %parallel_loop3A_327 = arith.index_cast %parallel_loop3A_316 : i32 to index
        %parallel_loop3A_328 = tpu.vector_load %arg16[%parallel_loop3A_326, %parallel_loop3A_327] {strides = array<i32>} : memref<16x1024xf32, #tpu.memory_space<vmem>>, vector<1x16xf32>,
        %parallel_loop3A_329 = vector.shape_cast %parallel_loop3A_328 : vector<1x16xf32> to vector<16xf32>
        %parallel_loop3A_330 = arith.addf %parallel_loop3A_329, %parallel_loop3A_321 : vector<16xf32>
        %parallel_loop3A_331 = arith.constant 16 : i32
        %parallel_loop3A_332 = arith.muli %add3A_220, %parallel_loop3A_331 : i32
        %parallel_loop3A_333 = arith.constant 0 : i32
        %parallel_loop3A_334 = arith.addi %parallel_loop3A_332, %parallel_loop3A_333 : i32
        %parallel_loop3A_335 = arith.index_cast %parallel_loop3A_334 : i32 to index
        %parallel_loop3A_336 = memref.load %arg20[%parallel_loop3A_335] : memref<256xf32, #tpu.memory_space<smem>>
        %parallel_loop3A_337 = vector.broadcast %parallel_loop3A_336 : f32 to vector<16xf32>
        %parallel_loop3A_338 = arith.mulf %parallel_loop3A_337, %parallel_loop3A_324 : vector<16xf32>
        %parallel_loop3A_339 = arith.addf %parallel_loop3A_330, %parallel_loop3A_338 : vector<16xf32>
        %parallel_loop3A_340 = arith.constant 0 : i32
        %parallel_loop3A_341 = arith.index_cast %parallel_loop3A_340 : i32 to index
        %parallel_loop3A_342 = arith.index_cast %parallel_loop3A_316 : i32 to index
        %parallel_loop3A_343 = tpu.vector_load %arg14[%parallel_loop3A_341, %parallel_loop3A_342] {strides = array<i32>} : memref<16x1024xf32, #tpu.memory_space<vmem>>, vector<1x16xf32>,
        %parallel_loop3A_344 = vector.shape_cast %parallel_loop3A_343 : vector<1x16xf32> to vector<16xf32>
        %parallel_loop3A_345 = vector.shape_cast %parallel_loop3A_339 : vector<16xf32> to vector<1x16xf32>
        tpu.vector_store %arg14[%parallel_loop3A_341, %parallel_loop3A_342], %parallel_loop3A_345 {add = true, strides = array<i32>} : memref<16x1024xf32, #tpu.memory_space<vmem>>, vector<1x16xf32>,
        %parallel_loop3A_346 = arith.constant 1 : i32
        %parallel_loop3A_347 = arith.index_cast %parallel_loop3A_346 : i32 to index
        %parallel_loop3A_348 = arith.index_cast %parallel_loop3A_316 : i32 to index
        %parallel_loop3A_349 = tpu.vector_load %arg16[%parallel_loop3A_347, %parallel_loop3A_348] {strides = array<i32>} : memref<16x1024xf32, #tpu.memory_space<vmem>>, vector<1x16xf32>,
        %parallel_loop3A_350 = vector.shape_cast %parallel_loop3A_349 : vector<1x16xf32> to vector<16xf32>
        %parallel_loop3A_351 = arith.addf %parallel_loop3A_350, %parallel_loop3A_321 : vector<16xf32>
        %parallel_loop3A_352 = arith.constant 16 : i32
        %parallel_loop3A_353 = arith.muli %add3A_220, %parallel_loop3A_352 : i32
        %parallel_loop3A_354 = arith.constant 1 : i32
        %parallel_loop3A_355 = arith.addi %parallel_loop3A_353, %parallel_loop3A_354 : i32
        %parallel_loop3A_356 = arith.index_cast %parallel_loop3A_355 : i32 to index
        %parallel_loop3A_357 = memref.load %arg20[%parallel_loop3A_356] : memref<256xf32, #tpu.memory_space<smem>>
        %parallel_loop3A_358 = vector.broadcast %parallel_loop3A_357 : f32 to vector<16xf32>
        %parallel_loop3A_359 = arith.mulf %parallel_loop3A_358, %parallel_loop3A_324 : vector<16xf32>
        %parallel_loop3A_360 = arith.addf %parallel_loop3A_351, %parallel_loop3A_359 : vector<16xf32>
        %parallel_loop3A_361 = arith.constant 1 : i32
        %parallel_loop3A_362 = arith.index_cast %parallel_loop3A_361 : i32 to index
        %parallel_loop3A_363 = arith.index_cast %parallel_loop3A_316 : i32 to index
        %parallel_loop3A_364 = tpu.vector_load %arg14[%parallel_loop3A_362, %parallel_loop3A_363] {strides = array<i32>} : memref<16x1024xf32, #tpu.memory_space<vmem>>, vector<1x16xf32>,
        %parallel_loop3A_365 = vector.shape_cast %parallel_loop3A_364 : vector<1x16xf32> to vector<16xf32>
        %parallel_loop3A_366 = vector.shape_cast %parallel_loop3A_360 : vector<16xf32> to vector<1x16xf32>
        tpu.vector_store %arg14[%parallel_loop3A_362, %parallel_loop3A_363], %parallel_loop3A_366 {add = true, strides = array<i32>} : memref<16x1024xf32, #tpu.memory_space<vmem>>, vector<1x16xf32>,
        %parallel_loop3A_367 = arith.constant 2 : i32
        %parallel_loop3A_368 = arith.index_cast %parallel_loop3A_367 : i32 to index
        %parallel_loop3A_369 = arith.index_cast %parallel_loop3A_316 : i32 to index
        %parallel_loop3A_370 = tpu.vector_load %arg16[%parallel_loop3A_368, %parallel_loop3A_369] {strides = array<i32>} : memref<16x1024xf32, #tpu.memory_space<vmem>>, vector<1x16xf32>,
        %parallel_loop3A_371 = vector.shape_cast %parallel_loop3A_370 : vector<1x16xf32> to vector<16xf32>
        %parallel_loop3A_372 = arith.addf %parallel_loop3A_371, %parallel_loop3A_321 : vector<16xf32>
        %parallel_loop3A_373 = arith.constant 16 : i32
        %parallel_loop3A_374 = arith.muli %add3A_220, %parallel_loop3A_373 : i32
        %parallel_loop3A_375 = arith.constant 2 : i32
        %parallel_loop3A_376 = arith.addi %parallel_loop3A_374, %parallel_loop3A_375 : i32
        %parallel_loop3A_377 = arith.index_cast %parallel_loop3A_376 : i32 to index
        %parallel_loop3A_378 = memref.load %arg20[%parallel_loop3A_377] : memref<256xf32, #tpu.memory_space<smem>>
        %parallel_loop3A_379 = vector.broadcast %parallel_loop3A_378 : f32 to vector<16xf32>
        %parallel_loop3A_380 = arith.mulf %parallel_loop3A_379, %parallel_loop3A_324 : vector<16xf32>
        %parallel_loop3A_381 = arith.addf %parallel_loop3A_372, %parallel_loop3A_380 : vector<16xf32>
        %parallel_loop3A_382 = arith.constant 2 : i32
        %parallel_loop3A_383 = arith.index_cast %parallel_loop3A_382 : i32 to index
        %parallel_loop3A_384 = arith.index_cast %parallel_loop3A_316 : i32 to index
        %parallel_loop3A_385 = tpu.vector_load %arg14[%parallel_loop3A_383, %parallel_loop3A_384] {strides = array<i32>} : memref<16x1024xf32, #tpu.memory_space<vmem>>, vector<1x16xf32>,
        %parallel_loop3A_386 = vector.shape_cast %parallel_loop3A_385 : vector<1x16xf32> to vector<16xf32>
        %parallel_loop3A_387 = vector.shape_cast %parallel_loop3A_381 : vector<16xf32> to vector<1x16xf32>
        tpu.vector_store %arg14[%parallel_loop3A_383, %parallel_loop3A_384], %parallel_loop3A_387 {add = true, strides = array<i32>} : memref<16x1024xf32, #tpu.memory_space<vmem>>, vector<1x16xf32>,
        %parallel_loop3A_388 = arith.constant 3 : i32
        %parallel_loop3A_389 = arith.index_cast %parallel_loop3A_388 : i32 to index
        %parallel_loop3A_390 = arith.index_cast %parallel_loop3A_316 : i32 to index
        %parallel_loop3A_391 = tpu.vector_load %arg16[%parallel_loop3A_389, %parallel_loop3A_390] {strides = array<i32>} : memref<16x1024xf32, #tpu.memory_space<vmem>>, vector<1x16xf32>,
        %parallel_loop3A_392 = vector.shape_cast %parallel_loop3A_391 : vector<1x16xf32> to vector<16xf32>
        %parallel_loop3A_393 = arith.addf %parallel_loop3A_392, %parallel_loop3A_321 : vector<16xf32>
        %parallel_loop3A_394 = arith.constant 16 : i32
        %parallel_loop3A_395 = arith.muli %add3A_220, %parallel_loop3A_394 : i32
        %parallel_loop3A_396 = arith.constant 3 : i32
        %parallel_loop3A_397 = arith.addi %parallel_loop3A_395, %parallel_loop3A_396 : i32
        %parallel_loop3A_398 = arith.index_cast %parallel_loop3A_397 : i32 to index
        %parallel_loop3A_399 = memref.load %arg20[%parallel_loop3A_398] : memref<256xf32, #tpu.memory_space<smem>>
        %parallel_loop3A_400 = vector.broadcast %parallel_loop3A_399 : f32 to vector<16xf32>
        %parallel_loop3A_401 = arith.mulf %parallel_loop3A_400, %parallel_loop3A_324 : vector<16xf32>
        %parallel_loop3A_402 = arith.addf %parallel_loop3A_393, %parallel_loop3A_401 : vector<16xf32>
        %parallel_loop3A_403 = arith.constant 3 : i32
        %parallel_loop3A_404 = arith.index_cast %parallel_loop3A_403 : i32 to index
        %parallel_loop3A_405 = arith.index_cast %parallel_loop3A_316 : i32 to index
        %parallel_loop3A_406 = tpu.vector_load %arg14[%parallel_loop3A_404, %parallel_loop3A_405] {strides = array<i32>} : memref<16x1024xf32, #tpu.memory_space<vmem>>, vector<1x16xf32>,
        %parallel_loop3A_407 = vector.shape_cast %parallel_loop3A_406 : vector<1x16xf32> to vector<16xf32>
        %parallel_loop3A_408 = vector.shape_cast %parallel_loop3A_402 : vector<16xf32> to vector<1x16xf32>
        tpu.vector_store %arg14[%parallel_loop3A_404, %parallel_loop3A_405], %parallel_loop3A_408 {add = true, strides = array<i32>} : memref<16x1024xf32, #tpu.memory_space<vmem>>, vector<1x16xf32>,
        %parallel_loop3A_409 = arith.constant 4 : i32
        %parallel_loop3A_410 = arith.index_cast %parallel_loop3A_409 : i32 to index
        %parallel_loop3A_411 = arith.index_cast %parallel_loop3A_316 : i32 to index
        %parallel_loop3A_412 = tpu.vector_load %arg16[%parallel_loop3A_410, %parallel_loop3A_411] {strides = array<i32>} : memref<16x1024xf32, #tpu.memory_space<vmem>>, vector<1x16xf32>,
        %parallel_loop3A_413 = vector.shape_cast %parallel_loop3A_412 : vector<1x16xf32> to vector<16xf32>
        %parallel_loop3A_414 = arith.addf %parallel_loop3A_413, %parallel_loop3A_321 : vector<16xf32>
        %parallel_loop3A_415 = arith.constant 16 : i32
        %parallel_loop3A_416 = arith.muli %add3A_220, %parallel_loop3A_415 : i32
        %parallel_loop3A_417 = arith.constant 4 : i32
        %parallel_loop3A_418 = arith.addi %parallel_loop3A_416, %parallel_loop3A_417 : i32
        %parallel_loop3A_419 = arith.index_cast %parallel_loop3A_418 : i32 to index
        %parallel_loop3A_420 = memref.load %arg20[%parallel_loop3A_419] : memref<256xf32, #tpu.memory_space<smem>>
        %parallel_loop3A_421 = vector.broadcast %parallel_loop3A_420 : f32 to vector<16xf32>
        %parallel_loop3A_422 = arith.mulf %parallel_loop3A_421, %parallel_loop3A_324 : vector<16xf32>
        %parallel_loop3A_423 = arith.addf %parallel_loop3A_414, %parallel_loop3A_422 : vector<16xf32>
        %parallel_loop3A_424 = arith.constant 4 : i32
        %parallel_loop3A_425 = arith.index_cast %parallel_loop3A_424 : i32 to index
        %parallel_loop3A_426 = arith.index_cast %parallel_loop3A_316 : i32 to index
        %parallel_loop3A_427 = tpu.vector_load %arg14[%parallel_loop3A_425, %parallel_loop3A_426] {strides = array<i32>} : memref<16x1024xf32, #tpu.memory_space<vmem>>, vector<1x16xf32>,
        %parallel_loop3A_428 = vector.shape_cast %parallel_loop3A_427 : vector<1x16xf32> to vector<16xf32>
        %parallel_loop3A_429 = vector.shape_cast %parallel_loop3A_423 : vector<16xf32> to vector<1x16xf32>
        tpu.vector_store %arg14[%parallel_loop3A_425, %parallel_loop3A_426], %parallel_loop3A_429 {add = true, strides = array<i32>} : memref<16x1024xf32, #tpu.memory_space<vmem>>, vector<1x16xf32>,
        %parallel_loop3A_430 = arith.constant 5 : i32
        %parallel_loop3A_431 = arith.index_cast %parallel_loop3A_430 : i32 to index
        %parallel_loop3A_432 = arith.index_cast %parallel_loop3A_316 : i32 to index
        %parallel_loop3A_433 = tpu.vector_load %arg16[%parallel_loop3A_431, %parallel_loop3A_432] {strides = array<i32>} : memref<16x1024xf32, #tpu.memory_space<vmem>>, vector<1x16xf32>,
        %parallel_loop3A_434 = vector.shape_cast %parallel_loop3A_433 : vector<1x16xf32> to vector<16xf32>
        %parallel_loop3A_435 = arith.addf %parallel_loop3A_434, %parallel_loop3A_321 : vector<16xf32>
        %parallel_loop3A_436 = arith.constant 16 : i32
        %parallel_loop3A_437 = arith.muli %add3A_220, %parallel_loop3A_436 : i32
        %parallel_loop3A_438 = arith.constant 5 : i32
        %parallel_loop3A_439 = arith.addi %parallel_loop3A_437, %parallel_loop3A_438 : i32
        %parallel_loop3A_440 = arith.index_cast %parallel_loop3A_439 : i32 to index
        %parallel_loop3A_441 = memref.load %arg20[%parallel_loop3A_440] : memref<256xf32, #tpu.memory_space<smem>>
        %parallel_loop3A_442 = vector.broadcast %parallel_loop3A_441 : f32 to vector<16xf32>
        %parallel_loop3A_443 = arith.mulf %parallel_loop3A_442, %parallel_loop3A_324 : vector<16xf32>
        %parallel_loop3A_444 = arith.addf %parallel_loop3A_435, %parallel_loop3A_443 : vector<16xf32>
        %parallel_loop3A_445 = arith.constant 5 : i32
        %parallel_loop3A_446 = arith.index_cast %parallel_loop3A_445 : i32 to index
        %parallel_loop3A_447 = arith.index_cast %parallel_loop3A_316 : i32 to index
        %parallel_loop3A_448 = tpu.vector_load %arg14[%parallel_loop3A_446, %parallel_loop3A_447] {strides = array<i32>} : memref<16x1024xf32, #tpu.memory_space<vmem>>, vector<1x16xf32>,
        %parallel_loop3A_449 = vector.shape_cast %parallel_loop3A_448 : vector<1x16xf32> to vector<16xf32>
        %parallel_loop3A_450 = vector.shape_cast %parallel_loop3A_444 : vector<16xf32> to vector<1x16xf32>
        tpu.vector_store %arg14[%parallel_loop3A_446, %parallel_loop3A_447], %parallel_loop3A_450 {add = true, strides = array<i32>} : memref<16x1024xf32, #tpu.memory_space<vmem>>, vector<1x16xf32>,
        %parallel_loop3A_451 = arith.constant 6 : i32
        %parallel_loop3A_452 = arith.index_cast %parallel_loop3A_451 : i32 to index
        %parallel_loop3A_453 = arith.index_cast %parallel_loop3A_316 : i32 to index
        %parallel_loop3A_454 = tpu.vector_load %arg16[%parallel_loop3A_452, %parallel_loop3A_453] {strides = array<i32>} : memref<16x1024xf32, #tpu.memory_space<vmem>>, vector<1x16xf32>,
        %parallel_loop3A_455 = vector.shape_cast %parallel_loop3A_454 : vector<1x16xf32> to vector<16xf32>
        %parallel_loop3A_456 = arith.addf %parallel_loop3A_455, %parallel_loop3A_321 : vector<16xf32>
        %parallel_loop3A_457 = arith.constant 16 : i32
        %parallel_loop3A_458 = arith.muli %add3A_220, %parallel_loop3A_457 : i32
        %parallel_loop3A_459 = arith.constant 6 : i32
        %parallel_loop3A_460 = arith.addi %parallel_loop3A_458, %parallel_loop3A_459 : i32
        %parallel_loop3A_461 = arith.index_cast %parallel_loop3A_460 : i32 to index
        %parallel_loop3A_462 = memref.load %arg20[%parallel_loop3A_461] : memref<256xf32, #tpu.memory_space<smem>>
        %parallel_loop3A_463 = vector.broadcast %parallel_loop3A_462 : f32 to vector<16xf32>
        %parallel_loop3A_464 = arith.mulf %parallel_loop3A_463, %parallel_loop3A_324 : vector<16xf32>
        %parallel_loop3A_465 = arith.addf %parallel_loop3A_456, %parallel_loop3A_464 : vector<16xf32>
        %parallel_loop3A_466 = arith.constant 6 : i32
        %parallel_loop3A_467 = arith.index_cast %parallel_loop3A_466 : i32 to index
        %parallel_loop3A_468 = arith.index_cast %parallel_loop3A_316 : i32 to index
        %parallel_loop3A_469 = tpu.vector_load %arg14[%parallel_loop3A_467, %parallel_loop3A_468] {strides = array<i32>} : memref<16x1024xf32, #tpu.memory_space<vmem>>, vector<1x16xf32>,
        %parallel_loop3A_470 = vector.shape_cast %parallel_loop3A_469 : vector<1x16xf32> to vector<16xf32>
        %parallel_loop3A_471 = vector.shape_cast %parallel_loop3A_465 : vector<16xf32> to vector<1x16xf32>
        tpu.vector_store %arg14[%parallel_loop3A_467, %parallel_loop3A_468], %parallel_loop3A_471 {add = true, strides = array<i32>} : memref<16x1024xf32, #tpu.memory_space<vmem>>, vector<1x16xf32>,
        %parallel_loop3A_472 = arith.constant 7 : i32
        %parallel_loop3A_473 = arith.index_cast %parallel_loop3A_472 : i32 to index
        %parallel_loop3A_474 = arith.index_cast %parallel_loop3A_316 : i32 to index
        %parallel_loop3A_475 = tpu.vector_load %arg16[%parallel_loop3A_473, %parallel_loop3A_474] {strides = array<i32>} : memref<16x1024xf32, #tpu.memory_space<vmem>>, vector<1x16xf32>,
        %parallel_loop3A_476 = vector.shape_cast %parallel_loop3A_475 : vector<1x16xf32> to vector<16xf32>
        %parallel_loop3A_477 = arith.addf %parallel_loop3A_476, %parallel_loop3A_321 : vector<16xf32>
        %parallel_loop3A_478 = arith.constant 16 : i32
        %parallel_loop3A_479 = arith.muli %add3A_220, %parallel_loop3A_478 : i32
        %parallel_loop3A_480 = arith.constant 7 : i32
        %parallel_loop3A_481 = arith.addi %parallel_loop3A_479, %parallel_loop3A_480 : i32
        %parallel_loop3A_482 = arith.index_cast %parallel_loop3A_481 : i32 to index
        %parallel_loop3A_483 = memref.load %arg20[%parallel_loop3A_482] : memref<256xf32, #tpu.memory_space<smem>>
        %parallel_loop3A_484 = vector.broadcast %parallel_loop3A_483 : f32 to vector<16xf32>
        %parallel_loop3A_485 = arith.mulf %parallel_loop3A_484, %parallel_loop3A_324 : vector<16xf32>
        %parallel_loop3A_486 = arith.addf %parallel_loop3A_477, %parallel_loop3A_485 : vector<16xf32>
        %parallel_loop3A_487 = arith.constant 7 : i32
        %parallel_loop3A_488 = arith.index_cast %parallel_loop3A_487 : i32 to index
        %parallel_loop3A_489 = arith.index_cast %parallel_loop3A_316 : i32 to index
        %parallel_loop3A_490 = tpu.vector_load %arg14[%parallel_loop3A_488, %parallel_loop3A_489] {strides = array<i32>} : memref<16x1024xf32, #tpu.memory_space<vmem>>, vector<1x16xf32>,
        %parallel_loop3A_491 = vector.shape_cast %parallel_loop3A_490 : vector<1x16xf32> to vector<16xf32>
        %parallel_loop3A_492 = vector.shape_cast %parallel_loop3A_486 : vector<16xf32> to vector<1x16xf32>
        tpu.vector_store %arg14[%parallel_loop3A_488, %parallel_loop3A_489], %parallel_loop3A_492 {add = true, strides = array<i32>} : memref<16x1024xf32, #tpu.memory_space<vmem>>, vector<1x16xf32>,
        %parallel_loop3A_493 = arith.constant 8 : i32
        %parallel_loop3A_494 = arith.index_cast %parallel_loop3A_493 : i32 to index
        %parallel_loop3A_495 = arith.index_cast %parallel_loop3A_316 : i32 to index
        %parallel_loop3A_496 = tpu.vector_load %arg16[%parallel_loop3A_494, %parallel_loop3A_495] {strides = array<i32>} : memref<16x1024xf32, #tpu.memory_space<vmem>>, vector<1x16xf32>,
        %parallel_loop3A_497 = vector.shape_cast %parallel_loop3A_496 : vector<1x16xf32> to vector<16xf32>
        %parallel_loop3A_498 = arith.addf %parallel_loop3A_497, %parallel_loop3A_321 : vector<16xf32>
        %parallel_loop3A_499 = arith.constant 16 : i32
        %parallel_loop3A_500 = arith.muli %add3A_220, %parallel_loop3A_499 : i32
        %parallel_loop3A_501 = arith.constant 8 : i32
        %parallel_loop3A_502 = arith.addi %parallel_loop3A_500, %parallel_loop3A_501 : i32
        %parallel_loop3A_503 = arith.index_cast %parallel_loop3A_502 : i32 to index
        %parallel_loop3A_504 = memref.load %arg20[%parallel_loop3A_503] : memref<256xf32, #tpu.memory_space<smem>>
        %parallel_loop3A_505 = vector.broadcast %parallel_loop3A_504 : f32 to vector<16xf32>
        %parallel_loop3A_506 = arith.mulf %parallel_loop3A_505, %parallel_loop3A_324 : vector<16xf32>
        %parallel_loop3A_507 = arith.addf %parallel_loop3A_498, %parallel_loop3A_506 : vector<16xf32>
        %parallel_loop3A_508 = arith.constant 8 : i32
        %parallel_loop3A_509 = arith.index_cast %parallel_loop3A_508 : i32 to index
        %parallel_loop3A_510 = arith.index_cast %parallel_loop3A_316 : i32 to index
        %parallel_loop3A_511 = tpu.vector_load %arg14[%parallel_loop3A_509, %parallel_loop3A_510] {strides = array<i32>} : memref<16x1024xf32, #tpu.memory_space<vmem>>, vector<1x16xf32>,
        %parallel_loop3A_512 = vector.shape_cast %parallel_loop3A_511 : vector<1x16xf32> to vector<16xf32>
        %parallel_loop3A_513 = vector.shape_cast %parallel_loop3A_507 : vector<16xf32> to vector<1x16xf32>
        tpu.vector_store %arg14[%parallel_loop3A_509, %parallel_loop3A_510], %parallel_loop3A_513 {add = true, strides = array<i32>} : memref<16x1024xf32, #tpu.memory_space<vmem>>, vector<1x16xf32>,
        %parallel_loop3A_514 = arith.constant 9 : i32
        %parallel_loop3A_515 = arith.index_cast %parallel_loop3A_514 : i32 to index
        %parallel_loop3A_516 = arith.index_cast %parallel_loop3A_316 : i32 to index
        %parallel_loop3A_517 = tpu.vector_load %arg16[%parallel_loop3A_515, %parallel_loop3A_516] {strides = array<i32>} : memref<16x1024xf32, #tpu.memory_space<vmem>>, vector<1x16xf32>,
        %parallel_loop3A_518 = vector.shape_cast %parallel_loop3A_517 : vector<1x16xf32> to vector<16xf32>
        %parallel_loop3A_519 = arith.addf %parallel_loop3A_518, %parallel_loop3A_321 : vector<16xf32>
        %parallel_loop3A_520 = arith.constant 16 : i32
        %parallel_loop3A_521 = arith.muli %add3A_220, %parallel_loop3A_520 : i32
        %parallel_loop3A_522 = arith.constant 9 : i32
        %parallel_loop3A_523 = arith.addi %parallel_loop3A_521, %parallel_loop3A_522 : i32
        %parallel_loop3A_524 = arith.index_cast %parallel_loop3A_523 : i32 to index
        %parallel_loop3A_525 = memref.load %arg20[%parallel_loop3A_524] : memref<256xf32, #tpu.memory_space<smem>>
        %parallel_loop3A_526 = vector.broadcast %parallel_loop3A_525 : f32 to vector<16xf32>
        %parallel_loop3A_527 = arith.mulf %parallel_loop3A_526, %parallel_loop3A_324 : vector<16xf32>
        %parallel_loop3A_528 = arith.addf %parallel_loop3A_519, %parallel_loop3A_527 : vector<16xf32>
        %parallel_loop3A_529 = arith.constant 9 : i32
        %parallel_loop3A_530 = arith.index_cast %parallel_loop3A_529 : i32 to index
        %parallel_loop3A_531 = arith.index_cast %parallel_loop3A_316 : i32 to index
        %parallel_loop3A_532 = tpu.vector_load %arg14[%parallel_loop3A_530, %parallel_loop3A_531] {strides = array<i32>} : memref<16x1024xf32, #tpu.memory_space<vmem>>, vector<1x16xf32>,
        %parallel_loop3A_533 = vector.shape_cast %parallel_loop3A_532 : vector<1x16xf32> to vector<16xf32>
        %parallel_loop3A_534 = vector.shape_cast %parallel_loop3A_528 : vector<16xf32> to vector<1x16xf32>
        tpu.vector_store %arg14[%parallel_loop3A_530, %parallel_loop3A_531], %parallel_loop3A_534 {add = true, strides = array<i32>} : memref<16x1024xf32, #tpu.memory_space<vmem>>, vector<1x16xf32>,
        %parallel_loop3A_535 = arith.constant 10 : i32
        %parallel_loop3A_536 = arith.index_cast %parallel_loop3A_535 : i32 to index
        %parallel_loop3A_537 = arith.index_cast %parallel_loop3A_316 : i32 to index
        %parallel_loop3A_538 = tpu.vector_load %arg16[%parallel_loop3A_536, %parallel_loop3A_537] {strides = array<i32>} : memref<16x1024xf32, #tpu.memory_space<vmem>>, vector<1x16xf32>,
        %parallel_loop3A_539 = vector.shape_cast %parallel_loop3A_538 : vector<1x16xf32> to vector<16xf32>
        %parallel_loop3A_540 = arith.addf %parallel_loop3A_539, %parallel_loop3A_321 : vector<16xf32>
        %parallel_loop3A_541 = arith.constant 16 : i32
        %parallel_loop3A_542 = arith.muli %add3A_220, %parallel_loop3A_541 : i32
        %parallel_loop3A_543 = arith.constant 10 : i32
        %parallel_loop3A_544 = arith.addi %parallel_loop3A_542, %parallel_loop3A_543 : i32
        %parallel_loop3A_545 = arith.index_cast %parallel_loop3A_544 : i32 to index
        %parallel_loop3A_546 = memref.load %arg20[%parallel_loop3A_545] : memref<256xf32, #tpu.memory_space<smem>>
        %parallel_loop3A_547 = vector.broadcast %parallel_loop3A_546 : f32 to vector<16xf32>
        %parallel_loop3A_548 = arith.mulf %parallel_loop3A_547, %parallel_loop3A_324 : vector<16xf32>
        %parallel_loop3A_549 = arith.addf %parallel_loop3A_540, %parallel_loop3A_548 : vector<16xf32>
        %parallel_loop3A_550 = arith.constant 10 : i32
        %parallel_loop3A_551 = arith.index_cast %parallel_loop3A_550 : i32 to index
        %parallel_loop3A_552 = arith.index_cast %parallel_loop3A_316 : i32 to index
        %parallel_loop3A_553 = tpu.vector_load %arg14[%parallel_loop3A_551, %parallel_loop3A_552] {strides = array<i32>} : memref<16x1024xf32, #tpu.memory_space<vmem>>, vector<1x16xf32>,
        %parallel_loop3A_554 = vector.shape_cast %parallel_loop3A_553 : vector<1x16xf32> to vector<16xf32>
        %parallel_loop3A_555 = vector.shape_cast %parallel_loop3A_549 : vector<16xf32> to vector<1x16xf32>
        tpu.vector_store %arg14[%parallel_loop3A_551, %parallel_loop3A_552], %parallel_loop3A_555 {add = true, strides = array<i32>} : memref<16x1024xf32, #tpu.memory_space<vmem>>, vector<1x16xf32>,
        %parallel_loop3A_556 = arith.constant 11 : i32
        %parallel_loop3A_557 = arith.index_cast %parallel_loop3A_556 : i32 to index
        %parallel_loop3A_558 = arith.index_cast %parallel_loop3A_316 : i32 to index
        %parallel_loop3A_559 = tpu.vector_load %arg16[%parallel_loop3A_557, %parallel_loop3A_558] {strides = array<i32>} : memref<16x1024xf32, #tpu.memory_space<vmem>>, vector<1x16xf32>,
        %parallel_loop3A_560 = vector.shape_cast %parallel_loop3A_559 : vector<1x16xf32> to vector<16xf32>
        %parallel_loop3A_561 = arith.addf %parallel_loop3A_560, %parallel_loop3A_321 : vector<16xf32>
        %parallel_loop3A_562 = arith.constant 16 : i32
        %parallel_loop3A_563 = arith.muli %add3A_220, %parallel_loop3A_562 : i32
        %parallel_loop3A_564 = arith.constant 11 : i32
        %parallel_loop3A_565 = arith.addi %parallel_loop3A_563, %parallel_loop3A_564 : i32
        %parallel_loop3A_566 = arith.index_cast %parallel_loop3A_565 : i32 to index
        %parallel_loop3A_567 = memref.load %arg20[%parallel_loop3A_566] : memref<256xf32, #tpu.memory_space<smem>>
        %parallel_loop3A_568 = vector.broadcast %parallel_loop3A_567 : f32 to vector<16xf32>
        %parallel_loop3A_569 = arith.mulf %parallel_loop3A_568, %parallel_loop3A_324 : vector<16xf32>
        %parallel_loop3A_570 = arith.addf %parallel_loop3A_561, %parallel_loop3A_569 : vector<16xf32>
        %parallel_loop3A_571 = arith.constant 11 : i32
        %parallel_loop3A_572 = arith.index_cast %parallel_loop3A_571 : i32 to index
        %parallel_loop3A_573 = arith.index_cast %parallel_loop3A_316 : i32 to index
        %parallel_loop3A_574 = tpu.vector_load %arg14[%parallel_loop3A_572, %parallel_loop3A_573] {strides = array<i32>} : memref<16x1024xf32, #tpu.memory_space<vmem>>, vector<1x16xf32>,
        %parallel_loop3A_575 = vector.shape_cast %parallel_loop3A_574 : vector<1x16xf32> to vector<16xf32>
        %parallel_loop3A_576 = vector.shape_cast %parallel_loop3A_570 : vector<16xf32> to vector<1x16xf32>
        tpu.vector_store %arg14[%parallel_loop3A_572, %parallel_loop3A_573], %parallel_loop3A_576 {add = true, strides = array<i32>} : memref<16x1024xf32, #tpu.memory_space<vmem>>, vector<1x16xf32>,
        %parallel_loop3A_577 = arith.constant 12 : i32
        %parallel_loop3A_578 = arith.index_cast %parallel_loop3A_577 : i32 to index
        %parallel_loop3A_579 = arith.index_cast %parallel_loop3A_316 : i32 to index
        %parallel_loop3A_580 = tpu.vector_load %arg16[%parallel_loop3A_578, %parallel_loop3A_579] {strides = array<i32>} : memref<16x1024xf32, #tpu.memory_space<vmem>>, vector<1x16xf32>,
        %parallel_loop3A_581 = vector.shape_cast %parallel_loop3A_580 : vector<1x16xf32> to vector<16xf32>
        %parallel_loop3A_582 = arith.addf %parallel_loop3A_581, %parallel_loop3A_321 : vector<16xf32>
        %parallel_loop3A_583 = arith.constant 16 : i32
        %parallel_loop3A_584 = arith.muli %add3A_220, %parallel_loop3A_583 : i32
        %parallel_loop3A_585 = arith.constant 12 : i32
        %parallel_loop3A_586 = arith.addi %parallel_loop3A_584, %parallel_loop3A_585 : i32
        %parallel_loop3A_587 = arith.index_cast %parallel_loop3A_586 : i32 to index
        %parallel_loop3A_588 = memref.load %arg20[%parallel_loop3A_587] : memref<256xf32, #tpu.memory_space<smem>>
        %parallel_loop3A_589 = vector.broadcast %parallel_loop3A_588 : f32 to vector<16xf32>
        %parallel_loop3A_590 = arith.mulf %parallel_loop3A_589, %parallel_loop3A_324 : vector<16xf32>
        %parallel_loop3A_591 = arith.addf %parallel_loop3A_582, %parallel_loop3A_590 : vector<16xf32>
        %parallel_loop3A_592 = arith.constant 12 : i32
        %parallel_loop3A_593 = arith.index_cast %parallel_loop3A_592 : i32 to index
        %parallel_loop3A_594 = arith.index_cast %parallel_loop3A_316 : i32 to index
        %parallel_loop3A_595 = tpu.vector_load %arg14[%parallel_loop3A_593, %parallel_loop3A_594] {strides = array<i32>} : memref<16x1024xf32, #tpu.memory_space<vmem>>, vector<1x16xf32>,
        %parallel_loop3A_596 = vector.shape_cast %parallel_loop3A_595 : vector<1x16xf32> to vector<16xf32>
        %parallel_loop3A_597 = vector.shape_cast %parallel_loop3A_591 : vector<16xf32> to vector<1x16xf32>
        tpu.vector_store %arg14[%parallel_loop3A_593, %parallel_loop3A_594], %parallel_loop3A_597 {add = true, strides = array<i32>} : memref<16x1024xf32, #tpu.memory_space<vmem>>, vector<1x16xf32>,
        %parallel_loop3A_598 = arith.constant 13 : i32
        %parallel_loop3A_599 = arith.index_cast %parallel_loop3A_598 : i32 to index
        %parallel_loop3A_600 = arith.index_cast %parallel_loop3A_316 : i32 to index
        %parallel_loop3A_601 = tpu.vector_load %arg16[%parallel_loop3A_599, %parallel_loop3A_600] {strides = array<i32>} : memref<16x1024xf32, #tpu.memory_space<vmem>>, vector<1x16xf32>,
        %parallel_loop3A_602 = vector.shape_cast %parallel_loop3A_601 : vector<1x16xf32> to vector<16xf32>
        %parallel_loop3A_603 = arith.addf %parallel_loop3A_602, %parallel_loop3A_321 : vector<16xf32>
        %parallel_loop3A_604 = arith.constant 16 : i32
        %parallel_loop3A_605 = arith.muli %add3A_220, %parallel_loop3A_604 : i32
        %parallel_loop3A_606 = arith.constant 13 : i32
        %parallel_loop3A_607 = arith.addi %parallel_loop3A_605, %parallel_loop3A_606 : i32
        %parallel_loop3A_608 = arith.index_cast %parallel_loop3A_607 : i32 to index
        %parallel_loop3A_609 = memref.load %arg20[%parallel_loop3A_608] : memref<256xf32, #tpu.memory_space<smem>>
        %parallel_loop3A_610 = vector.broadcast %parallel_loop3A_609 : f32 to vector<16xf32>
        %parallel_loop3A_611 = arith.mulf %parallel_loop3A_610, %parallel_loop3A_324 : vector<16xf32>
        %parallel_loop3A_612 = arith.addf %parallel_loop3A_603, %parallel_loop3A_611 : vector<16xf32>
        %parallel_loop3A_613 = arith.constant 13 : i32
        %parallel_loop3A_614 = arith.index_cast %parallel_loop3A_613 : i32 to index
        %parallel_loop3A_615 = arith.index_cast %parallel_loop3A_316 : i32 to index
        %parallel_loop3A_616 = tpu.vector_load %arg14[%parallel_loop3A_614, %parallel_loop3A_615] {strides = array<i32>} : memref<16x1024xf32, #tpu.memory_space<vmem>>, vector<1x16xf32>,
        %parallel_loop3A_617 = vector.shape_cast %parallel_loop3A_616 : vector<1x16xf32> to vector<16xf32>
        %parallel_loop3A_618 = vector.shape_cast %parallel_loop3A_612 : vector<16xf32> to vector<1x16xf32>
        tpu.vector_store %arg14[%parallel_loop3A_614, %parallel_loop3A_615], %parallel_loop3A_618 {add = true, strides = array<i32>} : memref<16x1024xf32, #tpu.memory_space<vmem>>, vector<1x16xf32>,
        %parallel_loop3A_619 = arith.constant 14 : i32
        %parallel_loop3A_620 = arith.index_cast %parallel_loop3A_619 : i32 to index
        %parallel_loop3A_621 = arith.index_cast %parallel_loop3A_316 : i32 to index
        %parallel_loop3A_622 = tpu.vector_load %arg16[%parallel_loop3A_620, %parallel_loop3A_621] {strides = array<i32>} : memref<16x1024xf32, #tpu.memory_space<vmem>>, vector<1x16xf32>,
        %parallel_loop3A_623 = vector.shape_cast %parallel_loop3A_622 : vector<1x16xf32> to vector<16xf32>
        %parallel_loop3A_624 = arith.addf %parallel_loop3A_623, %parallel_loop3A_321 : vector<16xf32>
        %parallel_loop3A_625 = arith.constant 16 : i32
        %parallel_loop3A_626 = arith.muli %add3A_220, %parallel_loop3A_625 : i32
        %parallel_loop3A_627 = arith.constant 14 : i32
        %parallel_loop3A_628 = arith.addi %parallel_loop3A_626, %parallel_loop3A_627 : i32
        %parallel_loop3A_629 = arith.index_cast %parallel_loop3A_628 : i32 to index
        %parallel_loop3A_630 = memref.load %arg20[%parallel_loop3A_629] : memref<256xf32, #tpu.memory_space<smem>>
        %parallel_loop3A_631 = vector.broadcast %parallel_loop3A_630 : f32 to vector<16xf32>
        %parallel_loop3A_632 = arith.mulf %parallel_loop3A_631, %parallel_loop3A_324 : vector<16xf32>
        %parallel_loop3A_633 = arith.addf %parallel_loop3A_624, %parallel_loop3A_632 : vector<16xf32>
        %parallel_loop3A_634 = arith.constant 14 : i32
        %parallel_loop3A_635 = arith.index_cast %parallel_loop3A_634 : i32 to index
        %parallel_loop3A_636 = arith.index_cast %parallel_loop3A_316 : i32 to index
        %parallel_loop3A_637 = tpu.vector_load %arg14[%parallel_loop3A_635, %parallel_loop3A_636] {strides = array<i32>} : memref<16x1024xf32, #tpu.memory_space<vmem>>, vector<1x16xf32>,
        %parallel_loop3A_638 = vector.shape_cast %parallel_loop3A_637 : vector<1x16xf32> to vector<16xf32>
        %parallel_loop3A_639 = vector.shape_cast %parallel_loop3A_633 : vector<16xf32> to vector<1x16xf32>
        tpu.vector_store %arg14[%parallel_loop3A_635, %parallel_loop3A_636], %parallel_loop3A_639 {add = true, strides = array<i32>} : memref<16x1024xf32, #tpu.memory_space<vmem>>, vector<1x16xf32>,
        %parallel_loop3A_640 = arith.constant 15 : i32
        %parallel_loop3A_641 = arith.index_cast %parallel_loop3A_640 : i32 to index
        %parallel_loop3A_642 = arith.index_cast %parallel_loop3A_316 : i32 to index
        %parallel_loop3A_643 = tpu.vector_load %arg16[%parallel_loop3A_641, %parallel_loop3A_642] {strides = array<i32>} : memref<16x1024xf32, #tpu.memory_space<vmem>>, vector<1x16xf32>,
        %parallel_loop3A_644 = vector.shape_cast %parallel_loop3A_643 : vector<1x16xf32> to vector<16xf32>
        %parallel_loop3A_645 = arith.addf %parallel_loop3A_644, %parallel_loop3A_321 : vector<16xf32>
        %parallel_loop3A_646 = arith.constant 16 : i32
        %parallel_loop3A_647 = arith.muli %add3A_220, %parallel_loop3A_646 : i32
        %parallel_loop3A_648 = arith.constant 15 : i32
        %parallel_loop3A_649 = arith.addi %parallel_loop3A_647, %parallel_loop3A_648 : i32
        %parallel_loop3A_650 = arith.index_cast %parallel_loop3A_649 : i32 to index
        %parallel_loop3A_651 = memref.load %arg20[%parallel_loop3A_650] : memref<256xf32, #tpu.memory_space<smem>>
        %parallel_loop3A_652 = vector.broadcast %parallel_loop3A_651 : f32 to vector<16xf32>
        %parallel_loop3A_653 = arith.mulf %parallel_loop3A_652, %parallel_loop3A_324 : vector<16xf32>
        %parallel_loop3A_654 = arith.addf %parallel_loop3A_645, %parallel_loop3A_653 : vector<16xf32>
        %parallel_loop3A_655 = arith.constant 15 : i32
        %parallel_loop3A_656 = arith.index_cast %parallel_loop3A_655 : i32 to index
        %parallel_loop3A_657 = arith.index_cast %parallel_loop3A_316 : i32 to index
        %parallel_loop3A_658 = tpu.vector_load %arg14[%parallel_loop3A_656, %parallel_loop3A_657] {strides = array<i32>} : memref<16x1024xf32, #tpu.memory_space<vmem>>, vector<1x16xf32>,
        %parallel_loop3A_659 = vector.shape_cast %parallel_loop3A_658 : vector<1x16xf32> to vector<16xf32>
        %parallel_loop3A_660 = vector.shape_cast %parallel_loop3A_654 : vector<16xf32> to vector<1x16xf32>
        tpu.vector_store %arg14[%parallel_loop3A_656, %parallel_loop3A_657], %parallel_loop3A_660 {add = true, strides = array<i32>} : memref<16x1024xf32, #tpu.memory_space<vmem>>, vector<1x16xf32>,
      } {sc.loop_unroll_factor = 2 : i64, sc.parallel_access}
      %mul3A_250 = arith.constant 16 : i32
      %mul3A_251 = arith.muli %add3A_220, %mul3A_250 : i32
      %add3A_252 = arith.addi %mul3A_32, %mul3A_251 : i32
      %dma_start3A_253 = arith.constant 0 : i32
      %dma_start3A_254 = arith.constant 0 : i32
      %dma_start3A_255 = tpu.memref_slice %arg8[%select_n3A, %dma_start3A_253, %dma_start3A_254] : memref<4x2048x1024xf32, #tpu.memory_space<hbm>> -> memref<1x2048x1024xf32, #tpu.memory_space<hbm>>
      %dma_start3A_256 = tpu.memref_squeeze %dma_start3A_255 : memref<1x2048x1024xf32, #tpu.memory_space<hbm>> -> memref<2048x1024xf32, #tpu.memory_space<hbm>>
      %dma_start3A_257 = arith.constant 0 : i32
      %dma_start3A_258 = tpu.memref_slice %dma_start3A_256[%add3A_252, %dma_start3A_257] : memref<2048x1024xf32, #tpu.memory_space<hbm>> -> memref<16x1024xf32, #tpu.memory_space<hbm>>
      %dma_start3A_259 = arith.constant 0 : i32
      %dma_start3A_260 = arith.constant 0 : i32
      %dma_start3A_261 = tpu.memref_slice %arg8[%select_n3A, %dma_start3A_259, %dma_start3A_260] : memref<4x2048x1024xf32, #tpu.memory_space<hbm>> -> memref<1x2048x1024xf32, #tpu.memory_space<hbm>>
      %dma_start3A_262 = tpu.memref_squeeze %dma_start3A_261 : memref<1x2048x1024xf32, #tpu.memory_space<hbm>> -> memref<2048x1024xf32, #tpu.memory_space<hbm>>
      %dma_start3A_263 = arith.constant 0 : i32
      %dma_start3A_264 = tpu.memref_slice %dma_start3A_262[%add3A_252, %dma_start3A_263] : memref<2048x1024xf32, #tpu.memory_space<hbm>> -> memref<16x1024xf32, #tpu.memory_space<hbm>>
      tpu.enqueue_dma source(%arg14 : memref<16x1024xf32, #tpu.memory_space<vmem>>) target(%dma_start3A_264 : memref<16x1024xf32, #tpu.memory_space<hbm>>) target_semaphore(%arg29 : memref<!tpu.dma_semaphore, #tpu.memory_space<semaphore_mem>>)
      %mul3A_265 = arith.constant 4 : i32
      %mul3A_266 = arith.muli %mul3A_265, %scan3A_121 : i32
      %add3A_267 = arith.constant 3 : i32
      %add3A_268 = arith.addi %mul3A_266, %add3A_267 : i32
      %add3A_269 = arith.constant 1 : i32
      %add3A_270 = arith.addi %add3A_268, %add3A_269 : i32
      %lt3A_271 = arith.constant 16 : i32
      %lt3A_272 = arith.cmpi slt, %add3A_270, %lt3A_271 : i32
      %convert_element_type3A_273 = arith.extui %lt3A_272 : i1 to i32
      %cond3A_274 = arith.constant 0 : i32
      %cond3A_275 = arith.cmpi ne, %convert_element_type3A_273, %cond3A_274 : i32
      scf.if %cond3A_275 {
        %add3A_314 = arith.constant 1 : i32
        %add3A_315 = arith.addi %add3A_268, %add3A_314 : i32
        %mul3A_316 = arith.constant 16 : i32
        %mul3A_317 = arith.muli %add3A_315, %mul3A_316 : i32
        %dma_start3A_318 = tpu.memref_slice %arg10[%mul3A_317] : memref<256xi32, #tpu.memory_space<vmem>> -> memref<16xi32, #tpu.memory_space<vmem>>
        %dma_start3A_319 = arith.constant 0 : i32
        %dma_start3A_320 = arith.constant 0 : i32
        %dma_start3A_321 = tpu.memref_slice %arg6[%dma_start3A_319, %dma_start3A_320] : memref<2050x1024xf32, #tpu.memory_space<hbm>> -> memref<2050x1024xf32, #tpu.memory_space<hbm>>
        tpu.enqueue_indirect_dma source(%dma_start3A_321 : memref<2050x1024xf32, #tpu.memory_space<hbm>>) target(%arg16 : memref<16x1024xf32, #tpu.memory_space<vmem>>) offsets(%dma_start3A_318 : memref<16xi32, #tpu.memory_space<vmem>>) semaphore(%arg25 : memref<!tpu.dma_semaphore, #tpu.memory_space<semaphore_mem>>)
      } else {
      }
      %add3A_276 = arith.constant 2 : i32
      %add3A_277 = arith.addi %add3A_268, %add3A_276 : i32
      %lt3A_278 = arith.constant 16 : i32
      %lt3A_279 = arith.cmpi slt, %add3A_277, %lt3A_278 : i32
      %convert_element_type3A_280 = arith.extui %lt3A_279 : i1 to i32
      %cond3A_281 = arith.constant 0 : i32
      %cond3A_282 = arith.cmpi ne, %convert_element_type3A_280, %cond3A_281 : i32
      scf.if %cond3A_282 {
        %ge3A = arith.constant 2 : i32
        %ge3A_314 = arith.cmpi sge, %add3A_268, %ge3A : i32
        %convert_element_type3A_315 = arith.extui %ge3A_314 : i1 to i32
        %cond3A_316 = arith.constant 0 : i32
        %cond3A_317 = arith.cmpi ne, %convert_element_type3A_315, %cond3A_316 : i32
        scf.if %cond3A_317 {
          %sub3A_326 = arith.constant 2 : i32
          %sub3A_327 = arith.subi %add3A_268, %sub3A_326 : i32
          %mul3A_328 = arith.constant 16 : i32
          %mul3A_329 = arith.muli %sub3A_327, %mul3A_328 : i32
          %add3A_330 = arith.addi %mul3A_32, %mul3A_329 : i32
          %dma_wait3A_331 = arith.constant 0 : i32
          %dma_wait3A_332 = arith.constant 0 : i32
          %dma_wait3A_333 = tpu.memref_slice %arg8[%select_n3A, %dma_wait3A_331, %dma_wait3A_332] : memref<4x2048x1024xf32, #tpu.memory_space<hbm>> -> memref<1x2048x1024xf32, #tpu.memory_space<hbm>>
          %dma_wait3A_334 = tpu.memref_squeeze %dma_wait3A_333 : memref<1x2048x1024xf32, #tpu.memory_space<hbm>> -> memref<2048x1024xf32, #tpu.memory_space<hbm>>
          %dma_wait3A_335 = arith.constant 0 : i32
          %dma_wait3A_336 = tpu.memref_slice %dma_wait3A_334[%add3A_330, %dma_wait3A_335] : memref<2048x1024xf32, #tpu.memory_space<hbm>> -> memref<16x1024xf32, #tpu.memory_space<hbm>>
          %dma_wait3A_337 = arith.constant 0 : i32
          %dma_wait3A_338 = arith.constant 0 : i32
          %dma_wait3A_339 = tpu.memref_slice %arg8[%select_n3A, %dma_wait3A_337, %dma_wait3A_338] : memref<4x2048x1024xf32, #tpu.memory_space<hbm>> -> memref<1x2048x1024xf32, #tpu.memory_space<hbm>>
          %dma_wait3A_340 = tpu.memref_squeeze %dma_wait3A_339 : memref<1x2048x1024xf32, #tpu.memory_space<hbm>> -> memref<2048x1024xf32, #tpu.memory_space<hbm>>
          %dma_wait3A_341 = arith.constant 0 : i32
          %dma_wait3A_342 = tpu.memref_slice %dma_wait3A_340[%add3A_330, %dma_wait3A_341] : memref<2048x1024xf32, #tpu.memory_space<hbm>> -> memref<16x1024xf32, #tpu.memory_space<hbm>>
          tpu.wait_dma2 semaphore(%arg28 : memref<!tpu.dma_semaphore, #tpu.memory_space<semaphore_mem>>) src(%arg13 : memref<16x1024xf32, #tpu.memory_space<vmem>>) dst(%dma_wait3A_342 : memref<16x1024xf32, #tpu.memory_space<hbm>>)
        } else {
        }
        %add3A_318 = arith.constant 2 : i32
        %add3A_319 = arith.addi %add3A_268, %add3A_318 : i32
        %mul3A_320 = arith.constant 16 : i32
        %mul3A_321 = arith.muli %add3A_319, %mul3A_320 : i32
        %dma_start3A_322 = tpu.memref_slice %arg9[%mul3A_321] : memref<256xi32, #tpu.memory_space<vmem>> -> memref<16xi32, #tpu.memory_space<vmem>>
        %dma_start3A_323 = arith.constant 0 : i32
        %dma_start3A_324 = arith.constant 0 : i32
        %dma_start3A_325 = tpu.memref_slice %arg5[%dma_start3A_323, %dma_start3A_324] : memref<250002x1024xf32, #tpu.memory_space<hbm>> -> memref<250002x1024xf32, #tpu.memory_space<hbm>>
        tpu.enqueue_indirect_dma source(%dma_start3A_325 : memref<250002x1024xf32, #tpu.memory_space<hbm>>) target(%arg13 : memref<16x1024xf32, #tpu.memory_space<vmem>>) offsets(%dma_start3A_322 : memref<16xi32, #tpu.memory_space<vmem>>) semaphore(%arg22 : memref<!tpu.dma_semaphore, #tpu.memory_space<semaphore_mem>>)
      } else {
      }
      %mul3A_283 = arith.constant 16 : i32
      %mul3A_284 = arith.muli %add3A_268, %mul3A_283 : i32
      %dma_wait3A_285 = tpu.memref_slice %arg9[%mul3A_284] : memref<256xi32, #tpu.memory_space<vmem>> -> memref<16xi32, #tpu.memory_space<vmem>>
      %dma_wait3A_286 = arith.constant 0 : i32
      %dma_wait3A_287 = arith.constant 0 : i32
      %dma_wait3A_288 = tpu.memref_slice %arg5[%dma_wait3A_286, %dma_wait3A_287] : memref<250002x1024xf32, #tpu.memory_space<hbm>> -> memref<250002x1024xf32, #tpu.memory_space<hbm>>
      tpu.wait_indirect_dma semaphore(%arg24 : memref<!tpu.dma_semaphore, #tpu.memory_space<semaphore_mem>>) src(%dma_wait3A_288 : memref<250002x1024xf32, #tpu.memory_space<hbm>>) dst(%arg15 : memref<16x1024xf32, #tpu.memory_space<vmem>>)
      %mul3A_289 = arith.constant 16 : i32
      %mul3A_290 = arith.muli %add3A_268, %mul3A_289 : i32
      %dma_wait3A_291 = tpu.memref_slice %arg10[%mul3A_290] : memref<256xi32, #tpu.memory_space<vmem>> -> memref<16xi32, #tpu.memory_space<vmem>>
      %dma_wait3A_292 = arith.constant 0 : i32
      %dma_wait3A_293 = arith.constant 0 : i32
      %dma_wait3A_294 = tpu.memref_slice %arg6[%dma_wait3A_292, %dma_wait3A_293] : memref<2050x1024xf32, #tpu.memory_space<hbm>> -> memref<2050x1024xf32, #tpu.memory_space<hbm>>
      tpu.wait_indirect_dma semaphore(%arg26 : memref<!tpu.dma_semaphore, #tpu.memory_space<semaphore_mem>>) src(%dma_wait3A_294 : memref<2050x1024xf32, #tpu.memory_space<hbm>>) dst(%arg17 : memref<16x1024xf32, #tpu.memory_space<vmem>>)
      %parallel_loop3A_295 = arith.constant 0 : i32
      %parallel_loop3A_296 = arith.constant 64 : i32
      %parallel_loop3A_297 = arith.constant 1 : i32
      scf.for %parallel_loop3A_314 = %parallel_loop3A_295 to %parallel_loop3A_296 step %parallel_loop3A_297  : i32 {
        %parallel_loop3A_315 = arith.constant 16 : i32
        %parallel_loop3A_316 = arith.muli %parallel_loop3A_314, %parallel_loop3A_315 : i32
        %parallel_loop3A_317 = arith.constant 0 : i32
        %parallel_loop3A_318 = arith.index_cast %parallel_loop3A_317 : i32 to index
        %parallel_loop3A_319 = arith.index_cast %parallel_loop3A_316 : i32 to index
        %parallel_loop3A_320 = tpu.vector_load %arg18[%parallel_loop3A_318, %parallel_loop3A_319] {strides = array<i32>} : memref<2x1024xf32, #tpu.memory_space<vmem>>, vector<1x16xf32>,
        %parallel_loop3A_321 = vector.shape_cast %parallel_loop3A_320 : vector<1x16xf32> to vector<16xf32>
        %parallel_loop3A_322 = arith.index_cast %parallel_loop3A_316 : i32 to index
        %parallel_loop3A_323 = tpu.vector_load %arg19[%parallel_loop3A_322] {strides = array<i32>} : memref<1024xf32, #tpu.memory_space<vmem>>, vector<16xf32>,
        %parallel_loop3A_324 = vector.shape_cast %parallel_loop3A_323 : vector<16xf32> to vector<16xf32>
        %parallel_loop3A_325 = arith.constant 0 : i32
        %parallel_loop3A_326 = arith.index_cast %parallel_loop3A_325 : i32 to index
        %parallel_loop3A_327 = arith.index_cast %parallel_loop3A_316 : i32 to index
        %parallel_loop3A_328 = tpu.vector_load %arg17[%parallel_loop3A_326, %parallel_loop3A_327] {strides = array<i32>} : memref<16x1024xf32, #tpu.memory_space<vmem>>, vector<1x16xf32>,
        %parallel_loop3A_329 = vector.shape_cast %parallel_loop3A_328 : vector<1x16xf32> to vector<16xf32>
        %parallel_loop3A_330 = arith.addf %parallel_loop3A_329, %parallel_loop3A_321 : vector<16xf32>
        %parallel_loop3A_331 = arith.constant 16 : i32
        %parallel_loop3A_332 = arith.muli %add3A_268, %parallel_loop3A_331 : i32
        %parallel_loop3A_333 = arith.constant 0 : i32
        %parallel_loop3A_334 = arith.addi %parallel_loop3A_332, %parallel_loop3A_333 : i32
        %parallel_loop3A_335 = arith.index_cast %parallel_loop3A_334 : i32 to index
        %parallel_loop3A_336 = memref.load %arg20[%parallel_loop3A_335] : memref<256xf32, #tpu.memory_space<smem>>
        %parallel_loop3A_337 = vector.broadcast %parallel_loop3A_336 : f32 to vector<16xf32>
        %parallel_loop3A_338 = arith.mulf %parallel_loop3A_337, %parallel_loop3A_324 : vector<16xf32>
        %parallel_loop3A_339 = arith.addf %parallel_loop3A_330, %parallel_loop3A_338 : vector<16xf32>
        %parallel_loop3A_340 = arith.constant 0 : i32
        %parallel_loop3A_341 = arith.index_cast %parallel_loop3A_340 : i32 to index
        %parallel_loop3A_342 = arith.index_cast %parallel_loop3A_316 : i32 to index
        %parallel_loop3A_343 = tpu.vector_load %arg15[%parallel_loop3A_341, %parallel_loop3A_342] {strides = array<i32>} : memref<16x1024xf32, #tpu.memory_space<vmem>>, vector<1x16xf32>,
        %parallel_loop3A_344 = vector.shape_cast %parallel_loop3A_343 : vector<1x16xf32> to vector<16xf32>
        %parallel_loop3A_345 = vector.shape_cast %parallel_loop3A_339 : vector<16xf32> to vector<1x16xf32>
        tpu.vector_store %arg15[%parallel_loop3A_341, %parallel_loop3A_342], %parallel_loop3A_345 {add = true, strides = array<i32>} : memref<16x1024xf32, #tpu.memory_space<vmem>>, vector<1x16xf32>,
        %parallel_loop3A_346 = arith.constant 1 : i32
        %parallel_loop3A_347 = arith.index_cast %parallel_loop3A_346 : i32 to index
        %parallel_loop3A_348 = arith.index_cast %parallel_loop3A_316 : i32 to index
        %parallel_loop3A_349 = tpu.vector_load %arg17[%parallel_loop3A_347, %parallel_loop3A_348] {strides = array<i32>} : memref<16x1024xf32, #tpu.memory_space<vmem>>, vector<1x16xf32>,
        %parallel_loop3A_350 = vector.shape_cast %parallel_loop3A_349 : vector<1x16xf32> to vector<16xf32>
        %parallel_loop3A_351 = arith.addf %parallel_loop3A_350, %parallel_loop3A_321 : vector<16xf32>
        %parallel_loop3A_352 = arith.constant 16 : i32
        %parallel_loop3A_353 = arith.muli %add3A_268, %parallel_loop3A_352 : i32
        %parallel_loop3A_354 = arith.constant 1 : i32
        %parallel_loop3A_355 = arith.addi %parallel_loop3A_353, %parallel_loop3A_354 : i32
        %parallel_loop3A_356 = arith.index_cast %parallel_loop3A_355 : i32 to index
        %parallel_loop3A_357 = memref.load %arg20[%parallel_loop3A_356] : memref<256xf32, #tpu.memory_space<smem>>
        %parallel_loop3A_358 = vector.broadcast %parallel_loop3A_357 : f32 to vector<16xf32>
        %parallel_loop3A_359 = arith.mulf %parallel_loop3A_358, %parallel_loop3A_324 : vector<16xf32>
        %parallel_loop3A_360 = arith.addf %parallel_loop3A_351, %parallel_loop3A_359 : vector<16xf32>
        %parallel_loop3A_361 = arith.constant 1 : i32
        %parallel_loop3A_362 = arith.index_cast %parallel_loop3A_361 : i32 to index
        %parallel_loop3A_363 = arith.index_cast %parallel_loop3A_316 : i32 to index
        %parallel_loop3A_364 = tpu.vector_load %arg15[%parallel_loop3A_362, %parallel_loop3A_363] {strides = array<i32>} : memref<16x1024xf32, #tpu.memory_space<vmem>>, vector<1x16xf32>,
        %parallel_loop3A_365 = vector.shape_cast %parallel_loop3A_364 : vector<1x16xf32> to vector<16xf32>
        %parallel_loop3A_366 = vector.shape_cast %parallel_loop3A_360 : vector<16xf32> to vector<1x16xf32>
        tpu.vector_store %arg15[%parallel_loop3A_362, %parallel_loop3A_363], %parallel_loop3A_366 {add = true, strides = array<i32>} : memref<16x1024xf32, #tpu.memory_space<vmem>>, vector<1x16xf32>,
        %parallel_loop3A_367 = arith.constant 2 : i32
        %parallel_loop3A_368 = arith.index_cast %parallel_loop3A_367 : i32 to index
        %parallel_loop3A_369 = arith.index_cast %parallel_loop3A_316 : i32 to index
        %parallel_loop3A_370 = tpu.vector_load %arg17[%parallel_loop3A_368, %parallel_loop3A_369] {strides = array<i32>} : memref<16x1024xf32, #tpu.memory_space<vmem>>, vector<1x16xf32>,
        %parallel_loop3A_371 = vector.shape_cast %parallel_loop3A_370 : vector<1x16xf32> to vector<16xf32>
        %parallel_loop3A_372 = arith.addf %parallel_loop3A_371, %parallel_loop3A_321 : vector<16xf32>
        %parallel_loop3A_373 = arith.constant 16 : i32
        %parallel_loop3A_374 = arith.muli %add3A_268, %parallel_loop3A_373 : i32
        %parallel_loop3A_375 = arith.constant 2 : i32
        %parallel_loop3A_376 = arith.addi %parallel_loop3A_374, %parallel_loop3A_375 : i32
        %parallel_loop3A_377 = arith.index_cast %parallel_loop3A_376 : i32 to index
        %parallel_loop3A_378 = memref.load %arg20[%parallel_loop3A_377] : memref<256xf32, #tpu.memory_space<smem>>
        %parallel_loop3A_379 = vector.broadcast %parallel_loop3A_378 : f32 to vector<16xf32>
        %parallel_loop3A_380 = arith.mulf %parallel_loop3A_379, %parallel_loop3A_324 : vector<16xf32>
        %parallel_loop3A_381 = arith.addf %parallel_loop3A_372, %parallel_loop3A_380 : vector<16xf32>
        %parallel_loop3A_382 = arith.constant 2 : i32
        %parallel_loop3A_383 = arith.index_cast %parallel_loop3A_382 : i32 to index
        %parallel_loop3A_384 = arith.index_cast %parallel_loop3A_316 : i32 to index
        %parallel_loop3A_385 = tpu.vector_load %arg15[%parallel_loop3A_383, %parallel_loop3A_384] {strides = array<i32>} : memref<16x1024xf32, #tpu.memory_space<vmem>>, vector<1x16xf32>,
        %parallel_loop3A_386 = vector.shape_cast %parallel_loop3A_385 : vector<1x16xf32> to vector<16xf32>
        %parallel_loop3A_387 = vector.shape_cast %parallel_loop3A_381 : vector<16xf32> to vector<1x16xf32>
        tpu.vector_store %arg15[%parallel_loop3A_383, %parallel_loop3A_384], %parallel_loop3A_387 {add = true, strides = array<i32>} : memref<16x1024xf32, #tpu.memory_space<vmem>>, vector<1x16xf32>,
        %parallel_loop3A_388 = arith.constant 3 : i32
        %parallel_loop3A_389 = arith.index_cast %parallel_loop3A_388 : i32 to index
        %parallel_loop3A_390 = arith.index_cast %parallel_loop3A_316 : i32 to index
        %parallel_loop3A_391 = tpu.vector_load %arg17[%parallel_loop3A_389, %parallel_loop3A_390] {strides = array<i32>} : memref<16x1024xf32, #tpu.memory_space<vmem>>, vector<1x16xf32>,
        %parallel_loop3A_392 = vector.shape_cast %parallel_loop3A_391 : vector<1x16xf32> to vector<16xf32>
        %parallel_loop3A_393 = arith.addf %parallel_loop3A_392, %parallel_loop3A_321 : vector<16xf32>
        %parallel_loop3A_394 = arith.constant 16 : i32
        %parallel_loop3A_395 = arith.muli %add3A_268, %parallel_loop3A_394 : i32
        %parallel_loop3A_396 = arith.constant 3 : i32
        %parallel_loop3A_397 = arith.addi %parallel_loop3A_395, %parallel_loop3A_396 : i32
        %parallel_loop3A_398 = arith.index_cast %parallel_loop3A_397 : i32 to index
        %parallel_loop3A_399 = memref.load %arg20[%parallel_loop3A_398] : memref<256xf32, #tpu.memory_space<smem>>
        %parallel_loop3A_400 = vector.broadcast %parallel_loop3A_399 : f32 to vector<16xf32>
        %parallel_loop3A_401 = arith.mulf %parallel_loop3A_400, %parallel_loop3A_324 : vector<16xf32>
        %parallel_loop3A_402 = arith.addf %parallel_loop3A_393, %parallel_loop3A_401 : vector<16xf32>
        %parallel_loop3A_403 = arith.constant 3 : i32
        %parallel_loop3A_404 = arith.index_cast %parallel_loop3A_403 : i32 to index
        %parallel_loop3A_405 = arith.index_cast %parallel_loop3A_316 : i32 to index
        %parallel_loop3A_406 = tpu.vector_load %arg15[%parallel_loop3A_404, %parallel_loop3A_405] {strides = array<i32>} : memref<16x1024xf32, #tpu.memory_space<vmem>>, vector<1x16xf32>,
        %parallel_loop3A_407 = vector.shape_cast %parallel_loop3A_406 : vector<1x16xf32> to vector<16xf32>
        %parallel_loop3A_408 = vector.shape_cast %parallel_loop3A_402 : vector<16xf32> to vector<1x16xf32>
        tpu.vector_store %arg15[%parallel_loop3A_404, %parallel_loop3A_405], %parallel_loop3A_408 {add = true, strides = array<i32>} : memref<16x1024xf32, #tpu.memory_space<vmem>>, vector<1x16xf32>,
        %parallel_loop3A_409 = arith.constant 4 : i32
        %parallel_loop3A_410 = arith.index_cast %parallel_loop3A_409 : i32 to index
        %parallel_loop3A_411 = arith.index_cast %parallel_loop3A_316 : i32 to index
        %parallel_loop3A_412 = tpu.vector_load %arg17[%parallel_loop3A_410, %parallel_loop3A_411] {strides = array<i32>} : memref<16x1024xf32, #tpu.memory_space<vmem>>, vector<1x16xf32>,
        %parallel_loop3A_413 = vector.shape_cast %parallel_loop3A_412 : vector<1x16xf32> to vector<16xf32>
        %parallel_loop3A_414 = arith.addf %parallel_loop3A_413, %parallel_loop3A_321 : vector<16xf32>
        %parallel_loop3A_415 = arith.constant 16 : i32
        %parallel_loop3A_416 = arith.muli %add3A_268, %parallel_loop3A_415 : i32
        %parallel_loop3A_417 = arith.constant 4 : i32
        %parallel_loop3A_418 = arith.addi %parallel_loop3A_416, %parallel_loop3A_417 : i32
        %parallel_loop3A_419 = arith.index_cast %parallel_loop3A_418 : i32 to index
        %parallel_loop3A_420 = memref.load %arg20[%parallel_loop3A_419] : memref<256xf32, #tpu.memory_space<smem>>
        %parallel_loop3A_421 = vector.broadcast %parallel_loop3A_420 : f32 to vector<16xf32>
        %parallel_loop3A_422 = arith.mulf %parallel_loop3A_421, %parallel_loop3A_324 : vector<16xf32>
        %parallel_loop3A_423 = arith.addf %parallel_loop3A_414, %parallel_loop3A_422 : vector<16xf32>
        %parallel_loop3A_424 = arith.constant 4 : i32
        %parallel_loop3A_425 = arith.index_cast %parallel_loop3A_424 : i32 to index
        %parallel_loop3A_426 = arith.index_cast %parallel_loop3A_316 : i32 to index
        %parallel_loop3A_427 = tpu.vector_load %arg15[%parallel_loop3A_425, %parallel_loop3A_426] {strides = array<i32>} : memref<16x1024xf32, #tpu.memory_space<vmem>>, vector<1x16xf32>,
        %parallel_loop3A_428 = vector.shape_cast %parallel_loop3A_427 : vector<1x16xf32> to vector<16xf32>
        %parallel_loop3A_429 = vector.shape_cast %parallel_loop3A_423 : vector<16xf32> to vector<1x16xf32>
        tpu.vector_store %arg15[%parallel_loop3A_425, %parallel_loop3A_426], %parallel_loop3A_429 {add = true, strides = array<i32>} : memref<16x1024xf32, #tpu.memory_space<vmem>>, vector<1x16xf32>,
        %parallel_loop3A_430 = arith.constant 5 : i32
        %parallel_loop3A_431 = arith.index_cast %parallel_loop3A_430 : i32 to index
        %parallel_loop3A_432 = arith.index_cast %parallel_loop3A_316 : i32 to index
        %parallel_loop3A_433 = tpu.vector_load %arg17[%parallel_loop3A_431, %parallel_loop3A_432] {strides = array<i32>} : memref<16x1024xf32, #tpu.memory_space<vmem>>, vector<1x16xf32>,
        %parallel_loop3A_434 = vector.shape_cast %parallel_loop3A_433 : vector<1x16xf32> to vector<16xf32>
        %parallel_loop3A_435 = arith.addf %parallel_loop3A_434, %parallel_loop3A_321 : vector<16xf32>
        %parallel_loop3A_436 = arith.constant 16 : i32
        %parallel_loop3A_437 = arith.muli %add3A_268, %parallel_loop3A_436 : i32
        %parallel_loop3A_438 = arith.constant 5 : i32
        %parallel_loop3A_439 = arith.addi %parallel_loop3A_437, %parallel_loop3A_438 : i32
        %parallel_loop3A_440 = arith.index_cast %parallel_loop3A_439 : i32 to index
        %parallel_loop3A_441 = memref.load %arg20[%parallel_loop3A_440] : memref<256xf32, #tpu.memory_space<smem>>
        %parallel_loop3A_442 = vector.broadcast %parallel_loop3A_441 : f32 to vector<16xf32>
        %parallel_loop3A_443 = arith.mulf %parallel_loop3A_442, %parallel_loop3A_324 : vector<16xf32>
        %parallel_loop3A_444 = arith.addf %parallel_loop3A_435, %parallel_loop3A_443 : vector<16xf32>
        %parallel_loop3A_445 = arith.constant 5 : i32
        %parallel_loop3A_446 = arith.index_cast %parallel_loop3A_445 : i32 to index
        %parallel_loop3A_447 = arith.index_cast %parallel_loop3A_316 : i32 to index
        %parallel_loop3A_448 = tpu.vector_load %arg15[%parallel_loop3A_446, %parallel_loop3A_447] {strides = array<i32>} : memref<16x1024xf32, #tpu.memory_space<vmem>>, vector<1x16xf32>,
        %parallel_loop3A_449 = vector.shape_cast %parallel_loop3A_448 : vector<1x16xf32> to vector<16xf32>
        %parallel_loop3A_450 = vector.shape_cast %parallel_loop3A_444 : vector<16xf32> to vector<1x16xf32>
        tpu.vector_store %arg15[%parallel_loop3A_446, %parallel_loop3A_447], %parallel_loop3A_450 {add = true, strides = array<i32>} : memref<16x1024xf32, #tpu.memory_space<vmem>>, vector<1x16xf32>,
        %parallel_loop3A_451 = arith.constant 6 : i32
        %parallel_loop3A_452 = arith.index_cast %parallel_loop3A_451 : i32 to index
        %parallel_loop3A_453 = arith.index_cast %parallel_loop3A_316 : i32 to index
        %parallel_loop3A_454 = tpu.vector_load %arg17[%parallel_loop3A_452, %parallel_loop3A_453] {strides = array<i32>} : memref<16x1024xf32, #tpu.memory_space<vmem>>, vector<1x16xf32>,
        %parallel_loop3A_455 = vector.shape_cast %parallel_loop3A_454 : vector<1x16xf32> to vector<16xf32>
        %parallel_loop3A_456 = arith.addf %parallel_loop3A_455, %parallel_loop3A_321 : vector<16xf32>
        %parallel_loop3A_457 = arith.constant 16 : i32
        %parallel_loop3A_458 = arith.muli %add3A_268, %parallel_loop3A_457 : i32
        %parallel_loop3A_459 = arith.constant 6 : i32
        %parallel_loop3A_460 = arith.addi %parallel_loop3A_458, %parallel_loop3A_459 : i32
        %parallel_loop3A_461 = arith.index_cast %parallel_loop3A_460 : i32 to index
        %parallel_loop3A_462 = memref.load %arg20[%parallel_loop3A_461] : memref<256xf32, #tpu.memory_space<smem>>
        %parallel_loop3A_463 = vector.broadcast %parallel_loop3A_462 : f32 to vector<16xf32>
        %parallel_loop3A_464 = arith.mulf %parallel_loop3A_463, %parallel_loop3A_324 : vector<16xf32>
        %parallel_loop3A_465 = arith.addf %parallel_loop3A_456, %parallel_loop3A_464 : vector<16xf32>
        %parallel_loop3A_466 = arith.constant 6 : i32
        %parallel_loop3A_467 = arith.index_cast %parallel_loop3A_466 : i32 to index
        %parallel_loop3A_468 = arith.index_cast %parallel_loop3A_316 : i32 to index
        %parallel_loop3A_469 = tpu.vector_load %arg15[%parallel_loop3A_467, %parallel_loop3A_468] {strides = array<i32>} : memref<16x1024xf32, #tpu.memory_space<vmem>>, vector<1x16xf32>,
        %parallel_loop3A_470 = vector.shape_cast %parallel_loop3A_469 : vector<1x16xf32> to vector<16xf32>
        %parallel_loop3A_471 = vector.shape_cast %parallel_loop3A_465 : vector<16xf32> to vector<1x16xf32>
        tpu.vector_store %arg15[%parallel_loop3A_467, %parallel_loop3A_468], %parallel_loop3A_471 {add = true, strides = array<i32>} : memref<16x1024xf32, #tpu.memory_space<vmem>>, vector<1x16xf32>,
        %parallel_loop3A_472 = arith.constant 7 : i32
        %parallel_loop3A_473 = arith.index_cast %parallel_loop3A_472 : i32 to index
        %parallel_loop3A_474 = arith.index_cast %parallel_loop3A_316 : i32 to index
        %parallel_loop3A_475 = tpu.vector_load %arg17[%parallel_loop3A_473, %parallel_loop3A_474] {strides = array<i32>} : memref<16x1024xf32, #tpu.memory_space<vmem>>, vector<1x16xf32>,
        %parallel_loop3A_476 = vector.shape_cast %parallel_loop3A_475 : vector<1x16xf32> to vector<16xf32>
        %parallel_loop3A_477 = arith.addf %parallel_loop3A_476, %parallel_loop3A_321 : vector<16xf32>
        %parallel_loop3A_478 = arith.constant 16 : i32
        %parallel_loop3A_479 = arith.muli %add3A_268, %parallel_loop3A_478 : i32
        %parallel_loop3A_480 = arith.constant 7 : i32
        %parallel_loop3A_481 = arith.addi %parallel_loop3A_479, %parallel_loop3A_480 : i32
        %parallel_loop3A_482 = arith.index_cast %parallel_loop3A_481 : i32 to index
        %parallel_loop3A_483 = memref.load %arg20[%parallel_loop3A_482] : memref<256xf32, #tpu.memory_space<smem>>
        %parallel_loop3A_484 = vector.broadcast %parallel_loop3A_483 : f32 to vector<16xf32>
        %parallel_loop3A_485 = arith.mulf %parallel_loop3A_484, %parallel_loop3A_324 : vector<16xf32>
        %parallel_loop3A_486 = arith.addf %parallel_loop3A_477, %parallel_loop3A_485 : vector<16xf32>
        %parallel_loop3A_487 = arith.constant 7 : i32
        %parallel_loop3A_488 = arith.index_cast %parallel_loop3A_487 : i32 to index
        %parallel_loop3A_489 = arith.index_cast %parallel_loop3A_316 : i32 to index
        %parallel_loop3A_490 = tpu.vector_load %arg15[%parallel_loop3A_488, %parallel_loop3A_489] {strides = array<i32>} : memref<16x1024xf32, #tpu.memory_space<vmem>>, vector<1x16xf32>,
        %parallel_loop3A_491 = vector.shape_cast %parallel_loop3A_490 : vector<1x16xf32> to vector<16xf32>
        %parallel_loop3A_492 = vector.shape_cast %parallel_loop3A_486 : vector<16xf32> to vector<1x16xf32>
        tpu.vector_store %arg15[%parallel_loop3A_488, %parallel_loop3A_489], %parallel_loop3A_492 {add = true, strides = array<i32>} : memref<16x1024xf32, #tpu.memory_space<vmem>>, vector<1x16xf32>,
        %parallel_loop3A_493 = arith.constant 8 : i32
        %parallel_loop3A_494 = arith.index_cast %parallel_loop3A_493 : i32 to index
        %parallel_loop3A_495 = arith.index_cast %parallel_loop3A_316 : i32 to index
        %parallel_loop3A_496 = tpu.vector_load %arg17[%parallel_loop3A_494, %parallel_loop3A_495] {strides = array<i32>} : memref<16x1024xf32, #tpu.memory_space<vmem>>, vector<1x16xf32>,
        %parallel_loop3A_497 = vector.shape_cast %parallel_loop3A_496 : vector<1x16xf32> to vector<16xf32>
        %parallel_loop3A_498 = arith.addf %parallel_loop3A_497, %parallel_loop3A_321 : vector<16xf32>
        %parallel_loop3A_499 = arith.constant 16 : i32
        %parallel_loop3A_500 = arith.muli %add3A_268, %parallel_loop3A_499 : i32
        %parallel_loop3A_501 = arith.constant 8 : i32
        %parallel_loop3A_502 = arith.addi %parallel_loop3A_500, %parallel_loop3A_501 : i32
        %parallel_loop3A_503 = arith.index_cast %parallel_loop3A_502 : i32 to index
        %parallel_loop3A_504 = memref.load %arg20[%parallel_loop3A_503] : memref<256xf32, #tpu.memory_space<smem>>
        %parallel_loop3A_505 = vector.broadcast %parallel_loop3A_504 : f32 to vector<16xf32>
        %parallel_loop3A_506 = arith.mulf %parallel_loop3A_505, %parallel_loop3A_324 : vector<16xf32>
        %parallel_loop3A_507 = arith.addf %parallel_loop3A_498, %parallel_loop3A_506 : vector<16xf32>
        %parallel_loop3A_508 = arith.constant 8 : i32
        %parallel_loop3A_509 = arith.index_cast %parallel_loop3A_508 : i32 to index
        %parallel_loop3A_510 = arith.index_cast %parallel_loop3A_316 : i32 to index
        %parallel_loop3A_511 = tpu.vector_load %arg15[%parallel_loop3A_509, %parallel_loop3A_510] {strides = array<i32>} : memref<16x1024xf32, #tpu.memory_space<vmem>>, vector<1x16xf32>,
        %parallel_loop3A_512 = vector.shape_cast %parallel_loop3A_511 : vector<1x16xf32> to vector<16xf32>
        %parallel_loop3A_513 = vector.shape_cast %parallel_loop3A_507 : vector<16xf32> to vector<1x16xf32>
        tpu.vector_store %arg15[%parallel_loop3A_509, %parallel_loop3A_510], %parallel_loop3A_513 {add = true, strides = array<i32>} : memref<16x1024xf32, #tpu.memory_space<vmem>>, vector<1x16xf32>,
        %parallel_loop3A_514 = arith.constant 9 : i32
        %parallel_loop3A_515 = arith.index_cast %parallel_loop3A_514 : i32 to index
        %parallel_loop3A_516 = arith.index_cast %parallel_loop3A_316 : i32 to index
        %parallel_loop3A_517 = tpu.vector_load %arg17[%parallel_loop3A_515, %parallel_loop3A_516] {strides = array<i32>} : memref<16x1024xf32, #tpu.memory_space<vmem>>, vector<1x16xf32>,
        %parallel_loop3A_518 = vector.shape_cast %parallel_loop3A_517 : vector<1x16xf32> to vector<16xf32>
        %parallel_loop3A_519 = arith.addf %parallel_loop3A_518, %parallel_loop3A_321 : vector<16xf32>
        %parallel_loop3A_520 = arith.constant 16 : i32
        %parallel_loop3A_521 = arith.muli %add3A_268, %parallel_loop3A_520 : i32
        %parallel_loop3A_522 = arith.constant 9 : i32
        %parallel_loop3A_523 = arith.addi %parallel_loop3A_521, %parallel_loop3A_522 : i32
        %parallel_loop3A_524 = arith.index_cast %parallel_loop3A_523 : i32 to index
        %parallel_loop3A_525 = memref.load %arg20[%parallel_loop3A_524] : memref<256xf32, #tpu.memory_space<smem>>
        %parallel_loop3A_526 = vector.broadcast %parallel_loop3A_525 : f32 to vector<16xf32>
        %parallel_loop3A_527 = arith.mulf %parallel_loop3A_526, %parallel_loop3A_324 : vector<16xf32>
        %parallel_loop3A_528 = arith.addf %parallel_loop3A_519, %parallel_loop3A_527 : vector<16xf32>
        %parallel_loop3A_529 = arith.constant 9 : i32
        %parallel_loop3A_530 = arith.index_cast %parallel_loop3A_529 : i32 to index
        %parallel_loop3A_531 = arith.index_cast %parallel_loop3A_316 : i32 to index
        %parallel_loop3A_532 = tpu.vector_load %arg15[%parallel_loop3A_530, %parallel_loop3A_531] {strides = array<i32>} : memref<16x1024xf32, #tpu.memory_space<vmem>>, vector<1x16xf32>,
        %parallel_loop3A_533 = vector.shape_cast %parallel_loop3A_532 : vector<1x16xf32> to vector<16xf32>
        %parallel_loop3A_534 = vector.shape_cast %parallel_loop3A_528 : vector<16xf32> to vector<1x16xf32>
        tpu.vector_store %arg15[%parallel_loop3A_530, %parallel_loop3A_531], %parallel_loop3A_534 {add = true, strides = array<i32>} : memref<16x1024xf32, #tpu.memory_space<vmem>>, vector<1x16xf32>,
        %parallel_loop3A_535 = arith.constant 10 : i32
        %parallel_loop3A_536 = arith.index_cast %parallel_loop3A_535 : i32 to index
        %parallel_loop3A_537 = arith.index_cast %parallel_loop3A_316 : i32 to index
        %parallel_loop3A_538 = tpu.vector_load %arg17[%parallel_loop3A_536, %parallel_loop3A_537] {strides = array<i32>} : memref<16x1024xf32, #tpu.memory_space<vmem>>, vector<1x16xf32>,
        %parallel_loop3A_539 = vector.shape_cast %parallel_loop3A_538 : vector<1x16xf32> to vector<16xf32>
        %parallel_loop3A_540 = arith.addf %parallel_loop3A_539, %parallel_loop3A_321 : vector<16xf32>
        %parallel_loop3A_541 = arith.constant 16 : i32
        %parallel_loop3A_542 = arith.muli %add3A_268, %parallel_loop3A_541 : i32
        %parallel_loop3A_543 = arith.constant 10 : i32
        %parallel_loop3A_544 = arith.addi %parallel_loop3A_542, %parallel_loop3A_543 : i32
        %parallel_loop3A_545 = arith.index_cast %parallel_loop3A_544 : i32 to index
        %parallel_loop3A_546 = memref.load %arg20[%parallel_loop3A_545] : memref<256xf32, #tpu.memory_space<smem>>
        %parallel_loop3A_547 = vector.broadcast %parallel_loop3A_546 : f32 to vector<16xf32>
        %parallel_loop3A_548 = arith.mulf %parallel_loop3A_547, %parallel_loop3A_324 : vector<16xf32>
        %parallel_loop3A_549 = arith.addf %parallel_loop3A_540, %parallel_loop3A_548 : vector<16xf32>
        %parallel_loop3A_550 = arith.constant 10 : i32
        %parallel_loop3A_551 = arith.index_cast %parallel_loop3A_550 : i32 to index
        %parallel_loop3A_552 = arith.index_cast %parallel_loop3A_316 : i32 to index
        %parallel_loop3A_553 = tpu.vector_load %arg15[%parallel_loop3A_551, %parallel_loop3A_552] {strides = array<i32>} : memref<16x1024xf32, #tpu.memory_space<vmem>>, vector<1x16xf32>,
        %parallel_loop3A_554 = vector.shape_cast %parallel_loop3A_553 : vector<1x16xf32> to vector<16xf32>
        %parallel_loop3A_555 = vector.shape_cast %parallel_loop3A_549 : vector<16xf32> to vector<1x16xf32>
        tpu.vector_store %arg15[%parallel_loop3A_551, %parallel_loop3A_552], %parallel_loop3A_555 {add = true, strides = array<i32>} : memref<16x1024xf32, #tpu.memory_space<vmem>>, vector<1x16xf32>,
        %parallel_loop3A_556 = arith.constant 11 : i32
        %parallel_loop3A_557 = arith.index_cast %parallel_loop3A_556 : i32 to index
        %parallel_loop3A_558 = arith.index_cast %parallel_loop3A_316 : i32 to index
        %parallel_loop3A_559 = tpu.vector_load %arg17[%parallel_loop3A_557, %parallel_loop3A_558] {strides = array<i32>} : memref<16x1024xf32, #tpu.memory_space<vmem>>, vector<1x16xf32>,
        %parallel_loop3A_560 = vector.shape_cast %parallel_loop3A_559 : vector<1x16xf32> to vector<16xf32>
        %parallel_loop3A_561 = arith.addf %parallel_loop3A_560, %parallel_loop3A_321 : vector<16xf32>
        %parallel_loop3A_562 = arith.constant 16 : i32
        %parallel_loop3A_563 = arith.muli %add3A_268, %parallel_loop3A_562 : i32
        %parallel_loop3A_564 = arith.constant 11 : i32
        %parallel_loop3A_565 = arith.addi %parallel_loop3A_563, %parallel_loop3A_564 : i32
        %parallel_loop3A_566 = arith.index_cast %parallel_loop3A_565 : i32 to index
        %parallel_loop3A_567 = memref.load %arg20[%parallel_loop3A_566] : memref<256xf32, #tpu.memory_space<smem>>
        %parallel_loop3A_568 = vector.broadcast %parallel_loop3A_567 : f32 to vector<16xf32>
        %parallel_loop3A_569 = arith.mulf %parallel_loop3A_568, %parallel_loop3A_324 : vector<16xf32>
        %parallel_loop3A_570 = arith.addf %parallel_loop3A_561, %parallel_loop3A_569 : vector<16xf32>
        %parallel_loop3A_571 = arith.constant 11 : i32
        %parallel_loop3A_572 = arith.index_cast %parallel_loop3A_571 : i32 to index
        %parallel_loop3A_573 = arith.index_cast %parallel_loop3A_316 : i32 to index
        %parallel_loop3A_574 = tpu.vector_load %arg15[%parallel_loop3A_572, %parallel_loop3A_573] {strides = array<i32>} : memref<16x1024xf32, #tpu.memory_space<vmem>>, vector<1x16xf32>,
        %parallel_loop3A_575 = vector.shape_cast %parallel_loop3A_574 : vector<1x16xf32> to vector<16xf32>
        %parallel_loop3A_576 = vector.shape_cast %parallel_loop3A_570 : vector<16xf32> to vector<1x16xf32>
        tpu.vector_store %arg15[%parallel_loop3A_572, %parallel_loop3A_573], %parallel_loop3A_576 {add = true, strides = array<i32>} : memref<16x1024xf32, #tpu.memory_space<vmem>>, vector<1x16xf32>,
        %parallel_loop3A_577 = arith.constant 12 : i32
        %parallel_loop3A_578 = arith.index_cast %parallel_loop3A_577 : i32 to index
        %parallel_loop3A_579 = arith.index_cast %parallel_loop3A_316 : i32 to index
        %parallel_loop3A_580 = tpu.vector_load %arg17[%parallel_loop3A_578, %parallel_loop3A_579] {strides = array<i32>} : memref<16x1024xf32, #tpu.memory_space<vmem>>, vector<1x16xf32>,
        %parallel_loop3A_581 = vector.shape_cast %parallel_loop3A_580 : vector<1x16xf32> to vector<16xf32>
        %parallel_loop3A_582 = arith.addf %parallel_loop3A_581, %parallel_loop3A_321 : vector<16xf32>
        %parallel_loop3A_583 = arith.constant 16 : i32
        %parallel_loop3A_584 = arith.muli %add3A_268, %parallel_loop3A_583 : i32
        %parallel_loop3A_585 = arith.constant 12 : i32
        %parallel_loop3A_586 = arith.addi %parallel_loop3A_584, %parallel_loop3A_585 : i32
        %parallel_loop3A_587 = arith.index_cast %parallel_loop3A_586 : i32 to index
        %parallel_loop3A_588 = memref.load %arg20[%parallel_loop3A_587] : memref<256xf32, #tpu.memory_space<smem>>
        %parallel_loop3A_589 = vector.broadcast %parallel_loop3A_588 : f32 to vector<16xf32>
        %parallel_loop3A_590 = arith.mulf %parallel_loop3A_589, %parallel_loop3A_324 : vector<16xf32>
        %parallel_loop3A_591 = arith.addf %parallel_loop3A_582, %parallel_loop3A_590 : vector<16xf32>
        %parallel_loop3A_592 = arith.constant 12 : i32
        %parallel_loop3A_593 = arith.index_cast %parallel_loop3A_592 : i32 to index
        %parallel_loop3A_594 = arith.index_cast %parallel_loop3A_316 : i32 to index
        %parallel_loop3A_595 = tpu.vector_load %arg15[%parallel_loop3A_593, %parallel_loop3A_594] {strides = array<i32>} : memref<16x1024xf32, #tpu.memory_space<vmem>>, vector<1x16xf32>,
        %parallel_loop3A_596 = vector.shape_cast %parallel_loop3A_595 : vector<1x16xf32> to vector<16xf32>
        %parallel_loop3A_597 = vector.shape_cast %parallel_loop3A_591 : vector<16xf32> to vector<1x16xf32>
        tpu.vector_store %arg15[%parallel_loop3A_593, %parallel_loop3A_594], %parallel_loop3A_597 {add = true, strides = array<i32>} : memref<16x1024xf32, #tpu.memory_space<vmem>>, vector<1x16xf32>,
        %parallel_loop3A_598 = arith.constant 13 : i32
        %parallel_loop3A_599 = arith.index_cast %parallel_loop3A_598 : i32 to index
        %parallel_loop3A_600 = arith.index_cast %parallel_loop3A_316 : i32 to index
        %parallel_loop3A_601 = tpu.vector_load %arg17[%parallel_loop3A_599, %parallel_loop3A_600] {strides = array<i32>} : memref<16x1024xf32, #tpu.memory_space<vmem>>, vector<1x16xf32>,
        %parallel_loop3A_602 = vector.shape_cast %parallel_loop3A_601 : vector<1x16xf32> to vector<16xf32>
        %parallel_loop3A_603 = arith.addf %parallel_loop3A_602, %parallel_loop3A_321 : vector<16xf32>
        %parallel_loop3A_604 = arith.constant 16 : i32
        %parallel_loop3A_605 = arith.muli %add3A_268, %parallel_loop3A_604 : i32
        %parallel_loop3A_606 = arith.constant 13 : i32
        %parallel_loop3A_607 = arith.addi %parallel_loop3A_605, %parallel_loop3A_606 : i32
        %parallel_loop3A_608 = arith.index_cast %parallel_loop3A_607 : i32 to index
        %parallel_loop3A_609 = memref.load %arg20[%parallel_loop3A_608] : memref<256xf32, #tpu.memory_space<smem>>
        %parallel_loop3A_610 = vector.broadcast %parallel_loop3A_609 : f32 to vector<16xf32>
        %parallel_loop3A_611 = arith.mulf %parallel_loop3A_610, %parallel_loop3A_324 : vector<16xf32>
        %parallel_loop3A_612 = arith.addf %parallel_loop3A_603, %parallel_loop3A_611 : vector<16xf32>
        %parallel_loop3A_613 = arith.constant 13 : i32
        %parallel_loop3A_614 = arith.index_cast %parallel_loop3A_613 : i32 to index
        %parallel_loop3A_615 = arith.index_cast %parallel_loop3A_316 : i32 to index
        %parallel_loop3A_616 = tpu.vector_load %arg15[%parallel_loop3A_614, %parallel_loop3A_615] {strides = array<i32>} : memref<16x1024xf32, #tpu.memory_space<vmem>>, vector<1x16xf32>,
        %parallel_loop3A_617 = vector.shape_cast %parallel_loop3A_616 : vector<1x16xf32> to vector<16xf32>
        %parallel_loop3A_618 = vector.shape_cast %parallel_loop3A_612 : vector<16xf32> to vector<1x16xf32>
        tpu.vector_store %arg15[%parallel_loop3A_614, %parallel_loop3A_615], %parallel_loop3A_618 {add = true, strides = array<i32>} : memref<16x1024xf32, #tpu.memory_space<vmem>>, vector<1x16xf32>,
        %parallel_loop3A_619 = arith.constant 14 : i32
        %parallel_loop3A_620 = arith.index_cast %parallel_loop3A_619 : i32 to index
        %parallel_loop3A_621 = arith.index_cast %parallel_loop3A_316 : i32 to index
        %parallel_loop3A_622 = tpu.vector_load %arg17[%parallel_loop3A_620, %parallel_loop3A_621] {strides = array<i32>} : memref<16x1024xf32, #tpu.memory_space<vmem>>, vector<1x16xf32>,
        %parallel_loop3A_623 = vector.shape_cast %parallel_loop3A_622 : vector<1x16xf32> to vector<16xf32>
        %parallel_loop3A_624 = arith.addf %parallel_loop3A_623, %parallel_loop3A_321 : vector<16xf32>
        %parallel_loop3A_625 = arith.constant 16 : i32
        %parallel_loop3A_626 = arith.muli %add3A_268, %parallel_loop3A_625 : i32
        %parallel_loop3A_627 = arith.constant 14 : i32
        %parallel_loop3A_628 = arith.addi %parallel_loop3A_626, %parallel_loop3A_627 : i32
        %parallel_loop3A_629 = arith.index_cast %parallel_loop3A_628 : i32 to index
        %parallel_loop3A_630 = memref.load %arg20[%parallel_loop3A_629] : memref<256xf32, #tpu.memory_space<smem>>
        %parallel_loop3A_631 = vector.broadcast %parallel_loop3A_630 : f32 to vector<16xf32>
        %parallel_loop3A_632 = arith.mulf %parallel_loop3A_631, %parallel_loop3A_324 : vector<16xf32>
        %parallel_loop3A_633 = arith.addf %parallel_loop3A_624, %parallel_loop3A_632 : vector<16xf32>
        %parallel_loop3A_634 = arith.constant 14 : i32
        %parallel_loop3A_635 = arith.index_cast %parallel_loop3A_634 : i32 to index
        %parallel_loop3A_636 = arith.index_cast %parallel_loop3A_316 : i32 to index
        %parallel_loop3A_637 = tpu.vector_load %arg15[%parallel_loop3A_635, %parallel_loop3A_636] {strides = array<i32>} : memref<16x1024xf32, #tpu.memory_space<vmem>>, vector<1x16xf32>,
        %parallel_loop3A_638 = vector.shape_cast %parallel_loop3A_637 : vector<1x16xf32> to vector<16xf32>
        %parallel_loop3A_639 = vector.shape_cast %parallel_loop3A_633 : vector<16xf32> to vector<1x16xf32>
        tpu.vector_store %arg15[%parallel_loop3A_635, %parallel_loop3A_636], %parallel_loop3A_639 {add = true, strides = array<i32>} : memref<16x1024xf32, #tpu.memory_space<vmem>>, vector<1x16xf32>,
        %parallel_loop3A_640 = arith.constant 15 : i32
        %parallel_loop3A_641 = arith.index_cast %parallel_loop3A_640 : i32 to index
        %parallel_loop3A_642 = arith.index_cast %parallel_loop3A_316 : i32 to index
        %parallel_loop3A_643 = tpu.vector_load %arg17[%parallel_loop3A_641, %parallel_loop3A_642] {strides = array<i32>} : memref<16x1024xf32, #tpu.memory_space<vmem>>, vector<1x16xf32>,
        %parallel_loop3A_644 = vector.shape_cast %parallel_loop3A_643 : vector<1x16xf32> to vector<16xf32>
        %parallel_loop3A_645 = arith.addf %parallel_loop3A_644, %parallel_loop3A_321 : vector<16xf32>
        %parallel_loop3A_646 = arith.constant 16 : i32
        %parallel_loop3A_647 = arith.muli %add3A_268, %parallel_loop3A_646 : i32
        %parallel_loop3A_648 = arith.constant 15 : i32
        %parallel_loop3A_649 = arith.addi %parallel_loop3A_647, %parallel_loop3A_648 : i32
        %parallel_loop3A_650 = arith.index_cast %parallel_loop3A_649 : i32 to index
        %parallel_loop3A_651 = memref.load %arg20[%parallel_loop3A_650] : memref<256xf32, #tpu.memory_space<smem>>
        %parallel_loop3A_652 = vector.broadcast %parallel_loop3A_651 : f32 to vector<16xf32>
        %parallel_loop3A_653 = arith.mulf %parallel_loop3A_652, %parallel_loop3A_324 : vector<16xf32>
        %parallel_loop3A_654 = arith.addf %parallel_loop3A_645, %parallel_loop3A_653 : vector<16xf32>
        %parallel_loop3A_655 = arith.constant 15 : i32
        %parallel_loop3A_656 = arith.index_cast %parallel_loop3A_655 : i32 to index
        %parallel_loop3A_657 = arith.index_cast %parallel_loop3A_316 : i32 to index
        %parallel_loop3A_658 = tpu.vector_load %arg15[%parallel_loop3A_656, %parallel_loop3A_657] {strides = array<i32>} : memref<16x1024xf32, #tpu.memory_space<vmem>>, vector<1x16xf32>,
        %parallel_loop3A_659 = vector.shape_cast %parallel_loop3A_658 : vector<1x16xf32> to vector<16xf32>
        %parallel_loop3A_660 = vector.shape_cast %parallel_loop3A_654 : vector<16xf32> to vector<1x16xf32>
        tpu.vector_store %arg15[%parallel_loop3A_656, %parallel_loop3A_657], %parallel_loop3A_660 {add = true, strides = array<i32>} : memref<16x1024xf32, #tpu.memory_space<vmem>>, vector<1x16xf32>,
      } {sc.loop_unroll_factor = 2 : i64, sc.parallel_access}
      %mul3A_298 = arith.constant 16 : i32
      %mul3A_299 = arith.muli %add3A_268, %mul3A_298 : i32
      %add3A_300 = arith.addi %mul3A_32, %mul3A_299 : i32
      %dma_start3A_301 = arith.constant 0 : i32
      %dma_start3A_302 = arith.constant 0 : i32
      %dma_start3A_303 = tpu.memref_slice %arg8[%select_n3A, %dma_start3A_301, %dma_start3A_302] : memref<4x2048x1024xf32, #tpu.memory_space<hbm>> -> memref<1x2048x1024xf32, #tpu.memory_space<hbm>>
      %dma_start3A_304 = tpu.memref_squeeze %dma_start3A_303 : memref<1x2048x1024xf32, #tpu.memory_space<hbm>> -> memref<2048x1024xf32, #tpu.memory_space<hbm>>
      %dma_start3A_305 = arith.constant 0 : i32
      %dma_start3A_306 = tpu.memref_slice %dma_start3A_304[%add3A_300, %dma_start3A_305] : memref<2048x1024xf32, #tpu.memory_space<hbm>> -> memref<16x1024xf32, #tpu.memory_space<hbm>>
      %dma_start3A_307 = arith.constant 0 : i32
      %dma_start3A_308 = arith.constant 0 : i32
      %dma_start3A_309 = tpu.memref_slice %arg8[%select_n3A, %dma_start3A_307, %dma_start3A_308] : memref<4x2048x1024xf32, #tpu.memory_space<hbm>> -> memref<1x2048x1024xf32, #tpu.memory_space<hbm>>
      %dma_start3A_310 = tpu.memref_squeeze %dma_start3A_309 : memref<1x2048x1024xf32, #tpu.memory_space<hbm>> -> memref<2048x1024xf32, #tpu.memory_space<hbm>>
      %dma_start3A_311 = arith.constant 0 : i32
      %dma_start3A_312 = tpu.memref_slice %dma_start3A_310[%add3A_300, %dma_start3A_311] : memref<2048x1024xf32, #tpu.memory_space<hbm>> -> memref<16x1024xf32, #tpu.memory_space<hbm>>
      tpu.enqueue_dma source(%arg15 : memref<16x1024xf32, #tpu.memory_space<vmem>>) target(%dma_start3A_312 : memref<16x1024xf32, #tpu.memory_space<hbm>>) target_semaphore(%arg30 : memref<!tpu.dma_semaphore, #tpu.memory_space<semaphore_mem>>)
      %scan3A_313 = arith.constant 0 : i32
      scf.yield %scan3A_313 : i32
    }
    %scan3A_92 = arith.constant 4 : i32
    %add3A_93 = arith.constant 224 : i32
    %add3A_94 = arith.addi %mul3A_32, %add3A_93 : i32
    %dma_wait3A_95 = arith.constant 0 : i32
    %dma_wait3A_96 = arith.constant 0 : i32
    %dma_wait3A_97 = tpu.memref_slice %arg8[%select_n3A, %dma_wait3A_95, %dma_wait3A_96] : memref<4x2048x1024xf32, #tpu.memory_space<hbm>> -> memref<1x2048x1024xf32, #tpu.memory_space<hbm>>
    %dma_wait3A_98 = tpu.memref_squeeze %dma_wait3A_97 : memref<1x2048x1024xf32, #tpu.memory_space<hbm>> -> memref<2048x1024xf32, #tpu.memory_space<hbm>>
    %dma_wait3A_99 = arith.constant 0 : i32
    %dma_wait3A_100 = tpu.memref_slice %dma_wait3A_98[%add3A_94, %dma_wait3A_99] : memref<2048x1024xf32, #tpu.memory_space<hbm>> -> memref<16x1024xf32, #tpu.memory_space<hbm>>
    %dma_wait3A_101 = arith.constant 0 : i32
    %dma_wait3A_102 = arith.constant 0 : i32
    %dma_wait3A_103 = tpu.memref_slice %arg8[%select_n3A, %dma_wait3A_101, %dma_wait3A_102] : memref<4x2048x1024xf32, #tpu.memory_space<hbm>> -> memref<1x2048x1024xf32, #tpu.memory_space<hbm>>
    %dma_wait3A_104 = tpu.memref_squeeze %dma_wait3A_103 : memref<1x2048x1024xf32, #tpu.memory_space<hbm>> -> memref<2048x1024xf32, #tpu.memory_space<hbm>>
    %dma_wait3A_105 = arith.constant 0 : i32
    %dma_wait3A_106 = tpu.memref_slice %dma_wait3A_104[%add3A_94, %dma_wait3A_105] : memref<2048x1024xf32, #tpu.memory_space<hbm>> -> memref<16x1024xf32, #tpu.memory_space<hbm>>
    tpu.wait_dma2 semaphore(%arg29 : memref<!tpu.dma_semaphore, #tpu.memory_space<semaphore_mem>>) src(%arg14 : memref<16x1024xf32, #tpu.memory_space<vmem>>) dst(%dma_wait3A_106 : memref<16x1024xf32, #tpu.memory_space<hbm>>)
    %add3A_107 = arith.constant 240 : i32
    %add3A_108 = arith.addi %mul3A_32, %add3A_107 : i32
    %dma_wait3A_109 = arith.constant 0 : i32
    %dma_wait3A_110 = arith.constant 0 : i32
    %dma_wait3A_111 = tpu.memref_slice %arg8[%select_n3A, %dma_wait3A_109, %dma_wait3A_110] : memref<4x2048x1024xf32, #tpu.memory_space<hbm>> -> memref<1x2048x1024xf32, #tpu.memory_space<hbm>>
    %dma_wait3A_112 = tpu.memref_squeeze %dma_wait3A_111 : memref<1x2048x1024xf32, #tpu.memory_space<hbm>> -> memref<2048x1024xf32, #tpu.memory_space<hbm>>
    %dma_wait3A_113 = arith.constant 0 : i32
    %dma_wait3A_114 = tpu.memref_slice %dma_wait3A_112[%add3A_108, %dma_wait3A_113] : memref<2048x1024xf32, #tpu.memory_space<hbm>> -> memref<16x1024xf32, #tpu.memory_space<hbm>>
    %dma_wait3A_115 = arith.constant 0 : i32
    %dma_wait3A_116 = arith.constant 0 : i32
    %dma_wait3A_117 = tpu.memref_slice %arg8[%select_n3A, %dma_wait3A_115, %dma_wait3A_116] : memref<4x2048x1024xf32, #tpu.memory_space<hbm>> -> memref<1x2048x1024xf32, #tpu.memory_space<hbm>>
    %dma_wait3A_118 = tpu.memref_squeeze %dma_wait3A_117 : memref<1x2048x1024xf32, #tpu.memory_space<hbm>> -> memref<2048x1024xf32, #tpu.memory_space<hbm>>
    %dma_wait3A_119 = arith.constant 0 : i32
    %dma_wait3A_120 = tpu.memref_slice %dma_wait3A_118[%add3A_108, %dma_wait3A_119] : memref<2048x1024xf32, #tpu.memory_space<hbm>> -> memref<16x1024xf32, #tpu.memory_space<hbm>>
    tpu.wait_dma2 semaphore(%arg30 : memref<!tpu.dma_semaphore, #tpu.memory_space<semaphore_mem>>) src(%arg15 : memref<16x1024xf32, #tpu.memory_space<vmem>>) dst(%dma_wait3A_120 : memref<16x1024xf32, #tpu.memory_space<hbm>>)
    return
  }
}

</mosaic_0001>

<sc_bundles>
// kernel: kernel.3.cloned.1.call-start
scs
__scs_entry_jumppad:
0x0: {  	(pc) =	sbr.rel $0x88, $3  }
0x1: {  	(tag) =	ssettag $0x0;
	lr =	simm.s32 $0x1  }
0x2: {  	[smem:$0x3F9B] =	sst lr;
	_ =	strace $0xD0000000  }
0x3: {  	_ = 	snop  }
0x4: {  	_ = 	snop  }
0x5: {  	_ = 	snop  }
0x6: {  	_ = 	snop  }
0x7: {  	_ = 	snop  }
__scs_overlays_trampoline_lowered:
0x8: {  	[smem:$0x3FAA] =	sst s0  }
0x9: {  	[smem:$0x3FAB] =	sst s1  }
0xa: {  	[smem:$0x3FAC] =	sst s2  }
0xb: {  	[smem:$0x3FAD] =	sst s3  }
0xc: {  	[smem:$0x3FAE] =	sst s4  }
0xd: {  	[smem:$0x3FAF] =	sst s5  }
0xe: {  	[smem:$0x3FB0] =	sst s6  }
0xf: {  	[smem:$0x3FB1] =	sst s7  }
0x10: {  	[smem:$0x3FB2] =	sst s8  }
0x11: {  	[smem:$0x3FB3] =	sst s9;
	s0 =	simm.s32 @!p0 $0x0  }
0x12: {  	s1 =	sld [smem:$0x3F99];
	s0 =	simm.s32 @p0 $0x1  }
0x13: {  	[smem:$0x3FB4] =	sst s0;
	s0 =	simm.s32 @!p1 $0x0  }
0x14: {  	s2 =	sld [smem:$0x3F98];
	s0 =	simm.s32 @p1 $0x1  }
0x15: {  	[smem:$0x3FB5] =	sst s0;
	s0 =	simm.s32 @!p2 $0x0  }
0x16: {  	s3 =	sld [smem:$0x3FDB];
	s0 =	simm.s32 @p2 $0x1  }
0x17: {  	s4 =	simm.s32 $0x1BF5;
	[smem:$0x3FB7] =	sst s0  }
0x18: {  	s0 =	sld [smem:$0x3F9A];
	_ =	swait.ge [sflag:s4], $0x0  }
0x19: {  	s7 =	sld [smem:$0x3F9B]  }
0x1a: {  	s8 =	sadd.s32 $0xFFFFE003, lr  }
0x1b: {  	s9 =	sadd.s32 $0xFFFFFEF7, lr;
	s5 =	simm.s32 $0xFFFFFFFF;
	p2 =	slt.u32 s8, $0xFFFFF086  }
0x1c: {  	p1 =	slt.u32 s9, $0xF7A;
	s5 =	simm.s32 @!p2 $0x0  }
0x1d: {  	s5 =	simm.s32 @p1 $0x1;
	p0 =	seq.s32 s7, s2  }
0x1e: {  	s7 =	smul.u32 @!p0 $0xF7A, s2;
	p2 =	seq.s32 @!p0 s5, $0x0  }
0x1f: {  	s9 =	smul.u32 $0xF7A, s1;
	s8 =	simm.s32 @!p0 $0x1BF5;
	p2 =	por !p2, p0  }
0x20: {  	[sflag:s8] =	ssyncset.s32 @!p0 $0xFFFFF086;
	s6 =	sadd.s32 @!p0 s3, s7;
	s7 =	simm.s32 @!p0 $0x108  }
0x21: {  	s3 =	sadd.s32 s3, s9;
	s6 =	sadd.s32 @!p0 $0x88, s6;
	s7 =	simm.s32 @p2 $0x1082  }
0x22: {  	[simem:s7], [sflag:s8] =	dma.local @!p0 [hbm:s6], $0xF7A  }
0x23: {  	s9 =	sor.u32 $0xD0000000, s2;
	s6 =	simm.s32 $0x108;
	_ =	swait.ge @!p0 [sflag:s8], $0x0  }
0x24: {  	s3 =	sadd.s32 $0x88, s3;
	s6 =	simm.s32 @!p1 $0x1082;
	[sflag:s4] =	ssyncset.s32 $0xFFFFF086  }
0x25: {  	[simem:s6], [sflag:s4] =	dma.local [hbm:s3], $0xF7A  }
0x26: {  	[smem:$0x3F9B] =	sst s1;
	(tag) =	ssettag s2;
	_ =	strace s9  }
0x27: {  	s1 =	sld [smem:$0x3FAB]  }
0x28: {  	s2 =	sld [smem:$0x3FAC]  }
0x29: {  	s4 =	sld [smem:$0x3FAE]  }
0x2a: {  	p0 =	seq.s32 s5, $0x0;
	s5 =	sld [smem:$0x3FAF]  }
0x2b: {  	s6 =	sld [smem:$0x3FB0]  }
0x2c: {  	s7 =	sld [smem:$0x3FB1]  }
0x2d: {  	s3 =	simm.s32 $0x108;
	s8 =	sld [smem:$0x3FB2]  }
0x2e: {  	s3 =	simm.s32 @!p0 $0x1082;
	s9 =	sld [smem:$0x3FB3]  }
0x2f: {  	lr =	sadd.s32 s0, s3;
	s0 =	sld [smem:$0x3FAA]  }
0x30: {  	s3 =	sld [smem:$0x3FAD]  }
0x31: {  	[smem:$0x3FB6] =	sst s10  }
0x32: {  	s10 =	sld [smem:$0x3FB4];
	_ =	sdelay $0x3  }
0x33: {  	p0 =	seq.s32 s10, $0x1;
	s10 =	sld [smem:$0x3FB6];
	_ =	sdelay $0x3  }
0x34: {  	[smem:$0x3FB6] =	sst s10  }
0x35: {  	s10 =	sld [smem:$0x3FB5];
	_ =	sdelay $0x3  }
0x36: {  	p1 =	seq.s32 s10, $0x1;
	s10 =	sld [smem:$0x3FB6];
	_ =	sdelay $0x3  }
0x37: {  	[smem:$0x3FB6] =	sst s10  }
0x38: {  	s10 =	sld [smem:$0x3FB7]  }
0x39: {  	_ = 	snop;
	(pc) =	sbr.ind lr, $3  }
0x3a: {  	_ = 	snop  }
0x3b: {  	_ = 	snop  }
0x3c: {  	p2 =	seq.s32 s10, $0x1;
	s10 =	sld [smem:$0x3FB6]  }
0x3d: {  	_ =	shalt  }
0x3e: {  	_ =	shalt  }
0x3f: {  	_ =	shalt  }
0x40: {  	_ =	shalt  }
0x41: {  	_ =	shalt  }
0x42: {  	_ =	shalt  }
0x43: {  	_ =	shalt  }
0x44: {  	_ =	shalt  }
0x45: {  	_ =	shalt  }
0x46: {  	_ =	shalt  }
0x47: {  	_ =	shalt  }
0x48: {  	_ =	shalt  }
0x49: {  	_ =	shalt  }
0x4a: {  	_ =	shalt  }
0x4b: {  	_ =	shalt  }
0x4c: {  	_ =	shalt  }
0x4d: {  	_ =	shalt  }
0x4e: {  	_ =	shalt  }
0x4f: {  	_ =	shalt  }
0x50: {  	_ =	shalt  }
0x51: {  	_ =	shalt  }
0x52: {  	_ =	shalt  }
0x53: {  	_ =	shalt  }
0x54: {  	_ =	shalt  }
0x55: {  	_ =	shalt  }
0x56: {  	_ =	shalt  }
0x57: {  	_ =	shalt  }
0x58: {  	_ =	shalt  }
0x59: {  	_ =	shalt  }
0x5a: {  	_ =	shalt  }
0x5b: {  	_ =	shalt  }
0x5c: {  	_ =	shalt  }
0x5d: {  	_ =	shalt  }
0x5e: {  	_ =	shalt  }
0x5f: {  	_ =	shalt  }
0x60: {  	_ =	shalt  }
0x61: {  	_ =	shalt  }
0x62: {  	_ =	shalt  }
0x63: {  	_ =	shalt  }
0x64: {  	_ =	shalt  }
0x65: {  	_ =	shalt  }
0x66: {  	_ =	shalt  }
0x67: {  	_ =	shalt  }
0x68: {  	_ =	shalt  }
0x69: {  	_ =	shalt  }
0x6a: {  	_ =	shalt  }
0x6b: {  	_ =	shalt  }
0x6c: {  	_ =	shalt  }
0x6d: {  	_ =	shalt  }
0x6e: {  	_ =	shalt  }
0x6f: {  	_ =	shalt  }
0x70: {  	_ =	shalt  }
0x71: {  	_ =	shalt  }
0x72: {  	_ =	shalt  }
0x73: {  	_ =	shalt  }
0x74: {  	_ =	shalt  }
0x75: {  	_ =	shalt  }
0x76: {  	_ =	shalt  }
0x77: {  	_ =	shalt  }
0x78: {  	_ =	shalt  }
0x79: {  	_ =	shalt  }
0x7a: {  	_ =	shalt  }
0x7b: {  	_ =	shalt  }
0x7c: {  	_ =	shalt  }
0x7d: {  	_ =	shalt  }
0x7e: {  	_ =	shalt  }
0x7f: {  	_ =	shalt  }
0x80: {  	_ =	shalt  }
0x81: {  	_ =	shalt  }
0x82: {  	_ =	shalt  }
0x83: {  	_ =	shalt  }
0x84: {  	_ =	shalt  }
0x85: {  	_ =	shalt  }
0x86: {  	_ =	shalt  }
0x87: {  	_ =	shalt  }
.Lfunc_end0:
.L_simem_size_0:
called_computation_lowered:
.L_overlay_start_0:
0x88: {  	s2 =	sld [smem:$0x3FD9]  }
0x89: {  	s3 =	sld [smem:$0x3FFE];
	_ =	sdelay $0x1  }
0x8a: {  	s1 =	srdreg.scid  }
0x8b: {  	s0 =	sand.u32 $0x1, s1  }
0x8c: {  	s18 =	sshll.u32 s0, $0xA;
	s2 =	sadd.s32 s3, s2  }
0x8d: {  	s2 =	sadd.s32 s2, s18  }
0x8e: {  	[smem:$0x3FC2] =	sst s2  }
0x8f: {  	_ = 	snop  }
0x90: {  	s2 =	sld [smem:$0x3FC9]  }
0x91: {  	s19 =	sld [smem:$0x3FC8]  }
0x92: {  	s4 =	sld [smem:$0x3FC7]  }
0x93: {  	s5 =	sld [smem:$0x3FC6]  }
0x94: {  	s6 =	sld [smem:$0x3FC5]  }
0x95: {  	s7 =	sld [smem:$0x3FC4]  }
0x96: {  	s8 =	sld [smem:$0x3FD0];
	(tm) =	ssettm $0x1  }
0x97: {  	s9 =	sld [smem:$0x3FFB];
	_ =	sdelay $0x3  }
0x98: {  	_ =	strace s9  }
0x99: {  	s9 =	sld [smem:$0x3FFC];
	_ =	sdelay $0x3  }
0x9a: {  	_ =	strace s9  }
0x9b: {  	s9 =	sld [smem:$0x3FFD];
	_ =	sdelay $0x3  }
0x9c: {  	_ =	strace s9  }
0x9d: {  	_ =	strace $0x8FFFFFFF  }
0x9e: {  	s20 =	sld [smem:$0x3FDB];
	_ =	sdelay $0x1  }
0x9f: {  	s10 =	simm.s32 $_scs_section_size  }
0xa0: {  	s11 =	simm.s32 $_size__tile_overlayer_lowered;
	s12 =	simm.s32 $_tile_overlayer_lowered  }
0xa1: {  	s23 =	simm.s32 $0x1BFF;
	s22 =	sshll.u32 s12, $0x1;
	s9 =	sadd.s32 s10, s20  }
0xa2: {  	s13 =	simm.s32 $0x0;
	s21 =	sshll.u32 s11, $0x1;
	s11 =	sadd.s32 s22, s9  }
0xa3: {  	[timem:s13], [sflag:s23] =	dma.local [hbm:s11], s21  }
0xa4: {  	_ =	swait.ge [sflag:s23], s21  }
0xa5: {  	s10 =	ssub.s32 $0x0, s21;
	[sflag:s23] =	ssyncset.done $0x0  }
0xa6: {  	[sflag:s23] =	ssyncadd.s32 s10;
	_ =	sdelay $0x1  }
0xa7: {  	s24 =	simm.s32 $0x1B8B  }
0xa8: {  	_ =	swait.ge [sflag:s24], $0x1  }
0xa9: {  	[sflag:s24] =	ssyncset.done $0x0  }
0xaa: {  	s25 =	simm.s32 $0x1B8E;
	[sflag:s24] =	ssyncadd.s32 $0xFFFFFFFF  }
0xab: {  	s26 =	simm.s32 $execute0_lowered;
	[smem:$0x3FD2] =	sst s25  }
0xac: {  	s10 =	sshll.u32 s26, $0x1;
	_ =	strace $0x80000046;
	[dreg:$0x1] =	wrdreg $0xFFFFFFFF  }
0xad: {  	s28 =	simm.s32 $_size_execute0_lowered;
	s9 =	sadd.s32 s9, s10;
	[dreg:$0x0] =	wrdreg $0x0  }
0xae: {  	s10 =	sshll.u32 s28, $0x1;
	[dreg:$0x2] =	wrdreg s9  }
0xaf: {  	[dreg:$0x3] =	wrdreg s10  }
0xb0: {  	[dreg:$0x4] =	wrdreg $0xC0  }
0xb1: {  	_ =	task [dreg:s13], $0x5FFFF  }
0xb2: {  	[dreg:$0x1] =	wrdreg $0xFFFFFFFF  }
0xb3: {  	[dreg:$0x0] =	wrdreg $0x60  }
0xb4: {  	[dreg:$0x2] =	wrdreg s2  }
0xb5: {  	[dreg:$0x3] =	wrdreg s19  }
0xb6: {  	[dreg:$0x4] =	wrdreg s4  }
0xb7: {  	[dreg:$0x5] =	wrdreg s5  }
0xb8: {  	[dreg:$0x6] =	wrdreg s6  }
0xb9: {  	[dreg:$0x7] =	wrdreg s7  }
0xba: {  	[dreg:$0x8] =	wrdreg s8  }
0xbb: {  	[dreg:$0x9] =	wrdreg $0x9  }
0xbc: {  	_ =	task.clear_ibuf [dreg:s13], $0xAFFFF;
	_ =	strace $0x90000046  }
0xbd: {  	s29 =	simm.s32 $0x9;
	_ =	strace $0x80000048  }
0xbe: {  	_ =	swait.ge [sflag:s29], $0x1  }
0xbf: {  	[sflag:s29] =	ssyncadd.s32 $0xFFFFFFFF  }
0xc0: {  	_ =	strace $0x90000048  }
0xc1: {  	_ =	sfence  }
0xc2: {  	s30 =	sld [smem:$0x0];
	_ =	sdelay $0x2  }
0xc3: {  	s31 =	sshll.u32 s1, $0xD;
	s1 =	sshrl.u32 s1, $0x2  }
0xc4: {  	s3 =	sand.u32 $0x4000, s31;
	s1 =	sadd.s32 s1, s30  }
0xc5: {  	s0 =	sor.u32 s3, s0;
	s1 =	sshll.u32 s1, $0x11  }
0xc6: {  	s0 =	sor.u32 s1, s0  }
0xc7: {  	s0 =	sadd.s32 $0x8F2B, s0  }
0xc8: {  	[sflag:s0] =	ssyncadd.remote.s32 $0x1  }
0xc9: {  	_ =	sfence.sel $0xFFFF  }
0xca: {  	[dreg:$0x0] =	wrdreg $0xFFFFFFFF;
	(pc) =	sbr.abs _section_cstart, $3  }
0xcb: {  	[dreg:$0x1] =	wrdreg $0xFFFFFFFF  }
0xcc: {  	_ =	task.clear_ibuf [dreg:s13], $0x2FFFF;
	_ =	strace $0x9FFFFFFF  }
0xcd: {  	(tm) =	ssettm $0x7FFFFFFF  }
tec
execute0_lowered:
.L_overlay_start_1:
0x0: {  	(tag) =	ssettag $0x1  }
0x1: {  	s0 =	rddreg [dreg:$0x0]  }
0x2: {  	s2 =	rddreg [dreg:$0x1]  }
0x3: {  	s4 =	rddreg [dreg:$0x2]  }
0x4: {  	s1 =	rddreg [dreg:$0x3]  }
0x5: {  	s29 =	rddreg [dreg:$0x4]  }
0x6: {  	s7 =	rddreg [dreg:$0x6];
	s3 =	stileid.u32  }
0x7: {  	s5 =	simm.s32 $0x0;
	s6 =	srdreg.scid;
	s16 =	simm.s32 $0x14380  }
0x8: {  	s8 =	sshll.u32 s3, $0x1;
	[smem:$0x7FF] =	sst s5;
	s6 =	sand.u32 $0x1, s6  }
0x9: {  	s14 =	sshrl.u32 s3, $0x2;
	s12 =	sadd.s32 $0x300, s1;
	s13 =	sadd.s32 $0x100, s29  }
0xa: {  	s15 =	sadd.s32 $0x300, s29;
	s8 =	sand.u32 $0x6, s8;
	s9 =	ssub.s32 $0x2, s6  }
0xb: {  	s11 =	sshll.u32 s14, $0x4;
	_ =	strace $0x80000047;
	s28 =	sshll.u32 s14, $0x12  }
0xc: {  	s14 =	sadd.s32 $0x200, s29;
	s6 =	sor.u32 s6, s8;
	s22 =	sshrl.u32 s9, $0x1  }
0xd: {  	s10 =	sshll.u32 s6, $0x7;
	s8 =	ssub.s32 s9, s22;
	s24 =	sshll.u32 s6, $0xF  }
0xe: {  	s23 =	sor.u32 s11, s10;
	[dreg:$0x8] =	wrdreg s24;
	s31 =	smax.u32 s8, $0x1  }
0xf: {  	s30 =	sadd.s32 s7, s28;
	s0 =	sadd.s32 s0, s23;
	[dreg:$0xc] =	wrdreg s31  }
0x10: {  	v2 =	vlaneseq.u32;
	s6 =	simm.s32 $0x0;
	s25 =	sadd.s32 s2, s23;
	[dreg:$0x9] =	wrdreg s0  }
0x11: {  	vm0 =	vmmov $0xffff;
	v1 =	vshrl.u32 v2, $0x3;
	s10 =	sadd.s32 $0x100, s1;
	s26 =	sadd.s32 s4, s23;
	[dreg:$0xa] =	wrdreg s25  }
0x12: {  	v0 =	vand.u32 $0x7, v2;
	v2 =	vor.u32 $0x8, v2;
	v1 =	vmul.u32 $0x8, v1;
	s11 =	sadd.s32 $0x200, s1;
	s23 =	simm.s32 $0x8380;
	[dreg:$0xb] =	wrdreg s26  }
.LBB2_1:
0x13: {  	s0 =	rddreg [dreg:$0x9];
	s1 =	simm.s32 $0x80;
	s2 =	simm.s32 $0x200  }
0x14: {  	[tilespmem:s5], [sflag:$0x1] =	stream.strided.gather [hbm4b:s0+s1], $0x100, s2, s1, $0x38;
	[tilespmem:$0x18F80] =	vst v63  }
0x15: {  	s31 =	rddreg [dreg:$0xa];
	s3 =	simm.s32 $0x100  }
0x16: {  	[tilespmem:s3], [sflag:$0x5] =	stream.strided.gather [hbm4b:s31+s1], $0x100, s2, s1, $0x38;
	[tilespmem:$0x18F80] =	vst v63  }
0x17: {  	s3 =	rddreg [dreg:$0xb]  }
0x18: {  	[tilespmem:s2], [sflag:$0x6] =	stream.strided.gather [hbm4b:s3+s1], $0x100, s2, s1, $0x38;
	[tilespmem:$0x18F80] =	vst v63  }
0x19: {  	s4 =	rddreg [dreg:$0x5];
	s7 =	simm.s32 $0x18380;
	s8 =	simm.s32 $0x1  }
0x1a: {  	[tilespmem:s7], [sflag:$0x7] =	stream.linear.gather [hbm4b:s4+s5], $0x800, $0x38;
	[tilespmem:$0x18F80] =	vst v63  }
0x1b: {  	_ =	swait.ge [sflag:s8], $0x100  }
0x1c: {  	[sflag:s8] =	ssyncset.done $0x0  }
0x1d: {  	[sflag:s8] =	ssyncadd.s32 $0xFFFFFF00  }
0x1e: {  	v3 =	vld [tilespmem:$0x0];
	_ =	sdelay $0x4  }
0x1f: {  	v4 =	vshll.u32 v3, $0x3  }
0x20: {  	v3 =	vand.u32 $0x7, v3;
	v4 =	vand.u32 $0xFFFFFFC0, v4  }
0x21: {  	v3 =	vor.u32 v3, v4  }
0x22: {  	v4 =	vperm.xlane v3, v0;
	_ =	sdelay $0x1  }
0x23: {  	v4 =	vadd.s32 v1, v4;
	_ =	sdelay $0x3  }
0x24: {  	s9 =	simm.s32 $0x380;
	s0 =	rddreg [dreg:$0x3]  }
0x25: {  	[tilespmem:s9], [sflag:$0x1] =	stream.indirect_vreg.gather [hbm4b:s0+s5], $0x80, v4, vm0, $0xb8;
	[tilespmem:$0x18F80] =	vst v63  }
0x26: {  	s17 =	simm.s32 $0xB80;
	v3 =	vperm.xlane v3, v2  }
0x27: {  	[tilespmem:s17], [sflag:$0x1] =	stream.indirect_vreg.gather [hbm4b:s10+s5], $0x80, v4, vm0, $0xb8;
	[tilespmem:$0x18F80] =	vst v63  }
0x28: {  	s18 =	simm.s32 $0x1380;
	v3 =	vadd.s32 v1, v3  }
0x29: {  	[tilespmem:s18], [sflag:$0x1] =	stream.indirect_vreg.gather [hbm4b:s11+s5], $0x80, v4, vm0, $0xb8;
	[tilespmem:$0x18F80] =	vst v63  }
0x2a: {  	s19 =	simm.s32 $0x1B80  }
0x2b: {  	[tilespmem:s19], [sflag:$0x1] =	stream.indirect_vreg.gather [hbm4b:s12+s5], $0x80, v4, vm0, $0xb8;
	[tilespmem:$0x18F80] =	vst v63  }
0x2c: {  	s20 =	simm.s32 $0x2380  }
0x2d: {  	[tilespmem:s20], [sflag:$0x1] =	stream.indirect_vreg.gather [hbm4b:s0+s5], $0x80, v3, vm0, $0xb8;
	[tilespmem:$0x18F80] =	vst v63  }
0x2e: {  	s21 =	simm.s32 $0x2B80  }
0x2f: {  	[tilespmem:s21], [sflag:$0x1] =	stream.indirect_vreg.gather [hbm4b:s10+s5], $0x80, v3, vm0, $0xb8;
	[tilespmem:$0x18F80] =	vst v63  }
0x30: {  	s22 =	simm.s32 $0x3380  }
0x31: {  	[tilespmem:s22], [sflag:$0x1] =	stream.indirect_vreg.gather [hbm4b:s11+s5], $0x80, v3, vm0, $0xb8;
	[tilespmem:$0x18F80] =	vst v63  }
0x32: {  	s24 =	simm.s32 $0x3B80;
	s25 =	simm.s32 $0x5  }
0x33: {  	[tilespmem:s24], [sflag:$0x1] =	stream.indirect_vreg.gather [hbm4b:s12+s5], $0x80, v3, vm0, $0xb8;
	[tilespmem:$0x18F80] =	vst v63  }
0x34: {  	_ =	swait.ge [sflag:s25], $0x100  }
0x35: {  	[sflag:s25] =	ssyncset.done $0x0  }
0x36: {  	[sflag:s25] =	ssyncadd.s32 $0xFFFFFF00  }
0x37: {  	v3 =	vld [tilespmem:$0x100];
	_ =	sdelay $0x4  }
0x38: {  	v4 =	vshll.u32 v3, $0x3  }
0x39: {  	v3 =	vand.u32 $0x7, v3;
	v4 =	vand.u32 $0xFFFFFFC0, v4  }
0x3a: {  	v3 =	vor.u32 v3, v4  }
0x3b: {  	v4 =	vperm.xlane v3, v0;
	_ =	sdelay $0x1  }
0x3c: {  	v4 =	vadd.s32 v1, v4;
	_ =	sdelay $0x3  }
0x3d: {  	s26 =	simm.s32 $0x10380  }
0x3e: {  	[tilespmem:s26], [sflag:$0x5] =	stream.indirect_vreg.gather [hbm4b:s29+s5], $0x80, v4, vm0, $0xb8;
	[tilespmem:$0x18F80] =	vst v63  }
0x3f: {  	s28 =	simm.s32 $0x10B80;
	v3 =	vperm.xlane v3, v2  }
0x40: {  	[tilespmem:s28], [sflag:$0x5] =	stream.indirect_vreg.gather [hbm4b:s13+s5], $0x80, v4, vm0, $0xb8;
	[tilespmem:$0x18F80] =	vst v63  }
0x41: {  	s31 =	simm.s32 $0x11380;
	v3 =	vadd.s32 v1, v3  }
0x42: {  	[tilespmem:s31], [sflag:$0x5] =	stream.indirect_vreg.gather [hbm4b:s14+s5], $0x80, v4, vm0, $0xb8;
	[tilespmem:$0x18F80] =	vst v63  }
0x43: {  	s2 =	simm.s32 $0x11B80  }
0x44: {  	[tilespmem:s2], [sflag:$0x5] =	stream.indirect_vreg.gather [hbm4b:s15+s5], $0x80, v4, vm0, $0xb8;
	[tilespmem:$0x18F80] =	vst v63  }
0x45: {  	s3 =	simm.s32 $0x12380  }
0x46: {  	[tilespmem:s3], [sflag:$0x5] =	stream.indirect_vreg.gather [hbm4b:s29+s5], $0x80, v3, vm0, $0xb8;
	[tilespmem:$0x18F80] =	vst v63  }
0x47: {  	s4 =	simm.s32 $0x12B80  }
0x48: {  	[tilespmem:s4], [sflag:$0x5] =	stream.indirect_vreg.gather [hbm4b:s13+s5], $0x80, v3, vm0, $0xb8;
	[tilespmem:$0x18F80] =	vst v63  }
0x49: {  	s7 =	simm.s32 $0x13380  }
0x4a: {  	[tilespmem:s7], [sflag:$0x5] =	stream.indirect_vreg.gather [hbm4b:s14+s5], $0x80, v3, vm0, $0xb8;
	[tilespmem:$0x18F80] =	vst v63  }
0x4b: {  	s8 =	simm.s32 $0x13B80;
	s9 =	simm.s32 $0x6  }
0x4c: {  	[tilespmem:s8], [sflag:$0x5] =	stream.indirect_vreg.gather [hbm4b:s15+s5], $0x80, v3, vm0, $0xb8;
	[tilespmem:$0x18F80] =	vst v63  }
0x4d: {  	_ =	swait.ge [sflag:s9], $0x100  }
0x4e: {  	[sflag:s9] =	ssyncset.done $0x0  }
0x4f: {  	s17 =	simm.s32 $0x7;
	[sflag:s9] =	ssyncadd.s32 $0xFFFFFF00  }
0x50: {  	_ =	swait.ge [sflag:s17], $0x800  }
0x51: {  	[sflag:s17] =	ssyncset.done $0x0  }
0x52: {  	[sflag:s17] =	ssyncadd.s32 $0xFFFFF800  }
0x53: {  	v3 =	vld [tilespmem:$0x10];
	_ =	sdelay $0x4  }
0x54: {  	v4 =	vshll.u32 v3, $0x3  }
0x55: {  	v3 =	vand.u32 $0x7, v3;
	v4 =	vand.u32 $0xFFFFFFC0, v4  }
0x56: {  	v3 =	vor.u32 v3, v4  }
0x57: {  	v4 =	vperm.xlane v3, v0;
	_ =	sdelay $0x1  }
0x58: {  	v4 =	vadd.s32 v1, v4;
	_ =	sdelay $0x3  }
0x59: {  	s18 =	simm.s32 $0x4380  }
0x5a: {  	[tilespmem:s18], [sflag:$0x2] =	stream.indirect_vreg.gather [hbm4b:s0+s5], $0x80, v4, vm0, $0xb8;
	[tilespmem:$0x18F80] =	vst v63  }
0x5b: {  	s19 =	simm.s32 $0x4B80;
	v3 =	vperm.xlane v3, v2  }
0x5c: {  	[tilespmem:s19], [sflag:$0x2] =	stream.indirect_vreg.gather [hbm4b:s10+s5], $0x80, v4, vm0, $0xb8;
	[tilespmem:$0x18F80] =	vst v63  }
0x5d: {  	s20 =	simm.s32 $0x5380;
	v3 =	vadd.s32 v1, v3  }
0x5e: {  	[tilespmem:s20], [sflag:$0x2] =	stream.indirect_vreg.gather [hbm4b:s11+s5], $0x80, v4, vm0, $0xb8;
	[tilespmem:$0x18F80] =	vst v63  }
0x5f: {  	s21 =	simm.s32 $0x5B80  }
0x60: {  	[tilespmem:s21], [sflag:$0x2] =	stream.indirect_vreg.gather [hbm4b:s12+s5], $0x80, v4, vm0, $0xb8;
	[tilespmem:$0x18F80] =	vst v63  }
0x61: {  	s22 =	simm.s32 $0x6380  }
0x62: {  	[tilespmem:s22], [sflag:$0x2] =	stream.indirect_vreg.gather [hbm4b:s0+s5], $0x80, v3, vm0, $0xb8;
	[tilespmem:$0x18F80] =	vst v63  }
0x63: {  	s24 =	simm.s32 $0x6B80  }
0x64: {  	[tilespmem:s24], [sflag:$0x2] =	stream.indirect_vreg.gather [hbm4b:s10+s5], $0x80, v3, vm0, $0xb8;
	[tilespmem:$0x18F80] =	vst v63  }
0x65: {  	s25 =	simm.s32 $0x7380;
	s28 =	sand.u32 $0x70, s5;
	s4 =	sand.u32 $0x700, s5  }
0x66: {  	[tilespmem:s25], [sflag:$0x2] =	stream.indirect_vreg.gather [hbm4b:s11+s5], $0x80, v3, vm0, $0xb8;
	[tilespmem:$0x18F80] =	vst v63  }
0x67: {  	s26 =	simm.s32 $0x7B80;
	s2 =	sor.u32 s28, s4  }
0x68: {  	[tilespmem:s26], [sflag:$0x2] =	stream.indirect_vreg.gather [hbm4b:s12+s5], $0x80, v3, vm0, $0xb8;
	[tilespmem:$0x18F80] =	vst v63  }
0x69: {  	s4 =	sadd.s32 $0x18380, s2;
	v3 =	vld [tilespmem:s2+$0x18380]  }
0x6a: {  	v4 =	vld [tilespmem:s4+$0x80];
	_ =	sdelay $0x1  }
0x6b: {  	s31 =	simm.s32 $0x10;
	s2 =	simm.s32 $0x20  }
0x6c: {  	s4 =	sand.u32 $0x70, s31;
	s7 =	sand.u32 $0x700, s2  }
0x6d: {  	s7 =	sor.u32 s4, s7  }
0x6e: {  	v5 =	vsub.f32 v4, v3;
	v3 =	vld [tilespmem:s7+$0x18380];
	s7 =	sadd.s32 $0x18380, s7  }
0x6f: {  	s4 =	simm.s32 $0x18B80;
	v4 =	vld [tilespmem:s7+$0x80]  }
0x70: {  	s7 =	simm.s32 $0x20;
	[tilespmem:s4+$0x0] =	vst v5  }
.LBB2_2:
0x71: {  	s8 =	sand.u32 $0x70, s7;
	s2 =	sadd.s32 $0x20, s2;
	p0 =	sne.s32 s7, $0x3F0  }
.Ltmp0:
0x72: {  	s7 =	sadd.s32 $0x10, s7;
	s9 =	sand.u32 $0x700, s2;
	(pc) =	sbr.rel @p0 .LBB2_2-.Ltmp0, $4  }
0x73: {  	s8 =	sor.u32 s8, s9  }
0x74: {  	s9 =	sadd.s32 $0x18380, s8;
	v5 =	vsub.f32 v4, v3;
	v3 =	vld [tilespmem:s8+$0x18380]  }
0x75: {  	s4 =	sadd.s32 $0x10, s4;
	v4 =	vld [tilespmem:s9+$0x80]  }
0x76: {  	[tilespmem:s4+$0x0] =	vst v5  }
0x77: {  	_ = 	snop  }
0x78: {  	p3 =	por $0x1, $0x1  }
.Ltmp1:
0x79: {  	_ = 	snop;
	(pc) =	sbr.rel @!p3 .LBB2_4-.Ltmp1, $4  }
0x7a: {  	v3 =	vsub.f32 v4, v3  }
0x7b: {  	s2 =	sadd.s32 $0x10, s4  }
0x7c: {  	s25 =	simm.s32 $0x0;
	p0 =	por $0x0, $0x0;
	[tilespmem:s2+$0x0] =	vst v3;
	s2 =	simm.s32 $0x0  }
0x7d: {  	p1 =	por $0x0, $0x0;
	p2 =	por $0x0, $0x0;
	v3 =	vld [tilespmem:s2+$0x200];
	[dreg:$0xd] =	wrdreg s6  }
0x7e: {  	p3 =	por $0x1, $0x1  }
.Ltmp2:
0x7f: {  	_ = 	snop;
	(pc) =	sbr.rel @!p3 .LBB2_6-.Ltmp2, $3  }
0x80: {  	_ =	sdelay $0x1  }
0x81: {  	s4 =	simm.s32 $0x1  }
0x82: {  	p0 =	por $0x1, $0x1;
	(v2sf) =	vpush v3, $0x0;
	v3 =	vld [tilespmem:s4+$0x200]  }
0x83: {  	_ =	sdelay $0x3  }
0x84: {  	(v2sf) =	vpush v3, $0x0;
	_ =	sdelay $0x4  }
0x85: {  	p3 =	por $0x1, $0x1  }
.Ltmp3:
0x86: {  	_ = 	snop;
	(pc) =	sbr.rel @!p3 .LBB2_8-.Ltmp3, $3  }
0x87: {  	_ =	sdelay $0x1  }
0x88: {  	s7 =	simm.s32 $0x2  }
0x89: {  	p1 =	por $0x1, $0x1;
	v3 =	vld [tilespmem:s7+$0x200]  }
0x8a: {  	_ =	sdelay $0x3  }
0x8b: {  	(v2sf) =	vpush v3, $0x0;
	_ =	sdelay $0x3  }
0x8c: {  	p3 =	por $0x1, $0x1  }
.Ltmp4:
0x8d: {  	s17 =	simm.s32 $0x3;
	(pc) =	sbr.rel @!p3 .LBB2_10-.Ltmp4, $3  }
0x8e: {  	v3 =	vld [tilespmem:s17+$0x200];
	_ =	sdelay $0x1  }
0x8f: {  	s18 =	simm.s32 $0x10;
	s8 =	spop (v2sf)  }
0x90: {  	p2 =	por $0x1, $0x1;
	s9 =	scvt.s32.f32 s8;
	s8 =	simm.s32 $0x0  }
.LBB2_11:
0x91: {  	s19 =	sshra.s32 s18, $0x2;
	p3 =	sne.s32 s18, $0x3FC  }
.Ltmp5:
0x92: {  	s18 =	sadd.s32 $0x4, s18;
	(v2sf) =	vpush v3, $0x0;
	[smem:s8] =	sst s9;
	(pc) =	sbr.rel @p3 .LBB2_11-.Ltmp5, $4  }
0x93: {  	s8 =	smov.u32 s4;
	s4 =	smov.u32 s7;
	s7 =	smov.u32 s17;
	v3 =	vld [tilespmem:s19+$0x200]  }
0x94: {  	s17 =	smov.u32 s19  }
0x95: {  	s9 =	spop (v2sf)  }
0x96: {  	s9 =	scvt.s32.f32 s9  }
0x97: {  	s18 =	smov.u32 s4;
	s4 =	smov.u32 s17  }
.LBB2_13:
0x98: {  	(v2sf) =	vpush v3, $0x0;
	_ =	sdelay $0x9  }
0x99: {  	s17 =	spop @p1 (v2sf)  }
0x9a: {  	s17 =	scvt.s32.f32 @p1 s17;
	_ =	sdelay $0x1  }
0x9b: {  	[smem:s8] =	sst @p2 s9;
	s9 =	smov.u32 @p1 s17;
	s17 =	spop @p0 (v2sf)  }
0x9c: {  	s8 =	smov.u32 @p1 s18;
	s2 =	smov.u32 @p0 s7;
	s17 =	scvt.s32.f32 @p0 s17  }
0x9d: {  	s8 =	smov.u32 @p1 s8;
	s2 =	smov.u32 @p0 s2;
	s31 =	spop (v2sf)  }
0x9e: {  	[smem:s8] =	sst @p1 s9;
	s7 =	smov.u32 @p0 s17;
	s8 =	scvt.s32.f32 s31  }
0x9f: {  	[smem:s2] =	sst @p0 s7  }
0xa0: {  	[smem:s4] =	sst s8  }
.LBB2_14:
0xa1: {  	s9 =	sshll.u32 s25, $0x2  }
0xa2: {  	s17 =	sor.u32 $0x1, s9  }
0xa3: {  	s2 =	sshll.u32 s17, $0x6  }
0xa4: {  	s18 =	sshrl.u32 s2, $0x2  }
0xa5: {  	v3 =	vld [tilespmem:s18+$0x100];
	_ =	sdelay $0x4  }
0xa6: {  	v4 =	vshll.u32 v3, $0x3  }
0xa7: {  	v3 =	vand.u32 $0x7, v3;
	v4 =	vand.u32 $0xFFFFFFC0, v4  }
0xa8: {  	v3 =	vor.u32 v3, v4  }
0xa9: {  	v4 =	vperm.xlane v3, v0;
	_ =	sdelay $0x1  }
0xaa: {  	v4 =	vadd.s32 v1, v4;
	_ =	sdelay $0x4  }
0xab: {  	[tilespmem:s16], [sflag:$0x6] =	stream.indirect_vreg.gather [hbm4b:s29+s5], $0x80, v4, vm0, $0xb8;
	[tilespmem:$0x18F80] =	vst v63  }
0xac: {  	s0 =	simm.s32 $0x14B80;
	v3 =	vperm.xlane v3, v2  }
0xad: {  	[tilespmem:s0], [sflag:$0x6] =	stream.indirect_vreg.gather [hbm4b:s13+s5], $0x80, v4, vm0, $0xb8;
	[tilespmem:$0x18F80] =	vst v63  }
0xae: {  	s6 =	simm.s32 $0x15380;
	v3 =	vadd.s32 v1, v3  }
0xaf: {  	[tilespmem:s6], [sflag:$0x6] =	stream.indirect_vreg.gather [hbm4b:s14+s5], $0x80, v4, vm0, $0xb8;
	[tilespmem:$0x18F80] =	vst v63  }
0xb0: {  	s7 =	simm.s32 $0x15B80  }
0xb1: {  	[tilespmem:s7], [sflag:$0x6] =	stream.indirect_vreg.gather [hbm4b:s15+s5], $0x80, v4, vm0, $0xb8;
	[tilespmem:$0x18F80] =	vst v63  }
0xb2: {  	s8 =	simm.s32 $0x16380  }
0xb3: {  	[tilespmem:s8], [sflag:$0x6] =	stream.indirect_vreg.gather [hbm4b:s29+s5], $0x80, v3, vm0, $0xb8;
	[tilespmem:$0x18F80] =	vst v63  }
0xb4: {  	s19 =	simm.s32 $0x16B80  }
0xb5: {  	[tilespmem:s19], [sflag:$0x6] =	stream.indirect_vreg.gather [hbm4b:s13+s5], $0x80, v3, vm0, $0xb8;
	[tilespmem:$0x18F80] =	vst v63  }
0xb6: {  	s20 =	simm.s32 $0x17380;
	p0 =	seq.s32 s25, $0x0  }
0xb7: {  	[tilespmem:s20], [sflag:$0x6] =	stream.indirect_vreg.gather [hbm4b:s14+s5], $0x80, v3, vm0, $0xb8;
	[tilespmem:$0x18F80] =	vst v63  }
0xb8: {  	s21 =	simm.s32 $0x17B80;
	s2 =	simm.s32 @!p0 $0x9  }
0xb9: {  	[tilespmem:s21], [sflag:$0x6] =	stream.indirect_vreg.gather [hbm4b:s15+s5], $0x80, v3, vm0, $0xb8;
	[tilespmem:$0x18F80] =	vst v63  }
0xba: {  	s31 =	sor.u32 $0x2, s9;
	_ =	swait.ge @!p0 [sflag:s2], $0x4000  }
0xbb: {  	s4 =	sshll.u32 s31, $0x6;
	[sflag:s2] =	ssyncset.done @!p0 $0x0  }
0xbc: {  	s8 =	sshrl.u32 s4, $0x2;
	[sflag:s2] =	ssyncadd.s32 @!p0 $0xFFFFC000  }
0xbd: {  	v3 =	vld [tilespmem:s8+$0x0];
	_ =	sdelay $0x4  }
0xbe: {  	v4 =	vshll.u32 v3, $0x3  }
0xbf: {  	v3 =	vand.u32 $0x7, v3;
	v4 =	vand.u32 $0xFFFFFFC0, v4  }
0xc0: {  	v3 =	vor.u32 v3, v4  }
0xc1: {  	v4 =	vperm.xlane v3, v0;
	_ =	sdelay $0x1  }
0xc2: {  	v4 =	vadd.s32 v1, v4;
	_ =	sdelay $0x3  }
0xc3: {  	s7 =	simm.s32 $0x0;
	s22 =	rddreg [dreg:$0x3]  }
0xc4: {  	[tilespmem:s23], [sflag:$0x3] =	stream.indirect_vreg.gather [hbm4b:s22+s7], $0x80, v4, vm0, $0xb8;
	[tilespmem:$0x18F80] =	vst v63  }
0xc5: {  	s24 =	simm.s32 $0x8B80;
	v3 =	vperm.xlane v3, v2  }
0xc6: {  	[tilespmem:s24], [sflag:$0x3] =	stream.indirect_vreg.gather [hbm4b:s10+s7], $0x80, v4, vm0, $0xb8;
	[tilespmem:$0x18F80] =	vst v63  }
0xc7: {  	s26 =	simm.s32 $0x9380;
	v3 =	vadd.s32 v1, v3  }
0xc8: {  	[tilespmem:s26], [sflag:$0x3] =	stream.indirect_vreg.gather [hbm4b:s11+s7], $0x80, v4, vm0, $0xb8;
	[tilespmem:$0x18F80] =	vst v63  }
0xc9: {  	s16 =	smov.u32 s29;
	s29 =	simm.s32 $0x9B80  }
0xca: {  	[tilespmem:s29], [sflag:$0x3] =	stream.indirect_vreg.gather [hbm4b:s12+s7], $0x80, v4, vm0, $0xb8;
	[tilespmem:$0x18F80] =	vst v63  }
0xcb: {  	s3 =	simm.s32 $0xA380  }
0xcc: {  	[tilespmem:s3], [sflag:$0x3] =	stream.indirect_vreg.gather [hbm4b:s22+s7], $0x80, v3, vm0, $0xb8;
	[tilespmem:$0x18F80] =	vst v63  }
0xcd: {  	s4 =	simm.s32 $0xAB80  }
0xce: {  	[tilespmem:s4], [sflag:$0x3] =	stream.indirect_vreg.gather [hbm4b:s10+s7], $0x80, v3, vm0, $0xb8;
	[tilespmem:$0x18F80] =	vst v63  }
0xcf: {  	s6 =	simm.s32 $0xB380  }
0xd0: {  	[tilespmem:s6], [sflag:$0x3] =	stream.indirect_vreg.gather [hbm4b:s11+s7], $0x80, v3, vm0, $0xb8;
	[tilespmem:$0x18F80] =	vst v63  }
0xd1: {  	s19 =	simm.s32 $0xBB80;
	s20 =	simm.s32 $0x1  }
0xd2: {  	[tilespmem:s19], [sflag:$0x3] =	stream.indirect_vreg.gather [hbm4b:s12+s7], $0x80, v3, vm0, $0xb8;
	[tilespmem:$0x18F80] =	vst v63  }
0xd3: {  	_ =	swait.ge [sflag:s20], $0x4000  }
0xd4: {  	[sflag:s20] =	ssyncset.done $0x0  }
0xd5: {  	s21 =	simm.s32 $0x5;
	[sflag:s20] =	ssyncadd.s32 $0xFFFFC000  }
0xd6: {  	_ =	swait.ge [sflag:s21], $0x4000  }
0xd7: {  	s26 =	simm.s32 $0x18B80;
	s22 =	sand.u32 $0x1C00, s7;
	[sflag:s21] =	ssyncset.done $0x0  }
0xd8: {  	s24 =	sshrl.u32 s22, $0x2;
	s19 =	sand.u32 $0x60, s7;
	[sflag:s21] =	ssyncadd.s32 $0xFFFFC000  }
0xd9: {  	s2 =	sor.u32 s19, s22;
	s20 =	sadd.s32 $0x18380, s24;
	v4 =	vld [tilespmem:s26+$0x0]  }
0xda: {  	s28 =	sshll.u32 s25, $0x8;
	s21 =	sor.u32 s19, s20;
	v7 =	vld [tilespmem:s2+$0x10380]  }
0xdb: {  	s23 =	sshrl.u32 s28, $0x2;
	v6 =	vld [tilespmem:s21+$0x0]  }
0xdc: {  	s29 =	sld [smem:s23+$0x0];
	_ =	sdelay $0x1  }
0xdd: {  	s19 =	sor.u32 $0x10, s19  }
0xde: {  	s0 =	sand.u32 $0x380, s7;
	s20 =	sor.u32 s19, s20;
	v5 =	vmov s29  }
0xdf: {  	s21 =	sor.u32 s19, s0;
	s19 =	sor.u32 s22, s19;
	v3 =	vld [tilespmem:s20+$0x0];
	v8 =	vadd.f32 v7, v6;
	v9 =	vmul.f32 v5, v4  }
0xe0: {  	v10 =	vld [tilespmem:s19+$0x10380]  }
0xe1: {  	v7 =	vld [tilespmem:s21+$0x18B80];
	v8 =	vadd.f32 v9, v8  }
0xe2: {  	s3 =	sor.u32 $0x380, s2  }
0xe3: {  	[tilespmem:s3+$0x0] =	vst.add.f32.msk $0xffff, v8  }
0xe4: {  	v8 =	vld [tilespmem:s2+$0x10400]  }
0xe5: {  	v9 =	vld [tilespmem:s2+$0x10480]  }
0xe6: {  	v10 =	vadd.f32 v10, v3;
	s20 =	sld [smem:s23+$0x1];
	v11 =	vmul.f32 v7, v5;
	v12 =	vld [tilespmem:s2+$0x10500]  }
0xe7: {  	s21 =	sld [smem:s23+$0x2];
	v13 =	vld [tilespmem:s2+$0x10580]  }
0xe8: {  	s22 =	sld [smem:s23+$0x3];
	v10 =	vadd.f32 v10, v11;
	v11 =	vld [tilespmem:s2+$0x10600]  }
0xe9: {  	s6 =	sor.u32 $0x380, s19;
	s24 =	sld [smem:s23+$0x4];
	v15 =	vld [tilespmem:s2+$0x10680];
	v14 =	vmul.f32 s20, v4;
	v8 =	vadd.f32 v8, v6  }
0xea: {  	s1 =	smov.u32 s30;
	s30 =	sld [smem:s23+$0x5];
	v16 =	vmul.f32 s21, v4;
	[tilespmem:s6+$0x0] =	vst.add.f32.msk $0xffff, v10;
	v9 =	vadd.f32 v9, v6  }
0xeb: {  	v10 =	vadd.f32 v12, v6;
	v12 =	vmul.f32 s22, v4;
	s0 =	sld [smem:s23+$0x6];
	v17 =	vld [tilespmem:s19+$0x10480];
	v8 =	vadd.f32 v14, v8  }
0xec: {  	v13 =	vadd.f32 v13, v6;
	v14 =	vld [tilespmem:s19+$0x10400];
	v9 =	vadd.f32 v16, v9;
	v16 =	vmul.f32 s24, v4  }
0xed: {  	[tilespmem:s2+$0x400] =	vst.add.f32.msk $0xffff, v8;
	v8 =	vadd.f32 v12, v10;
	v10 =	vadd.f32 v11, v6;
	v11 =	vmul.f32 s30, v4  }
0xee: {  	[tilespmem:s2+$0x480] =	vst.add.f32.msk $0xffff, v9;
	v9 =	vadd.f32 v16, v13;
	v12 =	vadd.f32 v15, v6;
	v13 =	vmul.f32 s0, v4  }
0xef: {  	[tilespmem:s2+$0x500] =	vst.add.f32.msk $0xffff, v8;
	v8 =	vadd.f32 v11, v10  }
0xf0: {  	s29 =	sand.u32 $0xFFFFFC00, s7;
	[tilespmem:s2+$0x580] =	vst.add.f32.msk $0xffff, v9;
	v9 =	vadd.f32 v13, v12  }
0xf1: {  	s4 =	sadd.s32 $0x0, s29;
	[tilespmem:s2+$0x600] =	vst.add.f32.msk $0xffff, v8  }
0xf2: {  	s3 =	sor.u32 $0x380, s4;
	[tilespmem:s2+$0x680] =	vst.add.f32.msk $0xffff, v9  }
0xf3: {  	v8 =	vld [tilespmem:s3+$0x10380];
	_ =	sdelay $0x1  }
0xf4: {  	v9 =	vld [tilespmem:s19+$0x10500];
	s6 =	sld [smem:s23+$0x7]  }
0xf5: {  	v10 =	vld [tilespmem:s19+$0x10580];
	v11 =	vmul.f32 s20, v7;
	v12 =	vadd.f32 v14, v3  }
0xf6: {  	v16 =	vld [tilespmem:s19+$0x10680];
	v15 =	vadd.f32 v17, v3;
	v14 =	vmul.f32 s21, v7  }
0xf7: {  	v17 =	vld [tilespmem:s19+$0x10700];
	v11 =	vadd.f32 v12, v11;
	v12 =	vmul.f32 s6, v4;
	v8 =	vadd.f32 v8, v6  }
0xf8: {  	v13 =	vld [tilespmem:s19+$0x10600];
	v14 =	vadd.f32 v15, v14  }
0xf9: {  	v18 =	vmul.f32 s22, v7;
	[tilespmem:s19+$0x400] =	vst.add.f32.msk $0xffff, v11;
	v9 =	vadd.f32 v9, v3;
	v8 =	vadd.f32 v12, v8  }
0xfa: {  	[tilespmem:s19+$0x480] =	vst.add.f32.msk $0xffff, v14;
	v11 =	vmul.f32 s24, v7;
	v10 =	vadd.f32 v10, v3  }
0xfb: {  	v9 =	vadd.f32 v9, v18;
	[tilespmem:s3+$0x380] =	vst.add.f32.msk $0xffff, v8  }
0xfc: {  	v10 =	vadd.f32 v10, v11;
	v8 =	vld [tilespmem:s2+$0x12380]  }
0xfd: {  	v11 =	vadd.f32 v16, v3;
	v12 =	vadd.f32 v13, v3;
	v13 =	vmul.f32 s0, v7;
	[tilespmem:s19+$0x500] =	vst.add.f32.msk $0xffff, v9  }
0xfe: {  	v9 =	vmul.f32 s30, v7;
	s3 =	sld [smem:s23+$0x8]  }
0xff: {  	v11 =	vadd.f32 v11, v13  }
0x100: {  	v15 =	vld [tilespmem:s19+$0x12380];
	v14 =	vmul.f32 s6, v7;
	v9 =	vadd.f32 v12, v9;
	v12 =	vadd.f32 v17, v3  }
0x101: {  	[tilespmem:s19+$0x580] =	vst.add.f32.msk $0xffff, v10;
	v10 =	vmul.f32 s3, v4;
	v8 =	vadd.f32 v8, v6  }
0x102: {  	[tilespmem:s19+$0x680] =	vst.add.f32.msk $0xffff, v11;
	v12 =	vadd.f32 v12, v14  }
0x103: {  	[tilespmem:s19+$0x600] =	vst.add.f32.msk $0xffff, v9;
	v8 =	vadd.f32 v10, v8  }
0x104: {  	s6 =	sor.u32 $0x2380, s2;
	[tilespmem:s19+$0x700] =	vst.add.f32.msk $0xffff, v12  }
0x105: {  	[tilespmem:s6+$0x0] =	vst.add.f32.msk $0xffff, v8  }
0x106: {  	v8 =	vld [tilespmem:s2+$0x12400]  }
0x107: {  	v9 =	vld [tilespmem:s2+$0x12480]  }
0x108: {  	v11 =	vmul.f32 s3, v7;
	v10 =	vadd.f32 v15, v3;
	s0 =	sld [smem:s23+$0x9];
	v12 =	vld [tilespmem:s2+$0x12500]  }
0x109: {  	s20 =	sld [smem:s23+$0xA];
	v13 =	vld [tilespmem:s2+$0x12580]  }
0x10a: {  	v10 =	vadd.f32 v10, v11;
	s21 =	sld [smem:s23+$0xB];
	v11 =	vld [tilespmem:s2+$0x12600]  }
0x10b: {  	s29 =	sor.u32 $0x2380, s19;
	s24 =	sld [smem:s23+$0xC];
	v15 =	vld [tilespmem:s2+$0x12680];
	v14 =	vmul.f32 s0, v4;
	v8 =	vadd.f32 v8, v6  }
0x10c: {  	s3 =	sld [smem:s23+$0xD];
	[tilespmem:s29+$0x0] =	vst.add.f32.msk $0xffff, v10;
	v16 =	vmul.f32 s20, v4;
	v9 =	vadd.f32 v9, v6  }
0x10d: {  	s29 =	sld [smem:s23+$0xE];
	v18 =	vld [tilespmem:s19+$0x12480];
	v10 =	vadd.f32 v12, v6;
	v12 =	vmul.f32 s21, v4;
	v8 =	vadd.f32 v14, v8  }
0x10e: {  	v13 =	vadd.f32 v13, v6;
	v14 =	vld [tilespmem:s19+$0x12400];
	v9 =	vadd.f32 v16, v9;
	v16 =	vmul.f32 s24, v4  }
0x10f: {  	[tilespmem:s2+$0x2400] =	vst.add.f32.msk $0xffff, v8;
	v8 =	vadd.f32 v12, v10;
	v10 =	vadd.f32 v11, v6;
	v11 =	vmul.f32 s3, v4  }
0x110: {  	[tilespmem:s2+$0x2480] =	vst.add.f32.msk $0xffff, v9;
	v9 =	vadd.f32 v16, v13;
	v12 =	vadd.f32 v15, v6;
	v13 =	vmul.f32 s29, v4  }
0x111: {  	[tilespmem:s2+$0x2500] =	vst.add.f32.msk $0xffff, v8;
	v8 =	vadd.f32 v11, v10  }
0x112: {  	[tilespmem:s2+$0x2580] =	vst.add.f32.msk $0xffff, v9;
	v9 =	vadd.f32 v13, v12  }
0x113: {  	[tilespmem:s2+$0x2600] =	vst.add.f32.msk $0xffff, v8  }
0x114: {  	s22 =	sor.u32 $0x2380, s4;
	[tilespmem:s2+$0x2680] =	vst.add.f32.msk $0xffff, v9  }
0x115: {  	v19 =	vmul.f32 s20, v7;
	v11 =	vmul.f32 s0, v7;
	v17 =	vld [tilespmem:s22+$0x10380]  }
0x116: {  	v16 =	vld [tilespmem:s19+$0x12500];
	v12 =	vmul.f32 s21, v7;
	v13 =	vadd.f32 v14, v3;
	v14 =	vadd.f32 v18, v3  }
0x117: {  	v15 =	vld [tilespmem:s19+$0x12580];
	v10 =	vmul.f32 s24, v7;
	v8 =	vmul.f32 s3, v7;
	s4 =	sld [smem:s23+$0xF]  }
0x118: {  	s30 =	simm.s32 $0x0;
	v9 =	vmul.f32 s29, v7;
	s2 =	simm.s32 $0x100;
	v13 =	vadd.f32 v13, v11;
	v11 =	vadd.f32 v14, v19;
	v14 =	vld [tilespmem:s19+$0x12600]  }
.LBB2_15:
0x119: {  	s0 =	sand.u32 $0x1C00, s2;
	v18 =	vld [tilespmem:s19+$0x12680];
	s7 =	sadd.s32 $0x20, s7  }
0x11a: {  	s26 =	sadd.s32 $0x20, s26;
	s6 =	sand.u32 $0x60, s7;
	s20 =	sshrl.u32 s0, $0x2;
	v6 =	vadd.f32 v17, v6;
	v17 =	vmul.f32 s4, v4;
	v19 =	vld [tilespmem:s19+$0x12700];
	v20 =	vmul.f32 s4, v7  }
0x11b: {  	s20 =	sadd.s32 $0x18380, s20;
	v4 =	vld [tilespmem:s26+$0x0];
	s4 =	sor.u32 s6, s0;
	s21 =	sor.u32 $0x10, s6;
	v7 =	vadd.f32 v16, v3  }
0x11c: {  	s6 =	sor.u32 s6, s20;
	v16 =	vld [tilespmem:s4+$0x10380];
	s24 =	sor.u32 s21, s20;
	s20 =	sand.u32 $0x380, s7;
	v17 =	vadd.f32 v17, v6;
	v15 =	vadd.f32 v15, v3  }
0x11d: {  	v6 =	vld [tilespmem:s6+$0x0];
	s6 =	sor.u32 s21, s20;
	s21 =	sor.u32 s0, s21;
	v12 =	vadd.f32 v7, v12;
	v7 =	vadd.f32 v14, v3  }
0x11e: {  	s0 =	sor.u32 $0x380, s21;
	s20 =	sor.u32 $0x2380, s21;
	[tilespmem:s22+$0x380] =	vst.add.f32.msk $0xffff, v17;
	v14 =	vadd.f32 v15, v10;
	v10 =	vadd.f32 v18, v3  }
0x11f: {  	v8 =	vadd.f32 v7, v8;
	v15 =	vadd.f32 v19, v3;
	v3 =	vld [tilespmem:s24+$0x0]  }
0x120: {  	v7 =	vld [tilespmem:s6+$0x18B80];
	v9 =	vadd.f32 v10, v9  }
0x121: {  	v17 =	vld [tilespmem:s21+$0x10380];
	v10 =	vadd.f32 v15, v20  }
0x122: {  	v15 =	vadd.f32 v16, v6;
	v16 =	vmul.f32 v5, v4;
	[tilespmem:s19+$0x2400] =	vst.add.f32.msk $0xffff, v13  }
0x123: {  	s30 =	sadd.s32 $0x2, s30;
	[tilespmem:s19+$0x2480] =	vst.add.f32.msk $0xffff, v11  }
0x124: {  	p1 =	slt.u32 s30, $0x3E;
	v11 =	vadd.f32 v16, v15;
	[tilespmem:s19+$0x2500] =	vst.add.f32.msk $0xffff, v12  }
0x125: {  	s6 =	sor.u32 $0x380, s4;
	v12 =	vmul.f32 v7, v5;
	[tilespmem:s19+$0x2580] =	vst.add.f32.msk $0xffff, v14  }
0x126: {  	[tilespmem:s6+$0x0] =	vst.add.f32.msk $0xffff, v11;
	v11 =	vadd.f32 v17, v3  }
0x127: {  	v13 =	vld [tilespmem:s4+$0x10400]  }
0x128: {  	v14 =	vld [tilespmem:s4+$0x10480];
	v11 =	vadd.f32 v11, v12  }
0x129: {  	s6 =	sld [smem:s23+$0x1];
	v12 =	vld [tilespmem:s4+$0x10500]  }
0x12a: {  	s22 =	sld [smem:s23+$0x2];
	v15 =	vld [tilespmem:s4+$0x10580]  }
0x12b: {  	s24 =	sld [smem:s23+$0x3];
	v16 =	vld [tilespmem:s4+$0x10600]  }
0x12c: {  	v13 =	vadd.f32 v13, v6;
	v17 =	vmul.f32 s6, v4;
	s29 =	sld [smem:s23+$0x4];
	v18 =	vld [tilespmem:s4+$0x10680];
	v19 =	vmul.f32 s6, v7  }
0x12d: {  	v14 =	vadd.f32 v14, v6;
	v20 =	vmul.f32 s22, v4;
	s6 =	sld [smem:s23+$0x5];
	[tilespmem:s0+$0x0] =	vst.add.f32.msk $0xffff, v11;
	v11 =	vmul.f32 s22, v7  }
0x12e: {  	v13 =	vadd.f32 v17, v13;
	v12 =	vadd.f32 v12, v6;
	v17 =	vmul.f32 s24, v4;
	s0 =	sld [smem:s23+$0x6];
	v21 =	vld [tilespmem:s21+$0x10400]  }
0x12f: {  	v14 =	vadd.f32 v20, v14;
	v15 =	vadd.f32 v15, v6;
	v20 =	vmul.f32 s29, v4;
	v22 =	vld [tilespmem:s21+$0x10480]  }
0x130: {  	[tilespmem:s4+$0x400] =	vst.add.f32.msk $0xffff, v13;
	v12 =	vadd.f32 v17, v12;
	v13 =	vadd.f32 v16, v6;
	v16 =	vmul.f32 s6, v4  }
0x131: {  	[tilespmem:s4+$0x480] =	vst.add.f32.msk $0xffff, v14;
	v14 =	vadd.f32 v20, v15;
	v15 =	vadd.f32 v18, v6;
	v17 =	vmul.f32 s0, v4  }
0x132: {  	[tilespmem:s4+$0x500] =	vst.add.f32.msk $0xffff, v12;
	v12 =	vadd.f32 v16, v13;
	v13 =	vmul.f32 s24, v7;
	v16 =	vmul.f32 s29, v7  }
0x133: {  	s22 =	sand.u32 $0xFFFFFC00, s2;
	[tilespmem:s4+$0x580] =	vst.add.f32.msk $0xffff, v14;
	v14 =	vadd.f32 v17, v15;
	v15 =	vadd.f32 v21, v3;
	v17 =	vmul.f32 s6, v7  }
0x134: {  	v18 =	vmul.f32 s0, v7;
	s24 =	sadd.s32 s22, s7;
	[tilespmem:s4+$0x600] =	vst.add.f32.msk $0xffff, v12;
	v12 =	vadd.f32 v22, v3  }
0x135: {  	s0 =	sor.u32 $0x380, s24;
	[tilespmem:s4+$0x680] =	vst.add.f32.msk $0xffff, v14;
	v14 =	vadd.f32 v15, v19  }
0x136: {  	v15 =	vld [tilespmem:s0+$0x10380];
	v11 =	vadd.f32 v12, v11  }
0x137: {  	v12 =	vld [tilespmem:s21+$0x10500]  }
0x138: {  	s6 =	sld [smem:s23+$0x7];
	v19 =	vld [tilespmem:s21+$0x10580]  }
0x139: {  	v20 =	vld [tilespmem:s21+$0x10600]  }
0x13a: {  	v21 =	vld [tilespmem:s21+$0x10680]  }
0x13b: {  	v15 =	vadd.f32 v15, v6;
	v22 =	vmul.f32 s6, v4;
	v23 =	vld [tilespmem:s21+$0x10700];
	v24 =	vmul.f32 s6, v7  }
0x13c: {  	v12 =	vadd.f32 v12, v3;
	v25 =	vld [tilespmem:s21+$0x12380]  }
0x13d: {  	v15 =	vadd.f32 v22, v15;
	[tilespmem:s21+$0x400] =	vst.add.f32.msk $0xffff, v14;
	v14 =	vadd.f32 v19, v3  }
0x13e: {  	[tilespmem:s21+$0x480] =	vst.add.f32.msk $0xffff, v11;
	v11 =	vadd.f32 v12, v13;
	v12 =	vadd.f32 v20, v3  }
0x13f: {  	[tilespmem:s0+$0x380] =	vst.add.f32.msk $0xffff, v15;
	v13 =	vadd.f32 v14, v16;
	v14 =	vadd.f32 v21, v3  }
0x140: {  	v15 =	vld [tilespmem:s4+$0x12380];
	v12 =	vadd.f32 v12, v17;
	v16 =	vadd.f32 v23, v3  }
0x141: {  	[tilespmem:s21+$0x500] =	vst.add.f32.msk $0xffff, v11;
	v11 =	vadd.f32 v14, v18;
	v14 =	vadd.f32 v25, v3  }
0x142: {  	s0 =	sld [smem:s23+$0x8];
	[tilespmem:s21+$0x580] =	vst.add.f32.msk $0xffff, v13;
	v13 =	vadd.f32 v16, v24  }
0x143: {  	[tilespmem:s21+$0x600] =	vst.add.f32.msk $0xffff, v12  }
0x144: {  	[tilespmem:s21+$0x680] =	vst.add.f32.msk $0xffff, v11  }
0x145: {  	v11 =	vadd.f32 v15, v6;
	v12 =	vmul.f32 s0, v4;
	[tilespmem:s21+$0x700] =	vst.add.f32.msk $0xffff, v13;
	v13 =	vmul.f32 s0, v7  }
0x146: {  	[tilespmem:s19+$0x2600] =	vst.add.f32.msk $0xffff, v8  }
0x147: {  	v8 =	vadd.f32 v12, v11;
	v11 =	vadd.f32 v14, v13;
	[tilespmem:s19+$0x2680] =	vst.add.f32.msk $0xffff, v9  }
0x148: {  	s0 =	sor.u32 $0x2380, s4;
	[tilespmem:s19+$0x2700] =	vst.add.f32.msk $0xffff, v10;
	s19 =	smov.u32 s21  }
0x149: {  	[tilespmem:s0+$0x0] =	vst.add.f32.msk $0xffff, v8  }
0x14a: {  	v8 =	vld [tilespmem:s4+$0x12400]  }
0x14b: {  	v9 =	vld [tilespmem:s4+$0x12480]  }
0x14c: {  	s0 =	sld [smem:s23+$0x9];
	v10 =	vld [tilespmem:s4+$0x12500]  }
0x14d: {  	s6 =	sld [smem:s23+$0xA];
	v12 =	vld [tilespmem:s4+$0x12580]  }
0x14e: {  	s21 =	sld [smem:s23+$0xB];
	v13 =	vld [tilespmem:s4+$0x12600]  }
0x14f: {  	v8 =	vadd.f32 v8, v6;
	v14 =	vmul.f32 s0, v4;
	s22 =	sld [smem:s23+$0xC];
	v15 =	vld [tilespmem:s4+$0x12680];
	v16 =	vmul.f32 s0, v7  }
0x150: {  	v9 =	vadd.f32 v9, v6;
	v17 =	vmul.f32 s6, v4;
	s0 =	sld [smem:s23+$0xD];
	[tilespmem:s20+$0x0] =	vst.add.f32.msk $0xffff, v11;
	v11 =	vmul.f32 s6, v7  }
0x151: {  	v8 =	vadd.f32 v14, v8;
	v10 =	vadd.f32 v10, v6;
	v14 =	vmul.f32 s21, v4;
	s6 =	sld [smem:s23+$0xE];
	v18 =	vld [tilespmem:s19+$0x12400]  }
0x152: {  	v9 =	vadd.f32 v17, v9;
	v12 =	vadd.f32 v12, v6;
	v17 =	vmul.f32 s22, v4;
	v19 =	vld [tilespmem:s19+$0x12480]  }
0x153: {  	[tilespmem:s4+$0x2400] =	vst.add.f32.msk $0xffff, v8;
	v8 =	vadd.f32 v14, v10;
	v10 =	vadd.f32 v13, v6;
	v13 =	vmul.f32 s0, v4  }
0x154: {  	[tilespmem:s4+$0x2480] =	vst.add.f32.msk $0xffff, v9;
	v9 =	vadd.f32 v17, v12;
	v14 =	vadd.f32 v15, v6;
	v15 =	vmul.f32 s6, v4  }
0x155: {  	v12 =	vmul.f32 s21, v7;
	[tilespmem:s4+$0x2500] =	vst.add.f32.msk $0xffff, v8;
	v13 =	vadd.f32 v13, v10;
	v10 =	vmul.f32 s22, v7  }
0x156: {  	v8 =	vmul.f32 s0, v7;
	[tilespmem:s4+$0x2580] =	vst.add.f32.msk $0xffff, v9;
	v14 =	vadd.f32 v15, v14;
	v15 =	vadd.f32 v18, v3  }
0x157: {  	v9 =	vmul.f32 s6, v7;
	[tilespmem:s4+$0x2600] =	vst.add.f32.msk $0xffff, v13;
	v18 =	vadd.f32 v19, v3  }
.Ltmp6:
0x158: {  	s22 =	sor.u32 $0x2380, s24;
	[tilespmem:s4+$0x2680] =	vst.add.f32.msk $0xffff, v14;
	v13 =	vadd.f32 v15, v16;
	(pc) =	sbr.rel @p1 .LBB2_15-.Ltmp6, $4  }
0x159: {  	v17 =	vld [tilespmem:s22+$0x10380];
	v11 =	vadd.f32 v18, v11  }
0x15a: {  	v16 =	vld [tilespmem:s19+$0x12500]  }
0x15b: {  	s4 =	sld [smem:s23+$0xF];
	v15 =	vld [tilespmem:s19+$0x12580]  }
0x15c: {  	s2 =	sadd.s32 $0x100, s2;
	v14 =	vld [tilespmem:s19+$0x12600]  }
0x15d: {  	_ = 	snop  }
0x15e: {  	v5 =	vadd.f32 v17, v6;
	v4 =	vmul.f32 s4, v4;
	v6 =	vld [tilespmem:s19+$0x12680];
	_ =	sdelay $0x1  }
0x15f: {  	[tilespmem:s19+$0x2400] =	vst.add.f32.msk $0xffff, v13;
	v4 =	vadd.f32 v4, v5;
	v5 =	vadd.f32 v16, v3  }
0x160: {  	v17 =	vld [tilespmem:s19+$0x12700];
	v15 =	vadd.f32 v15, v3  }
0x161: {  	[tilespmem:s22+$0x380] =	vst.add.f32.msk $0xffff, v4;
	v4 =	vadd.f32 v5, v12;
	v5 =	vadd.f32 v14, v3  }
0x162: {  	[tilespmem:s19+$0x2480] =	vst.add.f32.msk $0xffff, v11;
	v10 =	vadd.f32 v15, v10;
	v6 =	vadd.f32 v6, v3  }
0x163: {  	v5 =	vadd.f32 v5, v8;
	[tilespmem:s19+$0x2500] =	vst.add.f32.msk $0xffff, v4  }
0x164: {  	[tilespmem:s19+$0x2580] =	vst.add.f32.msk $0xffff, v10;
	v4 =	vadd.f32 v6, v9  }
0x165: {  	v7 =	vmul.f32 s4, v7;
	v3 =	vadd.f32 v17, v3;
	[tilespmem:s19+$0x2600] =	vst.add.f32.msk $0xffff, v5  }
0x166: {  	[tilespmem:s19+$0x2680] =	vst.add.f32.msk $0xffff, v4  }
0x167: {  	s0 =	sshll.u32 s25, $0xD;
	v3 =	vadd.f32 v3, v7;
	s2 =	rddreg [dreg:$0x8]  }
0x168: {  	s0 =	sadd.s32 s2, s0  }
0x169: {  	s29 =	simm.s32 $0x380;
	[tilespmem:s19+$0x2700] =	vst.add.f32.msk $0xffff, v3;
	s0 =	sadd.s32 s1, s0  }
0x16a: {  	[hbm4b:s0+s5] =	stream.linear.scatter [tilespmem:s29], [sflag:$0x7], $0x4000, $0x38;
	[tilespmem:$0x18F80] =	vst v63  }
0x16b: {  	v3 =	vld [tilespmem:s8+$0x100];
	_ =	sdelay $0x4  }
0x16c: {  	v4 =	vshll.u32 v3, $0x3  }
0x16d: {  	v3 =	vand.u32 $0x7, v3;
	v4 =	vand.u32 $0xFFFFFFC0, v4  }
0x16e: {  	v3 =	vor.u32 v3, v4  }
0x16f: {  	v4 =	vperm.xlane v3, v0;
	_ =	sdelay $0x1  }
0x170: {  	v4 =	vadd.s32 v1, v4;
	_ =	sdelay $0x3  }
0x171: {  	s3 =	simm.s32 $0x10380  }
0x172: {  	[tilespmem:s3], [sflag:$0x5] =	stream.indirect_vreg.gather [hbm4b:s16+s5], $0x80, v4, vm0, $0xb8;
	[tilespmem:$0x18F80] =	vst v63  }
0x173: {  	s4 =	simm.s32 $0x10B80;
	v3 =	vperm.xlane v3, v2  }
0x174: {  	[tilespmem:s4], [sflag:$0x5] =	stream.indirect_vreg.gather [hbm4b:s13+s5], $0x80, v4, vm0, $0xb8;
	[tilespmem:$0x18F80] =	vst v63  }
0x175: {  	s6 =	simm.s32 $0x11380;
	v3 =	vadd.s32 v1, v3  }
0x176: {  	[tilespmem:s6], [sflag:$0x5] =	stream.indirect_vreg.gather [hbm4b:s14+s5], $0x80, v4, vm0, $0xb8;
	[tilespmem:$0x18F80] =	vst v63  }
0x177: {  	s7 =	simm.s32 $0x11B80  }
0x178: {  	[tilespmem:s7], [sflag:$0x5] =	stream.indirect_vreg.gather [hbm4b:s15+s5], $0x80, v4, vm0, $0xb8;
	[tilespmem:$0x18F80] =	vst v63  }
0x179: {  	s19 =	simm.s32 $0x12380  }
0x17a: {  	[tilespmem:s19], [sflag:$0x5] =	stream.indirect_vreg.gather [hbm4b:s16+s5], $0x80, v3, vm0, $0xb8;
	[tilespmem:$0x18F80] =	vst v63  }
0x17b: {  	s20 =	simm.s32 $0x12B80  }
0x17c: {  	[tilespmem:s20], [sflag:$0x5] =	stream.indirect_vreg.gather [hbm4b:s13+s5], $0x80, v3, vm0, $0xb8;
	[tilespmem:$0x18F80] =	vst v63  }
0x17d: {  	s21 =	simm.s32 $0x13380  }
0x17e: {  	[tilespmem:s21], [sflag:$0x5] =	stream.indirect_vreg.gather [hbm4b:s14+s5], $0x80, v3, vm0, $0xb8;
	[tilespmem:$0x18F80] =	vst v63  }
0x17f: {  	s22 =	simm.s32 $0x13B80;
	s0 =	simm.s32 @!p0 $0xA  }
0x180: {  	[tilespmem:s22], [sflag:$0x5] =	stream.indirect_vreg.gather [hbm4b:s15+s5], $0x80, v3, vm0, $0xb8;
	[tilespmem:$0x18F80] =	vst v63  }
0x181: {  	s26 =	sor.u32 $0x3, s9;
	_ =	swait.ge @!p0 [sflag:s0], $0x4000  }
0x182: {  	s23 =	sshll.u32 s26, $0x6;
	[sflag:s0] =	ssyncset.done @!p0 $0x0  }
0x183: {  	s7 =	sshrl.u32 s23, $0x2;
	[sflag:s0] =	ssyncadd.s32 @!p0 $0xFFFFC000  }
0x184: {  	v3 =	vld [tilespmem:s7+$0x0];
	_ =	sdelay $0x4  }
0x185: {  	v4 =	vshll.u32 v3, $0x3  }
0x186: {  	v3 =	vand.u32 $0x7, v3;
	v4 =	vand.u32 $0xFFFFFFC0, v4  }
0x187: {  	v3 =	vor.u32 v3, v4  }
0x188: {  	v4 =	vperm.xlane v3, v0;
	_ =	sdelay $0x1  }
0x189: {  	v4 =	vadd.s32 v1, v4;
	_ =	sdelay $0x3  }
0x18a: {  	s24 =	simm.s32 $0xC380;
	s19 =	simm.s32 $0x0;
	s0 =	rddreg [dreg:$0x3]  }
0x18b: {  	[tilespmem:s24], [sflag:$0x4] =	stream.indirect_vreg.gather [hbm4b:s0+s19], $0x80, v4, vm0, $0xb8;
	[tilespmem:$0x18F80] =	vst v63  }
0x18c: {  	s29 =	simm.s32 $0xCB80;
	v3 =	vperm.xlane v3, v2  }
0x18d: {  	[tilespmem:s29], [sflag:$0x4] =	stream.indirect_vreg.gather [hbm4b:s10+s19], $0x80, v4, vm0, $0xb8;
	[tilespmem:$0x18F80] =	vst v63  }
0x18e: {  	s3 =	simm.s32 $0xD380;
	v3 =	vadd.s32 v1, v3  }
0x18f: {  	[tilespmem:s3], [sflag:$0x4] =	stream.indirect_vreg.gather [hbm4b:s11+s19], $0x80, v4, vm0, $0xb8;
	[tilespmem:$0x18F80] =	vst v63  }
0x190: {  	s4 =	simm.s32 $0xDB80  }
0x191: {  	[tilespmem:s4], [sflag:$0x4] =	stream.indirect_vreg.gather [hbm4b:s12+s19], $0x80, v4, vm0, $0xb8;
	[tilespmem:$0x18F80] =	vst v63  }
0x192: {  	s6 =	simm.s32 $0xE380  }
0x193: {  	[tilespmem:s6], [sflag:$0x4] =	stream.indirect_vreg.gather [hbm4b:s0+s19], $0x80, v3, vm0, $0xb8;
	[tilespmem:$0x18F80] =	vst v63  }
0x194: {  	s20 =	simm.s32 $0xEB80  }
0x195: {  	[tilespmem:s20], [sflag:$0x4] =	stream.indirect_vreg.gather [hbm4b:s10+s19], $0x80, v3, vm0, $0xb8;
	[tilespmem:$0x18F80] =	vst v63  }
0x196: {  	s21 =	simm.s32 $0xF380  }
0x197: {  	[tilespmem:s21], [sflag:$0x4] =	stream.indirect_vreg.gather [hbm4b:s11+s19], $0x80, v3, vm0, $0xb8;
	[tilespmem:$0x18F80] =	vst v63  }
0x198: {  	s23 =	simm.s32 $0x2;
	s22 =	simm.s32 $0xFB80  }
0x199: {  	[tilespmem:s22], [sflag:$0x4] =	stream.indirect_vreg.gather [hbm4b:s12+s19], $0x80, v3, vm0, $0xb8;
	[tilespmem:$0x18F80] =	vst v63  }
0x19a: {  	_ =	swait.ge [sflag:s23], $0x4000  }
0x19b: {  	[sflag:s23] =	ssyncset.done $0x0  }
0x19c: {  	s24 =	simm.s32 $0x6;
	[sflag:s23] =	ssyncadd.s32 $0xFFFFC000  }
0x19d: {  	_ =	swait.ge [sflag:s24], $0x4000  }
0x19e: {  	s29 =	sand.u32 $0x1C00, s19;
	s3 =	sand.u32 $0x60, s19;
	[sflag:s24] =	ssyncset.done $0x0  }
0x19f: {  	s21 =	sshrl.u32 s29, $0x2;
	s23 =	simm.s32 $0x18B80;
	[sflag:s24] =	ssyncadd.s32 $0xFFFFC000  }
0x1a0: {  	s2 =	sor.u32 s3, s29;
	s6 =	sadd.s32 $0x18380, s21;
	v4 =	vld [tilespmem:s23+$0x0]  }
0x1a1: {  	s20 =	sor.u32 s3, s6;
	v7 =	vld [tilespmem:s2+$0x14380]  }
0x1a2: {  	v6 =	vld [tilespmem:s20+$0x0]  }
0x1a3: {  	s22 =	sld [smem:s18+$0x0];
	_ =	sdelay $0x1  }
0x1a4: {  	s4 =	sor.u32 $0x10, s3  }
0x1a5: {  	s6 =	sor.u32 s4, s6;
	v5 =	vmov s22  }
0x1a6: {  	s30 =	sor.u32 s29, s4;
	s24 =	sand.u32 $0x380, s19;
	v3 =	vld [tilespmem:s6+$0x0];
	v8 =	vadd.f32 v7, v6;
	v9 =	vmul.f32 v5, v4  }
0x1a7: {  	s20 =	sor.u32 s4, s24;
	v10 =	vld [tilespmem:s30+$0x14380]  }
0x1a8: {  	v7 =	vld [tilespmem:s20+$0x18B80];
	v8 =	vadd.f32 v9, v8  }
0x1a9: {  	s29 =	sor.u32 $0x4380, s2  }
0x1aa: {  	[tilespmem:s29+$0x0] =	vst.add.f32.msk $0xffff, v8  }
0x1ab: {  	v8 =	vld [tilespmem:s2+$0x14400]  }
0x1ac: {  	v9 =	vld [tilespmem:s2+$0x14480]  }
0x1ad: {  	v10 =	vadd.f32 v10, v3;
	s0 =	sld [smem:s18+$0x1];
	v11 =	vmul.f32 v7, v5;
	v12 =	vld [tilespmem:s2+$0x14500]  }
0x1ae: {  	s6 =	sld [smem:s18+$0x2];
	v13 =	vld [tilespmem:s2+$0x14580]  }
0x1af: {  	s20 =	sld [smem:s18+$0x3];
	v10 =	vadd.f32 v10, v11;
	v11 =	vld [tilespmem:s2+$0x14600]  }
0x1b0: {  	s4 =	sor.u32 $0x4380, s30;
	s21 =	sld [smem:s18+$0x4];
	v15 =	vld [tilespmem:s2+$0x14680];
	v14 =	vmul.f32 s0, v4;
	v8 =	vadd.f32 v8, v6  }
0x1b1: {  	s22 =	sld [smem:s18+$0x5];
	v16 =	vmul.f32 s6, v4;
	[tilespmem:s4+$0x0] =	vst.add.f32.msk $0xffff, v10;
	v9 =	vadd.f32 v9, v6  }
0x1b2: {  	v10 =	vadd.f32 v12, v6;
	v12 =	vmul.f32 s20, v4;
	s24 =	sld [smem:s18+$0x6];
	v17 =	vld [tilespmem:s30+$0x14480];
	v8 =	vadd.f32 v14, v8  }
0x1b3: {  	v13 =	vadd.f32 v13, v6;
	v14 =	vld [tilespmem:s30+$0x14400];
	v9 =	vadd.f32 v16, v9;
	v16 =	vmul.f32 s21, v4  }
0x1b4: {  	[tilespmem:s2+$0x4400] =	vst.add.f32.msk $0xffff, v8;
	v8 =	vadd.f32 v12, v10;
	v10 =	vadd.f32 v11, v6;
	v11 =	vmul.f32 s22, v4  }
0x1b5: {  	[tilespmem:s2+$0x4480] =	vst.add.f32.msk $0xffff, v9;
	v9 =	vadd.f32 v16, v13;
	v12 =	vadd.f32 v15, v6;
	v13 =	vmul.f32 s24, v4  }
0x1b6: {  	[tilespmem:s2+$0x4500] =	vst.add.f32.msk $0xffff, v8;
	v8 =	vadd.f32 v11, v10  }
0x1b7: {  	s3 =	sand.u32 $0xFFFFFC00, s19;
	[tilespmem:s2+$0x4580] =	vst.add.f32.msk $0xffff, v9;
	v9 =	vadd.f32 v13, v12  }
0x1b8: {  	s4 =	sadd.s32 $0x0, s3;
	[tilespmem:s2+$0x4600] =	vst.add.f32.msk $0xffff, v8  }
0x1b9: {  	s29 =	sor.u32 $0x380, s4;
	[tilespmem:s2+$0x4680] =	vst.add.f32.msk $0xffff, v9  }
0x1ba: {  	v8 =	vld [tilespmem:s29+$0x14380];
	_ =	sdelay $0x1  }
0x1bb: {  	v9 =	vld [tilespmem:s30+$0x14500];
	s3 =	sld [smem:s18+$0x7]  }
0x1bc: {  	v10 =	vld [tilespmem:s30+$0x14580];
	v11 =	vmul.f32 s0, v7;
	v12 =	vadd.f32 v14, v3  }
0x1bd: {  	v16 =	vld [tilespmem:s30+$0x14680];
	v15 =	vadd.f32 v17, v3;
	v14 =	vmul.f32 s6, v7  }
0x1be: {  	v17 =	vld [tilespmem:s30+$0x14700];
	v11 =	vadd.f32 v12, v11;
	v12 =	vmul.f32 s3, v4;
	v8 =	vadd.f32 v8, v6  }
0x1bf: {  	v13 =	vld [tilespmem:s30+$0x14600];
	v14 =	vadd.f32 v15, v14  }
0x1c0: {  	v18 =	vmul.f32 s20, v7;
	[tilespmem:s30+$0x4400] =	vst.add.f32.msk $0xffff, v11;
	v9 =	vadd.f32 v9, v3;
	v8 =	vadd.f32 v12, v8  }
0x1c1: {  	[tilespmem:s30+$0x4480] =	vst.add.f32.msk $0xffff, v14;
	v11 =	vmul.f32 s21, v7;
	v10 =	vadd.f32 v10, v3  }
0x1c2: {  	v9 =	vadd.f32 v9, v18;
	[tilespmem:s29+$0x4380] =	vst.add.f32.msk $0xffff, v8  }
0x1c3: {  	v10 =	vadd.f32 v10, v11;
	v8 =	vld [tilespmem:s2+$0x16380]  }
0x1c4: {  	v11 =	vadd.f32 v16, v3;
	v12 =	vadd.f32 v13, v3;
	v13 =	vmul.f32 s24, v7;
	[tilespmem:s30+$0x4500] =	vst.add.f32.msk $0xffff, v9  }
0x1c5: {  	v9 =	vmul.f32 s22, v7;
	s21 =	sld [smem:s18+$0x8]  }
0x1c6: {  	v11 =	vadd.f32 v11, v13  }
0x1c7: {  	v15 =	vld [tilespmem:s30+$0x16380];
	v14 =	vmul.f32 s3, v7;
	v9 =	vadd.f32 v12, v9;
	v12 =	vadd.f32 v17, v3  }
0x1c8: {  	[tilespmem:s30+$0x4580] =	vst.add.f32.msk $0xffff, v10;
	v10 =	vmul.f32 s21, v4;
	v8 =	vadd.f32 v8, v6  }
0x1c9: {  	[tilespmem:s30+$0x4680] =	vst.add.f32.msk $0xffff, v11;
	v12 =	vadd.f32 v12, v14  }
0x1ca: {  	[tilespmem:s30+$0x4600] =	vst.add.f32.msk $0xffff, v9;
	v8 =	vadd.f32 v10, v8  }
0x1cb: {  	s22 =	sor.u32 $0x6380, s2;
	[tilespmem:s30+$0x4700] =	vst.add.f32.msk $0xffff, v12  }
0x1cc: {  	[tilespmem:s22+$0x0] =	vst.add.f32.msk $0xffff, v8  }
0x1cd: {  	v8 =	vld [tilespmem:s2+$0x16400]  }
0x1ce: {  	v9 =	vld [tilespmem:s2+$0x16480]  }
0x1cf: {  	v11 =	vmul.f32 s21, v7;
	v10 =	vadd.f32 v15, v3;
	s3 =	sld [smem:s18+$0x9];
	v12 =	vld [tilespmem:s2+$0x16500]  }
0x1d0: {  	s0 =	sld [smem:s18+$0xA];
	v13 =	vld [tilespmem:s2+$0x16580]  }
0x1d1: {  	v10 =	vadd.f32 v10, v11;
	s6 =	sld [smem:s18+$0xB];
	v11 =	vld [tilespmem:s2+$0x16600]  }
0x1d2: {  	s24 =	sor.u32 $0x6380, s30;
	s20 =	sld [smem:s18+$0xC];
	v15 =	vld [tilespmem:s2+$0x16680];
	v14 =	vmul.f32 s3, v4;
	v8 =	vadd.f32 v8, v6  }
0x1d3: {  	s29 =	sld [smem:s18+$0xD];
	[tilespmem:s24+$0x0] =	vst.add.f32.msk $0xffff, v10;
	v16 =	vmul.f32 s0, v4;
	v9 =	vadd.f32 v9, v6  }
0x1d4: {  	s21 =	sld [smem:s18+$0xE];
	v18 =	vld [tilespmem:s30+$0x16480];
	v10 =	vadd.f32 v12, v6;
	v12 =	vmul.f32 s6, v4;
	v8 =	vadd.f32 v14, v8  }
0x1d5: {  	v13 =	vadd.f32 v13, v6;
	v14 =	vld [tilespmem:s30+$0x16400];
	v9 =	vadd.f32 v16, v9;
	v16 =	vmul.f32 s20, v4  }
0x1d6: {  	[tilespmem:s2+$0x6400] =	vst.add.f32.msk $0xffff, v8;
	v8 =	vadd.f32 v12, v10;
	v10 =	vadd.f32 v11, v6;
	v11 =	vmul.f32 s29, v4  }
0x1d7: {  	[tilespmem:s2+$0x6480] =	vst.add.f32.msk $0xffff, v9;
	v9 =	vadd.f32 v16, v13;
	v12 =	vadd.f32 v15, v6;
	v13 =	vmul.f32 s21, v4  }
0x1d8: {  	[tilespmem:s2+$0x6500] =	vst.add.f32.msk $0xffff, v8;
	v8 =	vadd.f32 v11, v10  }
0x1d9: {  	[tilespmem:s2+$0x6580] =	vst.add.f32.msk $0xffff, v9;
	v9 =	vadd.f32 v13, v12  }
0x1da: {  	[tilespmem:s2+$0x6600] =	vst.add.f32.msk $0xffff, v8  }
0x1db: {  	s22 =	sor.u32 $0x2380, s4;
	[tilespmem:s2+$0x6680] =	vst.add.f32.msk $0xffff, v9  }
0x1dc: {  	v19 =	vmul.f32 s0, v7;
	v11 =	vmul.f32 s3, v7;
	v17 =	vld [tilespmem:s22+$0x14380]  }
0x1dd: {  	v16 =	vld [tilespmem:s30+$0x16500];
	v12 =	vmul.f32 s6, v7;
	v13 =	vadd.f32 v14, v3;
	v14 =	vadd.f32 v18, v3  }
0x1de: {  	v15 =	vld [tilespmem:s30+$0x16580];
	v10 =	vmul.f32 s20, v7;
	v8 =	vmul.f32 s29, v7;
	s20 =	sld [smem:s18+$0xF]  }
0x1df: {  	s4 =	simm.s32 $0x100;
	s2 =	simm.s32 $0x0;
	v9 =	vmul.f32 s21, v7;
	v13 =	vadd.f32 v13, v11;
	v11 =	vadd.f32 v14, v19;
	v14 =	vld [tilespmem:s30+$0x16600]  }
.LBB2_17:
0x1e0: {  	s0 =	sand.u32 $0x1C00, s4;
	v18 =	vld [tilespmem:s30+$0x16680];
	s19 =	sadd.s32 $0x20, s19  }
0x1e1: {  	s23 =	sadd.s32 $0x20, s23;
	s3 =	sand.u32 $0x60, s19;
	s6 =	sshrl.u32 s0, $0x2;
	v6 =	vadd.f32 v17, v6;
	v17 =	vmul.f32 s20, v4;
	v19 =	vld [tilespmem:s30+$0x16700];
	v20 =	vmul.f32 s20, v7  }
0x1e2: {  	s6 =	sadd.s32 $0x18380, s6;
	v4 =	vld [tilespmem:s23+$0x0];
	s20 =	sor.u32 s3, s0;
	s21 =	sor.u32 $0x10, s3;
	v7 =	vadd.f32 v16, v3  }
0x1e3: {  	s24 =	sand.u32 $0x380, s19;
	s3 =	sor.u32 s3, s6;
	v16 =	vld [tilespmem:s20+$0x14380];
	s6 =	sor.u32 s21, s6;
	v17 =	vadd.f32 v17, v6;
	v15 =	vadd.f32 v15, v3  }
0x1e4: {  	v6 =	vld [tilespmem:s3+$0x0];
	s3 =	sor.u32 s21, s24;
	s24 =	sor.u32 s0, s21;
	v12 =	vadd.f32 v7, v12;
	v7 =	vadd.f32 v14, v3  }
0x1e5: {  	s0 =	sor.u32 $0x4380, s24;
	s21 =	sor.u32 $0x6380, s24;
	[tilespmem:s22+$0x4380] =	vst.add.f32.msk $0xffff, v17;
	v14 =	vadd.f32 v15, v10;
	v10 =	vadd.f32 v18, v3  }
0x1e6: {  	v8 =	vadd.f32 v7, v8;
	v15 =	vadd.f32 v19, v3;
	v3 =	vld [tilespmem:s6+$0x0]  }
0x1e7: {  	v7 =	vld [tilespmem:s3+$0x18B80];
	v9 =	vadd.f32 v10, v9  }
0x1e8: {  	v17 =	vld [tilespmem:s24+$0x14380];
	v10 =	vadd.f32 v15, v20  }
0x1e9: {  	v15 =	vadd.f32 v16, v6;
	v16 =	vmul.f32 v5, v4;
	[tilespmem:s30+$0x6400] =	vst.add.f32.msk $0xffff, v13  }
0x1ea: {  	s2 =	sadd.s32 $0x2, s2;
	[tilespmem:s30+$0x6480] =	vst.add.f32.msk $0xffff, v11  }
0x1eb: {  	p0 =	slt.u32 s2, $0x3E;
	v11 =	vadd.f32 v16, v15;
	[tilespmem:s30+$0x6500] =	vst.add.f32.msk $0xffff, v12  }
0x1ec: {  	s3 =	sor.u32 $0x4380, s20;
	v12 =	vmul.f32 v7, v5;
	[tilespmem:s30+$0x6580] =	vst.add.f32.msk $0xffff, v14  }
0x1ed: {  	[tilespmem:s3+$0x0] =	vst.add.f32.msk $0xffff, v11;
	v11 =	vadd.f32 v17, v3  }
0x1ee: {  	v13 =	vld [tilespmem:s20+$0x14400]  }
0x1ef: {  	v14 =	vld [tilespmem:s20+$0x14480];
	v11 =	vadd.f32 v11, v12  }
0x1f0: {  	s3 =	sld [smem:s18+$0x1];
	v12 =	vld [tilespmem:s20+$0x14500]  }
0x1f1: {  	s6 =	sld [smem:s18+$0x2];
	v15 =	vld [tilespmem:s20+$0x14580]  }
0x1f2: {  	s22 =	sld [smem:s18+$0x3];
	v16 =	vld [tilespmem:s20+$0x14600]  }
0x1f3: {  	v13 =	vadd.f32 v13, v6;
	v17 =	vmul.f32 s3, v4;
	s29 =	sld [smem:s18+$0x4];
	v18 =	vld [tilespmem:s20+$0x14680];
	v19 =	vmul.f32 s3, v7  }
0x1f4: {  	v14 =	vadd.f32 v14, v6;
	v20 =	vmul.f32 s6, v4;
	s3 =	sld [smem:s18+$0x5];
	[tilespmem:s0+$0x0] =	vst.add.f32.msk $0xffff, v11;
	v11 =	vmul.f32 s6, v7  }
0x1f5: {  	v13 =	vadd.f32 v17, v13;
	v12 =	vadd.f32 v12, v6;
	v17 =	vmul.f32 s22, v4;
	s0 =	sld [smem:s18+$0x6];
	v21 =	vld [tilespmem:s24+$0x14400]  }
0x1f6: {  	v14 =	vadd.f32 v20, v14;
	v15 =	vadd.f32 v15, v6;
	v20 =	vmul.f32 s29, v4;
	v22 =	vld [tilespmem:s24+$0x14480]  }
0x1f7: {  	[tilespmem:s20+$0x4400] =	vst.add.f32.msk $0xffff, v13;
	v12 =	vadd.f32 v17, v12;
	v13 =	vadd.f32 v16, v6;
	v16 =	vmul.f32 s3, v4  }
0x1f8: {  	[tilespmem:s20+$0x4480] =	vst.add.f32.msk $0xffff, v14;
	v14 =	vadd.f32 v20, v15;
	v15 =	vadd.f32 v18, v6;
	v17 =	vmul.f32 s0, v4  }
0x1f9: {  	[tilespmem:s20+$0x4500] =	vst.add.f32.msk $0xffff, v12;
	v12 =	vadd.f32 v16, v13;
	v13 =	vmul.f32 s22, v7;
	v16 =	vmul.f32 s29, v7  }
0x1fa: {  	s6 =	sand.u32 $0xFFFFFC00, s4;
	[tilespmem:s20+$0x4580] =	vst.add.f32.msk $0xffff, v14;
	v14 =	vadd.f32 v17, v15;
	v15 =	vadd.f32 v21, v3;
	v17 =	vmul.f32 s3, v7  }
0x1fb: {  	v18 =	vmul.f32 s0, v7;
	s22 =	sadd.s32 s6, s19;
	[tilespmem:s20+$0x4600] =	vst.add.f32.msk $0xffff, v12;
	v12 =	vadd.f32 v22, v3  }
0x1fc: {  	s0 =	sor.u32 $0x380, s22;
	[tilespmem:s20+$0x4680] =	vst.add.f32.msk $0xffff, v14;
	v14 =	vadd.f32 v15, v19  }
0x1fd: {  	v15 =	vld [tilespmem:s0+$0x14380];
	v11 =	vadd.f32 v12, v11  }
0x1fe: {  	v12 =	vld [tilespmem:s24+$0x14500]  }
0x1ff: {  	s3 =	sld [smem:s18+$0x7];
	v19 =	vld [tilespmem:s24+$0x14580]  }
0x200: {  	v20 =	vld [tilespmem:s24+$0x14600]  }
0x201: {  	v21 =	vld [tilespmem:s24+$0x14680]  }
0x202: {  	v15 =	vadd.f32 v15, v6;
	v22 =	vmul.f32 s3, v4;
	v23 =	vld [tilespmem:s24+$0x14700];
	v24 =	vmul.f32 s3, v7  }
0x203: {  	v12 =	vadd.f32 v12, v3;
	v25 =	vld [tilespmem:s24+$0x16380]  }
0x204: {  	v15 =	vadd.f32 v22, v15;
	[tilespmem:s24+$0x4400] =	vst.add.f32.msk $0xffff, v14;
	v14 =	vadd.f32 v19, v3  }
0x205: {  	[tilespmem:s24+$0x4480] =	vst.add.f32.msk $0xffff, v11;
	v11 =	vadd.f32 v12, v13;
	v12 =	vadd.f32 v20, v3  }
0x206: {  	[tilespmem:s0+$0x4380] =	vst.add.f32.msk $0xffff, v15;
	v13 =	vadd.f32 v14, v16;
	v14 =	vadd.f32 v21, v3  }
0x207: {  	v15 =	vld [tilespmem:s20+$0x16380];
	v12 =	vadd.f32 v12, v17;
	v16 =	vadd.f32 v23, v3  }
0x208: {  	[tilespmem:s24+$0x4500] =	vst.add.f32.msk $0xffff, v11;
	v11 =	vadd.f32 v14, v18;
	v14 =	vadd.f32 v25, v3  }
0x209: {  	s0 =	sld [smem:s18+$0x8];
	[tilespmem:s24+$0x4580] =	vst.add.f32.msk $0xffff, v13;
	v13 =	vadd.f32 v16, v24  }
0x20a: {  	[tilespmem:s24+$0x4600] =	vst.add.f32.msk $0xffff, v12  }
0x20b: {  	[tilespmem:s24+$0x4680] =	vst.add.f32.msk $0xffff, v11  }
0x20c: {  	v11 =	vadd.f32 v15, v6;
	v12 =	vmul.f32 s0, v4;
	[tilespmem:s24+$0x4700] =	vst.add.f32.msk $0xffff, v13;
	v13 =	vmul.f32 s0, v7  }
0x20d: {  	[tilespmem:s30+$0x6600] =	vst.add.f32.msk $0xffff, v8  }
0x20e: {  	v8 =	vadd.f32 v12, v11;
	v11 =	vadd.f32 v14, v13;
	[tilespmem:s30+$0x6680] =	vst.add.f32.msk $0xffff, v9  }
0x20f: {  	s0 =	sor.u32 $0x6380, s20;
	[tilespmem:s30+$0x6700] =	vst.add.f32.msk $0xffff, v10;
	s30 =	smov.u32 s24  }
0x210: {  	[tilespmem:s0+$0x0] =	vst.add.f32.msk $0xffff, v8  }
0x211: {  	v8 =	vld [tilespmem:s20+$0x16400]  }
0x212: {  	v9 =	vld [tilespmem:s20+$0x16480]  }
0x213: {  	s0 =	sld [smem:s18+$0x9];
	v10 =	vld [tilespmem:s20+$0x16500]  }
0x214: {  	s3 =	sld [smem:s18+$0xA];
	v12 =	vld [tilespmem:s20+$0x16580]  }
0x215: {  	s6 =	sld [smem:s18+$0xB];
	v13 =	vld [tilespmem:s20+$0x16600]  }
0x216: {  	v8 =	vadd.f32 v8, v6;
	v14 =	vmul.f32 s0, v4;
	s24 =	sld [smem:s18+$0xC];
	v15 =	vld [tilespmem:s20+$0x16680];
	v16 =	vmul.f32 s0, v7  }
0x217: {  	v9 =	vadd.f32 v9, v6;
	v17 =	vmul.f32 s3, v4;
	s0 =	sld [smem:s18+$0xD];
	[tilespmem:s21+$0x0] =	vst.add.f32.msk $0xffff, v11;
	v11 =	vmul.f32 s3, v7  }
0x218: {  	v8 =	vadd.f32 v14, v8;
	v10 =	vadd.f32 v10, v6;
	v14 =	vmul.f32 s6, v4;
	s3 =	sld [smem:s18+$0xE];
	v18 =	vld [tilespmem:s30+$0x16400]  }
0x219: {  	v9 =	vadd.f32 v17, v9;
	v12 =	vadd.f32 v12, v6;
	v17 =	vmul.f32 s24, v4;
	v19 =	vld [tilespmem:s30+$0x16480]  }
0x21a: {  	[tilespmem:s20+$0x6400] =	vst.add.f32.msk $0xffff, v8;
	v8 =	vadd.f32 v14, v10;
	v10 =	vadd.f32 v13, v6;
	v13 =	vmul.f32 s0, v4  }
0x21b: {  	[tilespmem:s20+$0x6480] =	vst.add.f32.msk $0xffff, v9;
	v9 =	vadd.f32 v17, v12;
	v14 =	vadd.f32 v15, v6;
	v15 =	vmul.f32 s3, v4  }
0x21c: {  	v12 =	vmul.f32 s6, v7;
	[tilespmem:s20+$0x6500] =	vst.add.f32.msk $0xffff, v8;
	v13 =	vadd.f32 v13, v10;
	v10 =	vmul.f32 s24, v7  }
0x21d: {  	v8 =	vmul.f32 s0, v7;
	[tilespmem:s20+$0x6580] =	vst.add.f32.msk $0xffff, v9;
	v14 =	vadd.f32 v15, v14;
	v15 =	vadd.f32 v18, v3  }
0x21e: {  	v9 =	vmul.f32 s3, v7;
	[tilespmem:s20+$0x6600] =	vst.add.f32.msk $0xffff, v13;
	v18 =	vadd.f32 v19, v3  }
.Ltmp7:
0x21f: {  	s22 =	sor.u32 $0x2380, s22;
	[tilespmem:s20+$0x6680] =	vst.add.f32.msk $0xffff, v14;
	v13 =	vadd.f32 v15, v16;
	(pc) =	sbr.rel @p0 .LBB2_17-.Ltmp7, $4  }
0x220: {  	v17 =	vld [tilespmem:s22+$0x14380];
	v11 =	vadd.f32 v18, v11  }
0x221: {  	v16 =	vld [tilespmem:s30+$0x16500]  }
0x222: {  	s20 =	sld [smem:s18+$0xF];
	v15 =	vld [tilespmem:s30+$0x16580]  }
0x223: {  	s4 =	sadd.s32 $0x100, s4;
	v14 =	vld [tilespmem:s30+$0x16600]  }
0x224: {  	_ = 	snop  }
0x225: {  	v5 =	vadd.f32 v17, v6;
	v4 =	vmul.f32 s20, v4;
	v6 =	vld [tilespmem:s30+$0x16680];
	_ =	sdelay $0x1  }
0x226: {  	[tilespmem:s30+$0x6400] =	vst.add.f32.msk $0xffff, v13;
	v4 =	vadd.f32 v4, v5;
	v5 =	vadd.f32 v16, v3  }
0x227: {  	v17 =	vld [tilespmem:s30+$0x16700];
	v15 =	vadd.f32 v15, v3  }
0x228: {  	[tilespmem:s22+$0x4380] =	vst.add.f32.msk $0xffff, v4;
	v4 =	vadd.f32 v5, v12;
	v5 =	vadd.f32 v14, v3  }
0x229: {  	[tilespmem:s30+$0x6480] =	vst.add.f32.msk $0xffff, v11;
	v10 =	vadd.f32 v15, v10;
	v6 =	vadd.f32 v6, v3  }
0x22a: {  	v5 =	vadd.f32 v5, v8;
	[tilespmem:s30+$0x6500] =	vst.add.f32.msk $0xffff, v4  }
0x22b: {  	[tilespmem:s30+$0x6580] =	vst.add.f32.msk $0xffff, v10;
	v4 =	vadd.f32 v6, v9  }
0x22c: {  	v7 =	vmul.f32 s20, v7;
	v3 =	vadd.f32 v17, v3;
	[tilespmem:s30+$0x6600] =	vst.add.f32.msk $0xffff, v5  }
0x22d: {  	[tilespmem:s30+$0x6680] =	vst.add.f32.msk $0xffff, v4  }
0x22e: {  	s0 =	sshll.u32 s17, $0xB;
	v3 =	vadd.f32 v3, v7;
	s2 =	rddreg [dreg:$0x8]  }
0x22f: {  	s0 =	sadd.s32 s2, s0  }
0x230: {  	s20 =	simm.s32 $0x4380;
	[tilespmem:s30+$0x6700] =	vst.add.f32.msk $0xffff, v3;
	s0 =	sadd.s32 s1, s0  }
0x231: {  	[hbm4b:s0+s5] =	stream.linear.scatter [tilespmem:s20], [sflag:$0x8], $0x4000, $0x38;
	[tilespmem:$0x18F80] =	vst v63  }
0x232: {  	v3 =	vld [tilespmem:s7+$0x100];
	_ =	sdelay $0x4  }
0x233: {  	v4 =	vshll.u32 v3, $0x3  }
0x234: {  	v3 =	vand.u32 $0x7, v3;
	v4 =	vand.u32 $0xFFFFFFC0, v4  }
0x235: {  	v3 =	vor.u32 v3, v4  }
0x236: {  	v4 =	vperm.xlane v3, v0;
	_ =	sdelay $0x1  }
0x237: {  	v4 =	vadd.s32 v1, v4;
	_ =	sdelay $0x3  }
0x238: {  	s29 =	smov.u32 s16;
	s16 =	simm.s32 $0x14380  }
0x239: {  	[tilespmem:s16], [sflag:$0x6] =	stream.indirect_vreg.gather [hbm4b:s29+s5], $0x80, v4, vm0, $0xb8;
	[tilespmem:$0x18F80] =	vst v63  }
0x23a: {  	s21 =	simm.s32 $0x14B80;
	v3 =	vperm.xlane v3, v2  }
0x23b: {  	[tilespmem:s21], [sflag:$0x6] =	stream.indirect_vreg.gather [hbm4b:s13+s5], $0x80, v4, vm0, $0xb8;
	[tilespmem:$0x18F80] =	vst v63  }
0x23c: {  	s22 =	simm.s32 $0x15380;
	v3 =	vadd.s32 v1, v3  }
0x23d: {  	[tilespmem:s22], [sflag:$0x6] =	stream.indirect_vreg.gather [hbm4b:s14+s5], $0x80, v4, vm0, $0xb8;
	[tilespmem:$0x18F80] =	vst v63  }
0x23e: {  	s23 =	simm.s32 $0x15B80  }
0x23f: {  	[tilespmem:s23], [sflag:$0x6] =	stream.indirect_vreg.gather [hbm4b:s15+s5], $0x80, v4, vm0, $0xb8;
	[tilespmem:$0x18F80] =	vst v63  }
0x240: {  	s24 =	simm.s32 $0x16380  }
0x241: {  	[tilespmem:s24], [sflag:$0x6] =	stream.indirect_vreg.gather [hbm4b:s29+s5], $0x80, v3, vm0, $0xb8;
	[tilespmem:$0x18F80] =	vst v63  }
0x242: {  	s30 =	smov.u32 s1;
	s1 =	simm.s32 $0x16B80  }
0x243: {  	[tilespmem:s1], [sflag:$0x6] =	stream.indirect_vreg.gather [hbm4b:s13+s5], $0x80, v3, vm0, $0xb8;
	[tilespmem:$0x18F80] =	vst v63  }
0x244: {  	p0 =	seq.s32 s25, $0x3;
	s2 =	simm.s32 $0x17380  }
0x245: {  	[tilespmem:s2], [sflag:$0x6] =	stream.indirect_vreg.gather [hbm4b:s14+s5], $0x80, v3, vm0, $0xb8;
	[tilespmem:$0x18F80] =	vst v63  }
0x246: {  	s3 =	simm.s32 $0x17B80;
	s0 =	simm.s32 @!p0 $0x7  }
0x247: {  	[tilespmem:s3], [sflag:$0x6] =	stream.indirect_vreg.gather [hbm4b:s15+s5], $0x80, v3, vm0, $0xb8;
	[tilespmem:$0x18F80] =	vst v63  }
0x248: {  	s2 =	sadd.s32 $0x4, s9;
	_ =	swait.ge @!p0 [sflag:s0], $0x4000  }
0x249: {  	s2 =	sshll.u32 @!p0 s2, $0x4;
	[sflag:s0] =	ssyncset.done @!p0 $0x0  }
0x24a: {  	s9 =	sand.u32 @!p0 $0x3FFFFFF0, s2;
	[sflag:s0] =	ssyncadd.s32 @!p0 $0xFFFFC000  }
0x24b: {  	v3 =	vld @!p0 [tilespmem:s9+$0x0];
	_ =	sdelay $0x4  }
0x24c: {  	v4 =	vshll.u32 @!p0 v3, $0x3  }
0x24d: {  	v5 =	vlaneseq.u32 @!p0;
	v3 =	vand.u32 @!p0 $0x7, v3;
	v4 =	vand.u32 @!p0 $0xFFFFFFC0, v4  }
0x24e: {  	v6 =	vshrl.u32 @!p0 v5, $0x3;
	v3 =	vor.u32 @!p0 v3, v4;
	v4 =	vand.u32 @!p0 $0x7, v5  }
0x24f: {  	v6 =	vmul.u32 @!p0 $0x8, v6;
	v4 =	vperm.xlane @!p0 v3, v4;
	_ =	sdelay $0x1  }
0x250: {  	v4 =	vadd.s32 @!p0 v6, v4;
	_ =	sdelay $0x3  }
0x251: {  	vm1 =	vmmov @!p0 $0xffff;
	s2 =	simm.s32 @!p0 $0x380;
	s0 =	simm.s32 @!p0 $0x0;
	s1 =	rddreg [dreg:$0x3]  }
0x252: {  	v5 =	vor.u32 @!p0 $0x8, v5;
	[tilespmem:s2], [sflag:$0x1] =	stream.indirect_vreg.gather @!p0 [hbm4b:s1+s0], $0x80, v4, vm1, $0xb8;
	[tilespmem:$0x18F80] =	vst v63  }
0x253: {  	v3 =	vperm.xlane @!p0 v3, v5;
	s2 =	simm.s32 @!p0 $0xB80  }
0x254: {  	[tilespmem:s2], [sflag:$0x1] =	stream.indirect_vreg.gather @!p0 [hbm4b:s10+s0], $0x80, v4, vm1, $0xb8;
	[tilespmem:$0x18F80] =	vst v63  }
0x255: {  	v3 =	vadd.s32 @!p0 v6, v3;
	s2 =	simm.s32 @!p0 $0x1380  }
0x256: {  	[tilespmem:s2], [sflag:$0x1] =	stream.indirect_vreg.gather @!p0 [hbm4b:s11+s0], $0x80, v4, vm1, $0xb8;
	[tilespmem:$0x18F80] =	vst v63  }
0x257: {  	s2 =	simm.s32 @!p0 $0x1B80  }
0x258: {  	[tilespmem:s2], [sflag:$0x1] =	stream.indirect_vreg.gather @!p0 [hbm4b:s12+s0], $0x80, v4, vm1, $0xb8;
	[tilespmem:$0x18F80] =	vst v63  }
0x259: {  	s2 =	simm.s32 @!p0 $0x2380  }
0x25a: {  	[tilespmem:s2], [sflag:$0x1] =	stream.indirect_vreg.gather @!p0 [hbm4b:s1+s0], $0x80, v3, vm1, $0xb8;
	[tilespmem:$0x18F80] =	vst v63  }
0x25b: {  	s2 =	simm.s32 @!p0 $0x2B80  }
0x25c: {  	[tilespmem:s2], [sflag:$0x1] =	stream.indirect_vreg.gather @!p0 [hbm4b:s10+s0], $0x80, v3, vm1, $0xb8;
	[tilespmem:$0x18F80] =	vst v63  }
0x25d: {  	s2 =	simm.s32 @!p0 $0x3380  }
0x25e: {  	[tilespmem:s2], [sflag:$0x1] =	stream.indirect_vreg.gather @!p0 [hbm4b:s11+s0], $0x80, v3, vm1, $0xb8;
	[tilespmem:$0x18F80] =	vst v63  }
0x25f: {  	s4 =	simm.s32 $0x3;
	s2 =	simm.s32 @!p0 $0x3B80  }
0x260: {  	[tilespmem:s2], [sflag:$0x1] =	stream.indirect_vreg.gather @!p0 [hbm4b:s12+s0], $0x80, v3, vm1, $0xb8;
	[tilespmem:$0x18F80] =	vst v63  }
0x261: {  	_ =	swait.ge [sflag:s4], $0x4000  }
0x262: {  	[sflag:s4] =	ssyncset.done $0x0  }
0x263: {  	s6 =	simm.s32 $0x5;
	[sflag:s4] =	ssyncadd.s32 $0xFFFFC000  }
0x264: {  	s18 =	simm.s32 $0x0;
	_ =	swait.ge [sflag:s6], $0x4000  }
0x265: {  	s19 =	simm.s32 $0x18B80;
	s17 =	sand.u32 $0x1C00, s18;
	[sflag:s6] =	ssyncset.done $0x0  }
0x266: {  	s20 =	sshrl.u32 s17, $0x2;
	s3 =	sand.u32 $0x60, s18;
	[sflag:s6] =	ssyncadd.s32 $0xFFFFC000  }
0x267: {  	s2 =	sor.u32 s3, s17;
	s4 =	sadd.s32 $0x18380, s20;
	v4 =	vld [tilespmem:s19+$0x0]  }
0x268: {  	s6 =	sor.u32 s3, s4;
	v7 =	vld [tilespmem:s2+$0x10380]  }
0x269: {  	v6 =	vld [tilespmem:s6+$0x0]  }
0x26a: {  	s21 =	sld [smem:s8+$0x0];
	_ =	sdelay $0x1  }
0x26b: {  	s3 =	sor.u32 $0x10, s3  }
0x26c: {  	s4 =	sor.u32 s3, s4;
	v5 =	vmov s21  }
0x26d: {  	s22 =	sand.u32 $0x380, s18;
	s17 =	sor.u32 s17, s3;
	v3 =	vld [tilespmem:s4+$0x0];
	v8 =	vadd.f32 v7, v6;
	v9 =	vmul.f32 v5, v4  }
0x26e: {  	s6 =	sor.u32 s3, s22;
	v10 =	vld [tilespmem:s17+$0x10380]  }
0x26f: {  	v7 =	vld [tilespmem:s6+$0x18B80];
	v8 =	vadd.f32 v9, v8  }
0x270: {  	s23 =	sor.u32 $0x8380, s2  }
0x271: {  	[tilespmem:s23+$0x0] =	vst.add.f32.msk $0xffff, v8  }
0x272: {  	v8 =	vld [tilespmem:s2+$0x10400]  }
0x273: {  	v9 =	vld [tilespmem:s2+$0x10480]  }
0x274: {  	v10 =	vadd.f32 v10, v3;
	s0 =	sld [smem:s8+$0x1];
	v11 =	vmul.f32 v7, v5;
	v12 =	vld [tilespmem:s2+$0x10500]  }
0x275: {  	s3 =	sld [smem:s8+$0x2];
	v13 =	vld [tilespmem:s2+$0x10580]  }
0x276: {  	s6 =	sld [smem:s8+$0x3];
	v10 =	vadd.f32 v10, v11;
	v11 =	vld [tilespmem:s2+$0x10600]  }
0x277: {  	s24 =	sor.u32 $0x8380, s17;
	s20 =	sld [smem:s8+$0x4];
	v15 =	vld [tilespmem:s2+$0x10680];
	v14 =	vmul.f32 s0, v4;
	v8 =	vadd.f32 v8, v6  }
0x278: {  	s21 =	sld [smem:s8+$0x5];
	v16 =	vmul.f32 s3, v4;
	[tilespmem:s24+$0x0] =	vst.add.f32.msk $0xffff, v10;
	v9 =	vadd.f32 v9, v6  }
0x279: {  	v10 =	vadd.f32 v12, v6;
	v12 =	vmul.f32 s6, v4;
	s22 =	sld [smem:s8+$0x6];
	v17 =	vld [tilespmem:s17+$0x10480];
	v8 =	vadd.f32 v14, v8  }
0x27a: {  	v13 =	vadd.f32 v13, v6;
	v14 =	vld [tilespmem:s17+$0x10400];
	v9 =	vadd.f32 v16, v9;
	v16 =	vmul.f32 s20, v4  }
0x27b: {  	[tilespmem:s2+$0x8400] =	vst.add.f32.msk $0xffff, v8;
	v8 =	vadd.f32 v12, v10;
	v10 =	vadd.f32 v11, v6;
	v11 =	vmul.f32 s21, v4  }
0x27c: {  	[tilespmem:s2+$0x8480] =	vst.add.f32.msk $0xffff, v9;
	v9 =	vadd.f32 v16, v13;
	v12 =	vadd.f32 v15, v6;
	v13 =	vmul.f32 s22, v4  }
0x27d: {  	[tilespmem:s2+$0x8500] =	vst.add.f32.msk $0xffff, v8;
	v8 =	vadd.f32 v11, v10  }
0x27e: {  	s1 =	sand.u32 $0xFFFFFC00, s18;
	[tilespmem:s2+$0x8580] =	vst.add.f32.msk $0xffff, v9;
	v9 =	vadd.f32 v13, v12  }
0x27f: {  	s4 =	sadd.s32 $0x0, s1;
	[tilespmem:s2+$0x8600] =	vst.add.f32.msk $0xffff, v8  }
0x280: {  	s23 =	sor.u32 $0x380, s4;
	[tilespmem:s2+$0x8680] =	vst.add.f32.msk $0xffff, v9  }
0x281: {  	v8 =	vld [tilespmem:s23+$0x10380];
	_ =	sdelay $0x1  }
0x282: {  	v9 =	vld [tilespmem:s17+$0x10500];
	s24 =	sld [smem:s8+$0x7]  }
0x283: {  	v10 =	vld [tilespmem:s17+$0x10580];
	v11 =	vmul.f32 s0, v7;
	v12 =	vadd.f32 v14, v3  }
0x284: {  	v16 =	vld [tilespmem:s17+$0x10680];
	v15 =	vadd.f32 v17, v3;
	v14 =	vmul.f32 s3, v7  }
0x285: {  	v17 =	vld [tilespmem:s17+$0x10700];
	v11 =	vadd.f32 v12, v11;
	v12 =	vmul.f32 s24, v4;
	v8 =	vadd.f32 v8, v6  }
0x286: {  	v13 =	vld [tilespmem:s17+$0x10600];
	v14 =	vadd.f32 v15, v14  }
0x287: {  	v18 =	vmul.f32 s6, v7;
	[tilespmem:s17+$0x8400] =	vst.add.f32.msk $0xffff, v11;
	v9 =	vadd.f32 v9, v3;
	v8 =	vadd.f32 v12, v8  }
0x288: {  	[tilespmem:s17+$0x8480] =	vst.add.f32.msk $0xffff, v14;
	v11 =	vmul.f32 s20, v7;
	v10 =	vadd.f32 v10, v3  }
0x289: {  	v9 =	vadd.f32 v9, v18;
	[tilespmem:s23+$0x8380] =	vst.add.f32.msk $0xffff, v8  }
0x28a: {  	v10 =	vadd.f32 v10, v11;
	v8 =	vld [tilespmem:s2+$0x12380]  }
0x28b: {  	v11 =	vadd.f32 v16, v3;
	v12 =	vadd.f32 v13, v3;
	v13 =	vmul.f32 s22, v7;
	[tilespmem:s17+$0x8500] =	vst.add.f32.msk $0xffff, v9  }
0x28c: {  	v9 =	vmul.f32 s21, v7;
	s23 =	sld [smem:s8+$0x8]  }
0x28d: {  	v11 =	vadd.f32 v11, v13  }
0x28e: {  	v15 =	vld [tilespmem:s17+$0x12380];
	v14 =	vmul.f32 s24, v7;
	v9 =	vadd.f32 v12, v9;
	v12 =	vadd.f32 v17, v3  }
0x28f: {  	[tilespmem:s17+$0x8580] =	vst.add.f32.msk $0xffff, v10;
	v10 =	vmul.f32 s23, v4;
	v8 =	vadd.f32 v8, v6  }
0x290: {  	[tilespmem:s17+$0x8680] =	vst.add.f32.msk $0xffff, v11;
	v12 =	vadd.f32 v12, v14  }
0x291: {  	[tilespmem:s17+$0x8600] =	vst.add.f32.msk $0xffff, v9;
	v8 =	vadd.f32 v10, v8  }
0x292: {  	s1 =	sor.u32 $0xA380, s2;
	[tilespmem:s17+$0x8700] =	vst.add.f32.msk $0xffff, v12  }
0x293: {  	[tilespmem:s1+$0x0] =	vst.add.f32.msk $0xffff, v8  }
0x294: {  	v8 =	vld [tilespmem:s2+$0x12400]  }
0x295: {  	v9 =	vld [tilespmem:s2+$0x12480]  }
0x296: {  	v11 =	vmul.f32 s23, v7;
	v10 =	vadd.f32 v15, v3;
	s3 =	sld [smem:s8+$0x9];
	v12 =	vld [tilespmem:s2+$0x12500]  }
0x297: {  	s6 =	sld [smem:s8+$0xA];
	v13 =	vld [tilespmem:s2+$0x12580]  }
0x298: {  	v10 =	vadd.f32 v10, v11;
	s20 =	sld [smem:s8+$0xB];
	v11 =	vld [tilespmem:s2+$0x12600]  }
0x299: {  	s24 =	sor.u32 $0xA380, s17;
	s1 =	sld [smem:s8+$0xC];
	v15 =	vld [tilespmem:s2+$0x12680];
	v14 =	vmul.f32 s3, v4;
	v8 =	vadd.f32 v8, v6  }
0x29a: {  	s23 =	sld [smem:s8+$0xD];
	[tilespmem:s24+$0x0] =	vst.add.f32.msk $0xffff, v10;
	v16 =	vmul.f32 s6, v4;
	v9 =	vadd.f32 v9, v6  }
0x29b: {  	s21 =	sld [smem:s8+$0xE];
	v18 =	vld [tilespmem:s17+$0x12480];
	v10 =	vadd.f32 v12, v6;
	v12 =	vmul.f32 s20, v4;
	v8 =	vadd.f32 v14, v8  }
0x29c: {  	v13 =	vadd.f32 v13, v6;
	v14 =	vld [tilespmem:s17+$0x12400];
	v9 =	vadd.f32 v16, v9;
	v16 =	vmul.f32 s1, v4  }
0x29d: {  	[tilespmem:s2+$0xA400] =	vst.add.f32.msk $0xffff, v8;
	v8 =	vadd.f32 v12, v10;
	v10 =	vadd.f32 v11, v6;
	v11 =	vmul.f32 s23, v4  }
0x29e: {  	[tilespmem:s2+$0xA480] =	vst.add.f32.msk $0xffff, v9;
	v9 =	vadd.f32 v16, v13;
	v12 =	vadd.f32 v15, v6;
	v13 =	vmul.f32 s21, v4  }
0x29f: {  	[tilespmem:s2+$0xA500] =	vst.add.f32.msk $0xffff, v8;
	v8 =	vadd.f32 v11, v10  }
0x2a0: {  	[tilespmem:s2+$0xA580] =	vst.add.f32.msk $0xffff, v9;
	v9 =	vadd.f32 v13, v12  }
0x2a1: {  	[tilespmem:s2+$0xA600] =	vst.add.f32.msk $0xffff, v8  }
0x2a2: {  	s22 =	sor.u32 $0x2380, s4;
	[tilespmem:s2+$0xA680] =	vst.add.f32.msk $0xffff, v9  }
0x2a3: {  	v19 =	vmul.f32 s6, v7;
	v11 =	vmul.f32 s3, v7;
	v17 =	vld [tilespmem:s22+$0x10380]  }
0x2a4: {  	v16 =	vld [tilespmem:s17+$0x12500];
	v12 =	vmul.f32 s20, v7;
	v13 =	vadd.f32 v14, v3;
	v14 =	vadd.f32 v18, v3  }
0x2a5: {  	v15 =	vld [tilespmem:s17+$0x12580];
	v10 =	vmul.f32 s1, v7;
	v8 =	vmul.f32 s23, v7;
	s20 =	sld [smem:s8+$0xF]  }
0x2a6: {  	s4 =	simm.s32 $0x100;
	s2 =	simm.s32 $0x0;
	v9 =	vmul.f32 s21, v7;
	v13 =	vadd.f32 v13, v11;
	v11 =	vadd.f32 v14, v19;
	v14 =	vld [tilespmem:s17+$0x12600]  }
.LBB2_19:
0x2a7: {  	s0 =	sand.u32 $0x1C00, s4;
	v18 =	vld [tilespmem:s17+$0x12680];
	s18 =	sadd.s32 $0x20, s18  }
0x2a8: {  	s19 =	sadd.s32 $0x20, s19;
	s3 =	sand.u32 $0x60, s18;
	s6 =	sshrl.u32 s0, $0x2;
	v6 =	vadd.f32 v17, v6;
	v17 =	vmul.f32 s20, v4;
	v19 =	vld [tilespmem:s17+$0x12700];
	v20 =	vmul.f32 s20, v7  }
0x2a9: {  	s6 =	sadd.s32 $0x18380, s6;
	v4 =	vld [tilespmem:s19+$0x0];
	s20 =	sor.u32 s3, s0;
	s21 =	sor.u32 $0x10, s3;
	v7 =	vadd.f32 v16, v3  }
0x2aa: {  	s23 =	sand.u32 $0x380, s18;
	s3 =	sor.u32 s3, s6;
	v16 =	vld [tilespmem:s20+$0x10380];
	s6 =	sor.u32 s21, s6;
	v17 =	vadd.f32 v17, v6;
	v15 =	vadd.f32 v15, v3  }
0x2ab: {  	v6 =	vld [tilespmem:s3+$0x0];
	s3 =	sor.u32 s21, s23;
	s23 =	sor.u32 s0, s21;
	v12 =	vadd.f32 v7, v12;
	v7 =	vadd.f32 v14, v3  }
0x2ac: {  	s0 =	sor.u32 $0x8380, s23;
	s21 =	sor.u32 $0xA380, s23;
	[tilespmem:s22+$0x8380] =	vst.add.f32.msk $0xffff, v17;
	v14 =	vadd.f32 v15, v10;
	v10 =	vadd.f32 v18, v3  }
0x2ad: {  	v8 =	vadd.f32 v7, v8;
	v15 =	vadd.f32 v19, v3;
	v3 =	vld [tilespmem:s6+$0x0]  }
0x2ae: {  	v7 =	vld [tilespmem:s3+$0x18B80];
	v9 =	vadd.f32 v10, v9  }
0x2af: {  	v17 =	vld [tilespmem:s23+$0x10380];
	v10 =	vadd.f32 v15, v20  }
0x2b0: {  	v15 =	vadd.f32 v16, v6;
	v16 =	vmul.f32 v5, v4;
	[tilespmem:s17+$0xA400] =	vst.add.f32.msk $0xffff, v13  }
0x2b1: {  	s2 =	sadd.s32 $0x2, s2;
	[tilespmem:s17+$0xA480] =	vst.add.f32.msk $0xffff, v11  }
0x2b2: {  	p1 =	slt.u32 s2, $0x3E;
	v11 =	vadd.f32 v16, v15;
	[tilespmem:s17+$0xA500] =	vst.add.f32.msk $0xffff, v12  }
0x2b3: {  	s3 =	sor.u32 $0x8380, s20;
	v12 =	vmul.f32 v7, v5;
	[tilespmem:s17+$0xA580] =	vst.add.f32.msk $0xffff, v14  }
0x2b4: {  	[tilespmem:s3+$0x0] =	vst.add.f32.msk $0xffff, v11;
	v11 =	vadd.f32 v17, v3  }
0x2b5: {  	v13 =	vld [tilespmem:s20+$0x10400]  }
0x2b6: {  	v14 =	vld [tilespmem:s20+$0x10480];
	v11 =	vadd.f32 v11, v12  }
0x2b7: {  	s3 =	sld [smem:s8+$0x1];
	v12 =	vld [tilespmem:s20+$0x10500]  }
0x2b8: {  	s6 =	sld [smem:s8+$0x2];
	v15 =	vld [tilespmem:s20+$0x10580]  }
0x2b9: {  	s22 =	sld [smem:s8+$0x3];
	v16 =	vld [tilespmem:s20+$0x10600]  }
0x2ba: {  	v13 =	vadd.f32 v13, v6;
	v17 =	vmul.f32 s3, v4;
	s24 =	sld [smem:s8+$0x4];
	v18 =	vld [tilespmem:s20+$0x10680];
	v19 =	vmul.f32 s3, v7  }
0x2bb: {  	v14 =	vadd.f32 v14, v6;
	v20 =	vmul.f32 s6, v4;
	s3 =	sld [smem:s8+$0x5];
	[tilespmem:s0+$0x0] =	vst.add.f32.msk $0xffff, v11;
	v11 =	vmul.f32 s6, v7  }
0x2bc: {  	v13 =	vadd.f32 v17, v13;
	v12 =	vadd.f32 v12, v6;
	v17 =	vmul.f32 s22, v4;
	s0 =	sld [smem:s8+$0x6];
	v21 =	vld [tilespmem:s23+$0x10400]  }
0x2bd: {  	v14 =	vadd.f32 v20, v14;
	v15 =	vadd.f32 v15, v6;
	v20 =	vmul.f32 s24, v4;
	v22 =	vld [tilespmem:s23+$0x10480]  }
0x2be: {  	[tilespmem:s20+$0x8400] =	vst.add.f32.msk $0xffff, v13;
	v12 =	vadd.f32 v17, v12;
	v13 =	vadd.f32 v16, v6;
	v16 =	vmul.f32 s3, v4  }
0x2bf: {  	[tilespmem:s20+$0x8480] =	vst.add.f32.msk $0xffff, v14;
	v14 =	vadd.f32 v20, v15;
	v15 =	vadd.f32 v18, v6;
	v17 =	vmul.f32 s0, v4  }
0x2c0: {  	[tilespmem:s20+$0x8500] =	vst.add.f32.msk $0xffff, v12;
	v12 =	vadd.f32 v16, v13;
	v13 =	vmul.f32 s22, v7;
	v16 =	vmul.f32 s24, v7  }
0x2c1: {  	s6 =	sand.u32 $0xFFFFFC00, s4;
	[tilespmem:s20+$0x8580] =	vst.add.f32.msk $0xffff, v14;
	v14 =	vadd.f32 v17, v15;
	v15 =	vadd.f32 v21, v3;
	v17 =	vmul.f32 s3, v7  }
0x2c2: {  	v18 =	vmul.f32 s0, v7;
	s22 =	sadd.s32 s6, s18;
	[tilespmem:s20+$0x8600] =	vst.add.f32.msk $0xffff, v12;
	v12 =	vadd.f32 v22, v3  }
0x2c3: {  	s0 =	sor.u32 $0x380, s22;
	[tilespmem:s20+$0x8680] =	vst.add.f32.msk $0xffff, v14;
	v14 =	vadd.f32 v15, v19  }
0x2c4: {  	v15 =	vld [tilespmem:s0+$0x10380];
	v11 =	vadd.f32 v12, v11  }
0x2c5: {  	v12 =	vld [tilespmem:s23+$0x10500]  }
0x2c6: {  	s3 =	sld [smem:s8+$0x7];
	v19 =	vld [tilespmem:s23+$0x10580]  }
0x2c7: {  	v20 =	vld [tilespmem:s23+$0x10600]  }
0x2c8: {  	v21 =	vld [tilespmem:s23+$0x10680]  }
0x2c9: {  	v15 =	vadd.f32 v15, v6;
	v22 =	vmul.f32 s3, v4;
	v23 =	vld [tilespmem:s23+$0x10700];
	v24 =	vmul.f32 s3, v7  }
0x2ca: {  	v12 =	vadd.f32 v12, v3;
	v25 =	vld [tilespmem:s23+$0x12380]  }
0x2cb: {  	v15 =	vadd.f32 v22, v15;
	[tilespmem:s23+$0x8400] =	vst.add.f32.msk $0xffff, v14;
	v14 =	vadd.f32 v19, v3  }
0x2cc: {  	[tilespmem:s23+$0x8480] =	vst.add.f32.msk $0xffff, v11;
	v11 =	vadd.f32 v12, v13;
	v12 =	vadd.f32 v20, v3  }
0x2cd: {  	[tilespmem:s0+$0x8380] =	vst.add.f32.msk $0xffff, v15;
	v13 =	vadd.f32 v14, v16;
	v14 =	vadd.f32 v21, v3  }
0x2ce: {  	v15 =	vld [tilespmem:s20+$0x12380];
	v12 =	vadd.f32 v12, v17;
	v16 =	vadd.f32 v23, v3  }
0x2cf: {  	[tilespmem:s23+$0x8500] =	vst.add.f32.msk $0xffff, v11;
	v11 =	vadd.f32 v14, v18;
	v14 =	vadd.f32 v25, v3  }
0x2d0: {  	s0 =	sld [smem:s8+$0x8];
	[tilespmem:s23+$0x8580] =	vst.add.f32.msk $0xffff, v13;
	v13 =	vadd.f32 v16, v24  }
0x2d1: {  	[tilespmem:s23+$0x8600] =	vst.add.f32.msk $0xffff, v12  }
0x2d2: {  	[tilespmem:s23+$0x8680] =	vst.add.f32.msk $0xffff, v11  }
0x2d3: {  	v11 =	vadd.f32 v15, v6;
	v12 =	vmul.f32 s0, v4;
	[tilespmem:s23+$0x8700] =	vst.add.f32.msk $0xffff, v13;
	v13 =	vmul.f32 s0, v7  }
0x2d4: {  	[tilespmem:s17+$0xA600] =	vst.add.f32.msk $0xffff, v8  }
0x2d5: {  	v8 =	vadd.f32 v12, v11;
	v11 =	vadd.f32 v14, v13;
	[tilespmem:s17+$0xA680] =	vst.add.f32.msk $0xffff, v9  }
0x2d6: {  	s0 =	sor.u32 $0xA380, s20;
	[tilespmem:s17+$0xA700] =	vst.add.f32.msk $0xffff, v10;
	s17 =	smov.u32 s23  }
0x2d7: {  	[tilespmem:s0+$0x0] =	vst.add.f32.msk $0xffff, v8  }
0x2d8: {  	v8 =	vld [tilespmem:s20+$0x12400]  }
0x2d9: {  	v9 =	vld [tilespmem:s20+$0x12480]  }
0x2da: {  	s0 =	sld [smem:s8+$0x9];
	v10 =	vld [tilespmem:s20+$0x12500]  }
0x2db: {  	s3 =	sld [smem:s8+$0xA];
	v12 =	vld [tilespmem:s20+$0x12580]  }
0x2dc: {  	s6 =	sld [smem:s8+$0xB];
	v13 =	vld [tilespmem:s20+$0x12600]  }
0x2dd: {  	v8 =	vadd.f32 v8, v6;
	v14 =	vmul.f32 s0, v4;
	s23 =	sld [smem:s8+$0xC];
	v15 =	vld [tilespmem:s20+$0x12680];
	v16 =	vmul.f32 s0, v7  }
0x2de: {  	v9 =	vadd.f32 v9, v6;
	v17 =	vmul.f32 s3, v4;
	s0 =	sld [smem:s8+$0xD];
	[tilespmem:s21+$0x0] =	vst.add.f32.msk $0xffff, v11;
	v11 =	vmul.f32 s3, v7  }
0x2df: {  	v8 =	vadd.f32 v14, v8;
	v10 =	vadd.f32 v10, v6;
	v14 =	vmul.f32 s6, v4;
	s3 =	sld [smem:s8+$0xE];
	v18 =	vld [tilespmem:s17+$0x12400]  }
0x2e0: {  	v9 =	vadd.f32 v17, v9;
	v12 =	vadd.f32 v12, v6;
	v17 =	vmul.f32 s23, v4;
	v19 =	vld [tilespmem:s17+$0x12480]  }
0x2e1: {  	[tilespmem:s20+$0xA400] =	vst.add.f32.msk $0xffff, v8;
	v8 =	vadd.f32 v14, v10;
	v10 =	vadd.f32 v13, v6;
	v13 =	vmul.f32 s0, v4  }
0x2e2: {  	[tilespmem:s20+$0xA480] =	vst.add.f32.msk $0xffff, v9;
	v9 =	vadd.f32 v17, v12;
	v14 =	vadd.f32 v15, v6;
	v15 =	vmul.f32 s3, v4  }
0x2e3: {  	v12 =	vmul.f32 s6, v7;
	[tilespmem:s20+$0xA500] =	vst.add.f32.msk $0xffff, v8;
	v13 =	vadd.f32 v13, v10;
	v10 =	vmul.f32 s23, v7  }
0x2e4: {  	v8 =	vmul.f32 s0, v7;
	[tilespmem:s20+$0xA580] =	vst.add.f32.msk $0xffff, v9;
	v14 =	vadd.f32 v15, v14;
	v15 =	vadd.f32 v18, v3  }
0x2e5: {  	v9 =	vmul.f32 s3, v7;
	[tilespmem:s20+$0xA600] =	vst.add.f32.msk $0xffff, v13;
	v18 =	vadd.f32 v19, v3  }
.Ltmp8:
0x2e6: {  	s22 =	sor.u32 $0x2380, s22;
	[tilespmem:s20+$0xA680] =	vst.add.f32.msk $0xffff, v14;
	v13 =	vadd.f32 v15, v16;
	(pc) =	sbr.rel @p1 .LBB2_19-.Ltmp8, $4  }
0x2e7: {  	v17 =	vld [tilespmem:s22+$0x10380];
	v11 =	vadd.f32 v18, v11  }
0x2e8: {  	v16 =	vld [tilespmem:s17+$0x12500]  }
0x2e9: {  	s20 =	sld [smem:s8+$0xF];
	v15 =	vld [tilespmem:s17+$0x12580]  }
0x2ea: {  	s4 =	sadd.s32 $0x100, s4;
	v14 =	vld [tilespmem:s17+$0x12600]  }
0x2eb: {  	_ = 	snop  }
0x2ec: {  	v5 =	vadd.f32 v17, v6;
	v4 =	vmul.f32 s20, v4;
	v6 =	vld [tilespmem:s17+$0x12680];
	_ =	sdelay $0x1  }
0x2ed: {  	[tilespmem:s17+$0xA400] =	vst.add.f32.msk $0xffff, v13;
	v4 =	vadd.f32 v4, v5;
	v5 =	vadd.f32 v16, v3  }
0x2ee: {  	v17 =	vld [tilespmem:s17+$0x12700];
	v15 =	vadd.f32 v15, v3  }
0x2ef: {  	[tilespmem:s22+$0x8380] =	vst.add.f32.msk $0xffff, v4;
	v4 =	vadd.f32 v5, v12;
	v5 =	vadd.f32 v14, v3  }
0x2f0: {  	[tilespmem:s17+$0xA480] =	vst.add.f32.msk $0xffff, v11;
	v10 =	vadd.f32 v15, v10;
	v6 =	vadd.f32 v6, v3  }
0x2f1: {  	v5 =	vadd.f32 v5, v8;
	[tilespmem:s17+$0xA500] =	vst.add.f32.msk $0xffff, v4  }
0x2f2: {  	[tilespmem:s17+$0xA580] =	vst.add.f32.msk $0xffff, v10;
	v4 =	vadd.f32 v6, v9  }
0x2f3: {  	v7 =	vmul.f32 s20, v7;
	v3 =	vadd.f32 v17, v3;
	[tilespmem:s17+$0xA600] =	vst.add.f32.msk $0xffff, v5  }
0x2f4: {  	[tilespmem:s17+$0xA680] =	vst.add.f32.msk $0xffff, v4  }
0x2f5: {  	s0 =	sshll.u32 s31, $0xB;
	v3 =	vadd.f32 v3, v7;
	s2 =	rddreg [dreg:$0x8]  }
0x2f6: {  	s0 =	sadd.s32 s2, s0  }
0x2f7: {  	s23 =	simm.s32 $0x8380;
	[tilespmem:s17+$0xA700] =	vst.add.f32.msk $0xffff, v3;
	s0 =	sadd.s32 s30, s0  }
0x2f8: {  	[hbm4b:s0+s5] =	stream.linear.scatter [tilespmem:s23], [sflag:$0x9], $0x4000, $0x38;
	[tilespmem:$0x18F80] =	vst v63  }
0x2f9: {  	v3 =	vld @!p0 [tilespmem:s9+$0x100];
	_ =	sdelay $0x4  }
0x2fa: {  	v4 =	vshll.u32 @!p0 v3, $0x3  }
0x2fb: {  	v5 =	vlaneseq.u32 @!p0;
	v3 =	vand.u32 @!p0 $0x7, v3;
	v4 =	vand.u32 @!p0 $0xFFFFFFC0, v4  }
0x2fc: {  	v6 =	vshrl.u32 @!p0 v5, $0x3;
	v3 =	vor.u32 @!p0 v3, v4;
	v4 =	vand.u32 @!p0 $0x7, v5  }
0x2fd: {  	v6 =	vmul.u32 @!p0 $0x8, v6;
	v7 =	vperm.xlane @!p0 v3, v4;
	_ =	sdelay $0x1  }
0x2fe: {  	v7 =	vadd.s32 @!p0 v6, v7;
	_ =	sdelay $0x3  }
0x2ff: {  	s2 =	simm.s32 @!p0 $0x10380;
	s0 =	simm.s32 @!p0 $0x0  }
0x300: {  	v5 =	vor.u32 @!p0 $0x8, v5;
	[tilespmem:s2], [sflag:$0x5] =	stream.indirect_vreg.gather @!p0 [hbm4b:s29+s0], $0x80, v7, vm1, $0xb8;
	[tilespmem:$0x18F80] =	vst v63  }
0x301: {  	v3 =	vperm.xlane @!p0 v3, v5;
	s2 =	simm.s32 @!p0 $0x10B80  }
0x302: {  	[tilespmem:s2], [sflag:$0x5] =	stream.indirect_vreg.gather @!p0 [hbm4b:s13+s0], $0x80, v7, vm1, $0xb8;
	[tilespmem:$0x18F80] =	vst v63  }
0x303: {  	v3 =	vadd.s32 @!p0 v6, v3;
	s2 =	simm.s32 @!p0 $0x11380  }
0x304: {  	[tilespmem:s2], [sflag:$0x5] =	stream.indirect_vreg.gather @!p0 [hbm4b:s14+s0], $0x80, v7, vm1, $0xb8;
	[tilespmem:$0x18F80] =	vst v63  }
0x305: {  	s2 =	simm.s32 @!p0 $0x11B80  }
0x306: {  	[tilespmem:s2], [sflag:$0x5] =	stream.indirect_vreg.gather @!p0 [hbm4b:s15+s0], $0x80, v7, vm1, $0xb8;
	[tilespmem:$0x18F80] =	vst v63  }
0x307: {  	s2 =	simm.s32 @!p0 $0x12380  }
0x308: {  	[tilespmem:s2], [sflag:$0x5] =	stream.indirect_vreg.gather @!p0 [hbm4b:s29+s0], $0x80, v3, vm1, $0xb8;
	[tilespmem:$0x18F80] =	vst v63  }
0x309: {  	s2 =	simm.s32 @!p0 $0x12B80  }
0x30a: {  	[tilespmem:s2], [sflag:$0x5] =	stream.indirect_vreg.gather @!p0 [hbm4b:s13+s0], $0x80, v3, vm1, $0xb8;
	[tilespmem:$0x18F80] =	vst v63  }
0x30b: {  	s2 =	simm.s32 @!p0 $0x13380  }
0x30c: {  	[tilespmem:s2], [sflag:$0x5] =	stream.indirect_vreg.gather @!p0 [hbm4b:s14+s0], $0x80, v3, vm1, $0xb8;
	[tilespmem:$0x18F80] =	vst v63  }
0x30d: {  	s2 =	simm.s32 @!p0 $0x13B80  }
0x30e: {  	[tilespmem:s2], [sflag:$0x5] =	stream.indirect_vreg.gather @!p0 [hbm4b:s15+s0], $0x80, v3, vm1, $0xb8;
	[tilespmem:$0x18F80] =	vst v63  }
0x30f: {  	s2 =	simm.s32 @!p0 $0x8  }
0x310: {  	_ =	swait.ge @!p0 [sflag:s2], $0x4000  }
0x311: {  	[sflag:s2] =	ssyncset.done @!p0 $0x0  }
0x312: {  	[sflag:s2] =	ssyncadd.s32 @!p0 $0xFFFFC000;
	s2 =	sshrl.u32 @!p0 s28, $0x2  }
0x313: {  	v3 =	vld @!p0 [tilespmem:s2+$0x50];
	_ =	sdelay $0x4  }
0x314: {  	v7 =	vshll.u32 @!p0 v3, $0x3  }
0x315: {  	v3 =	vand.u32 @!p0 $0x7, v3;
	v7 =	vand.u32 @!p0 $0xFFFFFFC0, v7  }
0x316: {  	v3 =	vor.u32 @!p0 v3, v7  }
0x317: {  	v4 =	vperm.xlane @!p0 v3, v4;
	_ =	sdelay $0x1  }
0x318: {  	v4 =	vadd.s32 @!p0 v6, v4;
	_ =	sdelay $0x3  }
0x319: {  	s2 =	simm.s32 @!p0 $0x4380;
	s1 =	rddreg [dreg:$0x3]  }
0x31a: {  	[tilespmem:s2], [sflag:$0x2] =	stream.indirect_vreg.gather @!p0 [hbm4b:s1+s0], $0x80, v4, vm1, $0xb8;
	[tilespmem:$0x18F80] =	vst v63  }
0x31b: {  	v3 =	vperm.xlane @!p0 v3, v5;
	s2 =	simm.s32 @!p0 $0x4B80  }
0x31c: {  	[tilespmem:s2], [sflag:$0x2] =	stream.indirect_vreg.gather @!p0 [hbm4b:s10+s0], $0x80, v4, vm1, $0xb8;
	[tilespmem:$0x18F80] =	vst v63  }
0x31d: {  	v3 =	vadd.s32 @!p0 v6, v3;
	s2 =	simm.s32 @!p0 $0x5380  }
0x31e: {  	[tilespmem:s2], [sflag:$0x2] =	stream.indirect_vreg.gather @!p0 [hbm4b:s11+s0], $0x80, v4, vm1, $0xb8;
	[tilespmem:$0x18F80] =	vst v63  }
0x31f: {  	s2 =	simm.s32 @!p0 $0x5B80  }
0x320: {  	[tilespmem:s2], [sflag:$0x2] =	stream.indirect_vreg.gather @!p0 [hbm4b:s12+s0], $0x80, v4, vm1, $0xb8;
	[tilespmem:$0x18F80] =	vst v63  }
0x321: {  	s2 =	simm.s32 @!p0 $0x6380  }
0x322: {  	[tilespmem:s2], [sflag:$0x2] =	stream.indirect_vreg.gather @!p0 [hbm4b:s1+s0], $0x80, v3, vm1, $0xb8;
	[tilespmem:$0x18F80] =	vst v63  }
0x323: {  	s2 =	simm.s32 @!p0 $0x6B80  }
0x324: {  	[tilespmem:s2], [sflag:$0x2] =	stream.indirect_vreg.gather @!p0 [hbm4b:s10+s0], $0x80, v3, vm1, $0xb8;
	[tilespmem:$0x18F80] =	vst v63  }
0x325: {  	s2 =	simm.s32 @!p0 $0x7380  }
0x326: {  	[tilespmem:s2], [sflag:$0x2] =	stream.indirect_vreg.gather @!p0 [hbm4b:s11+s0], $0x80, v3, vm1, $0xb8;
	[tilespmem:$0x18F80] =	vst v63  }
0x327: {  	s28 =	simm.s32 $0x4;
	s2 =	simm.s32 @!p0 $0x7B80  }
0x328: {  	[tilespmem:s2], [sflag:$0x2] =	stream.indirect_vreg.gather @!p0 [hbm4b:s12+s0], $0x80, v3, vm1, $0xb8;
	[tilespmem:$0x18F80] =	vst v63  }
0x329: {  	_ =	swait.ge [sflag:s28], $0x4000  }
0x32a: {  	[sflag:s28] =	ssyncset.done $0x0  }
0x32b: {  	s31 =	simm.s32 $0x6;
	[sflag:s28] =	ssyncadd.s32 $0xFFFFC000  }
0x32c: {  	s9 =	simm.s32 $0x0;
	_ =	swait.ge [sflag:s31], $0x4000  }
0x32d: {  	s17 =	simm.s32 $0x18B80;
	s1 =	sand.u32 $0x1C00, s9;
	[sflag:s31] =	ssyncset.done $0x0  }
0x32e: {  	s3 =	sand.u32 $0x60, s9;
	s6 =	sshrl.u32 s1, $0x2;
	[sflag:s31] =	ssyncadd.s32 $0xFFFFC000  }
0x32f: {  	s4 =	sadd.s32 $0x18380, s6;
	s2 =	sor.u32 s3, s1;
	v4 =	vld [tilespmem:s17+$0x0]  }
0x330: {  	s6 =	sor.u32 s3, s4;
	v7 =	vld [tilespmem:s2+$0x14380]  }
0x331: {  	v6 =	vld [tilespmem:s6+$0x0]  }
0x332: {  	s8 =	sld [smem:s7+$0x0];
	_ =	sdelay $0x1  }
0x333: {  	s3 =	sor.u32 $0x10, s3  }
0x334: {  	s4 =	sor.u32 s3, s4;
	v5 =	vmov s8  }
0x335: {  	s18 =	sand.u32 $0x380, s9;
	v3 =	vld [tilespmem:s4+$0x0];
	s8 =	sor.u32 s1, s3;
	v8 =	vadd.f32 v7, v6;
	v9 =	vmul.f32 v5, v4  }
0x336: {  	s6 =	sor.u32 s3, s18;
	v10 =	vld [tilespmem:s8+$0x14380]  }
0x337: {  	v7 =	vld [tilespmem:s6+$0x18B80];
	v8 =	vadd.f32 v9, v8  }
0x338: {  	s19 =	sor.u32 $0xC380, s2  }
0x339: {  	[tilespmem:s19+$0x0] =	vst.add.f32.msk $0xffff, v8  }
0x33a: {  	v8 =	vld [tilespmem:s2+$0x14400]  }
0x33b: {  	v9 =	vld [tilespmem:s2+$0x14480]  }
0x33c: {  	v10 =	vadd.f32 v10, v3;
	s0 =	sld [smem:s7+$0x1];
	v11 =	vmul.f32 v7, v5;
	v12 =	vld [tilespmem:s2+$0x14500]  }
0x33d: {  	s20 =	sld [smem:s7+$0x2];
	v13 =	vld [tilespmem:s2+$0x14580]  }
0x33e: {  	s22 =	sld [smem:s7+$0x3];
	v10 =	vadd.f32 v10, v11;
	v11 =	vld [tilespmem:s2+$0x14600]  }
0x33f: {  	s24 =	sor.u32 $0xC380, s8;
	s18 =	sld [smem:s7+$0x4];
	v15 =	vld [tilespmem:s2+$0x14680];
	v14 =	vmul.f32 s0, v4;
	v8 =	vadd.f32 v8, v6  }
0x340: {  	s19 =	sld [smem:s7+$0x5];
	v16 =	vmul.f32 s20, v4;
	[tilespmem:s24+$0x0] =	vst.add.f32.msk $0xffff, v10;
	v9 =	vadd.f32 v9, v6  }
0x341: {  	v10 =	vadd.f32 v12, v6;
	v12 =	vmul.f32 s22, v4;
	s28 =	sld [smem:s7+$0x6];
	v17 =	vld [tilespmem:s8+$0x14480];
	v8 =	vadd.f32 v14, v8  }
0x342: {  	v13 =	vadd.f32 v13, v6;
	v14 =	vld [tilespmem:s8+$0x14400];
	v9 =	vadd.f32 v16, v9;
	v16 =	vmul.f32 s18, v4  }
0x343: {  	[tilespmem:s2+$0xC400] =	vst.add.f32.msk $0xffff, v8;
	v8 =	vadd.f32 v12, v10;
	v10 =	vadd.f32 v11, v6;
	v11 =	vmul.f32 s19, v4  }
0x344: {  	[tilespmem:s2+$0xC480] =	vst.add.f32.msk $0xffff, v9;
	v9 =	vadd.f32 v16, v13;
	v12 =	vadd.f32 v15, v6;
	v13 =	vmul.f32 s28, v4  }
0x345: {  	[tilespmem:s2+$0xC500] =	vst.add.f32.msk $0xffff, v8;
	v8 =	vadd.f32 v11, v10  }
0x346: {  	s31 =	sand.u32 $0xFFFFFC00, s9;
	[tilespmem:s2+$0xC580] =	vst.add.f32.msk $0xffff, v9;
	v9 =	vadd.f32 v13, v12  }
0x347: {  	s4 =	sadd.s32 $0x0, s31;
	[tilespmem:s2+$0xC600] =	vst.add.f32.msk $0xffff, v8  }
0x348: {  	s21 =	sor.u32 $0x380, s4;
	[tilespmem:s2+$0xC680] =	vst.add.f32.msk $0xffff, v9  }
0x349: {  	v8 =	vld [tilespmem:s21+$0x14380];
	_ =	sdelay $0x1  }
0x34a: {  	v9 =	vld [tilespmem:s8+$0x14500];
	s1 =	sld [smem:s7+$0x7]  }
0x34b: {  	v10 =	vld [tilespmem:s8+$0x14580];
	v11 =	vmul.f32 s0, v7;
	v12 =	vadd.f32 v14, v3  }
0x34c: {  	v16 =	vld [tilespmem:s8+$0x14680];
	v15 =	vadd.f32 v17, v3;
	v14 =	vmul.f32 s20, v7  }
0x34d: {  	v17 =	vld [tilespmem:s8+$0x14700];
	v11 =	vadd.f32 v12, v11;
	v12 =	vmul.f32 s1, v4;
	v8 =	vadd.f32 v8, v6  }
0x34e: {  	v13 =	vld [tilespmem:s8+$0x14600];
	v14 =	vadd.f32 v15, v14  }
0x34f: {  	v18 =	vmul.f32 s22, v7;
	[tilespmem:s8+$0xC400] =	vst.add.f32.msk $0xffff, v11;
	v9 =	vadd.f32 v9, v3;
	v8 =	vadd.f32 v12, v8  }
0x350: {  	[tilespmem:s8+$0xC480] =	vst.add.f32.msk $0xffff, v14;
	v11 =	vmul.f32 s18, v7;
	v10 =	vadd.f32 v10, v3  }
0x351: {  	v9 =	vadd.f32 v9, v18;
	[tilespmem:s21+$0xC380] =	vst.add.f32.msk $0xffff, v8  }
0x352: {  	v10 =	vadd.f32 v10, v11;
	v8 =	vld [tilespmem:s2+$0x16380]  }
0x353: {  	v11 =	vadd.f32 v16, v3;
	v12 =	vadd.f32 v13, v3;
	v13 =	vmul.f32 s28, v7;
	[tilespmem:s8+$0xC500] =	vst.add.f32.msk $0xffff, v9  }
0x354: {  	v9 =	vmul.f32 s19, v7;
	s18 =	sld [smem:s7+$0x8]  }
0x355: {  	v11 =	vadd.f32 v11, v13  }
0x356: {  	v15 =	vld [tilespmem:s8+$0x16380];
	v14 =	vmul.f32 s1, v7;
	v9 =	vadd.f32 v12, v9;
	v12 =	vadd.f32 v17, v3  }
0x357: {  	[tilespmem:s8+$0xC580] =	vst.add.f32.msk $0xffff, v10;
	v10 =	vmul.f32 s18, v4;
	v8 =	vadd.f32 v8, v6  }
0x358: {  	[tilespmem:s8+$0xC680] =	vst.add.f32.msk $0xffff, v11;
	v12 =	vadd.f32 v12, v14  }
0x359: {  	[tilespmem:s8+$0xC600] =	vst.add.f32.msk $0xffff, v9;
	v8 =	vadd.f32 v10, v8  }
0x35a: {  	s19 =	sor.u32 $0xE380, s2;
	[tilespmem:s8+$0xC700] =	vst.add.f32.msk $0xffff, v12  }
0x35b: {  	[tilespmem:s19+$0x0] =	vst.add.f32.msk $0xffff, v8  }
0x35c: {  	v8 =	vld [tilespmem:s2+$0x16400]  }
0x35d: {  	v9 =	vld [tilespmem:s2+$0x16480]  }
0x35e: {  	v11 =	vmul.f32 s18, v7;
	v10 =	vadd.f32 v15, v3;
	s3 =	sld [smem:s7+$0x9];
	v12 =	vld [tilespmem:s2+$0x16500]  }
0x35f: {  	s20 =	sld [smem:s7+$0xA];
	v13 =	vld [tilespmem:s2+$0x16580]  }
0x360: {  	v10 =	vadd.f32 v10, v11;
	s22 =	sld [smem:s7+$0xB];
	v11 =	vld [tilespmem:s2+$0x16600]  }
0x361: {  	s28 =	sor.u32 $0xE380, s8;
	s24 =	sld [smem:s7+$0xC];
	v15 =	vld [tilespmem:s2+$0x16680];
	v14 =	vmul.f32 s3, v4;
	v8 =	vadd.f32 v8, v6  }
0x362: {  	s31 =	sld [smem:s7+$0xD];
	[tilespmem:s28+$0x0] =	vst.add.f32.msk $0xffff, v10;
	v16 =	vmul.f32 s20, v4;
	v9 =	vadd.f32 v9, v6  }
0x363: {  	s19 =	sld [smem:s7+$0xE];
	v18 =	vld [tilespmem:s8+$0x16480];
	v10 =	vadd.f32 v12, v6;
	v12 =	vmul.f32 s22, v4;
	v8 =	vadd.f32 v14, v8  }
0x364: {  	v13 =	vadd.f32 v13, v6;
	v14 =	vld [tilespmem:s8+$0x16400];
	v9 =	vadd.f32 v16, v9;
	v16 =	vmul.f32 s24, v4  }
0x365: {  	[tilespmem:s2+$0xE400] =	vst.add.f32.msk $0xffff, v8;
	v8 =	vadd.f32 v12, v10;
	v10 =	vadd.f32 v11, v6;
	v11 =	vmul.f32 s31, v4  }
0x366: {  	[tilespmem:s2+$0xE480] =	vst.add.f32.msk $0xffff, v9;
	v9 =	vadd.f32 v16, v13;
	v12 =	vadd.f32 v15, v6;
	v13 =	vmul.f32 s19, v4  }
0x367: {  	[tilespmem:s2+$0xE500] =	vst.add.f32.msk $0xffff, v8;
	v8 =	vadd.f32 v11, v10  }
0x368: {  	[tilespmem:s2+$0xE580] =	vst.add.f32.msk $0xffff, v9;
	v9 =	vadd.f32 v13, v12  }
0x369: {  	[tilespmem:s2+$0xE600] =	vst.add.f32.msk $0xffff, v8  }
0x36a: {  	s21 =	sor.u32 $0x2380, s4;
	[tilespmem:s2+$0xE680] =	vst.add.f32.msk $0xffff, v9  }
0x36b: {  	v19 =	vmul.f32 s20, v7;
	v11 =	vmul.f32 s3, v7;
	v17 =	vld [tilespmem:s21+$0x14380]  }
0x36c: {  	v16 =	vld [tilespmem:s8+$0x16500];
	v12 =	vmul.f32 s22, v7;
	v13 =	vadd.f32 v14, v3;
	v14 =	vadd.f32 v18, v3  }
0x36d: {  	v15 =	vld [tilespmem:s8+$0x16580];
	v10 =	vmul.f32 s24, v7;
	v8 =	vmul.f32 s31, v7;
	s18 =	sld [smem:s7+$0xF]  }
0x36e: {  	s4 =	simm.s32 $0x100;
	s2 =	simm.s32 $0x0;
	v9 =	vmul.f32 s19, v7;
	v13 =	vadd.f32 v13, v11;
	v11 =	vadd.f32 v14, v19;
	v14 =	vld [tilespmem:s8+$0x16600]  }
.LBB2_21:
0x36f: {  	s0 =	sand.u32 $0x1C00, s4;
	v18 =	vld [tilespmem:s8+$0x16680];
	s9 =	sadd.s32 $0x20, s9  }
0x370: {  	s17 =	sadd.s32 $0x20, s17;
	s3 =	sand.u32 $0x60, s9;
	s6 =	sshrl.u32 s0, $0x2;
	v6 =	vadd.f32 v17, v6;
	v17 =	vmul.f32 s18, v4;
	v19 =	vld [tilespmem:s8+$0x16700];
	v20 =	vmul.f32 s18, v7  }
0x371: {  	s6 =	sadd.s32 $0x18380, s6;
	v4 =	vld [tilespmem:s17+$0x0];
	s18 =	sor.u32 s3, s0;
	s19 =	sor.u32 $0x10, s3;
	v7 =	vadd.f32 v16, v3  }
0x372: {  	s20 =	sand.u32 $0x380, s9;
	s3 =	sor.u32 s3, s6;
	v16 =	vld [tilespmem:s18+$0x14380];
	s6 =	sor.u32 s19, s6;
	v17 =	vadd.f32 v17, v6;
	v15 =	vadd.f32 v15, v3  }
0x373: {  	v6 =	vld [tilespmem:s3+$0x0];
	s3 =	sor.u32 s19, s20;
	s20 =	sor.u32 s0, s19;
	v12 =	vadd.f32 v7, v12;
	v7 =	vadd.f32 v14, v3  }
0x374: {  	s0 =	sor.u32 $0xC380, s20;
	s19 =	sor.u32 $0xE380, s20;
	[tilespmem:s21+$0xC380] =	vst.add.f32.msk $0xffff, v17;
	v14 =	vadd.f32 v15, v10;
	v10 =	vadd.f32 v18, v3  }
0x375: {  	v8 =	vadd.f32 v7, v8;
	v15 =	vadd.f32 v19, v3;
	v3 =	vld [tilespmem:s6+$0x0]  }
0x376: {  	v7 =	vld [tilespmem:s3+$0x18B80];
	v9 =	vadd.f32 v10, v9  }
0x377: {  	v17 =	vld [tilespmem:s20+$0x14380];
	v10 =	vadd.f32 v15, v20  }
0x378: {  	v15 =	vadd.f32 v16, v6;
	v16 =	vmul.f32 v5, v4;
	[tilespmem:s8+$0xE400] =	vst.add.f32.msk $0xffff, v13  }
0x379: {  	s2 =	sadd.s32 $0x2, s2;
	[tilespmem:s8+$0xE480] =	vst.add.f32.msk $0xffff, v11  }
0x37a: {  	p0 =	slt.u32 s2, $0x3E;
	v11 =	vadd.f32 v16, v15;
	[tilespmem:s8+$0xE500] =	vst.add.f32.msk $0xffff, v12  }
0x37b: {  	s3 =	sor.u32 $0xC380, s18;
	v12 =	vmul.f32 v7, v5;
	[tilespmem:s8+$0xE580] =	vst.add.f32.msk $0xffff, v14  }
0x37c: {  	[tilespmem:s3+$0x0] =	vst.add.f32.msk $0xffff, v11;
	v11 =	vadd.f32 v17, v3  }
0x37d: {  	v13 =	vld [tilespmem:s18+$0x14400]  }
0x37e: {  	v14 =	vld [tilespmem:s18+$0x14480];
	v11 =	vadd.f32 v11, v12  }
0x37f: {  	s3 =	sld [smem:s7+$0x1];
	v12 =	vld [tilespmem:s18+$0x14500]  }
0x380: {  	s6 =	sld [smem:s7+$0x2];
	v15 =	vld [tilespmem:s18+$0x14580]  }
0x381: {  	s21 =	sld [smem:s7+$0x3];
	v16 =	vld [tilespmem:s18+$0x14600]  }
0x382: {  	v13 =	vadd.f32 v13, v6;
	v17 =	vmul.f32 s3, v4;
	s22 =	sld [smem:s7+$0x4];
	v18 =	vld [tilespmem:s18+$0x14680];
	v19 =	vmul.f32 s3, v7  }
0x383: {  	v14 =	vadd.f32 v14, v6;
	v20 =	vmul.f32 s6, v4;
	s3 =	sld [smem:s7+$0x5];
	[tilespmem:s0+$0x0] =	vst.add.f32.msk $0xffff, v11;
	v11 =	vmul.f32 s6, v7  }
0x384: {  	v13 =	vadd.f32 v17, v13;
	v12 =	vadd.f32 v12, v6;
	v17 =	vmul.f32 s21, v4;
	s0 =	sld [smem:s7+$0x6];
	v21 =	vld [tilespmem:s20+$0x14400]  }
0x385: {  	v14 =	vadd.f32 v20, v14;
	v15 =	vadd.f32 v15, v6;
	v20 =	vmul.f32 s22, v4;
	v22 =	vld [tilespmem:s20+$0x14480]  }
0x386: {  	[tilespmem:s18+$0xC400] =	vst.add.f32.msk $0xffff, v13;
	v12 =	vadd.f32 v17, v12;
	v13 =	vadd.f32 v16, v6;
	v16 =	vmul.f32 s3, v4  }
0x387: {  	[tilespmem:s18+$0xC480] =	vst.add.f32.msk $0xffff, v14;
	v14 =	vadd.f32 v20, v15;
	v15 =	vadd.f32 v18, v6;
	v17 =	vmul.f32 s0, v4  }
0x388: {  	[tilespmem:s18+$0xC500] =	vst.add.f32.msk $0xffff, v12;
	v12 =	vadd.f32 v16, v13;
	v13 =	vmul.f32 s21, v7;
	v16 =	vmul.f32 s22, v7  }
0x389: {  	s6 =	sand.u32 $0xFFFFFC00, s4;
	[tilespmem:s18+$0xC580] =	vst.add.f32.msk $0xffff, v14;
	v14 =	vadd.f32 v17, v15;
	v15 =	vadd.f32 v21, v3;
	v17 =	vmul.f32 s3, v7  }
0x38a: {  	v18 =	vmul.f32 s0, v7;
	s21 =	sadd.s32 s6, s9;
	[tilespmem:s18+$0xC600] =	vst.add.f32.msk $0xffff, v12;
	v12 =	vadd.f32 v22, v3  }
0x38b: {  	s0 =	sor.u32 $0x380, s21;
	[tilespmem:s18+$0xC680] =	vst.add.f32.msk $0xffff, v14;
	v14 =	vadd.f32 v15, v19  }
0x38c: {  	v15 =	vld [tilespmem:s0+$0x14380];
	v11 =	vadd.f32 v12, v11  }
0x38d: {  	v12 =	vld [tilespmem:s20+$0x14500]  }
0x38e: {  	s3 =	sld [smem:s7+$0x7];
	v19 =	vld [tilespmem:s20+$0x14580]  }
0x38f: {  	v20 =	vld [tilespmem:s20+$0x14600]  }
0x390: {  	v21 =	vld [tilespmem:s20+$0x14680]  }
0x391: {  	v15 =	vadd.f32 v15, v6;
	v22 =	vmul.f32 s3, v4;
	v23 =	vld [tilespmem:s20+$0x14700];
	v24 =	vmul.f32 s3, v7  }
0x392: {  	v12 =	vadd.f32 v12, v3;
	v25 =	vld [tilespmem:s20+$0x16380]  }
0x393: {  	v15 =	vadd.f32 v22, v15;
	[tilespmem:s20+$0xC400] =	vst.add.f32.msk $0xffff, v14;
	v14 =	vadd.f32 v19, v3  }
0x394: {  	[tilespmem:s20+$0xC480] =	vst.add.f32.msk $0xffff, v11;
	v11 =	vadd.f32 v12, v13;
	v12 =	vadd.f32 v20, v3  }
0x395: {  	[tilespmem:s0+$0xC380] =	vst.add.f32.msk $0xffff, v15;
	v13 =	vadd.f32 v14, v16;
	v14 =	vadd.f32 v21, v3  }
0x396: {  	v15 =	vld [tilespmem:s18+$0x16380];
	v12 =	vadd.f32 v12, v17;
	v16 =	vadd.f32 v23, v3  }
0x397: {  	[tilespmem:s20+$0xC500] =	vst.add.f32.msk $0xffff, v11;
	v11 =	vadd.f32 v14, v18;
	v14 =	vadd.f32 v25, v3  }
0x398: {  	s0 =	sld [smem:s7+$0x8];
	[tilespmem:s20+$0xC580] =	vst.add.f32.msk $0xffff, v13;
	v13 =	vadd.f32 v16, v24  }
0x399: {  	[tilespmem:s20+$0xC600] =	vst.add.f32.msk $0xffff, v12  }
0x39a: {  	[tilespmem:s20+$0xC680] =	vst.add.f32.msk $0xffff, v11  }
0x39b: {  	v11 =	vadd.f32 v15, v6;
	v12 =	vmul.f32 s0, v4;
	[tilespmem:s20+$0xC700] =	vst.add.f32.msk $0xffff, v13;
	v13 =	vmul.f32 s0, v7  }
0x39c: {  	[tilespmem:s8+$0xE600] =	vst.add.f32.msk $0xffff, v8  }
0x39d: {  	v8 =	vadd.f32 v12, v11;
	v11 =	vadd.f32 v14, v13;
	[tilespmem:s8+$0xE680] =	vst.add.f32.msk $0xffff, v9  }
0x39e: {  	s0 =	sor.u32 $0xE380, s18;
	[tilespmem:s8+$0xE700] =	vst.add.f32.msk $0xffff, v10;
	s8 =	smov.u32 s20  }
0x39f: {  	[tilespmem:s0+$0x0] =	vst.add.f32.msk $0xffff, v8  }
0x3a0: {  	v8 =	vld [tilespmem:s18+$0x16400]  }
0x3a1: {  	v9 =	vld [tilespmem:s18+$0x16480]  }
0x3a2: {  	s0 =	sld [smem:s7+$0x9];
	v10 =	vld [tilespmem:s18+$0x16500]  }
0x3a3: {  	s3 =	sld [smem:s7+$0xA];
	v12 =	vld [tilespmem:s18+$0x16580]  }
0x3a4: {  	s6 =	sld [smem:s7+$0xB];
	v13 =	vld [tilespmem:s18+$0x16600]  }
0x3a5: {  	v8 =	vadd.f32 v8, v6;
	v14 =	vmul.f32 s0, v4;
	s20 =	sld [smem:s7+$0xC];
	v15 =	vld [tilespmem:s18+$0x16680];
	v16 =	vmul.f32 s0, v7  }
0x3a6: {  	v9 =	vadd.f32 v9, v6;
	v17 =	vmul.f32 s3, v4;
	s0 =	sld [smem:s7+$0xD];
	[tilespmem:s19+$0x0] =	vst.add.f32.msk $0xffff, v11;
	v11 =	vmul.f32 s3, v7  }
0x3a7: {  	v8 =	vadd.f32 v14, v8;
	v10 =	vadd.f32 v10, v6;
	v14 =	vmul.f32 s6, v4;
	s3 =	sld [smem:s7+$0xE];
	v18 =	vld [tilespmem:s8+$0x16400]  }
0x3a8: {  	v9 =	vadd.f32 v17, v9;
	v12 =	vadd.f32 v12, v6;
	v17 =	vmul.f32 s20, v4;
	v19 =	vld [tilespmem:s8+$0x16480]  }
0x3a9: {  	[tilespmem:s18+$0xE400] =	vst.add.f32.msk $0xffff, v8;
	v8 =	vadd.f32 v14, v10;
	v10 =	vadd.f32 v13, v6;
	v13 =	vmul.f32 s0, v4  }
0x3aa: {  	[tilespmem:s18+$0xE480] =	vst.add.f32.msk $0xffff, v9;
	v9 =	vadd.f32 v17, v12;
	v14 =	vadd.f32 v15, v6;
	v15 =	vmul.f32 s3, v4  }
0x3ab: {  	v12 =	vmul.f32 s6, v7;
	[tilespmem:s18+$0xE500] =	vst.add.f32.msk $0xffff, v8;
	v13 =	vadd.f32 v13, v10;
	v10 =	vmul.f32 s20, v7  }
0x3ac: {  	v8 =	vmul.f32 s0, v7;
	[tilespmem:s18+$0xE580] =	vst.add.f32.msk $0xffff, v9;
	v14 =	vadd.f32 v15, v14;
	v15 =	vadd.f32 v18, v3  }
0x3ad: {  	v9 =	vmul.f32 s3, v7;
	[tilespmem:s18+$0xE600] =	vst.add.f32.msk $0xffff, v13;
	v18 =	vadd.f32 v19, v3  }
.Ltmp9:
0x3ae: {  	s21 =	sor.u32 $0x2380, s21;
	[tilespmem:s18+$0xE680] =	vst.add.f32.msk $0xffff, v14;
	v13 =	vadd.f32 v15, v16;
	(pc) =	sbr.rel @p0 .LBB2_21-.Ltmp9, $4  }
0x3af: {  	v17 =	vld [tilespmem:s21+$0x14380];
	v11 =	vadd.f32 v18, v11  }
0x3b0: {  	v16 =	vld [tilespmem:s8+$0x16500]  }
0x3b1: {  	s18 =	sld [smem:s7+$0xF];
	v15 =	vld [tilespmem:s8+$0x16580]  }
0x3b2: {  	s4 =	sadd.s32 $0x100, s4;
	v14 =	vld [tilespmem:s8+$0x16600]  }
0x3b3: {  	v58 =	vld [tilespmem:s8+$0x16680]  }
0x3b4: {  	v5 =	vadd.f32 v17, v6;
	v4 =	vmul.f32 s18, v4  }
0x3b5: {  	v59 =	vld [tilespmem:s8+$0x16700];
	v60 =	vadd.f32 v16, v3  }
0x3b6: {  	[tilespmem:s8+$0xE400] =	vst.add.f32.msk $0xffff, v13;
	v4 =	vadd.f32 v4, v5;
	v15 =	vadd.f32 v15, v3  }
0x3b7: {  	[tilespmem:s8+$0xE480] =	vst.add.f32.msk $0xffff, v11;
	v61 =	vadd.f32 v60, v12;
	v62 =	vadd.f32 v14, v3  }
0x3b8: {  	[tilespmem:s21+$0xC380] =	vst.add.f32.msk $0xffff, v4;
	v10 =	vadd.f32 v15, v10;
	v6 =	vadd.f32 v58, v3  }
0x3b9: {  	v5 =	vadd.f32 v62, v8;
	[tilespmem:s8+$0xE500] =	vst.add.f32.msk $0xffff, v61  }
0x3ba: {  	s25 =	sadd.s32 $0x1, s25;
	v63 =	vadd.f32 v6, v9;
	[tilespmem:s8+$0xE580] =	vst.add.f32.msk $0xffff, v10  }
0x3bb: {  	v7 =	vmul.f32 s18, v7;
	p0 =	sne.s32 s25, $0x4;
	v3 =	vadd.f32 v59, v3;
	[tilespmem:s8+$0xE600] =	vst.add.f32.msk $0xffff, v5  }
.Ltmp10:
0x3bc: {  	[tilespmem:s8+$0xE680] =	vst.add.f32.msk $0xffff, v63;
	(pc) =	sbr.rel @p0 .LBB2_14-.Ltmp10, $4  }
0x3bd: {  	s0 =	sshll.u32 s26, $0xB;
	v3 =	vadd.f32 v3, v7;
	s2 =	rddreg [dreg:$0x8]  }
0x3be: {  	s0 =	sadd.s32 s2, s0  }
0x3bf: {  	s1 =	simm.s32 $0xC380;
	[tilespmem:s8+$0xE700] =	vst.add.f32.msk $0xffff, v3;
	s0 =	sadd.s32 s30, s0  }
0x3c0: {  	[hbm4b:s0+s5] =	stream.linear.scatter [tilespmem:s1], [sflag:$0xA], $0x4000, $0x38;
	[tilespmem:$0x18F80] =	vst v63  }
0x3c1: {  	s0 =	simm.s32 $0x9  }
0x3c2: {  	_ =	swait.ge [sflag:s0], $0x4000  }
0x3c3: {  	[sflag:s0] =	ssyncset.done $0x0  }
0x3c4: {  	s1 =	simm.s32 $0xA;
	[sflag:s0] =	ssyncadd.s32 $0xFFFFC000  }
0x3c5: {  	_ =	swait.ge [sflag:s1], $0x4000  }
0x3c6: {  	s6 =	rddreg [dreg:$0xd]  }
0x3c7: {  	s31 =	rddreg [dreg:$0xc];
	s6 =	sadd.s32 $0x1, s6  }
0x3c8: {  	p0 =	sne.s32 s6, s31  }
.Ltmp11:
0x3c9: {  	_ = 	snop;
	(pc) =	sbr.rel @p0 .LBB2_1-.Ltmp11, $4  }
.Ltmp12:
0x3ca: {  	_ = 	snop;
	(pc) =	sbr.rel @!p0 .LBB2_24-.Ltmp12, $4  }
0x3cb: {  	_ = 	snop  }
0x3cc: {  	[sflag:s1] =	ssyncset.done $0x0  }
0x3cd: {  	[sflag:s1] =	ssyncadd.s32 $0xFFFFC000  }
0x3ce: {  	_ = 	snop  }
.LBB2_4:
.Ltmp13:
0x3cf: {  	(pc) =	sbr.rel .LBB2_13-.Ltmp13, $2  }
0x3d0: {  	_ =	sdelay $0x2  }
0x3d1: {  	s4 =	simm.s32 $0x0  }
.LBB2_6:
.Ltmp14:
0x3d2: {  	(pc) =	sbr.rel .LBB2_13-.Ltmp14, $2  }
0x3d3: {  	_ =	sdelay $0x2  }
0x3d4: {  	s7 =	simm.s32 $0x0  }
.LBB2_8:
.Ltmp15:
0x3d5: {  	(pc) =	sbr.rel .LBB2_13-.Ltmp15, $2  }
0x3d6: {  	_ =	sdelay $0x2  }
0x3d7: {  	s18 =	simm.s32 $0x0;
	s7 =	simm.s32 $0x1;
	s4 =	simm.s32 $0x2  }
.LBB2_10:
.Ltmp16:
0x3d8: {  	(pc) =	sbr.rel .LBB2_13-.Ltmp16, $2  }
0x3d9: {  	_ =	sdelay $0x2  }
0x3da: {  	s8 =	simm.s32 $0x0;
	s18 =	simm.s32 $0x1;
	s4 =	simm.s32 $0x3  }
.LBB2_24:
0x3db: {  	_ =	sfence.sel $0x180000  }
0x3dc: {  	[bflag:$0x0] =	sbarrier.arrive $0xFFFF  }
0x3dd: {  	_ =	strace $0x90000047  }
0x3de: {  	s0 =	stileid.u32;
	[bflag:$0x2] =	sbarrier.arrive $0xFFFF  }
0x3df: {  	p0 =	sne.s32 s0, $0x0;
	s0 =	rddreg [dreg:$0x7]  }
0x3e0: {  	s0 =	sadd.s32 @!p0 $0x100000, s0  }
0x3e1: {  	[sflag:s0] =	ssyncadd.tile.s32 @!p0 $0x1;
	_ =	shalt  }
.Lfunc_end2:
_tile_overlayer_lowered:
.L_overlay_start_2:
0x3e2: {  	(tag) =	ssettag $0x2  }
0x3e3: {  	s0 =	rddreg [dreg:$0x0];
	s2 =	stileid.u32  }
0x3e4: {  	s1 =	rddreg [dreg:$0x1];
	p0 =	sne.s32 s2, $0x0  }
0x3e5: {  	s3 =	rddreg [dreg:$0x2];
	[bflag:$0x3] =	sbarrier.arrive $0xFFFF;
	s2 =	simm.s32 @!p0 $0x1C0B  }
0x3e6: {  	[timem:s3], [sflag:s2] =	dma.local @!p0 [hbm:s0], s1  }
0x3e7: {  	s0 =	simm.s32 @!p0 $0xB  }
0x3e8: {  	_ =	swait.ge @!p0 [sflag:s0], s1  }
0x3e9: {  	s1 =	ssub.s32 @!p0 $0x0, s1;
	[sflag:s0] =	ssyncset.done @!p0 $0x0  }
0x3ea: {  	[sflag:s0] =	ssyncadd.s32 @!p0 s1  }
0x3eb: {  	[bflag:$0x3] =	sbarrier.arrive $0xFFFF  }
0x3ec: {  	_ =	shalt  }

</sc_bundles>
